<compile_context>
chip_gen: v7x
topology: tpu7x:2x2x1
jax: 0.10.2.dev20260603
libtpu: 0.0.44.dev20260713+nightly
codegen_flags: <defaults>
</compile_context>

<pallas_src>
import functools

import jax
import jax.numpy as jnp
from jax import lax
from jax.experimental import pallas as pl
from jax.experimental.pallas import tpu as pltpu
from jax.experimental.pallas import tpu_sc as plsc

N = 10000
D = 128
H1 = 32
H2 = 64
G = 64
NA = 3 * N
NP = 30720
E = 320000
EA = 3 * E
NC = 2
NS = 16
NW = NC * NS
CK = 128
CH = 235
EP = NW * CH * CK
RPT = NP // NS
GT = 256
BLK = 128
NBLK = NP // BLK

_mesh = plsc.VectorSubcoreMesh(
    core_axis_name="c", subcore_axis_name="s", num_cores=NC, num_subcores=NS)
_sc_params = pltpu.CompilerParams(use_tc_tiling_on_sc=False)



def _degree(dst_all):
    @functools.partial(
        pl.kernel,
        out_type=jax.ShapeDtypeStruct((NC, NP), jnp.float32),
        mesh=_mesh,
        compiler_params=_sc_params,
        scratch_types=[
            pltpu.VMEM((CH, CK), jnp.int32),
            pltpu.VMEM((CK,), jnp.float32),
            pltpu.VMEM((CK,), jnp.float32),
            pltpu.VMEM_SHARED((NP,), jnp.float32),
        ],
    )
    def deg_k(dst_hbm, degp_hbm, idx_v, ones_v, zb_v, acc):
        cid = lax.axis_index("c")
        sid = lax.axis_index("s")
        wid = sid * NC + cid
        z16 = jnp.zeros((16,), jnp.float32)
        o16 = jnp.ones((16,), jnp.float32)
        for i in range(CK // 16):
            zb_v[pl.ds(i * 16, 16)] = z16
            ones_v[pl.ds(i * 16, 16)] = o16

        def zbody(k, c):
            pltpu.sync_copy(zb_v, acc.at[pl.ds(sid * RPT + k * CK, CK)])
            return c
        lax.fori_loop(0, RPT // CK, zbody, None)
        pltpu.sync_copy(dst_hbm.at[wid], idx_v)
        plsc.subcore_barrier()

        def ebody(j, c):
            pltpu.sync_copy(ones_v, acc.at[idx_v.at[j]], add=True)
            return c
        lax.fori_loop(0, CH, ebody, None)
        plsc.subcore_barrier()
        pltpu.sync_copy(acc.at[pl.ds(sid * RPT, RPT)],
                        degp_hbm.at[cid, pl.ds(sid * RPT, RPT)])

    return deg_k(dst_all)


F = 32


def _propagate(y, src_all, dst_all):
    @functools.partial(
        pl.kernel,
        out_type=jax.ShapeDtypeStruct((NC, NP, F), jnp.float32),
        mesh=_mesh,
        compiler_params=_sc_params,
        scratch_types=[
            pltpu.VMEM((CH, CK), jnp.int32),
            pltpu.VMEM((CH, CK), jnp.int32),
            pltpu.VMEM((CK, F), jnp.float32),
            pltpu.VMEM((16, F), jnp.float32),
            pltpu.VMEM_SHARED((NP, F), jnp.float32),
            pltpu.SemaphoreType.DMA,
        ],
    )
    def prop_k(y_hbm, src_hbm, dst_hbm, p_hbm, sidx, didx, rows, zb, acc, sem):
        cid = lax.axis_index("c")
        sid = lax.axis_index("s")
        wid = sid * NC + cid
        z16 = jnp.zeros((16,), jnp.float32)
        for r in range(16):
            for cc in range(F // 16):
                zb[r, pl.ds(cc * 16, 16)] = z16

        def zbody(k, c):
            pltpu.sync_copy(zb, acc.at[pl.ds(sid * RPT + k * 16, 16)])
            return c
        lax.fori_loop(0, RPT // 16, zbody, None)
        pltpu.sync_copy(src_hbm.at[wid], sidx)
        pltpu.sync_copy(dst_hbm.at[wid], didx)
        plsc.subcore_barrier()

        def ebody(j, c):
            pltpu.async_copy(y_hbm.at[sidx.at[j]], rows, sem).wait()
            pltpu.sync_copy(rows, acc.at[didx.at[j]], add=True)
            return c
        lax.fori_loop(0, CH, ebody, None)
        plsc.subcore_barrier()
        pltpu.sync_copy(acc.at[pl.ds(sid * RPT, RPT)],
                        p_hbm.at[cid, pl.ds(sid * RPT, RPT)])

    return prop_k(y, src_all, dst_all)



def _dinv_col(dv_row):
    ii = lax.broadcasted_iota(jnp.int32, (BLK, BLK), 0)
    jj = lax.broadcasted_iota(jnp.int32, (BLK, BLK), 1)
    ident = (ii == jj).astype(jnp.float32)
    return lax.dot_general(ident, dv_row, (((1,), (1,)), ((), ())),
                           preferred_element_type=jnp.float32)


def _prep(degp, x_all, W1):
    def body(deg_ref, x_ref, w_ref, y_ref, dinv_ref):
        dsum = deg_ref[0:1, :] + deg_ref[1:2, :] + 1.0
        dv = lax.rsqrt(dsum)
        dinv_ref[...] = dv
        xw = jnp.dot(x_ref[...], w_ref[...],
                     preferred_element_type=jnp.float32)
        y_ref[...] = _dinv_col(dv) * xw

    return pl.pallas_call(
        body,
        grid=(NBLK,),
        in_specs=[
            pl.BlockSpec((NC, BLK), lambda i: (0, i)),
            pl.BlockSpec((BLK, D), lambda i: (i, 0)),
            pl.BlockSpec((D, H1), lambda i: (0, 0)),
        ],
        out_specs=[
            pl.BlockSpec((BLK, H1), lambda i: (i, 0)),
            pl.BlockSpec((1, BLK), lambda i: (0, i)),
        ],
        out_shape=[
            jax.ShapeDtypeStruct((NP, H1), jnp.float32),
            jax.ShapeDtypeStruct((1, NP), jnp.float32),
        ],
    )(degp, x_all, W1)


def _combine(ps, ys, dinv2d, b, Wn, F2):
    nh = len(ps)
    no = F2 // F

    def body(*refs):
        p_refs = refs[:nh]
        y_refs = refs[nh:2 * nh]
        dv_ref, b_ref, w_ref = refs[2 * nh:2 * nh + 3]
        yn_refs = refs[2 * nh + 3:]
        s = jnp.concatenate(
            [p_refs[k][0] + p_refs[k][1] + y_refs[k][...] for k in range(nh)],
            axis=1)
        dcol = _dinv_col(dv_ref[...])
        h = jnp.maximum(dcol * s + b_ref[...], 0.0)
        xwn = jnp.dot(h, w_ref[...], preferred_element_type=jnp.float32)
        yn = dcol * xwn
        for k in range(no):
            yn_refs[k][...] = yn[:, k * F:(k + 1) * F]

    return pl.pallas_call(
        body,
        grid=(NBLK,),
        in_specs=(
            [pl.BlockSpec((NC, BLK, F), lambda i: (0, i, 0))] * nh
            + [pl.BlockSpec((BLK, F), lambda i: (i, 0))] * nh
            + [
                pl.BlockSpec((1, BLK), lambda i: (0, i)),
                pl.BlockSpec((1, nh * F), lambda i: (0, 0)),
                pl.BlockSpec((nh * F, F2), lambda i: (0, 0)),
            ]
        ),
        out_specs=[pl.BlockSpec((BLK, F), lambda i: (i, 0))] * no,
        out_shape=[jax.ShapeDtypeStruct((NP, F), jnp.float32)] * no,
    )(*ps, *ys, dinv2d, b, Wn)


def _pool(ps, ys, dinv2d, b, seg2d):
    def body(plo_ref, phi_ref, ylo_ref, yhi_ref, dv_ref, b_ref, seg_ref,
             out_ref, acc_s, acc_c):
        i = pl.program_id(0)
        s = jnp.concatenate(
            [plo_ref[0] + plo_ref[1] + ylo_ref[...],
             phi_ref[0] + phi_ref[1] + yhi_ref[...]], axis=1)
        dcol = _dinv_col(dv_ref[...])
        h = jnp.maximum(dcol * s + b_ref[...], 0.0)
        gi = lax.broadcasted_iota(jnp.int32, (GT, BLK), 0)
        oh = (gi == seg_ref[...]).astype(jnp.float32)
        ps = jnp.dot(oh, h, preferred_element_type=jnp.float32)
        pc = jnp.dot(oh, jnp.ones((BLK, H2), jnp.float32),
                     preferred_element_type=jnp.float32)

        @pl.when(i == 0)
        def _():
            acc_s[...] = ps
            acc_c[...] = pc

        @pl.when(i > 0)
        def _():
            acc_s[...] = acc_s[...] + ps
            acc_c[...] = acc_c[...] + pc

        @pl.when(i == NBLK - 1)
        def _():
            out_ref[...] = acc_s[...] / jnp.maximum(acc_c[...], 1.0)

    return pl.pallas_call(
        body,
        grid=(NBLK,),
        in_specs=[
            pl.BlockSpec((NC, BLK, F), lambda i: (0, i, 0)),
            pl.BlockSpec((NC, BLK, F), lambda i: (0, i, 0)),
            pl.BlockSpec((BLK, F), lambda i: (i, 0)),
            pl.BlockSpec((BLK, F), lambda i: (i, 0)),
            pl.BlockSpec((1, BLK), lambda i: (0, i)),
            pl.BlockSpec((1, H2), lambda i: (0, 0)),
            pl.BlockSpec((1, BLK), lambda i: (0, i)),
        ],
        out_specs=pl.BlockSpec((GT, H2), lambda i: (0, 0)),
        out_shape=jax.ShapeDtypeStruct((GT, H2), jnp.float32),
        scratch_shapes=[
            pltpu.VMEM((GT, H2), jnp.float32),
            pltpu.VMEM((GT, H2), jnp.float32),
        ],
    )(ps[0], ps[1], ys[0], ys[1], dinv2d, b, seg2d)



def kernel(x, edge_index, batch,
           x_label_change, edge_index_label_change, x_label_change_batch,
           x_label_unchange, edge_index_label_unchange, x_label_unchange_batch,
           W1, b1, W2, b2, W3, b3):
    i32 = jnp.int32
    f32 = jnp.float32

    x_all = jnp.concatenate(
        [x, x_label_change, x_label_unchange,
         jnp.zeros((NP - NA, D), f32)], axis=0)

    pad_idx = NA + (jnp.arange(EP - EA, dtype=i32) % 512)
    src_all = jnp.concatenate(
        [edge_index[0].astype(i32),
         edge_index_label_change[0].astype(i32) + N,
         edge_index_label_unchange[0].astype(i32) + 2 * N,
         pad_idx]).reshape(NW, CH, CK)
    dst_all = jnp.concatenate(
        [edge_index[1].astype(i32),
         edge_index_label_change[1].astype(i32) + N,
         edge_index_label_unchange[1].astype(i32) + 2 * N,
         pad_idx]).reshape(NW, CH, CK)

    seg2d = jnp.concatenate(
        [batch.astype(i32),
         x_label_change_batch.astype(i32) + G,
         x_label_unchange_batch.astype(i32) + 2 * G,
         jnp.full((NP - NA,), 3 * G, i32)]).reshape(1, NP)

    degp = _degree(dst_all)
    y1, dinv2d = _prep(degp, x_all, W1)
    p1 = _propagate(y1, src_all, dst_all)
    y2 = _combine([p1], [y1], dinv2d, b1.reshape(1, H1), W2, H2)
    p2 = [_propagate(yk, src_all, dst_all) for yk in y2]
    y3 = _combine(p2, y2, dinv2d, b2.reshape(1, H2), W3, H2)
    p3 = [_propagate(yk, src_all, dst_all) for yk in y3]
    pooled = _pool(p3, y3, dinv2d, b3.reshape(1, H2), seg2d)
    return (pooled[0:G], pooled[G:2 * G], pooled[2 * G:3 * G])

# --- scband reference (transcript-rebuilt; emitter-appended) ---
"""Pipeline reference for scband-multi-view-gcn-75050258530751 (READ-ONLY COPY).

The authoritative reference and input builder live on the scoring server;
editing this copy changes nothing except your own understanding.
"""

import jax, jax.numpy as jnp
import numpy as np

N = 10000
E = 320000
D = 128
H1 = 32
H2 = 64
G = 64


def setup_inputs(seed: int = 0) -> dict:
    key = jax.random.key(seed)
    ks = jax.random.split(key, 16)
    inp = {}
    inp['x'] = jax.random.normal(ks[0], (N, D), dtype=jnp.float32)
    inp['edge_index'] = jax.random.randint(ks[1], (2, E), 0, N, dtype=jnp.int64)
    inp['batch'] = jnp.sort(jax.random.randint(ks[2], (N,), 0, G, dtype=jnp.int64))
    inp['x_label_change'] = jax.random.normal(ks[3], (N, D), dtype=jnp.float32)
    inp['edge_index_label_change'] = jax.random.randint(ks[4], (2, E), 0, N, dtype=jnp.int64)
    inp['x_label_change_batch'] = jnp.sort(jax.random.randint(ks[5], (N,), 0, G, dtype=jnp.int64))
    inp['x_label_unchange'] = jax.random.normal(ks[6], (N, D), dtype=jnp.float32)
    inp['edge_index_label_unchange'] = jax.random.randint(ks[7], (2, E), 0, N, dtype=jnp.int64)
    inp['x_label_unchange_batch'] = jnp.sort(jax.random.randint(ks[8], (N,), 0, G, dtype=jnp.int64))
    # learned parameters for the 3 shared GCNConv layers (Glorot-ish scaling)
    inp['W1'] = jax.random.normal(ks[9], (D, H1), dtype=jnp.float32) * (1.0 / np.sqrt(D))
    inp['b1'] = jnp.zeros((H1,), dtype=jnp.float32)
    inp['W2'] = jax.random.normal(ks[10], (H1, H2), dtype=jnp.float32) * (1.0 / np.sqrt(H1))
    inp['b2'] = jnp.zeros((H2,), dtype=jnp.float32)
    inp['W3'] = jax.random.normal(ks[11], (H2, H2), dtype=jnp.float32) * (1.0 / np.sqrt(H2))
    inp['b3'] = jnp.zeros((H2,), dtype=jnp.float32)
    return inp


def gcn_conv(x, src, dst, W, b):
    # PyG GCNConv: add self-loops, symmetric normalization, then scatter-add
    n = x.shape[0]
    xw = x @ W
    loop = jnp.arange(n, dtype=src.dtype)
    s = jnp.concatenate([src, loop])
    d = jnp.concatenate([dst, loop])
    ones = jnp.ones(s.shape[0], dtype=x.dtype)
    deg = jax.ops.segment_sum(ones, d, num_segments=n)
    dinv = jnp.where(deg > 0, jax.lax.rsqrt(deg), 0.0)
    norm = dinv[s] * dinv[d]
    msg = norm[:, None] * jnp.take(xw, s, axis=0)
    out = jax.ops.segment_sum(msg, d, num_segments=n)
    return out + b


def global_mean_pool(x, batch, num_graphs):
    s = jax.ops.segment_sum(x, batch, num_segments=num_graphs)
    cnt = jax.ops.segment_sum(jnp.ones(x.shape[0], dtype=x.dtype), batch, num_segments=num_graphs)
    return s / jnp.clip(cnt, 1.0)[:, None]


def gcn_branch(x, edge_index, batch, W1, b1, W2, b2, W3, b3):
    src, dst = edge_index[0], edge_index[1]
    h = jax.nn.relu(gcn_conv(x, src, dst, W1, b1))
    h = jax.nn.relu(gcn_conv(h, src, dst, W2, b2))
    h = jax.nn.relu(gcn_conv(h, src, dst, W3, b3))
    return global_mean_pool(h, batch, G)


def reference(x, edge_index, batch,
              x_label_change, edge_index_label_change, x_label_change_batch,
              x_label_unchange, edge_index_label_unchange, x_label_unchange_batch,
              W1, b1, W2, b2, W3, b3):
    # MultiViewGCN.forward (training mode, GCN backbone): run the shared
    # 3-layer GCN stack over the original graph and two augmented views,
    # pooling each to graph-level embeddings.
    out0 = gcn_branch(x, edge_index, batch, W1, b1, W2, b2, W3, b3)
    out1 = gcn_branch(x_label_change, edge_index_label_change, x_label_change_batch, W1, b1, W2, b2, W3, b3)
    out2 = gcn_branch(x_label_unchange, edge_index_label_unchange, x_label_unchange_batch, W1, b1, W2, b2, W3, b3)
    return (out0, out1, out2)

if __name__ == "__main__":
    import jax
    _d = setup_inputs()
    print(jax.jit(kernel)(*tuple(_d.values())))

</pallas_src>

<mosaic_0001>
#map = affine_map<(d0, d1) -> (0, 0)>
#map1 = affine_map<(d0, d1) -> (0, 0, 0)>
module attributes {stable_mosaic.version = 14 : i64} {
  func.func @prop_k(%arg0: i32, %arg1: i32, %arg2: memref<30720x32xf32, #tpu.memory_space<hbm>>, %arg3: memref<32x235x128xi32, #tpu.memory_space<hbm>>, %arg4: memref<32x235x128xi32, #tpu.memory_space<hbm>>, %arg5: memref<2x30720x32xf32, #tpu.memory_space<hbm>>, %arg6: memref<235x128xi32, #tpu.memory_space<vmem>>, %arg7: memref<235x128xi32, #tpu.memory_space<vmem>>, %arg8: memref<128x32xf32, #tpu.memory_space<vmem>>, %arg9: memref<16x32xf32, #tpu.memory_space<vmem>>, %arg10: memref<30720x32xf32, #tpu.memory_space<vmem_shared>>, %arg11: memref<!tpu.dma_semaphore, #tpu.memory_space<semaphore_mem>>) attributes {dimension_semantics = [#tpu.dimension_semantics<core_parallel>, #tpu.dimension_semantics<subcore_parallel>], iteration_bounds = array<i64: 2, 16>, scalar_prefetch = 0 : i64, scratch_operands = 6 : i64, tpu.core_type = #tpu.core_type<sc_vector_subcore>, window_params = [{transform_indices = #map}, {transform_indices = #map1}, {transform_indices = #map1}, {transform_indices = #map1}]} {
    %mul3A = arith.constant 2 : i32
    %mul3A_0 = arith.muli %arg1, %mul3A : i32
    %add3A = arith.addi %mul3A_0, %arg0 : i32
    %broadcast_in_dim3A = arith.constant 0.000000e+00 : f32
    %broadcast_in_dim3A_1 = vector.broadcast %broadcast_in_dim3A : f32 to vector<16xf32>
    %swap3A = arith.constant 0 : i32
    %swap3A_2 = arith.index_cast %swap3A : i32 to index
    %swap3A_3 = arith.constant 0 : index
    %swap3A_4 = tpu.vector_load %arg9[%swap3A_2, %swap3A_3] {strides = array<i32>} : memref<16x32xf32, #tpu.memory_space<vmem>>, vector<1x16xf32>,
    %swap3A_5 = vector.shape_cast %swap3A_4 : vector<1x16xf32> to vector<16xf32>
    %swap3A_6 = vector.shape_cast %broadcast_in_dim3A_1 : vector<16xf32> to vector<1x16xf32>
    tpu.vector_store %arg9[%swap3A_2, %swap3A_3], %swap3A_6 {strides = array<i32>} : memref<16x32xf32, #tpu.memory_space<vmem>>, vector<1x16xf32>,
    %swap3A_7 = arith.constant 0 : i32
    %swap3A_8 = arith.index_cast %swap3A_7 : i32 to index
    %swap3A_9 = arith.constant 16 : index
    %swap3A_10 = tpu.vector_load %arg9[%swap3A_8, %swap3A_9] {strides = array<i32>} : memref<16x32xf32, #tpu.memory_space<vmem>>, vector<1x16xf32>,
    %swap3A_11 = vector.shape_cast %swap3A_10 : vector<1x16xf32> to vector<16xf32>
    %swap3A_12 = vector.shape_cast %broadcast_in_dim3A_1 : vector<16xf32> to vector<1x16xf32>
    tpu.vector_store %arg9[%swap3A_8, %swap3A_9], %swap3A_12 {strides = array<i32>} : memref<16x32xf32, #tpu.memory_space<vmem>>, vector<1x16xf32>,
    %swap3A_13 = arith.constant 1 : i32
    %swap3A_14 = arith.index_cast %swap3A_13 : i32 to index
    %swap3A_15 = arith.constant 0 : index
    %swap3A_16 = tpu.vector_load %arg9[%swap3A_14, %swap3A_15] {strides = array<i32>} : memref<16x32xf32, #tpu.memory_space<vmem>>, vector<1x16xf32>,
    %swap3A_17 = vector.shape_cast %swap3A_16 : vector<1x16xf32> to vector<16xf32>
    %swap3A_18 = vector.shape_cast %broadcast_in_dim3A_1 : vector<16xf32> to vector<1x16xf32>
    tpu.vector_store %arg9[%swap3A_14, %swap3A_15], %swap3A_18 {strides = array<i32>} : memref<16x32xf32, #tpu.memory_space<vmem>>, vector<1x16xf32>,
    %swap3A_19 = arith.constant 1 : i32
    %swap3A_20 = arith.index_cast %swap3A_19 : i32 to index
    %swap3A_21 = arith.constant 16 : index
    %swap3A_22 = tpu.vector_load %arg9[%swap3A_20, %swap3A_21] {strides = array<i32>} : memref<16x32xf32, #tpu.memory_space<vmem>>, vector<1x16xf32>,
    %swap3A_23 = vector.shape_cast %swap3A_22 : vector<1x16xf32> to vector<16xf32>
    %swap3A_24 = vector.shape_cast %broadcast_in_dim3A_1 : vector<16xf32> to vector<1x16xf32>
    tpu.vector_store %arg9[%swap3A_20, %swap3A_21], %swap3A_24 {strides = array<i32>} : memref<16x32xf32, #tpu.memory_space<vmem>>, vector<1x16xf32>,
    %swap3A_25 = arith.constant 2 : i32
    %swap3A_26 = arith.index_cast %swap3A_25 : i32 to index
    %swap3A_27 = arith.constant 0 : index
    %swap3A_28 = tpu.vector_load %arg9[%swap3A_26, %swap3A_27] {strides = array<i32>} : memref<16x32xf32, #tpu.memory_space<vmem>>, vector<1x16xf32>,
    %swap3A_29 = vector.shape_cast %swap3A_28 : vector<1x16xf32> to vector<16xf32>
    %swap3A_30 = vector.shape_cast %broadcast_in_dim3A_1 : vector<16xf32> to vector<1x16xf32>
    tpu.vector_store %arg9[%swap3A_26, %swap3A_27], %swap3A_30 {strides = array<i32>} : memref<16x32xf32, #tpu.memory_space<vmem>>, vector<1x16xf32>,
    %swap3A_31 = arith.constant 2 : i32
    %swap3A_32 = arith.index_cast %swap3A_31 : i32 to index
    %swap3A_33 = arith.constant 16 : index
    %swap3A_34 = tpu.vector_load %arg9[%swap3A_32, %swap3A_33] {strides = array<i32>} : memref<16x32xf32, #tpu.memory_space<vmem>>, vector<1x16xf32>,
    %swap3A_35 = vector.shape_cast %swap3A_34 : vector<1x16xf32> to vector<16xf32>
    %swap3A_36 = vector.shape_cast %broadcast_in_dim3A_1 : vector<16xf32> to vector<1x16xf32>
    tpu.vector_store %arg9[%swap3A_32, %swap3A_33], %swap3A_36 {strides = array<i32>} : memref<16x32xf32, #tpu.memory_space<vmem>>, vector<1x16xf32>,
    %swap3A_37 = arith.constant 3 : i32
    %swap3A_38 = arith.index_cast %swap3A_37 : i32 to index
    %swap3A_39 = arith.constant 0 : index
    %swap3A_40 = tpu.vector_load %arg9[%swap3A_38, %swap3A_39] {strides = array<i32>} : memref<16x32xf32, #tpu.memory_space<vmem>>, vector<1x16xf32>,
    %swap3A_41 = vector.shape_cast %swap3A_40 : vector<1x16xf32> to vector<16xf32>
    %swap3A_42 = vector.shape_cast %broadcast_in_dim3A_1 : vector<16xf32> to vector<1x16xf32>
    tpu.vector_store %arg9[%swap3A_38, %swap3A_39], %swap3A_42 {strides = array<i32>} : memref<16x32xf32, #tpu.memory_space<vmem>>, vector<1x16xf32>,
    %swap3A_43 = arith.constant 3 : i32
    %swap3A_44 = arith.index_cast %swap3A_43 : i32 to index
    %swap3A_45 = arith.constant 16 : index
    %swap3A_46 = tpu.vector_load %arg9[%swap3A_44, %swap3A_45] {strides = array<i32>} : memref<16x32xf32, #tpu.memory_space<vmem>>, vector<1x16xf32>,
    %swap3A_47 = vector.shape_cast %swap3A_46 : vector<1x16xf32> to vector<16xf32>
    %swap3A_48 = vector.shape_cast %broadcast_in_dim3A_1 : vector<16xf32> to vector<1x16xf32>
    tpu.vector_store %arg9[%swap3A_44, %swap3A_45], %swap3A_48 {strides = array<i32>} : memref<16x32xf32, #tpu.memory_space<vmem>>, vector<1x16xf32>,
    %swap3A_49 = arith.constant 4 : i32
    %swap3A_50 = arith.index_cast %swap3A_49 : i32 to index
    %swap3A_51 = arith.constant 0 : index
    %swap3A_52 = tpu.vector_load %arg9[%swap3A_50, %swap3A_51] {strides = array<i32>} : memref<16x32xf32, #tpu.memory_space<vmem>>, vector<1x16xf32>,
    %swap3A_53 = vector.shape_cast %swap3A_52 : vector<1x16xf32> to vector<16xf32>
    %swap3A_54 = vector.shape_cast %broadcast_in_dim3A_1 : vector<16xf32> to vector<1x16xf32>
    tpu.vector_store %arg9[%swap3A_50, %swap3A_51], %swap3A_54 {strides = array<i32>} : memref<16x32xf32, #tpu.memory_space<vmem>>, vector<1x16xf32>,
    %swap3A_55 = arith.constant 4 : i32
    %swap3A_56 = arith.index_cast %swap3A_55 : i32 to index
    %swap3A_57 = arith.constant 16 : index
    %swap3A_58 = tpu.vector_load %arg9[%swap3A_56, %swap3A_57] {strides = array<i32>} : memref<16x32xf32, #tpu.memory_space<vmem>>, vector<1x16xf32>,
    %swap3A_59 = vector.shape_cast %swap3A_58 : vector<1x16xf32> to vector<16xf32>
    %swap3A_60 = vector.shape_cast %broadcast_in_dim3A_1 : vector<16xf32> to vector<1x16xf32>
    tpu.vector_store %arg9[%swap3A_56, %swap3A_57], %swap3A_60 {strides = array<i32>} : memref<16x32xf32, #tpu.memory_space<vmem>>, vector<1x16xf32>,
    %swap3A_61 = arith.constant 5 : i32
    %swap3A_62 = arith.index_cast %swap3A_61 : i32 to index
    %swap3A_63 = arith.constant 0 : index
    %swap3A_64 = tpu.vector_load %arg9[%swap3A_62, %swap3A_63] {strides = array<i32>} : memref<16x32xf32, #tpu.memory_space<vmem>>, vector<1x16xf32>,
    %swap3A_65 = vector.shape_cast %swap3A_64 : vector<1x16xf32> to vector<16xf32>
    %swap3A_66 = vector.shape_cast %broadcast_in_dim3A_1 : vector<16xf32> to vector<1x16xf32>
    tpu.vector_store %arg9[%swap3A_62, %swap3A_63], %swap3A_66 {strides = array<i32>} : memref<16x32xf32, #tpu.memory_space<vmem>>, vector<1x16xf32>,
    %swap3A_67 = arith.constant 5 : i32
    %swap3A_68 = arith.index_cast %swap3A_67 : i32 to index
    %swap3A_69 = arith.constant 16 : index
    %swap3A_70 = tpu.vector_load %arg9[%swap3A_68, %swap3A_69] {strides = array<i32>} : memref<16x32xf32, #tpu.memory_space<vmem>>, vector<1x16xf32>,
    %swap3A_71 = vector.shape_cast %swap3A_70 : vector<1x16xf32> to vector<16xf32>
    %swap3A_72 = vector.shape_cast %broadcast_in_dim3A_1 : vector<16xf32> to vector<1x16xf32>
    tpu.vector_store %arg9[%swap3A_68, %swap3A_69], %swap3A_72 {strides = array<i32>} : memref<16x32xf32, #tpu.memory_space<vmem>>, vector<1x16xf32>,
    %swap3A_73 = arith.constant 6 : i32
    %swap3A_74 = arith.index_cast %swap3A_73 : i32 to index
    %swap3A_75 = arith.constant 0 : index
    %swap3A_76 = tpu.vector_load %arg9[%swap3A_74, %swap3A_75] {strides = array<i32>} : memref<16x32xf32, #tpu.memory_space<vmem>>, vector<1x16xf32>,
    %swap3A_77 = vector.shape_cast %swap3A_76 : vector<1x16xf32> to vector<16xf32>
    %swap3A_78 = vector.shape_cast %broadcast_in_dim3A_1 : vector<16xf32> to vector<1x16xf32>
    tpu.vector_store %arg9[%swap3A_74, %swap3A_75], %swap3A_78 {strides = array<i32>} : memref<16x32xf32, #tpu.memory_space<vmem>>, vector<1x16xf32>,
    %swap3A_79 = arith.constant 6 : i32
    %swap3A_80 = arith.index_cast %swap3A_79 : i32 to index
    %swap3A_81 = arith.constant 16 : index
    %swap3A_82 = tpu.vector_load %arg9[%swap3A_80, %swap3A_81] {strides = array<i32>} : memref<16x32xf32, #tpu.memory_space<vmem>>, vector<1x16xf32>,
    %swap3A_83 = vector.shape_cast %swap3A_82 : vector<1x16xf32> to vector<16xf32>
    %swap3A_84 = vector.shape_cast %broadcast_in_dim3A_1 : vector<16xf32> to vector<1x16xf32>
    tpu.vector_store %arg9[%swap3A_80, %swap3A_81], %swap3A_84 {strides = array<i32>} : memref<16x32xf32, #tpu.memory_space<vmem>>, vector<1x16xf32>,
    %swap3A_85 = arith.constant 7 : i32
    %swap3A_86 = arith.index_cast %swap3A_85 : i32 to index
    %swap3A_87 = arith.constant 0 : index
    %swap3A_88 = tpu.vector_load %arg9[%swap3A_86, %swap3A_87] {strides = array<i32>} : memref<16x32xf32, #tpu.memory_space<vmem>>, vector<1x16xf32>,
    %swap3A_89 = vector.shape_cast %swap3A_88 : vector<1x16xf32> to vector<16xf32>
    %swap3A_90 = vector.shape_cast %broadcast_in_dim3A_1 : vector<16xf32> to vector<1x16xf32>
    tpu.vector_store %arg9[%swap3A_86, %swap3A_87], %swap3A_90 {strides = array<i32>} : memref<16x32xf32, #tpu.memory_space<vmem>>, vector<1x16xf32>,
    %swap3A_91 = arith.constant 7 : i32
    %swap3A_92 = arith.index_cast %swap3A_91 : i32 to index
    %swap3A_93 = arith.constant 16 : index
    %swap3A_94 = tpu.vector_load %arg9[%swap3A_92, %swap3A_93] {strides = array<i32>} : memref<16x32xf32, #tpu.memory_space<vmem>>, vector<1x16xf32>,
    %swap3A_95 = vector.shape_cast %swap3A_94 : vector<1x16xf32> to vector<16xf32>
    %swap3A_96 = vector.shape_cast %broadcast_in_dim3A_1 : vector<16xf32> to vector<1x16xf32>
    tpu.vector_store %arg9[%swap3A_92, %swap3A_93], %swap3A_96 {strides = array<i32>} : memref<16x32xf32, #tpu.memory_space<vmem>>, vector<1x16xf32>,
    %swap3A_97 = arith.constant 8 : i32
    %swap3A_98 = arith.index_cast %swap3A_97 : i32 to index
    %swap3A_99 = arith.constant 0 : index
    %swap3A_100 = tpu.vector_load %arg9[%swap3A_98, %swap3A_99] {strides = array<i32>} : memref<16x32xf32, #tpu.memory_space<vmem>>, vector<1x16xf32>,
    %swap3A_101 = vector.shape_cast %swap3A_100 : vector<1x16xf32> to vector<16xf32>
    %swap3A_102 = vector.shape_cast %broadcast_in_dim3A_1 : vector<16xf32> to vector<1x16xf32>
    tpu.vector_store %arg9[%swap3A_98, %swap3A_99], %swap3A_102 {strides = array<i32>} : memref<16x32xf32, #tpu.memory_space<vmem>>, vector<1x16xf32>,
    %swap3A_103 = arith.constant 8 : i32
    %swap3A_104 = arith.index_cast %swap3A_103 : i32 to index
    %swap3A_105 = arith.constant 16 : index
    %swap3A_106 = tpu.vector_load %arg9[%swap3A_104, %swap3A_105] {strides = array<i32>} : memref<16x32xf32, #tpu.memory_space<vmem>>, vector<1x16xf32>,
    %swap3A_107 = vector.shape_cast %swap3A_106 : vector<1x16xf32> to vector<16xf32>
    %swap3A_108 = vector.shape_cast %broadcast_in_dim3A_1 : vector<16xf32> to vector<1x16xf32>
    tpu.vector_store %arg9[%swap3A_104, %swap3A_105], %swap3A_108 {strides = array<i32>} : memref<16x32xf32, #tpu.memory_space<vmem>>, vector<1x16xf32>,
    %swap3A_109 = arith.constant 9 : i32
    %swap3A_110 = arith.index_cast %swap3A_109 : i32 to index
    %swap3A_111 = arith.constant 0 : index
    %swap3A_112 = tpu.vector_load %arg9[%swap3A_110, %swap3A_111] {strides = array<i32>} : memref<16x32xf32, #tpu.memory_space<vmem>>, vector<1x16xf32>,
    %swap3A_113 = vector.shape_cast %swap3A_112 : vector<1x16xf32> to vector<16xf32>
    %swap3A_114 = vector.shape_cast %broadcast_in_dim3A_1 : vector<16xf32> to vector<1x16xf32>
    tpu.vector_store %arg9[%swap3A_110, %swap3A_111], %swap3A_114 {strides = array<i32>} : memref<16x32xf32, #tpu.memory_space<vmem>>, vector<1x16xf32>,
    %swap3A_115 = arith.constant 9 : i32
    %swap3A_116 = arith.index_cast %swap3A_115 : i32 to index
    %swap3A_117 = arith.constant 16 : index
    %swap3A_118 = tpu.vector_load %arg9[%swap3A_116, %swap3A_117] {strides = array<i32>} : memref<16x32xf32, #tpu.memory_space<vmem>>, vector<1x16xf32>,
    %swap3A_119 = vector.shape_cast %swap3A_118 : vector<1x16xf32> to vector<16xf32>
    %swap3A_120 = vector.shape_cast %broadcast_in_dim3A_1 : vector<16xf32> to vector<1x16xf32>
    tpu.vector_store %arg9[%swap3A_116, %swap3A_117], %swap3A_120 {strides = array<i32>} : memref<16x32xf32, #tpu.memory_space<vmem>>, vector<1x16xf32>,
    %swap3A_121 = arith.constant 10 : i32
    %swap3A_122 = arith.index_cast %swap3A_121 : i32 to index
    %swap3A_123 = arith.constant 0 : index
    %swap3A_124 = tpu.vector_load %arg9[%swap3A_122, %swap3A_123] {strides = array<i32>} : memref<16x32xf32, #tpu.memory_space<vmem>>, vector<1x16xf32>,
    %swap3A_125 = vector.shape_cast %swap3A_124 : vector<1x16xf32> to vector<16xf32>
    %swap3A_126 = vector.shape_cast %broadcast_in_dim3A_1 : vector<16xf32> to vector<1x16xf32>
    tpu.vector_store %arg9[%swap3A_122, %swap3A_123], %swap3A_126 {strides = array<i32>} : memref<16x32xf32, #tpu.memory_space<vmem>>, vector<1x16xf32>,
    %swap3A_127 = arith.constant 10 : i32
    %swap3A_128 = arith.index_cast %swap3A_127 : i32 to index
    %swap3A_129 = arith.constant 16 : index
    %swap3A_130 = tpu.vector_load %arg9[%swap3A_128, %swap3A_129] {strides = array<i32>} : memref<16x32xf32, #tpu.memory_space<vmem>>, vector<1x16xf32>,
    %swap3A_131 = vector.shape_cast %swap3A_130 : vector<1x16xf32> to vector<16xf32>
    %swap3A_132 = vector.shape_cast %broadcast_in_dim3A_1 : vector<16xf32> to vector<1x16xf32>
    tpu.vector_store %arg9[%swap3A_128, %swap3A_129], %swap3A_132 {strides = array<i32>} : memref<16x32xf32, #tpu.memory_space<vmem>>, vector<1x16xf32>,
    %swap3A_133 = arith.constant 11 : i32
    %swap3A_134 = arith.index_cast %swap3A_133 : i32 to index
    %swap3A_135 = arith.constant 0 : index
    %swap3A_136 = tpu.vector_load %arg9[%swap3A_134, %swap3A_135] {strides = array<i32>} : memref<16x32xf32, #tpu.memory_space<vmem>>, vector<1x16xf32>,
    %swap3A_137 = vector.shape_cast %swap3A_136 : vector<1x16xf32> to vector<16xf32>
    %swap3A_138 = vector.shape_cast %broadcast_in_dim3A_1 : vector<16xf32> to vector<1x16xf32>
    tpu.vector_store %arg9[%swap3A_134, %swap3A_135], %swap3A_138 {strides = array<i32>} : memref<16x32xf32, #tpu.memory_space<vmem>>, vector<1x16xf32>,
    %swap3A_139 = arith.constant 11 : i32
    %swap3A_140 = arith.index_cast %swap3A_139 : i32 to index
    %swap3A_141 = arith.constant 16 : index
    %swap3A_142 = tpu.vector_load %arg9[%swap3A_140, %swap3A_141] {strides = array<i32>} : memref<16x32xf32, #tpu.memory_space<vmem>>, vector<1x16xf32>,
    %swap3A_143 = vector.shape_cast %swap3A_142 : vector<1x16xf32> to vector<16xf32>
    %swap3A_144 = vector.shape_cast %broadcast_in_dim3A_1 : vector<16xf32> to vector<1x16xf32>
    tpu.vector_store %arg9[%swap3A_140, %swap3A_141], %swap3A_144 {strides = array<i32>} : memref<16x32xf32, #tpu.memory_space<vmem>>, vector<1x16xf32>,
    %swap3A_145 = arith.constant 12 : i32
    %swap3A_146 = arith.index_cast %swap3A_145 : i32 to index
    %swap3A_147 = arith.constant 0 : index
    %swap3A_148 = tpu.vector_load %arg9[%swap3A_146, %swap3A_147] {strides = array<i32>} : memref<16x32xf32, #tpu.memory_space<vmem>>, vector<1x16xf32>,
    %swap3A_149 = vector.shape_cast %swap3A_148 : vector<1x16xf32> to vector<16xf32>
    %swap3A_150 = vector.shape_cast %broadcast_in_dim3A_1 : vector<16xf32> to vector<1x16xf32>
    tpu.vector_store %arg9[%swap3A_146, %swap3A_147], %swap3A_150 {strides = array<i32>} : memref<16x32xf32, #tpu.memory_space<vmem>>, vector<1x16xf32>,
    %swap3A_151 = arith.constant 12 : i32
    %swap3A_152 = arith.index_cast %swap3A_151 : i32 to index
    %swap3A_153 = arith.constant 16 : index
    %swap3A_154 = tpu.vector_load %arg9[%swap3A_152, %swap3A_153] {strides = array<i32>} : memref<16x32xf32, #tpu.memory_space<vmem>>, vector<1x16xf32>,
    %swap3A_155 = vector.shape_cast %swap3A_154 : vector<1x16xf32> to vector<16xf32>
    %swap3A_156 = vector.shape_cast %broadcast_in_dim3A_1 : vector<16xf32> to vector<1x16xf32>
    tpu.vector_store %arg9[%swap3A_152, %swap3A_153], %swap3A_156 {strides = array<i32>} : memref<16x32xf32, #tpu.memory_space<vmem>>, vector<1x16xf32>,
    %swap3A_157 = arith.constant 13 : i32
    %swap3A_158 = arith.index_cast %swap3A_157 : i32 to index
    %swap3A_159 = arith.constant 0 : index
    %swap3A_160 = tpu.vector_load %arg9[%swap3A_158, %swap3A_159] {strides = array<i32>} : memref<16x32xf32, #tpu.memory_space<vmem>>, vector<1x16xf32>,
    %swap3A_161 = vector.shape_cast %swap3A_160 : vector<1x16xf32> to vector<16xf32>
    %swap3A_162 = vector.shape_cast %broadcast_in_dim3A_1 : vector<16xf32> to vector<1x16xf32>
    tpu.vector_store %arg9[%swap3A_158, %swap3A_159], %swap3A_162 {strides = array<i32>} : memref<16x32xf32, #tpu.memory_space<vmem>>, vector<1x16xf32>,
    %swap3A_163 = arith.constant 13 : i32
    %swap3A_164 = arith.index_cast %swap3A_163 : i32 to index
    %swap3A_165 = arith.constant 16 : index
    %swap3A_166 = tpu.vector_load %arg9[%swap3A_164, %swap3A_165] {strides = array<i32>} : memref<16x32xf32, #tpu.memory_space<vmem>>, vector<1x16xf32>,
    %swap3A_167 = vector.shape_cast %swap3A_166 : vector<1x16xf32> to vector<16xf32>
    %swap3A_168 = vector.shape_cast %broadcast_in_dim3A_1 : vector<16xf32> to vector<1x16xf32>
    tpu.vector_store %arg9[%swap3A_164, %swap3A_165], %swap3A_168 {strides = array<i32>} : memref<16x32xf32, #tpu.memory_space<vmem>>, vector<1x16xf32>,
    %swap3A_169 = arith.constant 14 : i32
    %swap3A_170 = arith.index_cast %swap3A_169 : i32 to index
    %swap3A_171 = arith.constant 0 : index
    %swap3A_172 = tpu.vector_load %arg9[%swap3A_170, %swap3A_171] {strides = array<i32>} : memref<16x32xf32, #tpu.memory_space<vmem>>, vector<1x16xf32>,
    %swap3A_173 = vector.shape_cast %swap3A_172 : vector<1x16xf32> to vector<16xf32>
    %swap3A_174 = vector.shape_cast %broadcast_in_dim3A_1 : vector<16xf32> to vector<1x16xf32>
    tpu.vector_store %arg9[%swap3A_170, %swap3A_171], %swap3A_174 {strides = array<i32>} : memref<16x32xf32, #tpu.memory_space<vmem>>, vector<1x16xf32>,
    %swap3A_175 = arith.constant 14 : i32
    %swap3A_176 = arith.index_cast %swap3A_175 : i32 to index
    %swap3A_177 = arith.constant 16 : index
    %swap3A_178 = tpu.vector_load %arg9[%swap3A_176, %swap3A_177] {strides = array<i32>} : memref<16x32xf32, #tpu.memory_space<vmem>>, vector<1x16xf32>,
    %swap3A_179 = vector.shape_cast %swap3A_178 : vector<1x16xf32> to vector<16xf32>
    %swap3A_180 = vector.shape_cast %broadcast_in_dim3A_1 : vector<16xf32> to vector<1x16xf32>
    tpu.vector_store %arg9[%swap3A_176, %swap3A_177], %swap3A_180 {strides = array<i32>} : memref<16x32xf32, #tpu.memory_space<vmem>>, vector<1x16xf32>,
    %swap3A_181 = arith.constant 15 : i32
    %swap3A_182 = arith.index_cast %swap3A_181 : i32 to index
    %swap3A_183 = arith.constant 0 : index
    %swap3A_184 = tpu.vector_load %arg9[%swap3A_182, %swap3A_183] {strides = array<i32>} : memref<16x32xf32, #tpu.memory_space<vmem>>, vector<1x16xf32>,
    %swap3A_185 = vector.shape_cast %swap3A_184 : vector<1x16xf32> to vector<16xf32>
    %swap3A_186 = vector.shape_cast %broadcast_in_dim3A_1 : vector<16xf32> to vector<1x16xf32>
    tpu.vector_store %arg9[%swap3A_182, %swap3A_183], %swap3A_186 {strides = array<i32>} : memref<16x32xf32, #tpu.memory_space<vmem>>, vector<1x16xf32>,
    %swap3A_187 = arith.constant 15 : i32
    %swap3A_188 = arith.index_cast %swap3A_187 : i32 to index
    %swap3A_189 = arith.constant 16 : index
    %swap3A_190 = tpu.vector_load %arg9[%swap3A_188, %swap3A_189] {strides = array<i32>} : memref<16x32xf32, #tpu.memory_space<vmem>>, vector<1x16xf32>,
    %swap3A_191 = vector.shape_cast %swap3A_190 : vector<1x16xf32> to vector<16xf32>
    %swap3A_192 = vector.shape_cast %broadcast_in_dim3A_1 : vector<16xf32> to vector<1x16xf32>
    tpu.vector_store %arg9[%swap3A_188, %swap3A_189], %swap3A_192 {strides = array<i32>} : memref<16x32xf32, #tpu.memory_space<vmem>>, vector<1x16xf32>,
    %scan3A = arith.constant 0 : i32
    %scan3A_193 = arith.constant 120 : i32
    %scan3A_194 = arith.addi %scan3A, %scan3A_193 : i32
    %scan3A_195 = arith.constant 1 : i32
    scf.for %scan3A_207 = %scan3A to %scan3A_194 step %scan3A_195  : i32 {
      %mul3A_208 = arith.constant 1920 : i32
      %mul3A_209 = arith.muli %arg1, %mul3A_208 : i32
      %mul3A_210 = arith.constant 16 : i32
      %mul3A_211 = arith.muli %scan3A_207, %mul3A_210 : i32
      %add3A_212 = arith.addi %mul3A_209, %mul3A_211 : i32
      "tpu.region"() ({
        %run_scoped3A = tpu.sem_alloc : memref<!tpu.dma_semaphore, #tpu.memory_space<semaphore_mem>>
        %dma_start3A = arith.constant 0 : i32
        %dma_start3A_213 = tpu.memref_slice %arg10[%add3A_212, %dma_start3A] : memref<30720x32xf32, #tpu.memory_space<vmem_shared>> -> memref<16x32xf32, #tpu.memory_space<vmem_shared>>
        %dma_start3A_214 = arith.constant 0 : i32
        %dma_start3A_215 = tpu.memref_slice %arg10[%add3A_212, %dma_start3A_214] : memref<30720x32xf32, #tpu.memory_space<vmem_shared>> -> memref<16x32xf32, #tpu.memory_space<vmem_shared>>
        tpu.enqueue_dma source(%arg9 : memref<16x32xf32, #tpu.memory_space<vmem>>) target(%dma_start3A_215 : memref<16x32xf32, #tpu.memory_space<vmem_shared>>) target_semaphore(%run_scoped3A : memref<!tpu.dma_semaphore, #tpu.memory_space<semaphore_mem>>)
        %dma_wait3A = arith.constant 0 : i32
        %dma_wait3A_216 = tpu.memref_slice %arg10[%add3A_212, %dma_wait3A] : memref<30720x32xf32, #tpu.memory_space<vmem_shared>> -> memref<16x32xf32, #tpu.memory_space<vmem_shared>>
        %dma_wait3A_217 = arith.constant 0 : i32
        %dma_wait3A_218 = tpu.memref_slice %arg10[%add3A_212, %dma_wait3A_217] : memref<30720x32xf32, #tpu.memory_space<vmem_shared>> -> memref<16x32xf32, #tpu.memory_space<vmem_shared>>
        tpu.wait_dma2 semaphore(%run_scoped3A : memref<!tpu.dma_semaphore, #tpu.memory_space<semaphore_mem>>) src(%arg9 : memref<16x32xf32, #tpu.memory_space<vmem>>) dst(%dma_wait3A_218 : memref<16x32xf32, #tpu.memory_space<vmem_shared>>)
        tpu.yield
      }) : () -> ()
    }
    %scan3A_196 = arith.constant 120 : i32
    "tpu.region"() ({
      %run_scoped3A = tpu.sem_alloc : memref<!tpu.dma_semaphore, #tpu.memory_space<semaphore_mem>>
      %dma_start3A = arith.constant 0 : i32
      %dma_start3A_207 = arith.constant 0 : i32
      %dma_start3A_208 = tpu.memref_slice %arg3[%add3A, %dma_start3A, %dma_start3A_207] : memref<32x235x128xi32, #tpu.memory_space<hbm>> -> memref<1x235x128xi32, #tpu.memory_space<hbm>>
      %dma_start3A_209 = tpu.memref_squeeze %dma_start3A_208 : memref<1x235x128xi32, #tpu.memory_space<hbm>> -> memref<235x128xi32, #tpu.memory_space<hbm>>
      %dma_start3A_210 = arith.constant 0 : i32
      %dma_start3A_211 = arith.constant 0 : i32
      %dma_start3A_212 = tpu.memref_slice %arg3[%add3A, %dma_start3A_210, %dma_start3A_211] : memref<32x235x128xi32, #tpu.memory_space<hbm>> -> memref<1x235x128xi32, #tpu.memory_space<hbm>>
      %dma_start3A_213 = tpu.memref_squeeze %dma_start3A_212 : memref<1x235x128xi32, #tpu.memory_space<hbm>> -> memref<235x128xi32, #tpu.memory_space<hbm>>
      tpu.enqueue_dma source(%dma_start3A_213 : memref<235x128xi32, #tpu.memory_space<hbm>>) target(%arg6 : memref<235x128xi32, #tpu.memory_space<vmem>>) target_semaphore(%run_scoped3A : memref<!tpu.dma_semaphore, #tpu.memory_space<semaphore_mem>>)
      %dma_wait3A = arith.constant 0 : i32
      %dma_wait3A_214 = arith.constant 0 : i32
      %dma_wait3A_215 = tpu.memref_slice %arg3[%add3A, %dma_wait3A, %dma_wait3A_214] : memref<32x235x128xi32, #tpu.memory_space<hbm>> -> memref<1x235x128xi32, #tpu.memory_space<hbm>>
      %dma_wait3A_216 = tpu.memref_squeeze %dma_wait3A_215 : memref<1x235x128xi32, #tpu.memory_space<hbm>> -> memref<235x128xi32, #tpu.memory_space<hbm>>
      %dma_wait3A_217 = arith.constant 0 : i32
      %dma_wait3A_218 = arith.constant 0 : i32
      %dma_wait3A_219 = tpu.memref_slice %arg3[%add3A, %dma_wait3A_217, %dma_wait3A_218] : memref<32x235x128xi32, #tpu.memory_space<hbm>> -> memref<1x235x128xi32, #tpu.memory_space<hbm>>
      %dma_wait3A_220 = tpu.memref_squeeze %dma_wait3A_219 : memref<1x235x128xi32, #tpu.memory_space<hbm>> -> memref<235x128xi32, #tpu.memory_space<hbm>>
      tpu.wait_dma2 semaphore(%run_scoped3A : memref<!tpu.dma_semaphore, #tpu.memory_space<semaphore_mem>>) src(%dma_wait3A_220 : memref<235x128xi32, #tpu.memory_space<hbm>>) dst(%arg6 : memref<235x128xi32, #tpu.memory_space<vmem>>)
      tpu.yield
    }) : () -> ()
    "tpu.region"() ({
      %run_scoped3A = tpu.sem_alloc : memref<!tpu.dma_semaphore, #tpu.memory_space<semaphore_mem>>
      %dma_start3A = arith.constant 0 : i32
      %dma_start3A_207 = arith.constant 0 : i32
      %dma_start3A_208 = tpu.memref_slice %arg4[%add3A, %dma_start3A, %dma_start3A_207] : memref<32x235x128xi32, #tpu.memory_space<hbm>> -> memref<1x235x128xi32, #tpu.memory_space<hbm>>
      %dma_start3A_209 = tpu.memref_squeeze %dma_start3A_208 : memref<1x235x128xi32, #tpu.memory_space<hbm>> -> memref<235x128xi32, #tpu.memory_space<hbm>>
      %dma_start3A_210 = arith.constant 0 : i32
      %dma_start3A_211 = arith.constant 0 : i32
      %dma_start3A_212 = tpu.memref_slice %arg4[%add3A, %dma_start3A_210, %dma_start3A_211] : memref<32x235x128xi32, #tpu.memory_space<hbm>> -> memref<1x235x128xi32, #tpu.memory_space<hbm>>
      %dma_start3A_213 = tpu.memref_squeeze %dma_start3A_212 : memref<1x235x128xi32, #tpu.memory_space<hbm>> -> memref<235x128xi32, #tpu.memory_space<hbm>>
      tpu.enqueue_dma source(%dma_start3A_213 : memref<235x128xi32, #tpu.memory_space<hbm>>) target(%arg7 : memref<235x128xi32, #tpu.memory_space<vmem>>) target_semaphore(%run_scoped3A : memref<!tpu.dma_semaphore, #tpu.memory_space<semaphore_mem>>)
      %dma_wait3A = arith.constant 0 : i32
      %dma_wait3A_214 = arith.constant 0 : i32
      %dma_wait3A_215 = tpu.memref_slice %arg4[%add3A, %dma_wait3A, %dma_wait3A_214] : memref<32x235x128xi32, #tpu.memory_space<hbm>> -> memref<1x235x128xi32, #tpu.memory_space<hbm>>
      %dma_wait3A_216 = tpu.memref_squeeze %dma_wait3A_215 : memref<1x235x128xi32, #tpu.memory_space<hbm>> -> memref<235x128xi32, #tpu.memory_space<hbm>>
      %dma_wait3A_217 = arith.constant 0 : i32
      %dma_wait3A_218 = arith.constant 0 : i32
      %dma_wait3A_219 = tpu.memref_slice %arg4[%add3A, %dma_wait3A_217, %dma_wait3A_218] : memref<32x235x128xi32, #tpu.memory_space<hbm>> -> memref<1x235x128xi32, #tpu.memory_space<hbm>>
      %dma_wait3A_220 = tpu.memref_squeeze %dma_wait3A_219 : memref<1x235x128xi32, #tpu.memory_space<hbm>> -> memref<235x128xi32, #tpu.memory_space<hbm>>
      tpu.wait_dma2 semaphore(%run_scoped3A : memref<!tpu.dma_semaphore, #tpu.memory_space<semaphore_mem>>) src(%dma_wait3A_220 : memref<235x128xi32, #tpu.memory_space<hbm>>) dst(%arg7 : memref<235x128xi32, #tpu.memory_space<vmem>>)
      tpu.yield
    }) : () -> ()
    %barrier3A = arith.constant 0 : index
    tpu.barrier barrier_id(%barrier3A)
    %scan3A_197 = arith.constant 0 : i32
    %scan3A_198 = arith.constant 235 : i32
    %scan3A_199 = arith.addi %scan3A_197, %scan3A_198 : i32
    %scan3A_200 = arith.constant 1 : i32
    scf.for %scan3A_207 = %scan3A_197 to %scan3A_199 step %scan3A_200  : i32 {
      %dma_start3A = arith.constant 0 : i32
      %dma_start3A_208 = tpu.memref_slice %arg6[%scan3A_207, %dma_start3A] : memref<235x128xi32, #tpu.memory_space<vmem>> -> memref<1x128xi32, #tpu.memory_space<vmem>>
      %dma_start3A_209 = tpu.memref_squeeze %dma_start3A_208 : memref<1x128xi32, #tpu.memory_space<vmem>> -> memref<128xi32, #tpu.memory_space<vmem>>
      %dma_start3A_210 = arith.constant 0 : i32
      %dma_start3A_211 = arith.constant 0 : i32
      %dma_start3A_212 = tpu.memref_slice %arg2[%dma_start3A_210, %dma_start3A_211] : memref<30720x32xf32, #tpu.memory_space<hbm>> -> memref<30720x32xf32, #tpu.memory_space<hbm>>
      tpu.enqueue_indirect_dma source(%dma_start3A_212 : memref<30720x32xf32, #tpu.memory_space<hbm>>) target(%arg8 : memref<128x32xf32, #tpu.memory_space<vmem>>) offsets(%dma_start3A_209 : memref<128xi32, #tpu.memory_space<vmem>>) semaphore(%arg11 : memref<!tpu.dma_semaphore, #tpu.memory_space<semaphore_mem>>)
      %dma_wait3A = arith.constant 0 : i32
      %dma_wait3A_213 = tpu.memref_slice %arg6[%scan3A_207, %dma_wait3A] : memref<235x128xi32, #tpu.memory_space<vmem>> -> memref<1x128xi32, #tpu.memory_space<vmem>>
      %dma_wait3A_214 = tpu.memref_squeeze %dma_wait3A_213 : memref<1x128xi32, #tpu.memory_space<vmem>> -> memref<128xi32, #tpu.memory_space<vmem>>
      %dma_wait3A_215 = arith.constant 0 : i32
      %dma_wait3A_216 = arith.constant 0 : i32
      %dma_wait3A_217 = tpu.memref_slice %arg2[%dma_wait3A_215, %dma_wait3A_216] : memref<30720x32xf32, #tpu.memory_space<hbm>> -> memref<30720x32xf32, #tpu.memory_space<hbm>>
      tpu.wait_indirect_dma semaphore(%arg11 : memref<!tpu.dma_semaphore, #tpu.memory_space<semaphore_mem>>) src(%dma_wait3A_217 : memref<30720x32xf32, #tpu.memory_space<hbm>>) dst(%arg8 : memref<128x32xf32, #tpu.memory_space<vmem>>)
      "tpu.region"() ({
        %run_scoped3A = tpu.sem_alloc : memref<!tpu.dma_semaphore, #tpu.memory_space<semaphore_mem>>
        %dma_start3A_218 = arith.constant 0 : i32
        %dma_start3A_219 = tpu.memref_slice %arg7[%scan3A_207, %dma_start3A_218] : memref<235x128xi32, #tpu.memory_space<vmem>> -> memref<1x128xi32, #tpu.memory_space<vmem>>
        %dma_start3A_220 = tpu.memref_squeeze %dma_start3A_219 : memref<1x128xi32, #tpu.memory_space<vmem>> -> memref<128xi32, #tpu.memory_space<vmem>>
        %dma_start3A_221 = arith.constant 0 : i32
        %dma_start3A_222 = arith.constant 0 : i32
        %dma_start3A_223 = tpu.memref_slice %arg10[%dma_start3A_221, %dma_start3A_222] : memref<30720x32xf32, #tpu.memory_space<vmem_shared>> -> memref<30720x32xf32, #tpu.memory_space<vmem_shared>>
        tpu.enqueue_indirect_dma source(%arg8 : memref<128x32xf32, #tpu.memory_space<vmem>>) target(%dma_start3A_223 : memref<30720x32xf32, #tpu.memory_space<vmem_shared>>) offsets(%dma_start3A_220 : memref<128xi32, #tpu.memory_space<vmem>>) semaphore(%run_scoped3A : memref<!tpu.dma_semaphore, #tpu.memory_space<semaphore_mem>>) {add = true}
        %dma_wait3A_224 = arith.constant 0 : i32
        %dma_wait3A_225 = tpu.memref_slice %arg7[%scan3A_207, %dma_wait3A_224] : memref<235x128xi32, #tpu.memory_space<vmem>> -> memref<1x128xi32, #tpu.memory_space<vmem>>
        %dma_wait3A_226 = tpu.memref_squeeze %dma_wait3A_225 : memref<1x128xi32, #tpu.memory_space<vmem>> -> memref<128xi32, #tpu.memory_space<vmem>>
        %dma_wait3A_227 = arith.constant 0 : i32
        %dma_wait3A_228 = arith.constant 0 : i32
        %dma_wait3A_229 = tpu.memref_slice %arg10[%dma_wait3A_227, %dma_wait3A_228] : memref<30720x32xf32, #tpu.memory_space<vmem_shared>> -> memref<30720x32xf32, #tpu.memory_space<vmem_shared>>
        tpu.wait_indirect_dma semaphore(%run_scoped3A : memref<!tpu.dma_semaphore, #tpu.memory_space<semaphore_mem>>) src(%arg8 : memref<128x32xf32, #tpu.memory_space<vmem>>) dst(%dma_wait3A_229 : memref<30720x32xf32, #tpu.memory_space<vmem_shared>>)
        tpu.yield
      }) : () -> ()
    }
    %scan3A_201 = arith.constant 235 : i32
    %barrier3A_202 = arith.constant 0 : index
    tpu.barrier barrier_id(%barrier3A_202)
    %mul3A_203 = arith.constant 1920 : i32
    %mul3A_204 = arith.muli %arg1, %mul3A_203 : i32
    %mul3A_205 = arith.constant 1920 : i32
    %mul3A_206 = arith.muli %arg1, %mul3A_205 : i32
    "tpu.region"() ({
      %run_scoped3A = tpu.sem_alloc : memref<!tpu.dma_semaphore, #tpu.memory_space<semaphore_mem>>
      %dma_start3A = arith.constant 0 : i32
      %dma_start3A_207 = tpu.memref_slice %arg5[%arg0, %mul3A_206, %dma_start3A] : memref<2x30720x32xf32, #tpu.memory_space<hbm>> -> memref<1x1920x32xf32, #tpu.memory_space<hbm>>
      %dma_start3A_208 = tpu.memref_squeeze %dma_start3A_207 : memref<1x1920x32xf32, #tpu.memory_space<hbm>> -> memref<1920x32xf32, #tpu.memory_space<hbm>>
      %dma_start3A_209 = arith.constant 0 : i32
      %dma_start3A_210 = tpu.memref_slice %arg10[%mul3A_204, %dma_start3A_209] : memref<30720x32xf32, #tpu.memory_space<vmem_shared>> -> memref<1920x32xf32, #tpu.memory_space<vmem_shared>>
      tpu.enqueue_dma source(%dma_start3A_210 : memref<1920x32xf32, #tpu.memory_space<vmem_shared>>) target(%dma_start3A_208 : memref<1920x32xf32, #tpu.memory_space<hbm>>) target_semaphore(%run_scoped3A : memref<!tpu.dma_semaphore, #tpu.memory_space<semaphore_mem>>)
      %dma_wait3A = arith.constant 0 : i32
      %dma_wait3A_211 = tpu.memref_slice %arg5[%arg0, %mul3A_206, %dma_wait3A] : memref<2x30720x32xf32, #tpu.memory_space<hbm>> -> memref<1x1920x32xf32, #tpu.memory_space<hbm>>
      %dma_wait3A_212 = tpu.memref_squeeze %dma_wait3A_211 : memref<1x1920x32xf32, #tpu.memory_space<hbm>> -> memref<1920x32xf32, #tpu.memory_space<hbm>>
      %dma_wait3A_213 = arith.constant 0 : i32
      %dma_wait3A_214 = tpu.memref_slice %arg10[%mul3A_204, %dma_wait3A_213] : memref<30720x32xf32, #tpu.memory_space<vmem_shared>> -> memref<1920x32xf32, #tpu.memory_space<vmem_shared>>
      tpu.wait_dma2 semaphore(%run_scoped3A : memref<!tpu.dma_semaphore, #tpu.memory_space<semaphore_mem>>) src(%dma_wait3A_214 : memref<1920x32xf32, #tpu.memory_space<vmem_shared>>) dst(%dma_wait3A_212 : memref<1920x32xf32, #tpu.memory_space<hbm>>)
      tpu.yield
    }) : () -> ()
    return
  }
}

#map = affine_map<(d0, d1) -> (0, 0, 0)>
#map1 = affine_map<(d0, d1) -> (0, 0)>
module attributes {stable_mosaic.version = 14 : i64} {
  func.func @deg_k(%arg0: i32, %arg1: i32, %arg2: memref<32x235x128xi32, #tpu.memory_space<hbm>>, %arg3: memref<2x30720xf32, #tpu.memory_space<hbm>>, %arg4: memref<235x128xi32, #tpu.memory_space<vmem>>, %arg5: memref<128xf32, #tpu.memory_space<vmem>>, %arg6: memref<128xf32, #tpu.memory_space<vmem>>, %arg7: memref<30720xf32, #tpu.memory_space<vmem_shared>>) attributes {dimension_semantics = [#tpu.dimension_semantics<core_parallel>, #tpu.dimension_semantics<subcore_parallel>], iteration_bounds = array<i64: 2, 16>, scalar_prefetch = 0 : i64, scratch_operands = 4 : i64, tpu.core_type = #tpu.core_type<sc_vector_subcore>, window_params = [{transform_indices = #map}, {transform_indices = #map1}]} {
    %mul3A = arith.constant 2 : i32
    %mul3A_0 = arith.muli %arg1, %mul3A : i32
    %add3A = arith.addi %mul3A_0, %arg0 : i32
    %broadcast_in_dim3A = arith.constant 0.000000e+00 : f32
    %broadcast_in_dim3A_1 = vector.broadcast %broadcast_in_dim3A : f32 to vector<16xf32>
    %broadcast_in_dim3A_2 = arith.constant 1.000000e+00 : f32
    %broadcast_in_dim3A_3 = vector.broadcast %broadcast_in_dim3A_2 : f32 to vector<16xf32>
    %swap3A = arith.constant 0 : index
    %swap3A_4 = tpu.vector_load %arg6[%swap3A] {strides = array<i32>} : memref<128xf32, #tpu.memory_space<vmem>>, vector<16xf32>,
    %swap3A_5 = vector.shape_cast %swap3A_4 : vector<16xf32> to vector<16xf32>
    %swap3A_6 = vector.shape_cast %broadcast_in_dim3A_1 : vector<16xf32> to vector<16xf32>
    tpu.vector_store %arg6[%swap3A], %swap3A_6 {strides = array<i32>} : memref<128xf32, #tpu.memory_space<vmem>>, vector<16xf32>,
    %swap3A_7 = arith.constant 0 : index
    %swap3A_8 = tpu.vector_load %arg5[%swap3A_7] {strides = array<i32>} : memref<128xf32, #tpu.memory_space<vmem>>, vector<16xf32>,
    %swap3A_9 = vector.shape_cast %swap3A_8 : vector<16xf32> to vector<16xf32>
    %swap3A_10 = vector.shape_cast %broadcast_in_dim3A_3 : vector<16xf32> to vector<16xf32>
    tpu.vector_store %arg5[%swap3A_7], %swap3A_10 {strides = array<i32>} : memref<128xf32, #tpu.memory_space<vmem>>, vector<16xf32>,
    %swap3A_11 = arith.constant 16 : index
    %swap3A_12 = tpu.vector_load %arg6[%swap3A_11] {strides = array<i32>} : memref<128xf32, #tpu.memory_space<vmem>>, vector<16xf32>,
    %swap3A_13 = vector.shape_cast %swap3A_12 : vector<16xf32> to vector<16xf32>
    %swap3A_14 = vector.shape_cast %broadcast_in_dim3A_1 : vector<16xf32> to vector<16xf32>
    tpu.vector_store %arg6[%swap3A_11], %swap3A_14 {strides = array<i32>} : memref<128xf32, #tpu.memory_space<vmem>>, vector<16xf32>,
    %swap3A_15 = arith.constant 16 : index
    %swap3A_16 = tpu.vector_load %arg5[%swap3A_15] {strides = array<i32>} : memref<128xf32, #tpu.memory_space<vmem>>, vector<16xf32>,
    %swap3A_17 = vector.shape_cast %swap3A_16 : vector<16xf32> to vector<16xf32>
    %swap3A_18 = vector.shape_cast %broadcast_in_dim3A_3 : vector<16xf32> to vector<16xf32>
    tpu.vector_store %arg5[%swap3A_15], %swap3A_18 {strides = array<i32>} : memref<128xf32, #tpu.memory_space<vmem>>, vector<16xf32>,
    %swap3A_19 = arith.constant 32 : index
    %swap3A_20 = tpu.vector_load %arg6[%swap3A_19] {strides = array<i32>} : memref<128xf32, #tpu.memory_space<vmem>>, vector<16xf32>,
    %swap3A_21 = vector.shape_cast %swap3A_20 : vector<16xf32> to vector<16xf32>
    %swap3A_22 = vector.shape_cast %broadcast_in_dim3A_1 : vector<16xf32> to vector<16xf32>
    tpu.vector_store %arg6[%swap3A_19], %swap3A_22 {strides = array<i32>} : memref<128xf32, #tpu.memory_space<vmem>>, vector<16xf32>,
    %swap3A_23 = arith.constant 32 : index
    %swap3A_24 = tpu.vector_load %arg5[%swap3A_23] {strides = array<i32>} : memref<128xf32, #tpu.memory_space<vmem>>, vector<16xf32>,
    %swap3A_25 = vector.shape_cast %swap3A_24 : vector<16xf32> to vector<16xf32>
    %swap3A_26 = vector.shape_cast %broadcast_in_dim3A_3 : vector<16xf32> to vector<16xf32>
    tpu.vector_store %arg5[%swap3A_23], %swap3A_26 {strides = array<i32>} : memref<128xf32, #tpu.memory_space<vmem>>, vector<16xf32>,
    %swap3A_27 = arith.constant 48 : index
    %swap3A_28 = tpu.vector_load %arg6[%swap3A_27] {strides = array<i32>} : memref<128xf32, #tpu.memory_space<vmem>>, vector<16xf32>,
    %swap3A_29 = vector.shape_cast %swap3A_28 : vector<16xf32> to vector<16xf32>
    %swap3A_30 = vector.shape_cast %broadcast_in_dim3A_1 : vector<16xf32> to vector<16xf32>
    tpu.vector_store %arg6[%swap3A_27], %swap3A_30 {strides = array<i32>} : memref<128xf32, #tpu.memory_space<vmem>>, vector<16xf32>,
    %swap3A_31 = arith.constant 48 : index
    %swap3A_32 = tpu.vector_load %arg5[%swap3A_31] {strides = array<i32>} : memref<128xf32, #tpu.memory_space<vmem>>, vector<16xf32>,
    %swap3A_33 = vector.shape_cast %swap3A_32 : vector<16xf32> to vector<16xf32>
    %swap3A_34 = vector.shape_cast %broadcast_in_dim3A_3 : vector<16xf32> to vector<16xf32>
    tpu.vector_store %arg5[%swap3A_31], %swap3A_34 {strides = array<i32>} : memref<128xf32, #tpu.memory_space<vmem>>, vector<16xf32>,
    %swap3A_35 = arith.constant 64 : index
    %swap3A_36 = tpu.vector_load %arg6[%swap3A_35] {strides = array<i32>} : memref<128xf32, #tpu.memory_space<vmem>>, vector<16xf32>,
    %swap3A_37 = vector.shape_cast %swap3A_36 : vector<16xf32> to vector<16xf32>
    %swap3A_38 = vector.shape_cast %broadcast_in_dim3A_1 : vector<16xf32> to vector<16xf32>
    tpu.vector_store %arg6[%swap3A_35], %swap3A_38 {strides = array<i32>} : memref<128xf32, #tpu.memory_space<vmem>>, vector<16xf32>,
    %swap3A_39 = arith.constant 64 : index
    %swap3A_40 = tpu.vector_load %arg5[%swap3A_39] {strides = array<i32>} : memref<128xf32, #tpu.memory_space<vmem>>, vector<16xf32>,
    %swap3A_41 = vector.shape_cast %swap3A_40 : vector<16xf32> to vector<16xf32>
    %swap3A_42 = vector.shape_cast %broadcast_in_dim3A_3 : vector<16xf32> to vector<16xf32>
    tpu.vector_store %arg5[%swap3A_39], %swap3A_42 {strides = array<i32>} : memref<128xf32, #tpu.memory_space<vmem>>, vector<16xf32>,
    %swap3A_43 = arith.constant 80 : index
    %swap3A_44 = tpu.vector_load %arg6[%swap3A_43] {strides = array<i32>} : memref<128xf32, #tpu.memory_space<vmem>>, vector<16xf32>,
    %swap3A_45 = vector.shape_cast %swap3A_44 : vector<16xf32> to vector<16xf32>
    %swap3A_46 = vector.shape_cast %broadcast_in_dim3A_1 : vector<16xf32> to vector<16xf32>
    tpu.vector_store %arg6[%swap3A_43], %swap3A_46 {strides = array<i32>} : memref<128xf32, #tpu.memory_space<vmem>>, vector<16xf32>,
    %swap3A_47 = arith.constant 80 : index
    %swap3A_48 = tpu.vector_load %arg5[%swap3A_47] {strides = array<i32>} : memref<128xf32, #tpu.memory_space<vmem>>, vector<16xf32>,
    %swap3A_49 = vector.shape_cast %swap3A_48 : vector<16xf32> to vector<16xf32>
    %swap3A_50 = vector.shape_cast %broadcast_in_dim3A_3 : vector<16xf32> to vector<16xf32>
    tpu.vector_store %arg5[%swap3A_47], %swap3A_50 {strides = array<i32>} : memref<128xf32, #tpu.memory_space<vmem>>, vector<16xf32>,
    %swap3A_51 = arith.constant 96 : index
    %swap3A_52 = tpu.vector_load %arg6[%swap3A_51] {strides = array<i32>} : memref<128xf32, #tpu.memory_space<vmem>>, vector<16xf32>,
    %swap3A_53 = vector.shape_cast %swap3A_52 : vector<16xf32> to vector<16xf32>
    %swap3A_54 = vector.shape_cast %broadcast_in_dim3A_1 : vector<16xf32> to vector<16xf32>
    tpu.vector_store %arg6[%swap3A_51], %swap3A_54 {strides = array<i32>} : memref<128xf32, #tpu.memory_space<vmem>>, vector<16xf32>,
    %swap3A_55 = arith.constant 96 : index
    %swap3A_56 = tpu.vector_load %arg5[%swap3A_55] {strides = array<i32>} : memref<128xf32, #tpu.memory_space<vmem>>, vector<16xf32>,
    %swap3A_57 = vector.shape_cast %swap3A_56 : vector<16xf32> to vector<16xf32>
    %swap3A_58 = vector.shape_cast %broadcast_in_dim3A_3 : vector<16xf32> to vector<16xf32>
    tpu.vector_store %arg5[%swap3A_55], %swap3A_58 {strides = array<i32>} : memref<128xf32, #tpu.memory_space<vmem>>, vector<16xf32>,
    %swap3A_59 = arith.constant 112 : index
    %swap3A_60 = tpu.vector_load %arg6[%swap3A_59] {strides = array<i32>} : memref<128xf32, #tpu.memory_space<vmem>>, vector<16xf32>,
    %swap3A_61 = vector.shape_cast %swap3A_60 : vector<16xf32> to vector<16xf32>
    %swap3A_62 = vector.shape_cast %broadcast_in_dim3A_1 : vector<16xf32> to vector<16xf32>
    tpu.vector_store %arg6[%swap3A_59], %swap3A_62 {strides = array<i32>} : memref<128xf32, #tpu.memory_space<vmem>>, vector<16xf32>,
    %swap3A_63 = arith.constant 112 : index
    %swap3A_64 = tpu.vector_load %arg5[%swap3A_63] {strides = array<i32>} : memref<128xf32, #tpu.memory_space<vmem>>, vector<16xf32>,
    %swap3A_65 = vector.shape_cast %swap3A_64 : vector<16xf32> to vector<16xf32>
    %swap3A_66 = vector.shape_cast %broadcast_in_dim3A_3 : vector<16xf32> to vector<16xf32>
    tpu.vector_store %arg5[%swap3A_63], %swap3A_66 {strides = array<i32>} : memref<128xf32, #tpu.memory_space<vmem>>, vector<16xf32>,
    %scan3A = arith.constant 0 : i32
    %scan3A_67 = arith.constant 15 : i32
    %scan3A_68 = arith.addi %scan3A, %scan3A_67 : i32
    %scan3A_69 = arith.constant 1 : i32
    scf.for %scan3A_81 = %scan3A to %scan3A_68 step %scan3A_69  : i32 {
      %mul3A_82 = arith.constant 1920 : i32
      %mul3A_83 = arith.muli %arg1, %mul3A_82 : i32
      %mul3A_84 = arith.constant 128 : i32
      %mul3A_85 = arith.muli %scan3A_81, %mul3A_84 : i32
      %add3A_86 = arith.addi %mul3A_83, %mul3A_85 : i32
      "tpu.region"() ({
        %run_scoped3A = tpu.sem_alloc : memref<!tpu.dma_semaphore, #tpu.memory_space<semaphore_mem>>
        %dma_start3A = tpu.memref_slice %arg7[%add3A_86] : memref<30720xf32, #tpu.memory_space<vmem_shared>> -> memref<128xf32, #tpu.memory_space<vmem_shared>>
        %dma_start3A_87 = tpu.memref_slice %arg7[%add3A_86] : memref<30720xf32, #tpu.memory_space<vmem_shared>> -> memref<128xf32, #tpu.memory_space<vmem_shared>>
        tpu.enqueue_dma source(%arg6 : memref<128xf32, #tpu.memory_space<vmem>>) target(%dma_start3A_87 : memref<128xf32, #tpu.memory_space<vmem_shared>>) target_semaphore(%run_scoped3A : memref<!tpu.dma_semaphore, #tpu.memory_space<semaphore_mem>>)
        %dma_wait3A = tpu.memref_slice %arg7[%add3A_86] : memref<30720xf32, #tpu.memory_space<vmem_shared>> -> memref<128xf32, #tpu.memory_space<vmem_shared>>
        %dma_wait3A_88 = tpu.memref_slice %arg7[%add3A_86] : memref<30720xf32, #tpu.memory_space<vmem_shared>> -> memref<128xf32, #tpu.memory_space<vmem_shared>>
        tpu.wait_dma2 semaphore(%run_scoped3A : memref<!tpu.dma_semaphore, #tpu.memory_space<semaphore_mem>>) src(%arg6 : memref<128xf32, #tpu.memory_space<vmem>>) dst(%dma_wait3A_88 : memref<128xf32, #tpu.memory_space<vmem_shared>>)
        tpu.yield
      }) : () -> ()
    }
    %scan3A_70 = arith.constant 15 : i32
    "tpu.region"() ({
      %run_scoped3A = tpu.sem_alloc : memref<!tpu.dma_semaphore, #tpu.memory_space<semaphore_mem>>
      %dma_start3A = arith.constant 0 : i32
      %dma_start3A_81 = arith.constant 0 : i32
      %dma_start3A_82 = tpu.memref_slice %arg2[%add3A, %dma_start3A, %dma_start3A_81] : memref<32x235x128xi32, #tpu.memory_space<hbm>> -> memref<1x235x128xi32, #tpu.memory_space<hbm>>
      %dma_start3A_83 = tpu.memref_squeeze %dma_start3A_82 : memref<1x235x128xi32, #tpu.memory_space<hbm>> -> memref<235x128xi32, #tpu.memory_space<hbm>>
      %dma_start3A_84 = arith.constant 0 : i32
      %dma_start3A_85 = arith.constant 0 : i32
      %dma_start3A_86 = tpu.memref_slice %arg2[%add3A, %dma_start3A_84, %dma_start3A_85] : memref<32x235x128xi32, #tpu.memory_space<hbm>> -> memref<1x235x128xi32, #tpu.memory_space<hbm>>
      %dma_start3A_87 = tpu.memref_squeeze %dma_start3A_86 : memref<1x235x128xi32, #tpu.memory_space<hbm>> -> memref<235x128xi32, #tpu.memory_space<hbm>>
      tpu.enqueue_dma source(%dma_start3A_87 : memref<235x128xi32, #tpu.memory_space<hbm>>) target(%arg4 : memref<235x128xi32, #tpu.memory_space<vmem>>) target_semaphore(%run_scoped3A : memref<!tpu.dma_semaphore, #tpu.memory_space<semaphore_mem>>)
      %dma_wait3A = arith.constant 0 : i32
      %dma_wait3A_88 = arith.constant 0 : i32
      %dma_wait3A_89 = tpu.memref_slice %arg2[%add3A, %dma_wait3A, %dma_wait3A_88] : memref<32x235x128xi32, #tpu.memory_space<hbm>> -> memref<1x235x128xi32, #tpu.memory_space<hbm>>
      %dma_wait3A_90 = tpu.memref_squeeze %dma_wait3A_89 : memref<1x235x128xi32, #tpu.memory_space<hbm>> -> memref<235x128xi32, #tpu.memory_space<hbm>>
      %dma_wait3A_91 = arith.constant 0 : i32
      %dma_wait3A_92 = arith.constant 0 : i32
      %dma_wait3A_93 = tpu.memref_slice %arg2[%add3A, %dma_wait3A_91, %dma_wait3A_92] : memref<32x235x128xi32, #tpu.memory_space<hbm>> -> memref<1x235x128xi32, #tpu.memory_space<hbm>>
      %dma_wait3A_94 = tpu.memref_squeeze %dma_wait3A_93 : memref<1x235x128xi32, #tpu.memory_space<hbm>> -> memref<235x128xi32, #tpu.memory_space<hbm>>
      tpu.wait_dma2 semaphore(%run_scoped3A : memref<!tpu.dma_semaphore, #tpu.memory_space<semaphore_mem>>) src(%dma_wait3A_94 : memref<235x128xi32, #tpu.memory_space<hbm>>) dst(%arg4 : memref<235x128xi32, #tpu.memory_space<vmem>>)
      tpu.yield
    }) : () -> ()
    %barrier3A = arith.constant 0 : index
    tpu.barrier barrier_id(%barrier3A)
    %scan3A_71 = arith.constant 0 : i32
    %scan3A_72 = arith.constant 235 : i32
    %scan3A_73 = arith.addi %scan3A_71, %scan3A_72 : i32
    %scan3A_74 = arith.constant 1 : i32
    scf.for %scan3A_81 = %scan3A_71 to %scan3A_73 step %scan3A_74  : i32 {
      "tpu.region"() ({
        %run_scoped3A = tpu.sem_alloc : memref<!tpu.dma_semaphore, #tpu.memory_space<semaphore_mem>>
        %dma_start3A = arith.constant 0 : i32
        %dma_start3A_82 = tpu.memref_slice %arg4[%scan3A_81, %dma_start3A] : memref<235x128xi32, #tpu.memory_space<vmem>> -> memref<1x128xi32, #tpu.memory_space<vmem>>
        %dma_start3A_83 = tpu.memref_squeeze %dma_start3A_82 : memref<1x128xi32, #tpu.memory_space<vmem>> -> memref<128xi32, #tpu.memory_space<vmem>>
        %dma_start3A_84 = arith.constant 0 : i32
        %dma_start3A_85 = tpu.memref_slice %arg7[%dma_start3A_84] : memref<30720xf32, #tpu.memory_space<vmem_shared>> -> memref<30720xf32, #tpu.memory_space<vmem_shared>>
        tpu.enqueue_indirect_dma source(%arg5 : memref<128xf32, #tpu.memory_space<vmem>>) target(%dma_start3A_85 : memref<30720xf32, #tpu.memory_space<vmem_shared>>) offsets(%dma_start3A_83 : memref<128xi32, #tpu.memory_space<vmem>>) semaphore(%run_scoped3A : memref<!tpu.dma_semaphore, #tpu.memory_space<semaphore_mem>>) {add = true}
        %dma_wait3A = arith.constant 0 : i32
        %dma_wait3A_86 = tpu.memref_slice %arg4[%scan3A_81, %dma_wait3A] : memref<235x128xi32, #tpu.memory_space<vmem>> -> memref<1x128xi32, #tpu.memory_space<vmem>>
        %dma_wait3A_87 = tpu.memref_squeeze %dma_wait3A_86 : memref<1x128xi32, #tpu.memory_space<vmem>> -> memref<128xi32, #tpu.memory_space<vmem>>
        %dma_wait3A_88 = arith.constant 0 : i32
        %dma_wait3A_89 = tpu.memref_slice %arg7[%dma_wait3A_88] : memref<30720xf32, #tpu.memory_space<vmem_shared>> -> memref<30720xf32, #tpu.memory_space<vmem_shared>>
        tpu.wait_indirect_dma semaphore(%run_scoped3A : memref<!tpu.dma_semaphore, #tpu.memory_space<semaphore_mem>>) src(%arg5 : memref<128xf32, #tpu.memory_space<vmem>>) dst(%dma_wait3A_89 : memref<30720xf32, #tpu.memory_space<vmem_shared>>)
        tpu.yield
      }) : () -> ()
    }
    %scan3A_75 = arith.constant 235 : i32
    %barrier3A_76 = arith.constant 0 : index
    tpu.barrier barrier_id(%barrier3A_76)
    %mul3A_77 = arith.constant 1920 : i32
    %mul3A_78 = arith.muli %arg1, %mul3A_77 : i32
    %mul3A_79 = arith.constant 1920 : i32
    %mul3A_80 = arith.muli %arg1, %mul3A_79 : i32
    "tpu.region"() ({
      %run_scoped3A = tpu.sem_alloc : memref<!tpu.dma_semaphore, #tpu.memory_space<semaphore_mem>>
      %dma_start3A = tpu.memref_slice %arg3[%arg0, %mul3A_80] : memref<2x30720xf32, #tpu.memory_space<hbm>> -> memref<1x1920xf32, #tpu.memory_space<hbm>>
      %dma_start3A_81 = tpu.memref_squeeze %dma_start3A : memref<1x1920xf32, #tpu.memory_space<hbm>> -> memref<1920xf32, #tpu.memory_space<hbm>>
      %dma_start3A_82 = tpu.memref_slice %arg7[%mul3A_78] : memref<30720xf32, #tpu.memory_space<vmem_shared>> -> memref<1920xf32, #tpu.memory_space<vmem_shared>>
      tpu.enqueue_dma source(%dma_start3A_82 : memref<1920xf32, #tpu.memory_space<vmem_shared>>) target(%dma_start3A_81 : memref<1920xf32, #tpu.memory_space<hbm>>) target_semaphore(%run_scoped3A : memref<!tpu.dma_semaphore, #tpu.memory_space<semaphore_mem>>)
      %dma_wait3A = tpu.memref_slice %arg3[%arg0, %mul3A_80] : memref<2x30720xf32, #tpu.memory_space<hbm>> -> memref<1x1920xf32, #tpu.memory_space<hbm>>
      %dma_wait3A_83 = tpu.memref_squeeze %dma_wait3A : memref<1x1920xf32, #tpu.memory_space<hbm>> -> memref<1920xf32, #tpu.memory_space<hbm>>
      %dma_wait3A_84 = tpu.memref_slice %arg7[%mul3A_78] : memref<30720xf32, #tpu.memory_space<vmem_shared>> -> memref<1920xf32, #tpu.memory_space<vmem_shared>>
      tpu.wait_dma2 semaphore(%run_scoped3A : memref<!tpu.dma_semaphore, #tpu.memory_space<semaphore_mem>>) src(%dma_wait3A_84 : memref<1920xf32, #tpu.memory_space<vmem_shared>>) dst(%dma_wait3A_83 : memref<1920xf32, #tpu.memory_space<hbm>>)
      tpu.yield
    }) : () -> ()
    return
  }
}

#map = affine_map<(d0, d1) -> (0, 0)>
#map1 = affine_map<(d0, d1) -> (0, 0, 0)>
module attributes {stable_mosaic.version = 14 : i64} {
  func.func @prop_k(%arg0: i32, %arg1: i32, %arg2: memref<30720x32xf32, #tpu.memory_space<hbm>>, %arg3: memref<32x235x128xi32, #tpu.memory_space<hbm>>, %arg4: memref<32x235x128xi32, #tpu.memory_space<hbm>>, %arg5: memref<2x30720x32xf32, #tpu.memory_space<hbm>>, %arg6: memref<235x128xi32, #tpu.memory_space<vmem>>, %arg7: memref<235x128xi32, #tpu.memory_space<vmem>>, %arg8: memref<128x32xf32, #tpu.memory_space<vmem>>, %arg9: memref<16x32xf32, #tpu.memory_space<vmem>>, %arg10: memref<30720x32xf32, #tpu.memory_space<vmem_shared>>, %arg11: memref<!tpu.dma_semaphore, #tpu.memory_space<semaphore_mem>>) attributes {dimension_semantics = [#tpu.dimension_semantics<core_parallel>, #tpu.dimension_semantics<subcore_parallel>], iteration_bounds = array<i64: 2, 16>, scalar_prefetch = 0 : i64, scratch_operands = 6 : i64, tpu.core_type = #tpu.core_type<sc_vector_subcore>, window_params = [{transform_indices = #map}, {transform_indices = #map1}, {transform_indices = #map1}, {transform_indices = #map1}]} {
    %mul3A = arith.constant 2 : i32
    %mul3A_0 = arith.muli %arg1, %mul3A : i32
    %add3A = arith.addi %mul3A_0, %arg0 : i32
    %broadcast_in_dim3A = arith.constant 0.000000e+00 : f32
    %broadcast_in_dim3A_1 = vector.broadcast %broadcast_in_dim3A : f32 to vector<16xf32>
    %swap3A = arith.constant 0 : i32
    %swap3A_2 = arith.index_cast %swap3A : i32 to index
    %swap3A_3 = arith.constant 0 : index
    %swap3A_4 = tpu.vector_load %arg9[%swap3A_2, %swap3A_3] {strides = array<i32>} : memref<16x32xf32, #tpu.memory_space<vmem>>, vector<1x16xf32>,
    %swap3A_5 = vector.shape_cast %swap3A_4 : vector<1x16xf32> to vector<16xf32>
    %swap3A_6 = vector.shape_cast %broadcast_in_dim3A_1 : vector<16xf32> to vector<1x16xf32>
    tpu.vector_store %arg9[%swap3A_2, %swap3A_3], %swap3A_6 {strides = array<i32>} : memref<16x32xf32, #tpu.memory_space<vmem>>, vector<1x16xf32>,
    %swap3A_7 = arith.constant 0 : i32
    %swap3A_8 = arith.index_cast %swap3A_7 : i32 to index
    %swap3A_9 = arith.constant 16 : index
    %swap3A_10 = tpu.vector_load %arg9[%swap3A_8, %swap3A_9] {strides = array<i32>} : memref<16x32xf32, #tpu.memory_space<vmem>>, vector<1x16xf32>,
    %swap3A_11 = vector.shape_cast %swap3A_10 : vector<1x16xf32> to vector<16xf32>
    %swap3A_12 = vector.shape_cast %broadcast_in_dim3A_1 : vector<16xf32> to vector<1x16xf32>
    tpu.vector_store %arg9[%swap3A_8, %swap3A_9], %swap3A_12 {strides = array<i32>} : memref<16x32xf32, #tpu.memory_space<vmem>>, vector<1x16xf32>,
    %swap3A_13 = arith.constant 1 : i32
    %swap3A_14 = arith.index_cast %swap3A_13 : i32 to index
    %swap3A_15 = arith.constant 0 : index
    %swap3A_16 = tpu.vector_load %arg9[%swap3A_14, %swap3A_15] {strides = array<i32>} : memref<16x32xf32, #tpu.memory_space<vmem>>, vector<1x16xf32>,
    %swap3A_17 = vector.shape_cast %swap3A_16 : vector<1x16xf32> to vector<16xf32>
    %swap3A_18 = vector.shape_cast %broadcast_in_dim3A_1 : vector<16xf32> to vector<1x16xf32>
    tpu.vector_store %arg9[%swap3A_14, %swap3A_15], %swap3A_18 {strides = array<i32>} : memref<16x32xf32, #tpu.memory_space<vmem>>, vector<1x16xf32>,
    %swap3A_19 = arith.constant 1 : i32
    %swap3A_20 = arith.index_cast %swap3A_19 : i32 to index
    %swap3A_21 = arith.constant 16 : index
    %swap3A_22 = tpu.vector_load %arg9[%swap3A_20, %swap3A_21] {strides = array<i32>} : memref<16x32xf32, #tpu.memory_space<vmem>>, vector<1x16xf32>,
    %swap3A_23 = vector.shape_cast %swap3A_22 : vector<1x16xf32> to vector<16xf32>
    %swap3A_24 = vector.shape_cast %broadcast_in_dim3A_1 : vector<16xf32> to vector<1x16xf32>
    tpu.vector_store %arg9[%swap3A_20, %swap3A_21], %swap3A_24 {strides = array<i32>} : memref<16x32xf32, #tpu.memory_space<vmem>>, vector<1x16xf32>,
    %swap3A_25 = arith.constant 2 : i32
    %swap3A_26 = arith.index_cast %swap3A_25 : i32 to index
    %swap3A_27 = arith.constant 0 : index
    %swap3A_28 = tpu.vector_load %arg9[%swap3A_26, %swap3A_27] {strides = array<i32>} : memref<16x32xf32, #tpu.memory_space<vmem>>, vector<1x16xf32>,
    %swap3A_29 = vector.shape_cast %swap3A_28 : vector<1x16xf32> to vector<16xf32>
    %swap3A_30 = vector.shape_cast %broadcast_in_dim3A_1 : vector<16xf32> to vector<1x16xf32>
    tpu.vector_store %arg9[%swap3A_26, %swap3A_27], %swap3A_30 {strides = array<i32>} : memref<16x32xf32, #tpu.memory_space<vmem>>, vector<1x16xf32>,
    %swap3A_31 = arith.constant 2 : i32
    %swap3A_32 = arith.index_cast %swap3A_31 : i32 to index
    %swap3A_33 = arith.constant 16 : index
    %swap3A_34 = tpu.vector_load %arg9[%swap3A_32, %swap3A_33] {strides = array<i32>} : memref<16x32xf32, #tpu.memory_space<vmem>>, vector<1x16xf32>,
    %swap3A_35 = vector.shape_cast %swap3A_34 : vector<1x16xf32> to vector<16xf32>
    %swap3A_36 = vector.shape_cast %broadcast_in_dim3A_1 : vector<16xf32> to vector<1x16xf32>
    tpu.vector_store %arg9[%swap3A_32, %swap3A_33], %swap3A_36 {strides = array<i32>} : memref<16x32xf32, #tpu.memory_space<vmem>>, vector<1x16xf32>,
    %swap3A_37 = arith.constant 3 : i32
    %swap3A_38 = arith.index_cast %swap3A_37 : i32 to index
    %swap3A_39 = arith.constant 0 : index
    %swap3A_40 = tpu.vector_load %arg9[%swap3A_38, %swap3A_39] {strides = array<i32>} : memref<16x32xf32, #tpu.memory_space<vmem>>, vector<1x16xf32>,
    %swap3A_41 = vector.shape_cast %swap3A_40 : vector<1x16xf32> to vector<16xf32>
    %swap3A_42 = vector.shape_cast %broadcast_in_dim3A_1 : vector<16xf32> to vector<1x16xf32>
    tpu.vector_store %arg9[%swap3A_38, %swap3A_39], %swap3A_42 {strides = array<i32>} : memref<16x32xf32, #tpu.memory_space<vmem>>, vector<1x16xf32>,
    %swap3A_43 = arith.constant 3 : i32
    %swap3A_44 = arith.index_cast %swap3A_43 : i32 to index
    %swap3A_45 = arith.constant 16 : index
    %swap3A_46 = tpu.vector_load %arg9[%swap3A_44, %swap3A_45] {strides = array<i32>} : memref<16x32xf32, #tpu.memory_space<vmem>>, vector<1x16xf32>,
    %swap3A_47 = vector.shape_cast %swap3A_46 : vector<1x16xf32> to vector<16xf32>
    %swap3A_48 = vector.shape_cast %broadcast_in_dim3A_1 : vector<16xf32> to vector<1x16xf32>
    tpu.vector_store %arg9[%swap3A_44, %swap3A_45], %swap3A_48 {strides = array<i32>} : memref<16x32xf32, #tpu.memory_space<vmem>>, vector<1x16xf32>,
    %swap3A_49 = arith.constant 4 : i32
    %swap3A_50 = arith.index_cast %swap3A_49 : i32 to index
    %swap3A_51 = arith.constant 0 : index
    %swap3A_52 = tpu.vector_load %arg9[%swap3A_50, %swap3A_51] {strides = array<i32>} : memref<16x32xf32, #tpu.memory_space<vmem>>, vector<1x16xf32>,
    %swap3A_53 = vector.shape_cast %swap3A_52 : vector<1x16xf32> to vector<16xf32>
    %swap3A_54 = vector.shape_cast %broadcast_in_dim3A_1 : vector<16xf32> to vector<1x16xf32>
    tpu.vector_store %arg9[%swap3A_50, %swap3A_51], %swap3A_54 {strides = array<i32>} : memref<16x32xf32, #tpu.memory_space<vmem>>, vector<1x16xf32>,
    %swap3A_55 = arith.constant 4 : i32
    %swap3A_56 = arith.index_cast %swap3A_55 : i32 to index
    %swap3A_57 = arith.constant 16 : index
    %swap3A_58 = tpu.vector_load %arg9[%swap3A_56, %swap3A_57] {strides = array<i32>} : memref<16x32xf32, #tpu.memory_space<vmem>>, vector<1x16xf32>,
    %swap3A_59 = vector.shape_cast %swap3A_58 : vector<1x16xf32> to vector<16xf32>
    %swap3A_60 = vector.shape_cast %broadcast_in_dim3A_1 : vector<16xf32> to vector<1x16xf32>
    tpu.vector_store %arg9[%swap3A_56, %swap3A_57], %swap3A_60 {strides = array<i32>} : memref<16x32xf32, #tpu.memory_space<vmem>>, vector<1x16xf32>,
    %swap3A_61 = arith.constant 5 : i32
    %swap3A_62 = arith.index_cast %swap3A_61 : i32 to index
    %swap3A_63 = arith.constant 0 : index
    %swap3A_64 = tpu.vector_load %arg9[%swap3A_62, %swap3A_63] {strides = array<i32>} : memref<16x32xf32, #tpu.memory_space<vmem>>, vector<1x16xf32>,
    %swap3A_65 = vector.shape_cast %swap3A_64 : vector<1x16xf32> to vector<16xf32>
    %swap3A_66 = vector.shape_cast %broadcast_in_dim3A_1 : vector<16xf32> to vector<1x16xf32>
    tpu.vector_store %arg9[%swap3A_62, %swap3A_63], %swap3A_66 {strides = array<i32>} : memref<16x32xf32, #tpu.memory_space<vmem>>, vector<1x16xf32>,
    %swap3A_67 = arith.constant 5 : i32
    %swap3A_68 = arith.index_cast %swap3A_67 : i32 to index
    %swap3A_69 = arith.constant 16 : index
    %swap3A_70 = tpu.vector_load %arg9[%swap3A_68, %swap3A_69] {strides = array<i32>} : memref<16x32xf32, #tpu.memory_space<vmem>>, vector<1x16xf32>,
    %swap3A_71 = vector.shape_cast %swap3A_70 : vector<1x16xf32> to vector<16xf32>
    %swap3A_72 = vector.shape_cast %broadcast_in_dim3A_1 : vector<16xf32> to vector<1x16xf32>
    tpu.vector_store %arg9[%swap3A_68, %swap3A_69], %swap3A_72 {strides = array<i32>} : memref<16x32xf32, #tpu.memory_space<vmem>>, vector<1x16xf32>,
    %swap3A_73 = arith.constant 6 : i32
    %swap3A_74 = arith.index_cast %swap3A_73 : i32 to index
    %swap3A_75 = arith.constant 0 : index
    %swap3A_76 = tpu.vector_load %arg9[%swap3A_74, %swap3A_75] {strides = array<i32>} : memref<16x32xf32, #tpu.memory_space<vmem>>, vector<1x16xf32>,
    %swap3A_77 = vector.shape_cast %swap3A_76 : vector<1x16xf32> to vector<16xf32>
    %swap3A_78 = vector.shape_cast %broadcast_in_dim3A_1 : vector<16xf32> to vector<1x16xf32>
    tpu.vector_store %arg9[%swap3A_74, %swap3A_75], %swap3A_78 {strides = array<i32>} : memref<16x32xf32, #tpu.memory_space<vmem>>, vector<1x16xf32>,
    %swap3A_79 = arith.constant 6 : i32
    %swap3A_80 = arith.index_cast %swap3A_79 : i32 to index
    %swap3A_81 = arith.constant 16 : index
    %swap3A_82 = tpu.vector_load %arg9[%swap3A_80, %swap3A_81] {strides = array<i32>} : memref<16x32xf32, #tpu.memory_space<vmem>>, vector<1x16xf32>,
    %swap3A_83 = vector.shape_cast %swap3A_82 : vector<1x16xf32> to vector<16xf32>
    %swap3A_84 = vector.shape_cast %broadcast_in_dim3A_1 : vector<16xf32> to vector<1x16xf32>
    tpu.vector_store %arg9[%swap3A_80, %swap3A_81], %swap3A_84 {strides = array<i32>} : memref<16x32xf32, #tpu.memory_space<vmem>>, vector<1x16xf32>,
    %swap3A_85 = arith.constant 7 : i32
    %swap3A_86 = arith.index_cast %swap3A_85 : i32 to index
    %swap3A_87 = arith.constant 0 : index
    %swap3A_88 = tpu.vector_load %arg9[%swap3A_86, %swap3A_87] {strides = array<i32>} : memref<16x32xf32, #tpu.memory_space<vmem>>, vector<1x16xf32>,
    %swap3A_89 = vector.shape_cast %swap3A_88 : vector<1x16xf32> to vector<16xf32>
    %swap3A_90 = vector.shape_cast %broadcast_in_dim3A_1 : vector<16xf32> to vector<1x16xf32>
    tpu.vector_store %arg9[%swap3A_86, %swap3A_87], %swap3A_90 {strides = array<i32>} : memref<16x32xf32, #tpu.memory_space<vmem>>, vector<1x16xf32>,
    %swap3A_91 = arith.constant 7 : i32
    %swap3A_92 = arith.index_cast %swap3A_91 : i32 to index
    %swap3A_93 = arith.constant 16 : index
    %swap3A_94 = tpu.vector_load %arg9[%swap3A_92, %swap3A_93] {strides = array<i32>} : memref<16x32xf32, #tpu.memory_space<vmem>>, vector<1x16xf32>,
    %swap3A_95 = vector.shape_cast %swap3A_94 : vector<1x16xf32> to vector<16xf32>
    %swap3A_96 = vector.shape_cast %broadcast_in_dim3A_1 : vector<16xf32> to vector<1x16xf32>
    tpu.vector_store %arg9[%swap3A_92, %swap3A_93], %swap3A_96 {strides = array<i32>} : memref<16x32xf32, #tpu.memory_space<vmem>>, vector<1x16xf32>,
    %swap3A_97 = arith.constant 8 : i32
    %swap3A_98 = arith.index_cast %swap3A_97 : i32 to index
    %swap3A_99 = arith.constant 0 : index
    %swap3A_100 = tpu.vector_load %arg9[%swap3A_98, %swap3A_99] {strides = array<i32>} : memref<16x32xf32, #tpu.memory_space<vmem>>, vector<1x16xf32>,
    %swap3A_101 = vector.shape_cast %swap3A_100 : vector<1x16xf32> to vector<16xf32>
    %swap3A_102 = vector.shape_cast %broadcast_in_dim3A_1 : vector<16xf32> to vector<1x16xf32>
    tpu.vector_store %arg9[%swap3A_98, %swap3A_99], %swap3A_102 {strides = array<i32>} : memref<16x32xf32, #tpu.memory_space<vmem>>, vector<1x16xf32>,
    %swap3A_103 = arith.constant 8 : i32
    %swap3A_104 = arith.index_cast %swap3A_103 : i32 to index
    %swap3A_105 = arith.constant 16 : index
    %swap3A_106 = tpu.vector_load %arg9[%swap3A_104, %swap3A_105] {strides = array<i32>} : memref<16x32xf32, #tpu.memory_space<vmem>>, vector<1x16xf32>,
    %swap3A_107 = vector.shape_cast %swap3A_106 : vector<1x16xf32> to vector<16xf32>
    %swap3A_108 = vector.shape_cast %broadcast_in_dim3A_1 : vector<16xf32> to vector<1x16xf32>
    tpu.vector_store %arg9[%swap3A_104, %swap3A_105], %swap3A_108 {strides = array<i32>} : memref<16x32xf32, #tpu.memory_space<vmem>>, vector<1x16xf32>,
    %swap3A_109 = arith.constant 9 : i32
    %swap3A_110 = arith.index_cast %swap3A_109 : i32 to index
    %swap3A_111 = arith.constant 0 : index
    %swap3A_112 = tpu.vector_load %arg9[%swap3A_110, %swap3A_111] {strides = array<i32>} : memref<16x32xf32, #tpu.memory_space<vmem>>, vector<1x16xf32>,
    %swap3A_113 = vector.shape_cast %swap3A_112 : vector<1x16xf32> to vector<16xf32>
    %swap3A_114 = vector.shape_cast %broadcast_in_dim3A_1 : vector<16xf32> to vector<1x16xf32>
    tpu.vector_store %arg9[%swap3A_110, %swap3A_111], %swap3A_114 {strides = array<i32>} : memref<16x32xf32, #tpu.memory_space<vmem>>, vector<1x16xf32>,
    %swap3A_115 = arith.constant 9 : i32
    %swap3A_116 = arith.index_cast %swap3A_115 : i32 to index
    %swap3A_117 = arith.constant 16 : index
    %swap3A_118 = tpu.vector_load %arg9[%swap3A_116, %swap3A_117] {strides = array<i32>} : memref<16x32xf32, #tpu.memory_space<vmem>>, vector<1x16xf32>,
    %swap3A_119 = vector.shape_cast %swap3A_118 : vector<1x16xf32> to vector<16xf32>
    %swap3A_120 = vector.shape_cast %broadcast_in_dim3A_1 : vector<16xf32> to vector<1x16xf32>
    tpu.vector_store %arg9[%swap3A_116, %swap3A_117], %swap3A_120 {strides = array<i32>} : memref<16x32xf32, #tpu.memory_space<vmem>>, vector<1x16xf32>,
    %swap3A_121 = arith.constant 10 : i32
    %swap3A_122 = arith.index_cast %swap3A_121 : i32 to index
    %swap3A_123 = arith.constant 0 : index
    %swap3A_124 = tpu.vector_load %arg9[%swap3A_122, %swap3A_123] {strides = array<i32>} : memref<16x32xf32, #tpu.memory_space<vmem>>, vector<1x16xf32>,
    %swap3A_125 = vector.shape_cast %swap3A_124 : vector<1x16xf32> to vector<16xf32>
    %swap3A_126 = vector.shape_cast %broadcast_in_dim3A_1 : vector<16xf32> to vector<1x16xf32>
    tpu.vector_store %arg9[%swap3A_122, %swap3A_123], %swap3A_126 {strides = array<i32>} : memref<16x32xf32, #tpu.memory_space<vmem>>, vector<1x16xf32>,
    %swap3A_127 = arith.constant 10 : i32
    %swap3A_128 = arith.index_cast %swap3A_127 : i32 to index
    %swap3A_129 = arith.constant 16 : index
    %swap3A_130 = tpu.vector_load %arg9[%swap3A_128, %swap3A_129] {strides = array<i32>} : memref<16x32xf32, #tpu.memory_space<vmem>>, vector<1x16xf32>,
    %swap3A_131 = vector.shape_cast %swap3A_130 : vector<1x16xf32> to vector<16xf32>
    %swap3A_132 = vector.shape_cast %broadcast_in_dim3A_1 : vector<16xf32> to vector<1x16xf32>
    tpu.vector_store %arg9[%swap3A_128, %swap3A_129], %swap3A_132 {strides = array<i32>} : memref<16x32xf32, #tpu.memory_space<vmem>>, vector<1x16xf32>,
    %swap3A_133 = arith.constant 11 : i32
    %swap3A_134 = arith.index_cast %swap3A_133 : i32 to index
    %swap3A_135 = arith.constant 0 : index
    %swap3A_136 = tpu.vector_load %arg9[%swap3A_134, %swap3A_135] {strides = array<i32>} : memref<16x32xf32, #tpu.memory_space<vmem>>, vector<1x16xf32>,
    %swap3A_137 = vector.shape_cast %swap3A_136 : vector<1x16xf32> to vector<16xf32>
    %swap3A_138 = vector.shape_cast %broadcast_in_dim3A_1 : vector<16xf32> to vector<1x16xf32>
    tpu.vector_store %arg9[%swap3A_134, %swap3A_135], %swap3A_138 {strides = array<i32>} : memref<16x32xf32, #tpu.memory_space<vmem>>, vector<1x16xf32>,
    %swap3A_139 = arith.constant 11 : i32
    %swap3A_140 = arith.index_cast %swap3A_139 : i32 to index
    %swap3A_141 = arith.constant 16 : index
    %swap3A_142 = tpu.vector_load %arg9[%swap3A_140, %swap3A_141] {strides = array<i32>} : memref<16x32xf32, #tpu.memory_space<vmem>>, vector<1x16xf32>,
    %swap3A_143 = vector.shape_cast %swap3A_142 : vector<1x16xf32> to vector<16xf32>
    %swap3A_144 = vector.shape_cast %broadcast_in_dim3A_1 : vector<16xf32> to vector<1x16xf32>
    tpu.vector_store %arg9[%swap3A_140, %swap3A_141], %swap3A_144 {strides = array<i32>} : memref<16x32xf32, #tpu.memory_space<vmem>>, vector<1x16xf32>,
    %swap3A_145 = arith.constant 12 : i32
    %swap3A_146 = arith.index_cast %swap3A_145 : i32 to index
    %swap3A_147 = arith.constant 0 : index
    %swap3A_148 = tpu.vector_load %arg9[%swap3A_146, %swap3A_147] {strides = array<i32>} : memref<16x32xf32, #tpu.memory_space<vmem>>, vector<1x16xf32>,
    %swap3A_149 = vector.shape_cast %swap3A_148 : vector<1x16xf32> to vector<16xf32>
    %swap3A_150 = vector.shape_cast %broadcast_in_dim3A_1 : vector<16xf32> to vector<1x16xf32>
    tpu.vector_store %arg9[%swap3A_146, %swap3A_147], %swap3A_150 {strides = array<i32>} : memref<16x32xf32, #tpu.memory_space<vmem>>, vector<1x16xf32>,
    %swap3A_151 = arith.constant 12 : i32
    %swap3A_152 = arith.index_cast %swap3A_151 : i32 to index
    %swap3A_153 = arith.constant 16 : index
    %swap3A_154 = tpu.vector_load %arg9[%swap3A_152, %swap3A_153] {strides = array<i32>} : memref<16x32xf32, #tpu.memory_space<vmem>>, vector<1x16xf32>,
    %swap3A_155 = vector.shape_cast %swap3A_154 : vector<1x16xf32> to vector<16xf32>
    %swap3A_156 = vector.shape_cast %broadcast_in_dim3A_1 : vector<16xf32> to vector<1x16xf32>
    tpu.vector_store %arg9[%swap3A_152, %swap3A_153], %swap3A_156 {strides = array<i32>} : memref<16x32xf32, #tpu.memory_space<vmem>>, vector<1x16xf32>,
    %swap3A_157 = arith.constant 13 : i32
    %swap3A_158 = arith.index_cast %swap3A_157 : i32 to index
    %swap3A_159 = arith.constant 0 : index
    %swap3A_160 = tpu.vector_load %arg9[%swap3A_158, %swap3A_159] {strides = array<i32>} : memref<16x32xf32, #tpu.memory_space<vmem>>, vector<1x16xf32>,
    %swap3A_161 = vector.shape_cast %swap3A_160 : vector<1x16xf32> to vector<16xf32>
    %swap3A_162 = vector.shape_cast %broadcast_in_dim3A_1 : vector<16xf32> to vector<1x16xf32>
    tpu.vector_store %arg9[%swap3A_158, %swap3A_159], %swap3A_162 {strides = array<i32>} : memref<16x32xf32, #tpu.memory_space<vmem>>, vector<1x16xf32>,
    %swap3A_163 = arith.constant 13 : i32
    %swap3A_164 = arith.index_cast %swap3A_163 : i32 to index
    %swap3A_165 = arith.constant 16 : index
    %swap3A_166 = tpu.vector_load %arg9[%swap3A_164, %swap3A_165] {strides = array<i32>} : memref<16x32xf32, #tpu.memory_space<vmem>>, vector<1x16xf32>,
    %swap3A_167 = vector.shape_cast %swap3A_166 : vector<1x16xf32> to vector<16xf32>
    %swap3A_168 = vector.shape_cast %broadcast_in_dim3A_1 : vector<16xf32> to vector<1x16xf32>
    tpu.vector_store %arg9[%swap3A_164, %swap3A_165], %swap3A_168 {strides = array<i32>} : memref<16x32xf32, #tpu.memory_space<vmem>>, vector<1x16xf32>,
    %swap3A_169 = arith.constant 14 : i32
    %swap3A_170 = arith.index_cast %swap3A_169 : i32 to index
    %swap3A_171 = arith.constant 0 : index
    %swap3A_172 = tpu.vector_load %arg9[%swap3A_170, %swap3A_171] {strides = array<i32>} : memref<16x32xf32, #tpu.memory_space<vmem>>, vector<1x16xf32>,
    %swap3A_173 = vector.shape_cast %swap3A_172 : vector<1x16xf32> to vector<16xf32>
    %swap3A_174 = vector.shape_cast %broadcast_in_dim3A_1 : vector<16xf32> to vector<1x16xf32>
    tpu.vector_store %arg9[%swap3A_170, %swap3A_171], %swap3A_174 {strides = array<i32>} : memref<16x32xf32, #tpu.memory_space<vmem>>, vector<1x16xf32>,
    %swap3A_175 = arith.constant 14 : i32
    %swap3A_176 = arith.index_cast %swap3A_175 : i32 to index
    %swap3A_177 = arith.constant 16 : index
    %swap3A_178 = tpu.vector_load %arg9[%swap3A_176, %swap3A_177] {strides = array<i32>} : memref<16x32xf32, #tpu.memory_space<vmem>>, vector<1x16xf32>,
    %swap3A_179 = vector.shape_cast %swap3A_178 : vector<1x16xf32> to vector<16xf32>
    %swap3A_180 = vector.shape_cast %broadcast_in_dim3A_1 : vector<16xf32> to vector<1x16xf32>
    tpu.vector_store %arg9[%swap3A_176, %swap3A_177], %swap3A_180 {strides = array<i32>} : memref<16x32xf32, #tpu.memory_space<vmem>>, vector<1x16xf32>,
    %swap3A_181 = arith.constant 15 : i32
    %swap3A_182 = arith.index_cast %swap3A_181 : i32 to index
    %swap3A_183 = arith.constant 0 : index
    %swap3A_184 = tpu.vector_load %arg9[%swap3A_182, %swap3A_183] {strides = array<i32>} : memref<16x32xf32, #tpu.memory_space<vmem>>, vector<1x16xf32>,
    %swap3A_185 = vector.shape_cast %swap3A_184 : vector<1x16xf32> to vector<16xf32>
    %swap3A_186 = vector.shape_cast %broadcast_in_dim3A_1 : vector<16xf32> to vector<1x16xf32>
    tpu.vector_store %arg9[%swap3A_182, %swap3A_183], %swap3A_186 {strides = array<i32>} : memref<16x32xf32, #tpu.memory_space<vmem>>, vector<1x16xf32>,
    %swap3A_187 = arith.constant 15 : i32
    %swap3A_188 = arith.index_cast %swap3A_187 : i32 to index
    %swap3A_189 = arith.constant 16 : index
    %swap3A_190 = tpu.vector_load %arg9[%swap3A_188, %swap3A_189] {strides = array<i32>} : memref<16x32xf32, #tpu.memory_space<vmem>>, vector<1x16xf32>,
    %swap3A_191 = vector.shape_cast %swap3A_190 : vector<1x16xf32> to vector<16xf32>
    %swap3A_192 = vector.shape_cast %broadcast_in_dim3A_1 : vector<16xf32> to vector<1x16xf32>
    tpu.vector_store %arg9[%swap3A_188, %swap3A_189], %swap3A_192 {strides = array<i32>} : memref<16x32xf32, #tpu.memory_space<vmem>>, vector<1x16xf32>,
    %scan3A = arith.constant 0 : i32
    %scan3A_193 = arith.constant 120 : i32
    %scan3A_194 = arith.addi %scan3A, %scan3A_193 : i32
    %scan3A_195 = arith.constant 1 : i32
    scf.for %scan3A_207 = %scan3A to %scan3A_194 step %scan3A_195  : i32 {
      %mul3A_208 = arith.constant 1920 : i32
      %mul3A_209 = arith.muli %arg1, %mul3A_208 : i32
      %mul3A_210 = arith.constant 16 : i32
      %mul3A_211 = arith.muli %scan3A_207, %mul3A_210 : i32
      %add3A_212 = arith.addi %mul3A_209, %mul3A_211 : i32
      "tpu.region"() ({
        %run_scoped3A = tpu.sem_alloc : memref<!tpu.dma_semaphore, #tpu.memory_space<semaphore_mem>>
        %dma_start3A = arith.constant 0 : i32
        %dma_start3A_213 = tpu.memref_slice %arg10[%add3A_212, %dma_start3A] : memref<30720x32xf32, #tpu.memory_space<vmem_shared>> -> memref<16x32xf32, #tpu.memory_space<vmem_shared>>
        %dma_start3A_214 = arith.constant 0 : i32
        %dma_start3A_215 = tpu.memref_slice %arg10[%add3A_212, %dma_start3A_214] : memref<30720x32xf32, #tpu.memory_space<vmem_shared>> -> memref<16x32xf32, #tpu.memory_space<vmem_shared>>
        tpu.enqueue_dma source(%arg9 : memref<16x32xf32, #tpu.memory_space<vmem>>) target(%dma_start3A_215 : memref<16x32xf32, #tpu.memory_space<vmem_shared>>) target_semaphore(%run_scoped3A : memref<!tpu.dma_semaphore, #tpu.memory_space<semaphore_mem>>)
        %dma_wait3A = arith.constant 0 : i32
        %dma_wait3A_216 = tpu.memref_slice %arg10[%add3A_212, %dma_wait3A] : memref<30720x32xf32, #tpu.memory_space<vmem_shared>> -> memref<16x32xf32, #tpu.memory_space<vmem_shared>>
        %dma_wait3A_217 = arith.constant 0 : i32
        %dma_wait3A_218 = tpu.memref_slice %arg10[%add3A_212, %dma_wait3A_217] : memref<30720x32xf32, #tpu.memory_space<vmem_shared>> -> memref<16x32xf32, #tpu.memory_space<vmem_shared>>
        tpu.wait_dma2 semaphore(%run_scoped3A : memref<!tpu.dma_semaphore, #tpu.memory_space<semaphore_mem>>) src(%arg9 : memref<16x32xf32, #tpu.memory_space<vmem>>) dst(%dma_wait3A_218 : memref<16x32xf32, #tpu.memory_space<vmem_shared>>)
        tpu.yield
      }) : () -> ()
    }
    %scan3A_196 = arith.constant 120 : i32
    "tpu.region"() ({
      %run_scoped3A = tpu.sem_alloc : memref<!tpu.dma_semaphore, #tpu.memory_space<semaphore_mem>>
      %dma_start3A = arith.constant 0 : i32
      %dma_start3A_207 = arith.constant 0 : i32
      %dma_start3A_208 = tpu.memref_slice %arg3[%add3A, %dma_start3A, %dma_start3A_207] : memref<32x235x128xi32, #tpu.memory_space<hbm>> -> memref<1x235x128xi32, #tpu.memory_space<hbm>>
      %dma_start3A_209 = tpu.memref_squeeze %dma_start3A_208 : memref<1x235x128xi32, #tpu.memory_space<hbm>> -> memref<235x128xi32, #tpu.memory_space<hbm>>
      %dma_start3A_210 = arith.constant 0 : i32
      %dma_start3A_211 = arith.constant 0 : i32
      %dma_start3A_212 = tpu.memref_slice %arg3[%add3A, %dma_start3A_210, %dma_start3A_211] : memref<32x235x128xi32, #tpu.memory_space<hbm>> -> memref<1x235x128xi32, #tpu.memory_space<hbm>>
      %dma_start3A_213 = tpu.memref_squeeze %dma_start3A_212 : memref<1x235x128xi32, #tpu.memory_space<hbm>> -> memref<235x128xi32, #tpu.memory_space<hbm>>
      tpu.enqueue_dma source(%dma_start3A_213 : memref<235x128xi32, #tpu.memory_space<hbm>>) target(%arg6 : memref<235x128xi32, #tpu.memory_space<vmem>>) target_semaphore(%run_scoped3A : memref<!tpu.dma_semaphore, #tpu.memory_space<semaphore_mem>>)
      %dma_wait3A = arith.constant 0 : i32
      %dma_wait3A_214 = arith.constant 0 : i32
      %dma_wait3A_215 = tpu.memref_slice %arg3[%add3A, %dma_wait3A, %dma_wait3A_214] : memref<32x235x128xi32, #tpu.memory_space<hbm>> -> memref<1x235x128xi32, #tpu.memory_space<hbm>>
      %dma_wait3A_216 = tpu.memref_squeeze %dma_wait3A_215 : memref<1x235x128xi32, #tpu.memory_space<hbm>> -> memref<235x128xi32, #tpu.memory_space<hbm>>
      %dma_wait3A_217 = arith.constant 0 : i32
      %dma_wait3A_218 = arith.constant 0 : i32
      %dma_wait3A_219 = tpu.memref_slice %arg3[%add3A, %dma_wait3A_217, %dma_wait3A_218] : memref<32x235x128xi32, #tpu.memory_space<hbm>> -> memref<1x235x128xi32, #tpu.memory_space<hbm>>
      %dma_wait3A_220 = tpu.memref_squeeze %dma_wait3A_219 : memref<1x235x128xi32, #tpu.memory_space<hbm>> -> memref<235x128xi32, #tpu.memory_space<hbm>>
      tpu.wait_dma2 semaphore(%run_scoped3A : memref<!tpu.dma_semaphore, #tpu.memory_space<semaphore_mem>>) src(%dma_wait3A_220 : memref<235x128xi32, #tpu.memory_space<hbm>>) dst(%arg6 : memref<235x128xi32, #tpu.memory_space<vmem>>)
      tpu.yield
    }) : () -> ()
    "tpu.region"() ({
      %run_scoped3A = tpu.sem_alloc : memref<!tpu.dma_semaphore, #tpu.memory_space<semaphore_mem>>
      %dma_start3A = arith.constant 0 : i32
      %dma_start3A_207 = arith.constant 0 : i32
      %dma_start3A_208 = tpu.memref_slice %arg4[%add3A, %dma_start3A, %dma_start3A_207] : memref<32x235x128xi32, #tpu.memory_space<hbm>> -> memref<1x235x128xi32, #tpu.memory_space<hbm>>
      %dma_start3A_209 = tpu.memref_squeeze %dma_start3A_208 : memref<1x235x128xi32, #tpu.memory_space<hbm>> -> memref<235x128xi32, #tpu.memory_space<hbm>>
      %dma_start3A_210 = arith.constant 0 : i32
      %dma_start3A_211 = arith.constant 0 : i32
      %dma_start3A_212 = tpu.memref_slice %arg4[%add3A, %dma_start3A_210, %dma_start3A_211] : memref<32x235x128xi32, #tpu.memory_space<hbm>> -> memref<1x235x128xi32, #tpu.memory_space<hbm>>
      %dma_start3A_213 = tpu.memref_squeeze %dma_start3A_212 : memref<1x235x128xi32, #tpu.memory_space<hbm>> -> memref<235x128xi32, #tpu.memory_space<hbm>>
      tpu.enqueue_dma source(%dma_start3A_213 : memref<235x128xi32, #tpu.memory_space<hbm>>) target(%arg7 : memref<235x128xi32, #tpu.memory_space<vmem>>) target_semaphore(%run_scoped3A : memref<!tpu.dma_semaphore, #tpu.memory_space<semaphore_mem>>)
      %dma_wait3A = arith.constant 0 : i32
      %dma_wait3A_214 = arith.constant 0 : i32
      %dma_wait3A_215 = tpu.memref_slice %arg4[%add3A, %dma_wait3A, %dma_wait3A_214] : memref<32x235x128xi32, #tpu.memory_space<hbm>> -> memref<1x235x128xi32, #tpu.memory_space<hbm>>
      %dma_wait3A_216 = tpu.memref_squeeze %dma_wait3A_215 : memref<1x235x128xi32, #tpu.memory_space<hbm>> -> memref<235x128xi32, #tpu.memory_space<hbm>>
      %dma_wait3A_217 = arith.constant 0 : i32
      %dma_wait3A_218 = arith.constant 0 : i32
      %dma_wait3A_219 = tpu.memref_slice %arg4[%add3A, %dma_wait3A_217, %dma_wait3A_218] : memref<32x235x128xi32, #tpu.memory_space<hbm>> -> memref<1x235x128xi32, #tpu.memory_space<hbm>>
      %dma_wait3A_220 = tpu.memref_squeeze %dma_wait3A_219 : memref<1x235x128xi32, #tpu.memory_space<hbm>> -> memref<235x128xi32, #tpu.memory_space<hbm>>
      tpu.wait_dma2 semaphore(%run_scoped3A : memref<!tpu.dma_semaphore, #tpu.memory_space<semaphore_mem>>) src(%dma_wait3A_220 : memref<235x128xi32, #tpu.memory_space<hbm>>) dst(%arg7 : memref<235x128xi32, #tpu.memory_space<vmem>>)
      tpu.yield
    }) : () -> ()
    %barrier3A = arith.constant 0 : index
    tpu.barrier barrier_id(%barrier3A)
    %scan3A_197 = arith.constant 0 : i32
    %scan3A_198 = arith.constant 235 : i32
    %scan3A_199 = arith.addi %scan3A_197, %scan3A_198 : i32
    %scan3A_200 = arith.constant 1 : i32
    scf.for %scan3A_207 = %scan3A_197 to %scan3A_199 step %scan3A_200  : i32 {
      %dma_start3A = arith.constant 0 : i32
      %dma_start3A_208 = tpu.memref_slice %arg6[%scan3A_207, %dma_start3A] : memref<235x128xi32, #tpu.memory_space<vmem>> -> memref<1x128xi32, #tpu.memory_space<vmem>>
      %dma_start3A_209 = tpu.memref_squeeze %dma_start3A_208 : memref<1x128xi32, #tpu.memory_space<vmem>> -> memref<128xi32, #tpu.memory_space<vmem>>
      %dma_start3A_210 = arith.constant 0 : i32
      %dma_start3A_211 = arith.constant 0 : i32
      %dma_start3A_212 = tpu.memref_slice %arg2[%dma_start3A_210, %dma_start3A_211] : memref<30720x32xf32, #tpu.memory_space<hbm>> -> memref<30720x32xf32, #tpu.memory_space<hbm>>
      tpu.enqueue_indirect_dma source(%dma_start3A_212 : memref<30720x32xf32, #tpu.memory_space<hbm>>) target(%arg8 : memref<128x32xf32, #tpu.memory_space<vmem>>) offsets(%dma_start3A_209 : memref<128xi32, #tpu.memory_space<vmem>>) semaphore(%arg11 : memref<!tpu.dma_semaphore, #tpu.memory_space<semaphore_mem>>)
      %dma_wait3A = arith.constant 0 : i32
      %dma_wait3A_213 = tpu.memref_slice %arg6[%scan3A_207, %dma_wait3A] : memref<235x128xi32, #tpu.memory_space<vmem>> -> memref<1x128xi32, #tpu.memory_space<vmem>>
      %dma_wait3A_214 = tpu.memref_squeeze %dma_wait3A_213 : memref<1x128xi32, #tpu.memory_space<vmem>> -> memref<128xi32, #tpu.memory_space<vmem>>
      %dma_wait3A_215 = arith.constant 0 : i32
      %dma_wait3A_216 = arith.constant 0 : i32
      %dma_wait3A_217 = tpu.memref_slice %arg2[%dma_wait3A_215, %dma_wait3A_216] : memref<30720x32xf32, #tpu.memory_space<hbm>> -> memref<30720x32xf32, #tpu.memory_space<hbm>>
      tpu.wait_indirect_dma semaphore(%arg11 : memref<!tpu.dma_semaphore, #tpu.memory_space<semaphore_mem>>) src(%dma_wait3A_217 : memref<30720x32xf32, #tpu.memory_space<hbm>>) dst(%arg8 : memref<128x32xf32, #tpu.memory_space<vmem>>)
      "tpu.region"() ({
        %run_scoped3A = tpu.sem_alloc : memref<!tpu.dma_semaphore, #tpu.memory_space<semaphore_mem>>
        %dma_start3A_218 = arith.constant 0 : i32
        %dma_start3A_219 = tpu.memref_slice %arg7[%scan3A_207, %dma_start3A_218] : memref<235x128xi32, #tpu.memory_space<vmem>> -> memref<1x128xi32, #tpu.memory_space<vmem>>
        %dma_start3A_220 = tpu.memref_squeeze %dma_start3A_219 : memref<1x128xi32, #tpu.memory_space<vmem>> -> memref<128xi32, #tpu.memory_space<vmem>>
        %dma_start3A_221 = arith.constant 0 : i32
        %dma_start3A_222 = arith.constant 0 : i32
        %dma_start3A_223 = tpu.memref_slice %arg10[%dma_start3A_221, %dma_start3A_222] : memref<30720x32xf32, #tpu.memory_space<vmem_shared>> -> memref<30720x32xf32, #tpu.memory_space<vmem_shared>>
        tpu.enqueue_indirect_dma source(%arg8 : memref<128x32xf32, #tpu.memory_space<vmem>>) target(%dma_start3A_223 : memref<30720x32xf32, #tpu.memory_space<vmem_shared>>) offsets(%dma_start3A_220 : memref<128xi32, #tpu.memory_space<vmem>>) semaphore(%run_scoped3A : memref<!tpu.dma_semaphore, #tpu.memory_space<semaphore_mem>>) {add = true}
        %dma_wait3A_224 = arith.constant 0 : i32
        %dma_wait3A_225 = tpu.memref_slice %arg7[%scan3A_207, %dma_wait3A_224] : memref<235x128xi32, #tpu.memory_space<vmem>> -> memref<1x128xi32, #tpu.memory_space<vmem>>
        %dma_wait3A_226 = tpu.memref_squeeze %dma_wait3A_225 : memref<1x128xi32, #tpu.memory_space<vmem>> -> memref<128xi32, #tpu.memory_space<vmem>>
        %dma_wait3A_227 = arith.constant 0 : i32
        %dma_wait3A_228 = arith.constant 0 : i32
        %dma_wait3A_229 = tpu.memref_slice %arg10[%dma_wait3A_227, %dma_wait3A_228] : memref<30720x32xf32, #tpu.memory_space<vmem_shared>> -> memref<30720x32xf32, #tpu.memory_space<vmem_shared>>
        tpu.wait_indirect_dma semaphore(%run_scoped3A : memref<!tpu.dma_semaphore, #tpu.memory_space<semaphore_mem>>) src(%arg8 : memref<128x32xf32, #tpu.memory_space<vmem>>) dst(%dma_wait3A_229 : memref<30720x32xf32, #tpu.memory_space<vmem_shared>>)
        tpu.yield
      }) : () -> ()
    }
    %scan3A_201 = arith.constant 235 : i32
    %barrier3A_202 = arith.constant 0 : index
    tpu.barrier barrier_id(%barrier3A_202)
    %mul3A_203 = arith.constant 1920 : i32
    %mul3A_204 = arith.muli %arg1, %mul3A_203 : i32
    %mul3A_205 = arith.constant 1920 : i32
    %mul3A_206 = arith.muli %arg1, %mul3A_205 : i32
    "tpu.region"() ({
      %run_scoped3A = tpu.sem_alloc : memref<!tpu.dma_semaphore, #tpu.memory_space<semaphore_mem>>
      %dma_start3A = arith.constant 0 : i32
      %dma_start3A_207 = tpu.memref_slice %arg5[%arg0, %mul3A_206, %dma_start3A] : memref<2x30720x32xf32, #tpu.memory_space<hbm>> -> memref<1x1920x32xf32, #tpu.memory_space<hbm>>
      %dma_start3A_208 = tpu.memref_squeeze %dma_start3A_207 : memref<1x1920x32xf32, #tpu.memory_space<hbm>> -> memref<1920x32xf32, #tpu.memory_space<hbm>>
      %dma_start3A_209 = arith.constant 0 : i32
      %dma_start3A_210 = tpu.memref_slice %arg10[%mul3A_204, %dma_start3A_209] : memref<30720x32xf32, #tpu.memory_space<vmem_shared>> -> memref<1920x32xf32, #tpu.memory_space<vmem_shared>>
      tpu.enqueue_dma source(%dma_start3A_210 : memref<1920x32xf32, #tpu.memory_space<vmem_shared>>) target(%dma_start3A_208 : memref<1920x32xf32, #tpu.memory_space<hbm>>) target_semaphore(%run_scoped3A : memref<!tpu.dma_semaphore, #tpu.memory_space<semaphore_mem>>)
      %dma_wait3A = arith.constant 0 : i32
      %dma_wait3A_211 = tpu.memref_slice %arg5[%arg0, %mul3A_206, %dma_wait3A] : memref<2x30720x32xf32, #tpu.memory_space<hbm>> -> memref<1x1920x32xf32, #tpu.memory_space<hbm>>
      %dma_wait3A_212 = tpu.memref_squeeze %dma_wait3A_211 : memref<1x1920x32xf32, #tpu.memory_space<hbm>> -> memref<1920x32xf32, #tpu.memory_space<hbm>>
      %dma_wait3A_213 = arith.constant 0 : i32
      %dma_wait3A_214 = tpu.memref_slice %arg10[%mul3A_204, %dma_wait3A_213] : memref<30720x32xf32, #tpu.memory_space<vmem_shared>> -> memref<1920x32xf32, #tpu.memory_space<vmem_shared>>
      tpu.wait_dma2 semaphore(%run_scoped3A : memref<!tpu.dma_semaphore, #tpu.memory_space<semaphore_mem>>) src(%dma_wait3A_214 : memref<1920x32xf32, #tpu.memory_space<vmem_shared>>) dst(%dma_wait3A_212 : memref<1920x32xf32, #tpu.memory_space<hbm>>)
      tpu.yield
    }) : () -> ()
    return
  }
}

#map = affine_map<(d0, d1) -> (0, 0)>
#map1 = affine_map<(d0, d1) -> (0, 0, 0)>
module attributes {stable_mosaic.version = 14 : i64} {
  func.func @prop_k(%arg0: i32, %arg1: i32, %arg2: memref<30720x32xf32, #tpu.memory_space<hbm>>, %arg3: memref<32x235x128xi32, #tpu.memory_space<hbm>>, %arg4: memref<32x235x128xi32, #tpu.memory_space<hbm>>, %arg5: memref<2x30720x32xf32, #tpu.memory_space<hbm>>, %arg6: memref<235x128xi32, #tpu.memory_space<vmem>>, %arg7: memref<235x128xi32, #tpu.memory_space<vmem>>, %arg8: memref<128x32xf32, #tpu.memory_space<vmem>>, %arg9: memref<16x32xf32, #tpu.memory_space<vmem>>, %arg10: memref<30720x32xf32, #tpu.memory_space<vmem_shared>>, %arg11: memref<!tpu.dma_semaphore, #tpu.memory_space<semaphore_mem>>) attributes {dimension_semantics = [#tpu.dimension_semantics<core_parallel>, #tpu.dimension_semantics<subcore_parallel>], iteration_bounds = array<i64: 2, 16>, scalar_prefetch = 0 : i64, scratch_operands = 6 : i64, tpu.core_type = #tpu.core_type<sc_vector_subcore>, window_params = [{transform_indices = #map}, {transform_indices = #map1}, {transform_indices = #map1}, {transform_indices = #map1}]} {
    %mul3A = arith.constant 2 : i32
    %mul3A_0 = arith.muli %arg1, %mul3A : i32
    %add3A = arith.addi %mul3A_0, %arg0 : i32
    %broadcast_in_dim3A = arith.constant 0.000000e+00 : f32
    %broadcast_in_dim3A_1 = vector.broadcast %broadcast_in_dim3A : f32 to vector<16xf32>
    %swap3A = arith.constant 0 : i32
    %swap3A_2 = arith.index_cast %swap3A : i32 to index
    %swap3A_3 = arith.constant 0 : index
    %swap3A_4 = tpu.vector_load %arg9[%swap3A_2, %swap3A_3] {strides = array<i32>} : memref<16x32xf32, #tpu.memory_space<vmem>>, vector<1x16xf32>,
    %swap3A_5 = vector.shape_cast %swap3A_4 : vector<1x16xf32> to vector<16xf32>
    %swap3A_6 = vector.shape_cast %broadcast_in_dim3A_1 : vector<16xf32> to vector<1x16xf32>
    tpu.vector_store %arg9[%swap3A_2, %swap3A_3], %swap3A_6 {strides = array<i32>} : memref<16x32xf32, #tpu.memory_space<vmem>>, vector<1x16xf32>,
    %swap3A_7 = arith.constant 0 : i32
    %swap3A_8 = arith.index_cast %swap3A_7 : i32 to index
    %swap3A_9 = arith.constant 16 : index
    %swap3A_10 = tpu.vector_load %arg9[%swap3A_8, %swap3A_9] {strides = array<i32>} : memref<16x32xf32, #tpu.memory_space<vmem>>, vector<1x16xf32>,
    %swap3A_11 = vector.shape_cast %swap3A_10 : vector<1x16xf32> to vector<16xf32>
    %swap3A_12 = vector.shape_cast %broadcast_in_dim3A_1 : vector<16xf32> to vector<1x16xf32>
    tpu.vector_store %arg9[%swap3A_8, %swap3A_9], %swap3A_12 {strides = array<i32>} : memref<16x32xf32, #tpu.memory_space<vmem>>, vector<1x16xf32>,
    %swap3A_13 = arith.constant 1 : i32
    %swap3A_14 = arith.index_cast %swap3A_13 : i32 to index
    %swap3A_15 = arith.constant 0 : index
    %swap3A_16 = tpu.vector_load %arg9[%swap3A_14, %swap3A_15] {strides = array<i32>} : memref<16x32xf32, #tpu.memory_space<vmem>>, vector<1x16xf32>,
    %swap3A_17 = vector.shape_cast %swap3A_16 : vector<1x16xf32> to vector<16xf32>
    %swap3A_18 = vector.shape_cast %broadcast_in_dim3A_1 : vector<16xf32> to vector<1x16xf32>
    tpu.vector_store %arg9[%swap3A_14, %swap3A_15], %swap3A_18 {strides = array<i32>} : memref<16x32xf32, #tpu.memory_space<vmem>>, vector<1x16xf32>,
    %swap3A_19 = arith.constant 1 : i32
    %swap3A_20 = arith.index_cast %swap3A_19 : i32 to index
    %swap3A_21 = arith.constant 16 : index
    %swap3A_22 = tpu.vector_load %arg9[%swap3A_20, %swap3A_21] {strides = array<i32>} : memref<16x32xf32, #tpu.memory_space<vmem>>, vector<1x16xf32>,
    %swap3A_23 = vector.shape_cast %swap3A_22 : vector<1x16xf32> to vector<16xf32>
    %swap3A_24 = vector.shape_cast %broadcast_in_dim3A_1 : vector<16xf32> to vector<1x16xf32>
    tpu.vector_store %arg9[%swap3A_20, %swap3A_21], %swap3A_24 {strides = array<i32>} : memref<16x32xf32, #tpu.memory_space<vmem>>, vector<1x16xf32>,
    %swap3A_25 = arith.constant 2 : i32
    %swap3A_26 = arith.index_cast %swap3A_25 : i32 to index
    %swap3A_27 = arith.constant 0 : index
    %swap3A_28 = tpu.vector_load %arg9[%swap3A_26, %swap3A_27] {strides = array<i32>} : memref<16x32xf32, #tpu.memory_space<vmem>>, vector<1x16xf32>,
    %swap3A_29 = vector.shape_cast %swap3A_28 : vector<1x16xf32> to vector<16xf32>
    %swap3A_30 = vector.shape_cast %broadcast_in_dim3A_1 : vector<16xf32> to vector<1x16xf32>
    tpu.vector_store %arg9[%swap3A_26, %swap3A_27], %swap3A_30 {strides = array<i32>} : memref<16x32xf32, #tpu.memory_space<vmem>>, vector<1x16xf32>,
    %swap3A_31 = arith.constant 2 : i32
    %swap3A_32 = arith.index_cast %swap3A_31 : i32 to index
    %swap3A_33 = arith.constant 16 : index
    %swap3A_34 = tpu.vector_load %arg9[%swap3A_32, %swap3A_33] {strides = array<i32>} : memref<16x32xf32, #tpu.memory_space<vmem>>, vector<1x16xf32>,
    %swap3A_35 = vector.shape_cast %swap3A_34 : vector<1x16xf32> to vector<16xf32>
    %swap3A_36 = vector.shape_cast %broadcast_in_dim3A_1 : vector<16xf32> to vector<1x16xf32>
    tpu.vector_store %arg9[%swap3A_32, %swap3A_33], %swap3A_36 {strides = array<i32>} : memref<16x32xf32, #tpu.memory_space<vmem>>, vector<1x16xf32>,
    %swap3A_37 = arith.constant 3 : i32
    %swap3A_38 = arith.index_cast %swap3A_37 : i32 to index
    %swap3A_39 = arith.constant 0 : index
    %swap3A_40 = tpu.vector_load %arg9[%swap3A_38, %swap3A_39] {strides = array<i32>} : memref<16x32xf32, #tpu.memory_space<vmem>>, vector<1x16xf32>,
    %swap3A_41 = vector.shape_cast %swap3A_40 : vector<1x16xf32> to vector<16xf32>
    %swap3A_42 = vector.shape_cast %broadcast_in_dim3A_1 : vector<16xf32> to vector<1x16xf32>
    tpu.vector_store %arg9[%swap3A_38, %swap3A_39], %swap3A_42 {strides = array<i32>} : memref<16x32xf32, #tpu.memory_space<vmem>>, vector<1x16xf32>,
    %swap3A_43 = arith.constant 3 : i32
    %swap3A_44 = arith.index_cast %swap3A_43 : i32 to index
    %swap3A_45 = arith.constant 16 : index
    %swap3A_46 = tpu.vector_load %arg9[%swap3A_44, %swap3A_45] {strides = array<i32>} : memref<16x32xf32, #tpu.memory_space<vmem>>, vector<1x16xf32>,
    %swap3A_47 = vector.shape_cast %swap3A_46 : vector<1x16xf32> to vector<16xf32>
    %swap3A_48 = vector.shape_cast %broadcast_in_dim3A_1 : vector<16xf32> to vector<1x16xf32>
    tpu.vector_store %arg9[%swap3A_44, %swap3A_45], %swap3A_48 {strides = array<i32>} : memref<16x32xf32, #tpu.memory_space<vmem>>, vector<1x16xf32>,
    %swap3A_49 = arith.constant 4 : i32
    %swap3A_50 = arith.index_cast %swap3A_49 : i32 to index
    %swap3A_51 = arith.constant 0 : index
    %swap3A_52 = tpu.vector_load %arg9[%swap3A_50, %swap3A_51] {strides = array<i32>} : memref<16x32xf32, #tpu.memory_space<vmem>>, vector<1x16xf32>,
    %swap3A_53 = vector.shape_cast %swap3A_52 : vector<1x16xf32> to vector<16xf32>
    %swap3A_54 = vector.shape_cast %broadcast_in_dim3A_1 : vector<16xf32> to vector<1x16xf32>
    tpu.vector_store %arg9[%swap3A_50, %swap3A_51], %swap3A_54 {strides = array<i32>} : memref<16x32xf32, #tpu.memory_space<vmem>>, vector<1x16xf32>,
    %swap3A_55 = arith.constant 4 : i32
    %swap3A_56 = arith.index_cast %swap3A_55 : i32 to index
    %swap3A_57 = arith.constant 16 : index
    %swap3A_58 = tpu.vector_load %arg9[%swap3A_56, %swap3A_57] {strides = array<i32>} : memref<16x32xf32, #tpu.memory_space<vmem>>, vector<1x16xf32>,
    %swap3A_59 = vector.shape_cast %swap3A_58 : vector<1x16xf32> to vector<16xf32>
    %swap3A_60 = vector.shape_cast %broadcast_in_dim3A_1 : vector<16xf32> to vector<1x16xf32>
    tpu.vector_store %arg9[%swap3A_56, %swap3A_57], %swap3A_60 {strides = array<i32>} : memref<16x32xf32, #tpu.memory_space<vmem>>, vector<1x16xf32>,
    %swap3A_61 = arith.constant 5 : i32
    %swap3A_62 = arith.index_cast %swap3A_61 : i32 to index
    %swap3A_63 = arith.constant 0 : index
    %swap3A_64 = tpu.vector_load %arg9[%swap3A_62, %swap3A_63] {strides = array<i32>} : memref<16x32xf32, #tpu.memory_space<vmem>>, vector<1x16xf32>,
    %swap3A_65 = vector.shape_cast %swap3A_64 : vector<1x16xf32> to vector<16xf32>
    %swap3A_66 = vector.shape_cast %broadcast_in_dim3A_1 : vector<16xf32> to vector<1x16xf32>
    tpu.vector_store %arg9[%swap3A_62, %swap3A_63], %swap3A_66 {strides = array<i32>} : memref<16x32xf32, #tpu.memory_space<vmem>>, vector<1x16xf32>,
    %swap3A_67 = arith.constant 5 : i32
    %swap3A_68 = arith.index_cast %swap3A_67 : i32 to index
    %swap3A_69 = arith.constant 16 : index
    %swap3A_70 = tpu.vector_load %arg9[%swap3A_68, %swap3A_69] {strides = array<i32>} : memref<16x32xf32, #tpu.memory_space<vmem>>, vector<1x16xf32>,
    %swap3A_71 = vector.shape_cast %swap3A_70 : vector<1x16xf32> to vector<16xf32>
    %swap3A_72 = vector.shape_cast %broadcast_in_dim3A_1 : vector<16xf32> to vector<1x16xf32>
    tpu.vector_store %arg9[%swap3A_68, %swap3A_69], %swap3A_72 {strides = array<i32>} : memref<16x32xf32, #tpu.memory_space<vmem>>, vector<1x16xf32>,
    %swap3A_73 = arith.constant 6 : i32
    %swap3A_74 = arith.index_cast %swap3A_73 : i32 to index
    %swap3A_75 = arith.constant 0 : index
    %swap3A_76 = tpu.vector_load %arg9[%swap3A_74, %swap3A_75] {strides = array<i32>} : memref<16x32xf32, #tpu.memory_space<vmem>>, vector<1x16xf32>,
    %swap3A_77 = vector.shape_cast %swap3A_76 : vector<1x16xf32> to vector<16xf32>
    %swap3A_78 = vector.shape_cast %broadcast_in_dim3A_1 : vector<16xf32> to vector<1x16xf32>
    tpu.vector_store %arg9[%swap3A_74, %swap3A_75], %swap3A_78 {strides = array<i32>} : memref<16x32xf32, #tpu.memory_space<vmem>>, vector<1x16xf32>,
    %swap3A_79 = arith.constant 6 : i32
    %swap3A_80 = arith.index_cast %swap3A_79 : i32 to index
    %swap3A_81 = arith.constant 16 : index
    %swap3A_82 = tpu.vector_load %arg9[%swap3A_80, %swap3A_81] {strides = array<i32>} : memref<16x32xf32, #tpu.memory_space<vmem>>, vector<1x16xf32>,
    %swap3A_83 = vector.shape_cast %swap3A_82 : vector<1x16xf32> to vector<16xf32>
    %swap3A_84 = vector.shape_cast %broadcast_in_dim3A_1 : vector<16xf32> to vector<1x16xf32>
    tpu.vector_store %arg9[%swap3A_80, %swap3A_81], %swap3A_84 {strides = array<i32>} : memref<16x32xf32, #tpu.memory_space<vmem>>, vector<1x16xf32>,
    %swap3A_85 = arith.constant 7 : i32
    %swap3A_86 = arith.index_cast %swap3A_85 : i32 to index
    %swap3A_87 = arith.constant 0 : index
    %swap3A_88 = tpu.vector_load %arg9[%swap3A_86, %swap3A_87] {strides = array<i32>} : memref<16x32xf32, #tpu.memory_space<vmem>>, vector<1x16xf32>,
    %swap3A_89 = vector.shape_cast %swap3A_88 : vector<1x16xf32> to vector<16xf32>
    %swap3A_90 = vector.shape_cast %broadcast_in_dim3A_1 : vector<16xf32> to vector<1x16xf32>
    tpu.vector_store %arg9[%swap3A_86, %swap3A_87], %swap3A_90 {strides = array<i32>} : memref<16x32xf32, #tpu.memory_space<vmem>>, vector<1x16xf32>,
    %swap3A_91 = arith.constant 7 : i32
    %swap3A_92 = arith.index_cast %swap3A_91 : i32 to index
    %swap3A_93 = arith.constant 16 : index
    %swap3A_94 = tpu.vector_load %arg9[%swap3A_92, %swap3A_93] {strides = array<i32>} : memref<16x32xf32, #tpu.memory_space<vmem>>, vector<1x16xf32>,
    %swap3A_95 = vector.shape_cast %swap3A_94 : vector<1x16xf32> to vector<16xf32>
    %swap3A_96 = vector.shape_cast %broadcast_in_dim3A_1 : vector<16xf32> to vector<1x16xf32>
    tpu.vector_store %arg9[%swap3A_92, %swap3A_93], %swap3A_96 {strides = array<i32>} : memref<16x32xf32, #tpu.memory_space<vmem>>, vector<1x16xf32>,
    %swap3A_97 = arith.constant 8 : i32
    %swap3A_98 = arith.index_cast %swap3A_97 : i32 to index
    %swap3A_99 = arith.constant 0 : index
    %swap3A_100 = tpu.vector_load %arg9[%swap3A_98, %swap3A_99] {strides = array<i32>} : memref<16x32xf32, #tpu.memory_space<vmem>>, vector<1x16xf32>,
    %swap3A_101 = vector.shape_cast %swap3A_100 : vector<1x16xf32> to vector<16xf32>
    %swap3A_102 = vector.shape_cast %broadcast_in_dim3A_1 : vector<16xf32> to vector<1x16xf32>
    tpu.vector_store %arg9[%swap3A_98, %swap3A_99], %swap3A_102 {strides = array<i32>} : memref<16x32xf32, #tpu.memory_space<vmem>>, vector<1x16xf32>,
    %swap3A_103 = arith.constant 8 : i32
    %swap3A_104 = arith.index_cast %swap3A_103 : i32 to index
    %swap3A_105 = arith.constant 16 : index
    %swap3A_106 = tpu.vector_load %arg9[%swap3A_104, %swap3A_105] {strides = array<i32>} : memref<16x32xf32, #tpu.memory_space<vmem>>, vector<1x16xf32>,
    %swap3A_107 = vector.shape_cast %swap3A_106 : vector<1x16xf32> to vector<16xf32>
    %swap3A_108 = vector.shape_cast %broadcast_in_dim3A_1 : vector<16xf32> to vector<1x16xf32>
    tpu.vector_store %arg9[%swap3A_104, %swap3A_105], %swap3A_108 {strides = array<i32>} : memref<16x32xf32, #tpu.memory_space<vmem>>, vector<1x16xf32>,
    %swap3A_109 = arith.constant 9 : i32
    %swap3A_110 = arith.index_cast %swap3A_109 : i32 to index
    %swap3A_111 = arith.constant 0 : index
    %swap3A_112 = tpu.vector_load %arg9[%swap3A_110, %swap3A_111] {strides = array<i32>} : memref<16x32xf32, #tpu.memory_space<vmem>>, vector<1x16xf32>,
    %swap3A_113 = vector.shape_cast %swap3A_112 : vector<1x16xf32> to vector<16xf32>
    %swap3A_114 = vector.shape_cast %broadcast_in_dim3A_1 : vector<16xf32> to vector<1x16xf32>
    tpu.vector_store %arg9[%swap3A_110, %swap3A_111], %swap3A_114 {strides = array<i32>} : memref<16x32xf32, #tpu.memory_space<vmem>>, vector<1x16xf32>,
    %swap3A_115 = arith.constant 9 : i32
    %swap3A_116 = arith.index_cast %swap3A_115 : i32 to index
    %swap3A_117 = arith.constant 16 : index
    %swap3A_118 = tpu.vector_load %arg9[%swap3A_116, %swap3A_117] {strides = array<i32>} : memref<16x32xf32, #tpu.memory_space<vmem>>, vector<1x16xf32>,
    %swap3A_119 = vector.shape_cast %swap3A_118 : vector<1x16xf32> to vector<16xf32>
    %swap3A_120 = vector.shape_cast %broadcast_in_dim3A_1 : vector<16xf32> to vector<1x16xf32>
    tpu.vector_store %arg9[%swap3A_116, %swap3A_117], %swap3A_120 {strides = array<i32>} : memref<16x32xf32, #tpu.memory_space<vmem>>, vector<1x16xf32>,
    %swap3A_121 = arith.constant 10 : i32
    %swap3A_122 = arith.index_cast %swap3A_121 : i32 to index
    %swap3A_123 = arith.constant 0 : index
    %swap3A_124 = tpu.vector_load %arg9[%swap3A_122, %swap3A_123] {strides = array<i32>} : memref<16x32xf32, #tpu.memory_space<vmem>>, vector<1x16xf32>,
    %swap3A_125 = vector.shape_cast %swap3A_124 : vector<1x16xf32> to vector<16xf32>
    %swap3A_126 = vector.shape_cast %broadcast_in_dim3A_1 : vector<16xf32> to vector<1x16xf32>
    tpu.vector_store %arg9[%swap3A_122, %swap3A_123], %swap3A_126 {strides = array<i32>} : memref<16x32xf32, #tpu.memory_space<vmem>>, vector<1x16xf32>,
    %swap3A_127 = arith.constant 10 : i32
    %swap3A_128 = arith.index_cast %swap3A_127 : i32 to index
    %swap3A_129 = arith.constant 16 : index
    %swap3A_130 = tpu.vector_load %arg9[%swap3A_128, %swap3A_129] {strides = array<i32>} : memref<16x32xf32, #tpu.memory_space<vmem>>, vector<1x16xf32>,
    %swap3A_131 = vector.shape_cast %swap3A_130 : vector<1x16xf32> to vector<16xf32>
    %swap3A_132 = vector.shape_cast %broadcast_in_dim3A_1 : vector<16xf32> to vector<1x16xf32>
    tpu.vector_store %arg9[%swap3A_128, %swap3A_129], %swap3A_132 {strides = array<i32>} : memref<16x32xf32, #tpu.memory_space<vmem>>, vector<1x16xf32>,
    %swap3A_133 = arith.constant 11 : i32
    %swap3A_134 = arith.index_cast %swap3A_133 : i32 to index
    %swap3A_135 = arith.constant 0 : index
    %swap3A_136 = tpu.vector_load %arg9[%swap3A_134, %swap3A_135] {strides = array<i32>} : memref<16x32xf32, #tpu.memory_space<vmem>>, vector<1x16xf32>,
    %swap3A_137 = vector.shape_cast %swap3A_136 : vector<1x16xf32> to vector<16xf32>
    %swap3A_138 = vector.shape_cast %broadcast_in_dim3A_1 : vector<16xf32> to vector<1x16xf32>
    tpu.vector_store %arg9[%swap3A_134, %swap3A_135], %swap3A_138 {strides = array<i32>} : memref<16x32xf32, #tpu.memory_space<vmem>>, vector<1x16xf32>,
    %swap3A_139 = arith.constant 11 : i32
    %swap3A_140 = arith.index_cast %swap3A_139 : i32 to index
    %swap3A_141 = arith.constant 16 : index
    %swap3A_142 = tpu.vector_load %arg9[%swap3A_140, %swap3A_141] {strides = array<i32>} : memref<16x32xf32, #tpu.memory_space<vmem>>, vector<1x16xf32>,
    %swap3A_143 = vector.shape_cast %swap3A_142 : vector<1x16xf32> to vector<16xf32>
    %swap3A_144 = vector.shape_cast %broadcast_in_dim3A_1 : vector<16xf32> to vector<1x16xf32>
    tpu.vector_store %arg9[%swap3A_140, %swap3A_141], %swap3A_144 {strides = array<i32>} : memref<16x32xf32, #tpu.memory_space<vmem>>, vector<1x16xf32>,
    %swap3A_145 = arith.constant 12 : i32
    %swap3A_146 = arith.index_cast %swap3A_145 : i32 to index
    %swap3A_147 = arith.constant 0 : index
    %swap3A_148 = tpu.vector_load %arg9[%swap3A_146, %swap3A_147] {strides = array<i32>} : memref<16x32xf32, #tpu.memory_space<vmem>>, vector<1x16xf32>,
    %swap3A_149 = vector.shape_cast %swap3A_148 : vector<1x16xf32> to vector<16xf32>
    %swap3A_150 = vector.shape_cast %broadcast_in_dim3A_1 : vector<16xf32> to vector<1x16xf32>
    tpu.vector_store %arg9[%swap3A_146, %swap3A_147], %swap3A_150 {strides = array<i32>} : memref<16x32xf32, #tpu.memory_space<vmem>>, vector<1x16xf32>,
    %swap3A_151 = arith.constant 12 : i32
    %swap3A_152 = arith.index_cast %swap3A_151 : i32 to index
    %swap3A_153 = arith.constant 16 : index
    %swap3A_154 = tpu.vector_load %arg9[%swap3A_152, %swap3A_153] {strides = array<i32>} : memref<16x32xf32, #tpu.memory_space<vmem>>, vector<1x16xf32>,
    %swap3A_155 = vector.shape_cast %swap3A_154 : vector<1x16xf32> to vector<16xf32>
    %swap3A_156 = vector.shape_cast %broadcast_in_dim3A_1 : vector<16xf32> to vector<1x16xf32>
    tpu.vector_store %arg9[%swap3A_152, %swap3A_153], %swap3A_156 {strides = array<i32>} : memref<16x32xf32, #tpu.memory_space<vmem>>, vector<1x16xf32>,
    %swap3A_157 = arith.constant 13 : i32
    %swap3A_158 = arith.index_cast %swap3A_157 : i32 to index
    %swap3A_159 = arith.constant 0 : index
    %swap3A_160 = tpu.vector_load %arg9[%swap3A_158, %swap3A_159] {strides = array<i32>} : memref<16x32xf32, #tpu.memory_space<vmem>>, vector<1x16xf32>,
    %swap3A_161 = vector.shape_cast %swap3A_160 : vector<1x16xf32> to vector<16xf32>
    %swap3A_162 = vector.shape_cast %broadcast_in_dim3A_1 : vector<16xf32> to vector<1x16xf32>
    tpu.vector_store %arg9[%swap3A_158, %swap3A_159], %swap3A_162 {strides = array<i32>} : memref<16x32xf32, #tpu.memory_space<vmem>>, vector<1x16xf32>,
    %swap3A_163 = arith.constant 13 : i32
    %swap3A_164 = arith.index_cast %swap3A_163 : i32 to index
    %swap3A_165 = arith.constant 16 : index
    %swap3A_166 = tpu.vector_load %arg9[%swap3A_164, %swap3A_165] {strides = array<i32>} : memref<16x32xf32, #tpu.memory_space<vmem>>, vector<1x16xf32>,
    %swap3A_167 = vector.shape_cast %swap3A_166 : vector<1x16xf32> to vector<16xf32>
    %swap3A_168 = vector.shape_cast %broadcast_in_dim3A_1 : vector<16xf32> to vector<1x16xf32>
    tpu.vector_store %arg9[%swap3A_164, %swap3A_165], %swap3A_168 {strides = array<i32>} : memref<16x32xf32, #tpu.memory_space<vmem>>, vector<1x16xf32>,
    %swap3A_169 = arith.constant 14 : i32
    %swap3A_170 = arith.index_cast %swap3A_169 : i32 to index
    %swap3A_171 = arith.constant 0 : index
    %swap3A_172 = tpu.vector_load %arg9[%swap3A_170, %swap3A_171] {strides = array<i32>} : memref<16x32xf32, #tpu.memory_space<vmem>>, vector<1x16xf32>,
    %swap3A_173 = vector.shape_cast %swap3A_172 : vector<1x16xf32> to vector<16xf32>
    %swap3A_174 = vector.shape_cast %broadcast_in_dim3A_1 : vector<16xf32> to vector<1x16xf32>
    tpu.vector_store %arg9[%swap3A_170, %swap3A_171], %swap3A_174 {strides = array<i32>} : memref<16x32xf32, #tpu.memory_space<vmem>>, vector<1x16xf32>,
    %swap3A_175 = arith.constant 14 : i32
    %swap3A_176 = arith.index_cast %swap3A_175 : i32 to index
    %swap3A_177 = arith.constant 16 : index
    %swap3A_178 = tpu.vector_load %arg9[%swap3A_176, %swap3A_177] {strides = array<i32>} : memref<16x32xf32, #tpu.memory_space<vmem>>, vector<1x16xf32>,
    %swap3A_179 = vector.shape_cast %swap3A_178 : vector<1x16xf32> to vector<16xf32>
    %swap3A_180 = vector.shape_cast %broadcast_in_dim3A_1 : vector<16xf32> to vector<1x16xf32>
    tpu.vector_store %arg9[%swap3A_176, %swap3A_177], %swap3A_180 {strides = array<i32>} : memref<16x32xf32, #tpu.memory_space<vmem>>, vector<1x16xf32>,
    %swap3A_181 = arith.constant 15 : i32
    %swap3A_182 = arith.index_cast %swap3A_181 : i32 to index
    %swap3A_183 = arith.constant 0 : index
    %swap3A_184 = tpu.vector_load %arg9[%swap3A_182, %swap3A_183] {strides = array<i32>} : memref<16x32xf32, #tpu.memory_space<vmem>>, vector<1x16xf32>,
    %swap3A_185 = vector.shape_cast %swap3A_184 : vector<1x16xf32> to vector<16xf32>
    %swap3A_186 = vector.shape_cast %broadcast_in_dim3A_1 : vector<16xf32> to vector<1x16xf32>
    tpu.vector_store %arg9[%swap3A_182, %swap3A_183], %swap3A_186 {strides = array<i32>} : memref<16x32xf32, #tpu.memory_space<vmem>>, vector<1x16xf32>,
    %swap3A_187 = arith.constant 15 : i32
    %swap3A_188 = arith.index_cast %swap3A_187 : i32 to index
    %swap3A_189 = arith.constant 16 : index
    %swap3A_190 = tpu.vector_load %arg9[%swap3A_188, %swap3A_189] {strides = array<i32>} : memref<16x32xf32, #tpu.memory_space<vmem>>, vector<1x16xf32>,
    %swap3A_191 = vector.shape_cast %swap3A_190 : vector<1x16xf32> to vector<16xf32>
    %swap3A_192 = vector.shape_cast %broadcast_in_dim3A_1 : vector<16xf32> to vector<1x16xf32>
    tpu.vector_store %arg9[%swap3A_188, %swap3A_189], %swap3A_192 {strides = array<i32>} : memref<16x32xf32, #tpu.memory_space<vmem>>, vector<1x16xf32>,
    %scan3A = arith.constant 0 : i32
    %scan3A_193 = arith.constant 120 : i32
    %scan3A_194 = arith.addi %scan3A, %scan3A_193 : i32
    %scan3A_195 = arith.constant 1 : i32
    scf.for %scan3A_207 = %scan3A to %scan3A_194 step %scan3A_195  : i32 {
      %mul3A_208 = arith.constant 1920 : i32
      %mul3A_209 = arith.muli %arg1, %mul3A_208 : i32
      %mul3A_210 = arith.constant 16 : i32
      %mul3A_211 = arith.muli %scan3A_207, %mul3A_210 : i32
      %add3A_212 = arith.addi %mul3A_209, %mul3A_211 : i32
      "tpu.region"() ({
        %run_scoped3A = tpu.sem_alloc : memref<!tpu.dma_semaphore, #tpu.memory_space<semaphore_mem>>
        %dma_start3A = arith.constant 0 : i32
        %dma_start3A_213 = tpu.memref_slice %arg10[%add3A_212, %dma_start3A] : memref<30720x32xf32, #tpu.memory_space<vmem_shared>> -> memref<16x32xf32, #tpu.memory_space<vmem_shared>>
        %dma_start3A_214 = arith.constant 0 : i32
        %dma_start3A_215 = tpu.memref_slice %arg10[%add3A_212, %dma_start3A_214] : memref<30720x32xf32, #tpu.memory_space<vmem_shared>> -> memref<16x32xf32, #tpu.memory_space<vmem_shared>>
        tpu.enqueue_dma source(%arg9 : memref<16x32xf32, #tpu.memory_space<vmem>>) target(%dma_start3A_215 : memref<16x32xf32, #tpu.memory_space<vmem_shared>>) target_semaphore(%run_scoped3A : memref<!tpu.dma_semaphore, #tpu.memory_space<semaphore_mem>>)
        %dma_wait3A = arith.constant 0 : i32
        %dma_wait3A_216 = tpu.memref_slice %arg10[%add3A_212, %dma_wait3A] : memref<30720x32xf32, #tpu.memory_space<vmem_shared>> -> memref<16x32xf32, #tpu.memory_space<vmem_shared>>
        %dma_wait3A_217 = arith.constant 0 : i32
        %dma_wait3A_218 = tpu.memref_slice %arg10[%add3A_212, %dma_wait3A_217] : memref<30720x32xf32, #tpu.memory_space<vmem_shared>> -> memref<16x32xf32, #tpu.memory_space<vmem_shared>>
        tpu.wait_dma2 semaphore(%run_scoped3A : memref<!tpu.dma_semaphore, #tpu.memory_space<semaphore_mem>>) src(%arg9 : memref<16x32xf32, #tpu.memory_space<vmem>>) dst(%dma_wait3A_218 : memref<16x32xf32, #tpu.memory_space<vmem_shared>>)
        tpu.yield
      }) : () -> ()
    }
    %scan3A_196 = arith.constant 120 : i32
    "tpu.region"() ({
      %run_scoped3A = tpu.sem_alloc : memref<!tpu.dma_semaphore, #tpu.memory_space<semaphore_mem>>
      %dma_start3A = arith.constant 0 : i32
      %dma_start3A_207 = arith.constant 0 : i32
      %dma_start3A_208 = tpu.memref_slice %arg3[%add3A, %dma_start3A, %dma_start3A_207] : memref<32x235x128xi32, #tpu.memory_space<hbm>> -> memref<1x235x128xi32, #tpu.memory_space<hbm>>
      %dma_start3A_209 = tpu.memref_squeeze %dma_start3A_208 : memref<1x235x128xi32, #tpu.memory_space<hbm>> -> memref<235x128xi32, #tpu.memory_space<hbm>>
      %dma_start3A_210 = arith.constant 0 : i32
      %dma_start3A_211 = arith.constant 0 : i32
      %dma_start3A_212 = tpu.memref_slice %arg3[%add3A, %dma_start3A_210, %dma_start3A_211] : memref<32x235x128xi32, #tpu.memory_space<hbm>> -> memref<1x235x128xi32, #tpu.memory_space<hbm>>
      %dma_start3A_213 = tpu.memref_squeeze %dma_start3A_212 : memref<1x235x128xi32, #tpu.memory_space<hbm>> -> memref<235x128xi32, #tpu.memory_space<hbm>>
      tpu.enqueue_dma source(%dma_start3A_213 : memref<235x128xi32, #tpu.memory_space<hbm>>) target(%arg6 : memref<235x128xi32, #tpu.memory_space<vmem>>) target_semaphore(%run_scoped3A : memref<!tpu.dma_semaphore, #tpu.memory_space<semaphore_mem>>)
      %dma_wait3A = arith.constant 0 : i32
      %dma_wait3A_214 = arith.constant 0 : i32
      %dma_wait3A_215 = tpu.memref_slice %arg3[%add3A, %dma_wait3A, %dma_wait3A_214] : memref<32x235x128xi32, #tpu.memory_space<hbm>> -> memref<1x235x128xi32, #tpu.memory_space<hbm>>
      %dma_wait3A_216 = tpu.memref_squeeze %dma_wait3A_215 : memref<1x235x128xi32, #tpu.memory_space<hbm>> -> memref<235x128xi32, #tpu.memory_space<hbm>>
      %dma_wait3A_217 = arith.constant 0 : i32
      %dma_wait3A_218 = arith.constant 0 : i32
      %dma_wait3A_219 = tpu.memref_slice %arg3[%add3A, %dma_wait3A_217, %dma_wait3A_218] : memref<32x235x128xi32, #tpu.memory_space<hbm>> -> memref<1x235x128xi32, #tpu.memory_space<hbm>>
      %dma_wait3A_220 = tpu.memref_squeeze %dma_wait3A_219 : memref<1x235x128xi32, #tpu.memory_space<hbm>> -> memref<235x128xi32, #tpu.memory_space<hbm>>
      tpu.wait_dma2 semaphore(%run_scoped3A : memref<!tpu.dma_semaphore, #tpu.memory_space<semaphore_mem>>) src(%dma_wait3A_220 : memref<235x128xi32, #tpu.memory_space<hbm>>) dst(%arg6 : memref<235x128xi32, #tpu.memory_space<vmem>>)
      tpu.yield
    }) : () -> ()
    "tpu.region"() ({
      %run_scoped3A = tpu.sem_alloc : memref<!tpu.dma_semaphore, #tpu.memory_space<semaphore_mem>>
      %dma_start3A = arith.constant 0 : i32
      %dma_start3A_207 = arith.constant 0 : i32
      %dma_start3A_208 = tpu.memref_slice %arg4[%add3A, %dma_start3A, %dma_start3A_207] : memref<32x235x128xi32, #tpu.memory_space<hbm>> -> memref<1x235x128xi32, #tpu.memory_space<hbm>>
      %dma_start3A_209 = tpu.memref_squeeze %dma_start3A_208 : memref<1x235x128xi32, #tpu.memory_space<hbm>> -> memref<235x128xi32, #tpu.memory_space<hbm>>
      %dma_start3A_210 = arith.constant 0 : i32
      %dma_start3A_211 = arith.constant 0 : i32
      %dma_start3A_212 = tpu.memref_slice %arg4[%add3A, %dma_start3A_210, %dma_start3A_211] : memref<32x235x128xi32, #tpu.memory_space<hbm>> -> memref<1x235x128xi32, #tpu.memory_space<hbm>>
      %dma_start3A_213 = tpu.memref_squeeze %dma_start3A_212 : memref<1x235x128xi32, #tpu.memory_space<hbm>> -> memref<235x128xi32, #tpu.memory_space<hbm>>
      tpu.enqueue_dma source(%dma_start3A_213 : memref<235x128xi32, #tpu.memory_space<hbm>>) target(%arg7 : memref<235x128xi32, #tpu.memory_space<vmem>>) target_semaphore(%run_scoped3A : memref<!tpu.dma_semaphore, #tpu.memory_space<semaphore_mem>>)
      %dma_wait3A = arith.constant 0 : i32
      %dma_wait3A_214 = arith.constant 0 : i32
      %dma_wait3A_215 = tpu.memref_slice %arg4[%add3A, %dma_wait3A, %dma_wait3A_214] : memref<32x235x128xi32, #tpu.memory_space<hbm>> -> memref<1x235x128xi32, #tpu.memory_space<hbm>>
      %dma_wait3A_216 = tpu.memref_squeeze %dma_wait3A_215 : memref<1x235x128xi32, #tpu.memory_space<hbm>> -> memref<235x128xi32, #tpu.memory_space<hbm>>
      %dma_wait3A_217 = arith.constant 0 : i32
      %dma_wait3A_218 = arith.constant 0 : i32
      %dma_wait3A_219 = tpu.memref_slice %arg4[%add3A, %dma_wait3A_217, %dma_wait3A_218] : memref<32x235x128xi32, #tpu.memory_space<hbm>> -> memref<1x235x128xi32, #tpu.memory_space<hbm>>
      %dma_wait3A_220 = tpu.memref_squeeze %dma_wait3A_219 : memref<1x235x128xi32, #tpu.memory_space<hbm>> -> memref<235x128xi32, #tpu.memory_space<hbm>>
      tpu.wait_dma2 semaphore(%run_scoped3A : memref<!tpu.dma_semaphore, #tpu.memory_space<semaphore_mem>>) src(%dma_wait3A_220 : memref<235x128xi32, #tpu.memory_space<hbm>>) dst(%arg7 : memref<235x128xi32, #tpu.memory_space<vmem>>)
      tpu.yield
    }) : () -> ()
    %barrier3A = arith.constant 0 : index
    tpu.barrier barrier_id(%barrier3A)
    %scan3A_197 = arith.constant 0 : i32
    %scan3A_198 = arith.constant 235 : i32
    %scan3A_199 = arith.addi %scan3A_197, %scan3A_198 : i32
    %scan3A_200 = arith.constant 1 : i32
    scf.for %scan3A_207 = %scan3A_197 to %scan3A_199 step %scan3A_200  : i32 {
      %dma_start3A = arith.constant 0 : i32
      %dma_start3A_208 = tpu.memref_slice %arg6[%scan3A_207, %dma_start3A] : memref<235x128xi32, #tpu.memory_space<vmem>> -> memref<1x128xi32, #tpu.memory_space<vmem>>
      %dma_start3A_209 = tpu.memref_squeeze %dma_start3A_208 : memref<1x128xi32, #tpu.memory_space<vmem>> -> memref<128xi32, #tpu.memory_space<vmem>>
      %dma_start3A_210 = arith.constant 0 : i32
      %dma_start3A_211 = arith.constant 0 : i32
      %dma_start3A_212 = tpu.memref_slice %arg2[%dma_start3A_210, %dma_start3A_211] : memref<30720x32xf32, #tpu.memory_space<hbm>> -> memref<30720x32xf32, #tpu.memory_space<hbm>>
      tpu.enqueue_indirect_dma source(%dma_start3A_212 : memref<30720x32xf32, #tpu.memory_space<hbm>>) target(%arg8 : memref<128x32xf32, #tpu.memory_space<vmem>>) offsets(%dma_start3A_209 : memref<128xi32, #tpu.memory_space<vmem>>) semaphore(%arg11 : memref<!tpu.dma_semaphore, #tpu.memory_space<semaphore_mem>>)
      %dma_wait3A = arith.constant 0 : i32
      %dma_wait3A_213 = tpu.memref_slice %arg6[%scan3A_207, %dma_wait3A] : memref<235x128xi32, #tpu.memory_space<vmem>> -> memref<1x128xi32, #tpu.memory_space<vmem>>
      %dma_wait3A_214 = tpu.memref_squeeze %dma_wait3A_213 : memref<1x128xi32, #tpu.memory_space<vmem>> -> memref<128xi32, #tpu.memory_space<vmem>>
      %dma_wait3A_215 = arith.constant 0 : i32
      %dma_wait3A_216 = arith.constant 0 : i32
      %dma_wait3A_217 = tpu.memref_slice %arg2[%dma_wait3A_215, %dma_wait3A_216] : memref<30720x32xf32, #tpu.memory_space<hbm>> -> memref<30720x32xf32, #tpu.memory_space<hbm>>
      tpu.wait_indirect_dma semaphore(%arg11 : memref<!tpu.dma_semaphore, #tpu.memory_space<semaphore_mem>>) src(%dma_wait3A_217 : memref<30720x32xf32, #tpu.memory_space<hbm>>) dst(%arg8 : memref<128x32xf32, #tpu.memory_space<vmem>>)
      "tpu.region"() ({
        %run_scoped3A = tpu.sem_alloc : memref<!tpu.dma_semaphore, #tpu.memory_space<semaphore_mem>>
        %dma_start3A_218 = arith.constant 0 : i32
        %dma_start3A_219 = tpu.memref_slice %arg7[%scan3A_207, %dma_start3A_218] : memref<235x128xi32, #tpu.memory_space<vmem>> -> memref<1x128xi32, #tpu.memory_space<vmem>>
        %dma_start3A_220 = tpu.memref_squeeze %dma_start3A_219 : memref<1x128xi32, #tpu.memory_space<vmem>> -> memref<128xi32, #tpu.memory_space<vmem>>
        %dma_start3A_221 = arith.constant 0 : i32
        %dma_start3A_222 = arith.constant 0 : i32
        %dma_start3A_223 = tpu.memref_slice %arg10[%dma_start3A_221, %dma_start3A_222] : memref<30720x32xf32, #tpu.memory_space<vmem_shared>> -> memref<30720x32xf32, #tpu.memory_space<vmem_shared>>
        tpu.enqueue_indirect_dma source(%arg8 : memref<128x32xf32, #tpu.memory_space<vmem>>) target(%dma_start3A_223 : memref<30720x32xf32, #tpu.memory_space<vmem_shared>>) offsets(%dma_start3A_220 : memref<128xi32, #tpu.memory_space<vmem>>) semaphore(%run_scoped3A : memref<!tpu.dma_semaphore, #tpu.memory_space<semaphore_mem>>) {add = true}
        %dma_wait3A_224 = arith.constant 0 : i32
        %dma_wait3A_225 = tpu.memref_slice %arg7[%scan3A_207, %dma_wait3A_224] : memref<235x128xi32, #tpu.memory_space<vmem>> -> memref<1x128xi32, #tpu.memory_space<vmem>>
        %dma_wait3A_226 = tpu.memref_squeeze %dma_wait3A_225 : memref<1x128xi32, #tpu.memory_space<vmem>> -> memref<128xi32, #tpu.memory_space<vmem>>
        %dma_wait3A_227 = arith.constant 0 : i32
        %dma_wait3A_228 = arith.constant 0 : i32
        %dma_wait3A_229 = tpu.memref_slice %arg10[%dma_wait3A_227, %dma_wait3A_228] : memref<30720x32xf32, #tpu.memory_space<vmem_shared>> -> memref<30720x32xf32, #tpu.memory_space<vmem_shared>>
        tpu.wait_indirect_dma semaphore(%run_scoped3A : memref<!tpu.dma_semaphore, #tpu.memory_space<semaphore_mem>>) src(%arg8 : memref<128x32xf32, #tpu.memory_space<vmem>>) dst(%dma_wait3A_229 : memref<30720x32xf32, #tpu.memory_space<vmem_shared>>)
        tpu.yield
      }) : () -> ()
    }
    %scan3A_201 = arith.constant 235 : i32
    %barrier3A_202 = arith.constant 0 : index
    tpu.barrier barrier_id(%barrier3A_202)
    %mul3A_203 = arith.constant 1920 : i32
    %mul3A_204 = arith.muli %arg1, %mul3A_203 : i32
    %mul3A_205 = arith.constant 1920 : i32
    %mul3A_206 = arith.muli %arg1, %mul3A_205 : i32
    "tpu.region"() ({
      %run_scoped3A = tpu.sem_alloc : memref<!tpu.dma_semaphore, #tpu.memory_space<semaphore_mem>>
      %dma_start3A = arith.constant 0 : i32
      %dma_start3A_207 = tpu.memref_slice %arg5[%arg0, %mul3A_206, %dma_start3A] : memref<2x30720x32xf32, #tpu.memory_space<hbm>> -> memref<1x1920x32xf32, #tpu.memory_space<hbm>>
      %dma_start3A_208 = tpu.memref_squeeze %dma_start3A_207 : memref<1x1920x32xf32, #tpu.memory_space<hbm>> -> memref<1920x32xf32, #tpu.memory_space<hbm>>
      %dma_start3A_209 = arith.constant 0 : i32
      %dma_start3A_210 = tpu.memref_slice %arg10[%mul3A_204, %dma_start3A_209] : memref<30720x32xf32, #tpu.memory_space<vmem_shared>> -> memref<1920x32xf32, #tpu.memory_space<vmem_shared>>
      tpu.enqueue_dma source(%dma_start3A_210 : memref<1920x32xf32, #tpu.memory_space<vmem_shared>>) target(%dma_start3A_208 : memref<1920x32xf32, #tpu.memory_space<hbm>>) target_semaphore(%run_scoped3A : memref<!tpu.dma_semaphore, #tpu.memory_space<semaphore_mem>>)
      %dma_wait3A = arith.constant 0 : i32
      %dma_wait3A_211 = tpu.memref_slice %arg5[%arg0, %mul3A_206, %dma_wait3A] : memref<2x30720x32xf32, #tpu.memory_space<hbm>> -> memref<1x1920x32xf32, #tpu.memory_space<hbm>>
      %dma_wait3A_212 = tpu.memref_squeeze %dma_wait3A_211 : memref<1x1920x32xf32, #tpu.memory_space<hbm>> -> memref<1920x32xf32, #tpu.memory_space<hbm>>
      %dma_wait3A_213 = arith.constant 0 : i32
      %dma_wait3A_214 = tpu.memref_slice %arg10[%mul3A_204, %dma_wait3A_213] : memref<30720x32xf32, #tpu.memory_space<vmem_shared>> -> memref<1920x32xf32, #tpu.memory_space<vmem_shared>>
      tpu.wait_dma2 semaphore(%run_scoped3A : memref<!tpu.dma_semaphore, #tpu.memory_space<semaphore_mem>>) src(%dma_wait3A_214 : memref<1920x32xf32, #tpu.memory_space<vmem_shared>>) dst(%dma_wait3A_212 : memref<1920x32xf32, #tpu.memory_space<hbm>>)
      tpu.yield
    }) : () -> ()
    return
  }
}

#map = affine_map<(d0, d1) -> (0, 0)>
#map1 = affine_map<(d0, d1) -> (0, 0, 0)>
module attributes {stable_mosaic.version = 14 : i64} {
  func.func @prop_k(%arg0: i32, %arg1: i32, %arg2: memref<30720x32xf32, #tpu.memory_space<hbm>>, %arg3: memref<32x235x128xi32, #tpu.memory_space<hbm>>, %arg4: memref<32x235x128xi32, #tpu.memory_space<hbm>>, %arg5: memref<2x30720x32xf32, #tpu.memory_space<hbm>>, %arg6: memref<235x128xi32, #tpu.memory_space<vmem>>, %arg7: memref<235x128xi32, #tpu.memory_space<vmem>>, %arg8: memref<128x32xf32, #tpu.memory_space<vmem>>, %arg9: memref<16x32xf32, #tpu.memory_space<vmem>>, %arg10: memref<30720x32xf32, #tpu.memory_space<vmem_shared>>, %arg11: memref<!tpu.dma_semaphore, #tpu.memory_space<semaphore_mem>>) attributes {dimension_semantics = [#tpu.dimension_semantics<core_parallel>, #tpu.dimension_semantics<subcore_parallel>], iteration_bounds = array<i64: 2, 16>, scalar_prefetch = 0 : i64, scratch_operands = 6 : i64, tpu.core_type = #tpu.core_type<sc_vector_subcore>, window_params = [{transform_indices = #map}, {transform_indices = #map1}, {transform_indices = #map1}, {transform_indices = #map1}]} {
    %mul3A = arith.constant 2 : i32
    %mul3A_0 = arith.muli %arg1, %mul3A : i32
    %add3A = arith.addi %mul3A_0, %arg0 : i32
    %broadcast_in_dim3A = arith.constant 0.000000e+00 : f32
    %broadcast_in_dim3A_1 = vector.broadcast %broadcast_in_dim3A : f32 to vector<16xf32>
    %swap3A = arith.constant 0 : i32
    %swap3A_2 = arith.index_cast %swap3A : i32 to index
    %swap3A_3 = arith.constant 0 : index
    %swap3A_4 = tpu.vector_load %arg9[%swap3A_2, %swap3A_3] {strides = array<i32>} : memref<16x32xf32, #tpu.memory_space<vmem>>, vector<1x16xf32>,
    %swap3A_5 = vector.shape_cast %swap3A_4 : vector<1x16xf32> to vector<16xf32>
    %swap3A_6 = vector.shape_cast %broadcast_in_dim3A_1 : vector<16xf32> to vector<1x16xf32>
    tpu.vector_store %arg9[%swap3A_2, %swap3A_3], %swap3A_6 {strides = array<i32>} : memref<16x32xf32, #tpu.memory_space<vmem>>, vector<1x16xf32>,
    %swap3A_7 = arith.constant 0 : i32
    %swap3A_8 = arith.index_cast %swap3A_7 : i32 to index
    %swap3A_9 = arith.constant 16 : index
    %swap3A_10 = tpu.vector_load %arg9[%swap3A_8, %swap3A_9] {strides = array<i32>} : memref<16x32xf32, #tpu.memory_space<vmem>>, vector<1x16xf32>,
    %swap3A_11 = vector.shape_cast %swap3A_10 : vector<1x16xf32> to vector<16xf32>
    %swap3A_12 = vector.shape_cast %broadcast_in_dim3A_1 : vector<16xf32> to vector<1x16xf32>
    tpu.vector_store %arg9[%swap3A_8, %swap3A_9], %swap3A_12 {strides = array<i32>} : memref<16x32xf32, #tpu.memory_space<vmem>>, vector<1x16xf32>,
    %swap3A_13 = arith.constant 1 : i32
    %swap3A_14 = arith.index_cast %swap3A_13 : i32 to index
    %swap3A_15 = arith.constant 0 : index
    %swap3A_16 = tpu.vector_load %arg9[%swap3A_14, %swap3A_15] {strides = array<i32>} : memref<16x32xf32, #tpu.memory_space<vmem>>, vector<1x16xf32>,
    %swap3A_17 = vector.shape_cast %swap3A_16 : vector<1x16xf32> to vector<16xf32>
    %swap3A_18 = vector.shape_cast %broadcast_in_dim3A_1 : vector<16xf32> to vector<1x16xf32>
    tpu.vector_store %arg9[%swap3A_14, %swap3A_15], %swap3A_18 {strides = array<i32>} : memref<16x32xf32, #tpu.memory_space<vmem>>, vector<1x16xf32>,
    %swap3A_19 = arith.constant 1 : i32
    %swap3A_20 = arith.index_cast %swap3A_19 : i32 to index
    %swap3A_21 = arith.constant 16 : index
    %swap3A_22 = tpu.vector_load %arg9[%swap3A_20, %swap3A_21] {strides = array<i32>} : memref<16x32xf32, #tpu.memory_space<vmem>>, vector<1x16xf32>,
    %swap3A_23 = vector.shape_cast %swap3A_22 : vector<1x16xf32> to vector<16xf32>
    %swap3A_24 = vector.shape_cast %broadcast_in_dim3A_1 : vector<16xf32> to vector<1x16xf32>
    tpu.vector_store %arg9[%swap3A_20, %swap3A_21], %swap3A_24 {strides = array<i32>} : memref<16x32xf32, #tpu.memory_space<vmem>>, vector<1x16xf32>,
    %swap3A_25 = arith.constant 2 : i32
    %swap3A_26 = arith.index_cast %swap3A_25 : i32 to index
    %swap3A_27 = arith.constant 0 : index
    %swap3A_28 = tpu.vector_load %arg9[%swap3A_26, %swap3A_27] {strides = array<i32>} : memref<16x32xf32, #tpu.memory_space<vmem>>, vector<1x16xf32>,
    %swap3A_29 = vector.shape_cast %swap3A_28 : vector<1x16xf32> to vector<16xf32>
    %swap3A_30 = vector.shape_cast %broadcast_in_dim3A_1 : vector<16xf32> to vector<1x16xf32>
    tpu.vector_store %arg9[%swap3A_26, %swap3A_27], %swap3A_30 {strides = array<i32>} : memref<16x32xf32, #tpu.memory_space<vmem>>, vector<1x16xf32>,
    %swap3A_31 = arith.constant 2 : i32
    %swap3A_32 = arith.index_cast %swap3A_31 : i32 to index
    %swap3A_33 = arith.constant 16 : index
    %swap3A_34 = tpu.vector_load %arg9[%swap3A_32, %swap3A_33] {strides = array<i32>} : memref<16x32xf32, #tpu.memory_space<vmem>>, vector<1x16xf32>,
    %swap3A_35 = vector.shape_cast %swap3A_34 : vector<1x16xf32> to vector<16xf32>
    %swap3A_36 = vector.shape_cast %broadcast_in_dim3A_1 : vector<16xf32> to vector<1x16xf32>
    tpu.vector_store %arg9[%swap3A_32, %swap3A_33], %swap3A_36 {strides = array<i32>} : memref<16x32xf32, #tpu.memory_space<vmem>>, vector<1x16xf32>,
    %swap3A_37 = arith.constant 3 : i32
    %swap3A_38 = arith.index_cast %swap3A_37 : i32 to index
    %swap3A_39 = arith.constant 0 : index
    %swap3A_40 = tpu.vector_load %arg9[%swap3A_38, %swap3A_39] {strides = array<i32>} : memref<16x32xf32, #tpu.memory_space<vmem>>, vector<1x16xf32>,
    %swap3A_41 = vector.shape_cast %swap3A_40 : vector<1x16xf32> to vector<16xf32>
    %swap3A_42 = vector.shape_cast %broadcast_in_dim3A_1 : vector<16xf32> to vector<1x16xf32>
    tpu.vector_store %arg9[%swap3A_38, %swap3A_39], %swap3A_42 {strides = array<i32>} : memref<16x32xf32, #tpu.memory_space<vmem>>, vector<1x16xf32>,
    %swap3A_43 = arith.constant 3 : i32
    %swap3A_44 = arith.index_cast %swap3A_43 : i32 to index
    %swap3A_45 = arith.constant 16 : index
    %swap3A_46 = tpu.vector_load %arg9[%swap3A_44, %swap3A_45] {strides = array<i32>} : memref<16x32xf32, #tpu.memory_space<vmem>>, vector<1x16xf32>,
    %swap3A_47 = vector.shape_cast %swap3A_46 : vector<1x16xf32> to vector<16xf32>
    %swap3A_48 = vector.shape_cast %broadcast_in_dim3A_1 : vector<16xf32> to vector<1x16xf32>
    tpu.vector_store %arg9[%swap3A_44, %swap3A_45], %swap3A_48 {strides = array<i32>} : memref<16x32xf32, #tpu.memory_space<vmem>>, vector<1x16xf32>,
    %swap3A_49 = arith.constant 4 : i32
    %swap3A_50 = arith.index_cast %swap3A_49 : i32 to index
    %swap3A_51 = arith.constant 0 : index
    %swap3A_52 = tpu.vector_load %arg9[%swap3A_50, %swap3A_51] {strides = array<i32>} : memref<16x32xf32, #tpu.memory_space<vmem>>, vector<1x16xf32>,
    %swap3A_53 = vector.shape_cast %swap3A_52 : vector<1x16xf32> to vector<16xf32>
    %swap3A_54 = vector.shape_cast %broadcast_in_dim3A_1 : vector<16xf32> to vector<1x16xf32>
    tpu.vector_store %arg9[%swap3A_50, %swap3A_51], %swap3A_54 {strides = array<i32>} : memref<16x32xf32, #tpu.memory_space<vmem>>, vector<1x16xf32>,
    %swap3A_55 = arith.constant 4 : i32
    %swap3A_56 = arith.index_cast %swap3A_55 : i32 to index
    %swap3A_57 = arith.constant 16 : index
    %swap3A_58 = tpu.vector_load %arg9[%swap3A_56, %swap3A_57] {strides = array<i32>} : memref<16x32xf32, #tpu.memory_space<vmem>>, vector<1x16xf32>,
    %swap3A_59 = vector.shape_cast %swap3A_58 : vector<1x16xf32> to vector<16xf32>
    %swap3A_60 = vector.shape_cast %broadcast_in_dim3A_1 : vector<16xf32> to vector<1x16xf32>
    tpu.vector_store %arg9[%swap3A_56, %swap3A_57], %swap3A_60 {strides = array<i32>} : memref<16x32xf32, #tpu.memory_space<vmem>>, vector<1x16xf32>,
    %swap3A_61 = arith.constant 5 : i32
    %swap3A_62 = arith.index_cast %swap3A_61 : i32 to index
    %swap3A_63 = arith.constant 0 : index
    %swap3A_64 = tpu.vector_load %arg9[%swap3A_62, %swap3A_63] {strides = array<i32>} : memref<16x32xf32, #tpu.memory_space<vmem>>, vector<1x16xf32>,
    %swap3A_65 = vector.shape_cast %swap3A_64 : vector<1x16xf32> to vector<16xf32>
    %swap3A_66 = vector.shape_cast %broadcast_in_dim3A_1 : vector<16xf32> to vector<1x16xf32>
    tpu.vector_store %arg9[%swap3A_62, %swap3A_63], %swap3A_66 {strides = array<i32>} : memref<16x32xf32, #tpu.memory_space<vmem>>, vector<1x16xf32>,
    %swap3A_67 = arith.constant 5 : i32
    %swap3A_68 = arith.index_cast %swap3A_67 : i32 to index
    %swap3A_69 = arith.constant 16 : index
    %swap3A_70 = tpu.vector_load %arg9[%swap3A_68, %swap3A_69] {strides = array<i32>} : memref<16x32xf32, #tpu.memory_space<vmem>>, vector<1x16xf32>,
    %swap3A_71 = vector.shape_cast %swap3A_70 : vector<1x16xf32> to vector<16xf32>
    %swap3A_72 = vector.shape_cast %broadcast_in_dim3A_1 : vector<16xf32> to vector<1x16xf32>
    tpu.vector_store %arg9[%swap3A_68, %swap3A_69], %swap3A_72 {strides = array<i32>} : memref<16x32xf32, #tpu.memory_space<vmem>>, vector<1x16xf32>,
    %swap3A_73 = arith.constant 6 : i32
    %swap3A_74 = arith.index_cast %swap3A_73 : i32 to index
    %swap3A_75 = arith.constant 0 : index
    %swap3A_76 = tpu.vector_load %arg9[%swap3A_74, %swap3A_75] {strides = array<i32>} : memref<16x32xf32, #tpu.memory_space<vmem>>, vector<1x16xf32>,
    %swap3A_77 = vector.shape_cast %swap3A_76 : vector<1x16xf32> to vector<16xf32>
    %swap3A_78 = vector.shape_cast %broadcast_in_dim3A_1 : vector<16xf32> to vector<1x16xf32>
    tpu.vector_store %arg9[%swap3A_74, %swap3A_75], %swap3A_78 {strides = array<i32>} : memref<16x32xf32, #tpu.memory_space<vmem>>, vector<1x16xf32>,
    %swap3A_79 = arith.constant 6 : i32
    %swap3A_80 = arith.index_cast %swap3A_79 : i32 to index
    %swap3A_81 = arith.constant 16 : index
    %swap3A_82 = tpu.vector_load %arg9[%swap3A_80, %swap3A_81] {strides = array<i32>} : memref<16x32xf32, #tpu.memory_space<vmem>>, vector<1x16xf32>,
    %swap3A_83 = vector.shape_cast %swap3A_82 : vector<1x16xf32> to vector<16xf32>
    %swap3A_84 = vector.shape_cast %broadcast_in_dim3A_1 : vector<16xf32> to vector<1x16xf32>
    tpu.vector_store %arg9[%swap3A_80, %swap3A_81], %swap3A_84 {strides = array<i32>} : memref<16x32xf32, #tpu.memory_space<vmem>>, vector<1x16xf32>,
    %swap3A_85 = arith.constant 7 : i32
    %swap3A_86 = arith.index_cast %swap3A_85 : i32 to index
    %swap3A_87 = arith.constant 0 : index
    %swap3A_88 = tpu.vector_load %arg9[%swap3A_86, %swap3A_87] {strides = array<i32>} : memref<16x32xf32, #tpu.memory_space<vmem>>, vector<1x16xf32>,
    %swap3A_89 = vector.shape_cast %swap3A_88 : vector<1x16xf32> to vector<16xf32>
    %swap3A_90 = vector.shape_cast %broadcast_in_dim3A_1 : vector<16xf32> to vector<1x16xf32>
    tpu.vector_store %arg9[%swap3A_86, %swap3A_87], %swap3A_90 {strides = array<i32>} : memref<16x32xf32, #tpu.memory_space<vmem>>, vector<1x16xf32>,
    %swap3A_91 = arith.constant 7 : i32
    %swap3A_92 = arith.index_cast %swap3A_91 : i32 to index
    %swap3A_93 = arith.constant 16 : index
    %swap3A_94 = tpu.vector_load %arg9[%swap3A_92, %swap3A_93] {strides = array<i32>} : memref<16x32xf32, #tpu.memory_space<vmem>>, vector<1x16xf32>,
    %swap3A_95 = vector.shape_cast %swap3A_94 : vector<1x16xf32> to vector<16xf32>
    %swap3A_96 = vector.shape_cast %broadcast_in_dim3A_1 : vector<16xf32> to vector<1x16xf32>
    tpu.vector_store %arg9[%swap3A_92, %swap3A_93], %swap3A_96 {strides = array<i32>} : memref<16x32xf32, #tpu.memory_space<vmem>>, vector<1x16xf32>,
    %swap3A_97 = arith.constant 8 : i32
    %swap3A_98 = arith.index_cast %swap3A_97 : i32 to index
    %swap3A_99 = arith.constant 0 : index
    %swap3A_100 = tpu.vector_load %arg9[%swap3A_98, %swap3A_99] {strides = array<i32>} : memref<16x32xf32, #tpu.memory_space<vmem>>, vector<1x16xf32>,
    %swap3A_101 = vector.shape_cast %swap3A_100 : vector<1x16xf32> to vector<16xf32>
    %swap3A_102 = vector.shape_cast %broadcast_in_dim3A_1 : vector<16xf32> to vector<1x16xf32>
    tpu.vector_store %arg9[%swap3A_98, %swap3A_99], %swap3A_102 {strides = array<i32>} : memref<16x32xf32, #tpu.memory_space<vmem>>, vector<1x16xf32>,
    %swap3A_103 = arith.constant 8 : i32
    %swap3A_104 = arith.index_cast %swap3A_103 : i32 to index
    %swap3A_105 = arith.constant 16 : index
    %swap3A_106 = tpu.vector_load %arg9[%swap3A_104, %swap3A_105] {strides = array<i32>} : memref<16x32xf32, #tpu.memory_space<vmem>>, vector<1x16xf32>,
    %swap3A_107 = vector.shape_cast %swap3A_106 : vector<1x16xf32> to vector<16xf32>
    %swap3A_108 = vector.shape_cast %broadcast_in_dim3A_1 : vector<16xf32> to vector<1x16xf32>
    tpu.vector_store %arg9[%swap3A_104, %swap3A_105], %swap3A_108 {strides = array<i32>} : memref<16x32xf32, #tpu.memory_space<vmem>>, vector<1x16xf32>,
    %swap3A_109 = arith.constant 9 : i32
    %swap3A_110 = arith.index_cast %swap3A_109 : i32 to index
    %swap3A_111 = arith.constant 0 : index
    %swap3A_112 = tpu.vector_load %arg9[%swap3A_110, %swap3A_111] {strides = array<i32>} : memref<16x32xf32, #tpu.memory_space<vmem>>, vector<1x16xf32>,
    %swap3A_113 = vector.shape_cast %swap3A_112 : vector<1x16xf32> to vector<16xf32>
    %swap3A_114 = vector.shape_cast %broadcast_in_dim3A_1 : vector<16xf32> to vector<1x16xf32>
    tpu.vector_store %arg9[%swap3A_110, %swap3A_111], %swap3A_114 {strides = array<i32>} : memref<16x32xf32, #tpu.memory_space<vmem>>, vector<1x16xf32>,
    %swap3A_115 = arith.constant 9 : i32
    %swap3A_116 = arith.index_cast %swap3A_115 : i32 to index
    %swap3A_117 = arith.constant 16 : index
    %swap3A_118 = tpu.vector_load %arg9[%swap3A_116, %swap3A_117] {strides = array<i32>} : memref<16x32xf32, #tpu.memory_space<vmem>>, vector<1x16xf32>,
    %swap3A_119 = vector.shape_cast %swap3A_118 : vector<1x16xf32> to vector<16xf32>
    %swap3A_120 = vector.shape_cast %broadcast_in_dim3A_1 : vector<16xf32> to vector<1x16xf32>
    tpu.vector_store %arg9[%swap3A_116, %swap3A_117], %swap3A_120 {strides = array<i32>} : memref<16x32xf32, #tpu.memory_space<vmem>>, vector<1x16xf32>,
    %swap3A_121 = arith.constant 10 : i32
    %swap3A_122 = arith.index_cast %swap3A_121 : i32 to index
    %swap3A_123 = arith.constant 0 : index
    %swap3A_124 = tpu.vector_load %arg9[%swap3A_122, %swap3A_123] {strides = array<i32>} : memref<16x32xf32, #tpu.memory_space<vmem>>, vector<1x16xf32>,
    %swap3A_125 = vector.shape_cast %swap3A_124 : vector<1x16xf32> to vector<16xf32>
    %swap3A_126 = vector.shape_cast %broadcast_in_dim3A_1 : vector<16xf32> to vector<1x16xf32>
    tpu.vector_store %arg9[%swap3A_122, %swap3A_123], %swap3A_126 {strides = array<i32>} : memref<16x32xf32, #tpu.memory_space<vmem>>, vector<1x16xf32>,
    %swap3A_127 = arith.constant 10 : i32
    %swap3A_128 = arith.index_cast %swap3A_127 : i32 to index
    %swap3A_129 = arith.constant 16 : index
    %swap3A_130 = tpu.vector_load %arg9[%swap3A_128, %swap3A_129] {strides = array<i32>} : memref<16x32xf32, #tpu.memory_space<vmem>>, vector<1x16xf32>,
    %swap3A_131 = vector.shape_cast %swap3A_130 : vector<1x16xf32> to vector<16xf32>
    %swap3A_132 = vector.shape_cast %broadcast_in_dim3A_1 : vector<16xf32> to vector<1x16xf32>
    tpu.vector_store %arg9[%swap3A_128, %swap3A_129], %swap3A_132 {strides = array<i32>} : memref<16x32xf32, #tpu.memory_space<vmem>>, vector<1x16xf32>,
    %swap3A_133 = arith.constant 11 : i32
    %swap3A_134 = arith.index_cast %swap3A_133 : i32 to index
    %swap3A_135 = arith.constant 0 : index
    %swap3A_136 = tpu.vector_load %arg9[%swap3A_134, %swap3A_135] {strides = array<i32>} : memref<16x32xf32, #tpu.memory_space<vmem>>, vector<1x16xf32>,
    %swap3A_137 = vector.shape_cast %swap3A_136 : vector<1x16xf32> to vector<16xf32>
    %swap3A_138 = vector.shape_cast %broadcast_in_dim3A_1 : vector<16xf32> to vector<1x16xf32>
    tpu.vector_store %arg9[%swap3A_134, %swap3A_135], %swap3A_138 {strides = array<i32>} : memref<16x32xf32, #tpu.memory_space<vmem>>, vector<1x16xf32>,
    %swap3A_139 = arith.constant 11 : i32
    %swap3A_140 = arith.index_cast %swap3A_139 : i32 to index
    %swap3A_141 = arith.constant 16 : index
    %swap3A_142 = tpu.vector_load %arg9[%swap3A_140, %swap3A_141] {strides = array<i32>} : memref<16x32xf32, #tpu.memory_space<vmem>>, vector<1x16xf32>,
    %swap3A_143 = vector.shape_cast %swap3A_142 : vector<1x16xf32> to vector<16xf32>
    %swap3A_144 = vector.shape_cast %broadcast_in_dim3A_1 : vector<16xf32> to vector<1x16xf32>
    tpu.vector_store %arg9[%swap3A_140, %swap3A_141], %swap3A_144 {strides = array<i32>} : memref<16x32xf32, #tpu.memory_space<vmem>>, vector<1x16xf32>,
    %swap3A_145 = arith.constant 12 : i32
    %swap3A_146 = arith.index_cast %swap3A_145 : i32 to index
    %swap3A_147 = arith.constant 0 : index
    %swap3A_148 = tpu.vector_load %arg9[%swap3A_146, %swap3A_147] {strides = array<i32>} : memref<16x32xf32, #tpu.memory_space<vmem>>, vector<1x16xf32>,
    %swap3A_149 = vector.shape_cast %swap3A_148 : vector<1x16xf32> to vector<16xf32>
    %swap3A_150 = vector.shape_cast %broadcast_in_dim3A_1 : vector<16xf32> to vector<1x16xf32>
    tpu.vector_store %arg9[%swap3A_146, %swap3A_147], %swap3A_150 {strides = array<i32>} : memref<16x32xf32, #tpu.memory_space<vmem>>, vector<1x16xf32>,
    %swap3A_151 = arith.constant 12 : i32
    %swap3A_152 = arith.index_cast %swap3A_151 : i32 to index
    %swap3A_153 = arith.constant 16 : index
    %swap3A_154 = tpu.vector_load %arg9[%swap3A_152, %swap3A_153] {strides = array<i32>} : memref<16x32xf32, #tpu.memory_space<vmem>>, vector<1x16xf32>,
    %swap3A_155 = vector.shape_cast %swap3A_154 : vector<1x16xf32> to vector<16xf32>
    %swap3A_156 = vector.shape_cast %broadcast_in_dim3A_1 : vector<16xf32> to vector<1x16xf32>
    tpu.vector_store %arg9[%swap3A_152, %swap3A_153], %swap3A_156 {strides = array<i32>} : memref<16x32xf32, #tpu.memory_space<vmem>>, vector<1x16xf32>,
    %swap3A_157 = arith.constant 13 : i32
    %swap3A_158 = arith.index_cast %swap3A_157 : i32 to index
    %swap3A_159 = arith.constant 0 : index
    %swap3A_160 = tpu.vector_load %arg9[%swap3A_158, %swap3A_159] {strides = array<i32>} : memref<16x32xf32, #tpu.memory_space<vmem>>, vector<1x16xf32>,
    %swap3A_161 = vector.shape_cast %swap3A_160 : vector<1x16xf32> to vector<16xf32>
    %swap3A_162 = vector.shape_cast %broadcast_in_dim3A_1 : vector<16xf32> to vector<1x16xf32>
    tpu.vector_store %arg9[%swap3A_158, %swap3A_159], %swap3A_162 {strides = array<i32>} : memref<16x32xf32, #tpu.memory_space<vmem>>, vector<1x16xf32>,
    %swap3A_163 = arith.constant 13 : i32
    %swap3A_164 = arith.index_cast %swap3A_163 : i32 to index
    %swap3A_165 = arith.constant 16 : index
    %swap3A_166 = tpu.vector_load %arg9[%swap3A_164, %swap3A_165] {strides = array<i32>} : memref<16x32xf32, #tpu.memory_space<vmem>>, vector<1x16xf32>,
    %swap3A_167 = vector.shape_cast %swap3A_166 : vector<1x16xf32> to vector<16xf32>
    %swap3A_168 = vector.shape_cast %broadcast_in_dim3A_1 : vector<16xf32> to vector<1x16xf32>
    tpu.vector_store %arg9[%swap3A_164, %swap3A_165], %swap3A_168 {strides = array<i32>} : memref<16x32xf32, #tpu.memory_space<vmem>>, vector<1x16xf32>,
    %swap3A_169 = arith.constant 14 : i32
    %swap3A_170 = arith.index_cast %swap3A_169 : i32 to index
    %swap3A_171 = arith.constant 0 : index
    %swap3A_172 = tpu.vector_load %arg9[%swap3A_170, %swap3A_171] {strides = array<i32>} : memref<16x32xf32, #tpu.memory_space<vmem>>, vector<1x16xf32>,
    %swap3A_173 = vector.shape_cast %swap3A_172 : vector<1x16xf32> to vector<16xf32>
    %swap3A_174 = vector.shape_cast %broadcast_in_dim3A_1 : vector<16xf32> to vector<1x16xf32>
    tpu.vector_store %arg9[%swap3A_170, %swap3A_171], %swap3A_174 {strides = array<i32>} : memref<16x32xf32, #tpu.memory_space<vmem>>, vector<1x16xf32>,
    %swap3A_175 = arith.constant 14 : i32
    %swap3A_176 = arith.index_cast %swap3A_175 : i32 to index
    %swap3A_177 = arith.constant 16 : index
    %swap3A_178 = tpu.vector_load %arg9[%swap3A_176, %swap3A_177] {strides = array<i32>} : memref<16x32xf32, #tpu.memory_space<vmem>>, vector<1x16xf32>,
    %swap3A_179 = vector.shape_cast %swap3A_178 : vector<1x16xf32> to vector<16xf32>
    %swap3A_180 = vector.shape_cast %broadcast_in_dim3A_1 : vector<16xf32> to vector<1x16xf32>
    tpu.vector_store %arg9[%swap3A_176, %swap3A_177], %swap3A_180 {strides = array<i32>} : memref<16x32xf32, #tpu.memory_space<vmem>>, vector<1x16xf32>,
    %swap3A_181 = arith.constant 15 : i32
    %swap3A_182 = arith.index_cast %swap3A_181 : i32 to index
    %swap3A_183 = arith.constant 0 : index
    %swap3A_184 = tpu.vector_load %arg9[%swap3A_182, %swap3A_183] {strides = array<i32>} : memref<16x32xf32, #tpu.memory_space<vmem>>, vector<1x16xf32>,
    %swap3A_185 = vector.shape_cast %swap3A_184 : vector<1x16xf32> to vector<16xf32>
    %swap3A_186 = vector.shape_cast %broadcast_in_dim3A_1 : vector<16xf32> to vector<1x16xf32>
    tpu.vector_store %arg9[%swap3A_182, %swap3A_183], %swap3A_186 {strides = array<i32>} : memref<16x32xf32, #tpu.memory_space<vmem>>, vector<1x16xf32>,
    %swap3A_187 = arith.constant 15 : i32
    %swap3A_188 = arith.index_cast %swap3A_187 : i32 to index
    %swap3A_189 = arith.constant 16 : index
    %swap3A_190 = tpu.vector_load %arg9[%swap3A_188, %swap3A_189] {strides = array<i32>} : memref<16x32xf32, #tpu.memory_space<vmem>>, vector<1x16xf32>,
    %swap3A_191 = vector.shape_cast %swap3A_190 : vector<1x16xf32> to vector<16xf32>
    %swap3A_192 = vector.shape_cast %broadcast_in_dim3A_1 : vector<16xf32> to vector<1x16xf32>
    tpu.vector_store %arg9[%swap3A_188, %swap3A_189], %swap3A_192 {strides = array<i32>} : memref<16x32xf32, #tpu.memory_space<vmem>>, vector<1x16xf32>,
    %scan3A = arith.constant 0 : i32
    %scan3A_193 = arith.constant 120 : i32
    %scan3A_194 = arith.addi %scan3A, %scan3A_193 : i32
    %scan3A_195 = arith.constant 1 : i32
    scf.for %scan3A_207 = %scan3A to %scan3A_194 step %scan3A_195  : i32 {
      %mul3A_208 = arith.constant 1920 : i32
      %mul3A_209 = arith.muli %arg1, %mul3A_208 : i32
      %mul3A_210 = arith.constant 16 : i32
      %mul3A_211 = arith.muli %scan3A_207, %mul3A_210 : i32
      %add3A_212 = arith.addi %mul3A_209, %mul3A_211 : i32
      "tpu.region"() ({
        %run_scoped3A = tpu.sem_alloc : memref<!tpu.dma_semaphore, #tpu.memory_space<semaphore_mem>>
        %dma_start3A = arith.constant 0 : i32
        %dma_start3A_213 = tpu.memref_slice %arg10[%add3A_212, %dma_start3A] : memref<30720x32xf32, #tpu.memory_space<vmem_shared>> -> memref<16x32xf32, #tpu.memory_space<vmem_shared>>
        %dma_start3A_214 = arith.constant 0 : i32
        %dma_start3A_215 = tpu.memref_slice %arg10[%add3A_212, %dma_start3A_214] : memref<30720x32xf32, #tpu.memory_space<vmem_shared>> -> memref<16x32xf32, #tpu.memory_space<vmem_shared>>
        tpu.enqueue_dma source(%arg9 : memref<16x32xf32, #tpu.memory_space<vmem>>) target(%dma_start3A_215 : memref<16x32xf32, #tpu.memory_space<vmem_shared>>) target_semaphore(%run_scoped3A : memref<!tpu.dma_semaphore, #tpu.memory_space<semaphore_mem>>)
        %dma_wait3A = arith.constant 0 : i32
        %dma_wait3A_216 = tpu.memref_slice %arg10[%add3A_212, %dma_wait3A] : memref<30720x32xf32, #tpu.memory_space<vmem_shared>> -> memref<16x32xf32, #tpu.memory_space<vmem_shared>>
        %dma_wait3A_217 = arith.constant 0 : i32
        %dma_wait3A_218 = tpu.memref_slice %arg10[%add3A_212, %dma_wait3A_217] : memref<30720x32xf32, #tpu.memory_space<vmem_shared>> -> memref<16x32xf32, #tpu.memory_space<vmem_shared>>
        tpu.wait_dma2 semaphore(%run_scoped3A : memref<!tpu.dma_semaphore, #tpu.memory_space<semaphore_mem>>) src(%arg9 : memref<16x32xf32, #tpu.memory_space<vmem>>) dst(%dma_wait3A_218 : memref<16x32xf32, #tpu.memory_space<vmem_shared>>)
        tpu.yield
      }) : () -> ()
    }
    %scan3A_196 = arith.constant 120 : i32
    "tpu.region"() ({
      %run_scoped3A = tpu.sem_alloc : memref<!tpu.dma_semaphore, #tpu.memory_space<semaphore_mem>>
      %dma_start3A = arith.constant 0 : i32
      %dma_start3A_207 = arith.constant 0 : i32
      %dma_start3A_208 = tpu.memref_slice %arg3[%add3A, %dma_start3A, %dma_start3A_207] : memref<32x235x128xi32, #tpu.memory_space<hbm>> -> memref<1x235x128xi32, #tpu.memory_space<hbm>>
      %dma_start3A_209 = tpu.memref_squeeze %dma_start3A_208 : memref<1x235x128xi32, #tpu.memory_space<hbm>> -> memref<235x128xi32, #tpu.memory_space<hbm>>
      %dma_start3A_210 = arith.constant 0 : i32
      %dma_start3A_211 = arith.constant 0 : i32
      %dma_start3A_212 = tpu.memref_slice %arg3[%add3A, %dma_start3A_210, %dma_start3A_211] : memref<32x235x128xi32, #tpu.memory_space<hbm>> -> memref<1x235x128xi32, #tpu.memory_space<hbm>>
      %dma_start3A_213 = tpu.memref_squeeze %dma_start3A_212 : memref<1x235x128xi32, #tpu.memory_space<hbm>> -> memref<235x128xi32, #tpu.memory_space<hbm>>
      tpu.enqueue_dma source(%dma_start3A_213 : memref<235x128xi32, #tpu.memory_space<hbm>>) target(%arg6 : memref<235x128xi32, #tpu.memory_space<vmem>>) target_semaphore(%run_scoped3A : memref<!tpu.dma_semaphore, #tpu.memory_space<semaphore_mem>>)
      %dma_wait3A = arith.constant 0 : i32
      %dma_wait3A_214 = arith.constant 0 : i32
      %dma_wait3A_215 = tpu.memref_slice %arg3[%add3A, %dma_wait3A, %dma_wait3A_214] : memref<32x235x128xi32, #tpu.memory_space<hbm>> -> memref<1x235x128xi32, #tpu.memory_space<hbm>>
      %dma_wait3A_216 = tpu.memref_squeeze %dma_wait3A_215 : memref<1x235x128xi32, #tpu.memory_space<hbm>> -> memref<235x128xi32, #tpu.memory_space<hbm>>
      %dma_wait3A_217 = arith.constant 0 : i32
      %dma_wait3A_218 = arith.constant 0 : i32
      %dma_wait3A_219 = tpu.memref_slice %arg3[%add3A, %dma_wait3A_217, %dma_wait3A_218] : memref<32x235x128xi32, #tpu.memory_space<hbm>> -> memref<1x235x128xi32, #tpu.memory_space<hbm>>
      %dma_wait3A_220 = tpu.memref_squeeze %dma_wait3A_219 : memref<1x235x128xi32, #tpu.memory_space<hbm>> -> memref<235x128xi32, #tpu.memory_space<hbm>>
      tpu.wait_dma2 semaphore(%run_scoped3A : memref<!tpu.dma_semaphore, #tpu.memory_space<semaphore_mem>>) src(%dma_wait3A_220 : memref<235x128xi32, #tpu.memory_space<hbm>>) dst(%arg6 : memref<235x128xi32, #tpu.memory_space<vmem>>)
      tpu.yield
    }) : () -> ()
    "tpu.region"() ({
      %run_scoped3A = tpu.sem_alloc : memref<!tpu.dma_semaphore, #tpu.memory_space<semaphore_mem>>
      %dma_start3A = arith.constant 0 : i32
      %dma_start3A_207 = arith.constant 0 : i32
      %dma_start3A_208 = tpu.memref_slice %arg4[%add3A, %dma_start3A, %dma_start3A_207] : memref<32x235x128xi32, #tpu.memory_space<hbm>> -> memref<1x235x128xi32, #tpu.memory_space<hbm>>
      %dma_start3A_209 = tpu.memref_squeeze %dma_start3A_208 : memref<1x235x128xi32, #tpu.memory_space<hbm>> -> memref<235x128xi32, #tpu.memory_space<hbm>>
      %dma_start3A_210 = arith.constant 0 : i32
      %dma_start3A_211 = arith.constant 0 : i32
      %dma_start3A_212 = tpu.memref_slice %arg4[%add3A, %dma_start3A_210, %dma_start3A_211] : memref<32x235x128xi32, #tpu.memory_space<hbm>> -> memref<1x235x128xi32, #tpu.memory_space<hbm>>
      %dma_start3A_213 = tpu.memref_squeeze %dma_start3A_212 : memref<1x235x128xi32, #tpu.memory_space<hbm>> -> memref<235x128xi32, #tpu.memory_space<hbm>>
      tpu.enqueue_dma source(%dma_start3A_213 : memref<235x128xi32, #tpu.memory_space<hbm>>) target(%arg7 : memref<235x128xi32, #tpu.memory_space<vmem>>) target_semaphore(%run_scoped3A : memref<!tpu.dma_semaphore, #tpu.memory_space<semaphore_mem>>)
      %dma_wait3A = arith.constant 0 : i32
      %dma_wait3A_214 = arith.constant 0 : i32
      %dma_wait3A_215 = tpu.memref_slice %arg4[%add3A, %dma_wait3A, %dma_wait3A_214] : memref<32x235x128xi32, #tpu.memory_space<hbm>> -> memref<1x235x128xi32, #tpu.memory_space<hbm>>
      %dma_wait3A_216 = tpu.memref_squeeze %dma_wait3A_215 : memref<1x235x128xi32, #tpu.memory_space<hbm>> -> memref<235x128xi32, #tpu.memory_space<hbm>>
      %dma_wait3A_217 = arith.constant 0 : i32
      %dma_wait3A_218 = arith.constant 0 : i32
      %dma_wait3A_219 = tpu.memref_slice %arg4[%add3A, %dma_wait3A_217, %dma_wait3A_218] : memref<32x235x128xi32, #tpu.memory_space<hbm>> -> memref<1x235x128xi32, #tpu.memory_space<hbm>>
      %dma_wait3A_220 = tpu.memref_squeeze %dma_wait3A_219 : memref<1x235x128xi32, #tpu.memory_space<hbm>> -> memref<235x128xi32, #tpu.memory_space<hbm>>
      tpu.wait_dma2 semaphore(%run_scoped3A : memref<!tpu.dma_semaphore, #tpu.memory_space<semaphore_mem>>) src(%dma_wait3A_220 : memref<235x128xi32, #tpu.memory_space<hbm>>) dst(%arg7 : memref<235x128xi32, #tpu.memory_space<vmem>>)
      tpu.yield
    }) : () -> ()
    %barrier3A = arith.constant 0 : index
    tpu.barrier barrier_id(%barrier3A)
    %scan3A_197 = arith.constant 0 : i32
    %scan3A_198 = arith.constant 235 : i32
    %scan3A_199 = arith.addi %scan3A_197, %scan3A_198 : i32
    %scan3A_200 = arith.constant 1 : i32
    scf.for %scan3A_207 = %scan3A_197 to %scan3A_199 step %scan3A_200  : i32 {
      %dma_start3A = arith.constant 0 : i32
      %dma_start3A_208 = tpu.memref_slice %arg6[%scan3A_207, %dma_start3A] : memref<235x128xi32, #tpu.memory_space<vmem>> -> memref<1x128xi32, #tpu.memory_space<vmem>>
      %dma_start3A_209 = tpu.memref_squeeze %dma_start3A_208 : memref<1x128xi32, #tpu.memory_space<vmem>> -> memref<128xi32, #tpu.memory_space<vmem>>
      %dma_start3A_210 = arith.constant 0 : i32
      %dma_start3A_211 = arith.constant 0 : i32
      %dma_start3A_212 = tpu.memref_slice %arg2[%dma_start3A_210, %dma_start3A_211] : memref<30720x32xf32, #tpu.memory_space<hbm>> -> memref<30720x32xf32, #tpu.memory_space<hbm>>
      tpu.enqueue_indirect_dma source(%dma_start3A_212 : memref<30720x32xf32, #tpu.memory_space<hbm>>) target(%arg8 : memref<128x32xf32, #tpu.memory_space<vmem>>) offsets(%dma_start3A_209 : memref<128xi32, #tpu.memory_space<vmem>>) semaphore(%arg11 : memref<!tpu.dma_semaphore, #tpu.memory_space<semaphore_mem>>)
      %dma_wait3A = arith.constant 0 : i32
      %dma_wait3A_213 = tpu.memref_slice %arg6[%scan3A_207, %dma_wait3A] : memref<235x128xi32, #tpu.memory_space<vmem>> -> memref<1x128xi32, #tpu.memory_space<vmem>>
      %dma_wait3A_214 = tpu.memref_squeeze %dma_wait3A_213 : memref<1x128xi32, #tpu.memory_space<vmem>> -> memref<128xi32, #tpu.memory_space<vmem>>
      %dma_wait3A_215 = arith.constant 0 : i32
      %dma_wait3A_216 = arith.constant 0 : i32
      %dma_wait3A_217 = tpu.memref_slice %arg2[%dma_wait3A_215, %dma_wait3A_216] : memref<30720x32xf32, #tpu.memory_space<hbm>> -> memref<30720x32xf32, #tpu.memory_space<hbm>>
      tpu.wait_indirect_dma semaphore(%arg11 : memref<!tpu.dma_semaphore, #tpu.memory_space<semaphore_mem>>) src(%dma_wait3A_217 : memref<30720x32xf32, #tpu.memory_space<hbm>>) dst(%arg8 : memref<128x32xf32, #tpu.memory_space<vmem>>)
      "tpu.region"() ({
        %run_scoped3A = tpu.sem_alloc : memref<!tpu.dma_semaphore, #tpu.memory_space<semaphore_mem>>
        %dma_start3A_218 = arith.constant 0 : i32
        %dma_start3A_219 = tpu.memref_slice %arg7[%scan3A_207, %dma_start3A_218] : memref<235x128xi32, #tpu.memory_space<vmem>> -> memref<1x128xi32, #tpu.memory_space<vmem>>
        %dma_start3A_220 = tpu.memref_squeeze %dma_start3A_219 : memref<1x128xi32, #tpu.memory_space<vmem>> -> memref<128xi32, #tpu.memory_space<vmem>>
        %dma_start3A_221 = arith.constant 0 : i32
        %dma_start3A_222 = arith.constant 0 : i32
        %dma_start3A_223 = tpu.memref_slice %arg10[%dma_start3A_221, %dma_start3A_222] : memref<30720x32xf32, #tpu.memory_space<vmem_shared>> -> memref<30720x32xf32, #tpu.memory_space<vmem_shared>>
        tpu.enqueue_indirect_dma source(%arg8 : memref<128x32xf32, #tpu.memory_space<vmem>>) target(%dma_start3A_223 : memref<30720x32xf32, #tpu.memory_space<vmem_shared>>) offsets(%dma_start3A_220 : memref<128xi32, #tpu.memory_space<vmem>>) semaphore(%run_scoped3A : memref<!tpu.dma_semaphore, #tpu.memory_space<semaphore_mem>>) {add = true}
        %dma_wait3A_224 = arith.constant 0 : i32
        %dma_wait3A_225 = tpu.memref_slice %arg7[%scan3A_207, %dma_wait3A_224] : memref<235x128xi32, #tpu.memory_space<vmem>> -> memref<1x128xi32, #tpu.memory_space<vmem>>
        %dma_wait3A_226 = tpu.memref_squeeze %dma_wait3A_225 : memref<1x128xi32, #tpu.memory_space<vmem>> -> memref<128xi32, #tpu.memory_space<vmem>>
        %dma_wait3A_227 = arith.constant 0 : i32
        %dma_wait3A_228 = arith.constant 0 : i32
        %dma_wait3A_229 = tpu.memref_slice %arg10[%dma_wait3A_227, %dma_wait3A_228] : memref<30720x32xf32, #tpu.memory_space<vmem_shared>> -> memref<30720x32xf32, #tpu.memory_space<vmem_shared>>
        tpu.wait_indirect_dma semaphore(%run_scoped3A : memref<!tpu.dma_semaphore, #tpu.memory_space<semaphore_mem>>) src(%arg8 : memref<128x32xf32, #tpu.memory_space<vmem>>) dst(%dma_wait3A_229 : memref<30720x32xf32, #tpu.memory_space<vmem_shared>>)
        tpu.yield
      }) : () -> ()
    }
    %scan3A_201 = arith.constant 235 : i32
    %barrier3A_202 = arith.constant 0 : index
    tpu.barrier barrier_id(%barrier3A_202)
    %mul3A_203 = arith.constant 1920 : i32
    %mul3A_204 = arith.muli %arg1, %mul3A_203 : i32
    %mul3A_205 = arith.constant 1920 : i32
    %mul3A_206 = arith.muli %arg1, %mul3A_205 : i32
    "tpu.region"() ({
      %run_scoped3A = tpu.sem_alloc : memref<!tpu.dma_semaphore, #tpu.memory_space<semaphore_mem>>
      %dma_start3A = arith.constant 0 : i32
      %dma_start3A_207 = tpu.memref_slice %arg5[%arg0, %mul3A_206, %dma_start3A] : memref<2x30720x32xf32, #tpu.memory_space<hbm>> -> memref<1x1920x32xf32, #tpu.memory_space<hbm>>
      %dma_start3A_208 = tpu.memref_squeeze %dma_start3A_207 : memref<1x1920x32xf32, #tpu.memory_space<hbm>> -> memref<1920x32xf32, #tpu.memory_space<hbm>>
      %dma_start3A_209 = arith.constant 0 : i32
      %dma_start3A_210 = tpu.memref_slice %arg10[%mul3A_204, %dma_start3A_209] : memref<30720x32xf32, #tpu.memory_space<vmem_shared>> -> memref<1920x32xf32, #tpu.memory_space<vmem_shared>>
      tpu.enqueue_dma source(%dma_start3A_210 : memref<1920x32xf32, #tpu.memory_space<vmem_shared>>) target(%dma_start3A_208 : memref<1920x32xf32, #tpu.memory_space<hbm>>) target_semaphore(%run_scoped3A : memref<!tpu.dma_semaphore, #tpu.memory_space<semaphore_mem>>)
      %dma_wait3A = arith.constant 0 : i32
      %dma_wait3A_211 = tpu.memref_slice %arg5[%arg0, %mul3A_206, %dma_wait3A] : memref<2x30720x32xf32, #tpu.memory_space<hbm>> -> memref<1x1920x32xf32, #tpu.memory_space<hbm>>
      %dma_wait3A_212 = tpu.memref_squeeze %dma_wait3A_211 : memref<1x1920x32xf32, #tpu.memory_space<hbm>> -> memref<1920x32xf32, #tpu.memory_space<hbm>>
      %dma_wait3A_213 = arith.constant 0 : i32
      %dma_wait3A_214 = tpu.memref_slice %arg10[%mul3A_204, %dma_wait3A_213] : memref<30720x32xf32, #tpu.memory_space<vmem_shared>> -> memref<1920x32xf32, #tpu.memory_space<vmem_shared>>
      tpu.wait_dma2 semaphore(%run_scoped3A : memref<!tpu.dma_semaphore, #tpu.memory_space<semaphore_mem>>) src(%dma_wait3A_214 : memref<1920x32xf32, #tpu.memory_space<vmem_shared>>) dst(%dma_wait3A_212 : memref<1920x32xf32, #tpu.memory_space<hbm>>)
      tpu.yield
    }) : () -> ()
    return
  }
}

#map = affine_map<(d0, d1) -> (0, 0)>
#map1 = affine_map<(d0, d1) -> (0, 0, 0)>
module attributes {stable_mosaic.version = 14 : i64} {
  func.func @prop_k(%arg0: i32, %arg1: i32, %arg2: memref<30720x32xf32, #tpu.memory_space<hbm>>, %arg3: memref<32x235x128xi32, #tpu.memory_space<hbm>>, %arg4: memref<32x235x128xi32, #tpu.memory_space<hbm>>, %arg5: memref<2x30720x32xf32, #tpu.memory_space<hbm>>, %arg6: memref<235x128xi32, #tpu.memory_space<vmem>>, %arg7: memref<235x128xi32, #tpu.memory_space<vmem>>, %arg8: memref<128x32xf32, #tpu.memory_space<vmem>>, %arg9: memref<16x32xf32, #tpu.memory_space<vmem>>, %arg10: memref<30720x32xf32, #tpu.memory_space<vmem_shared>>, %arg11: memref<!tpu.dma_semaphore, #tpu.memory_space<semaphore_mem>>) attributes {dimension_semantics = [#tpu.dimension_semantics<core_parallel>, #tpu.dimension_semantics<subcore_parallel>], iteration_bounds = array<i64: 2, 16>, scalar_prefetch = 0 : i64, scratch_operands = 6 : i64, tpu.core_type = #tpu.core_type<sc_vector_subcore>, window_params = [{transform_indices = #map}, {transform_indices = #map1}, {transform_indices = #map1}, {transform_indices = #map1}]} {
    %mul3A = arith.constant 2 : i32
    %mul3A_0 = arith.muli %arg1, %mul3A : i32
    %add3A = arith.addi %mul3A_0, %arg0 : i32
    %broadcast_in_dim3A = arith.constant 0.000000e+00 : f32
    %broadcast_in_dim3A_1 = vector.broadcast %broadcast_in_dim3A : f32 to vector<16xf32>
    %swap3A = arith.constant 0 : i32
    %swap3A_2 = arith.index_cast %swap3A : i32 to index
    %swap3A_3 = arith.constant 0 : index
    %swap3A_4 = tpu.vector_load %arg9[%swap3A_2, %swap3A_3] {strides = array<i32>} : memref<16x32xf32, #tpu.memory_space<vmem>>, vector<1x16xf32>,
    %swap3A_5 = vector.shape_cast %swap3A_4 : vector<1x16xf32> to vector<16xf32>
    %swap3A_6 = vector.shape_cast %broadcast_in_dim3A_1 : vector<16xf32> to vector<1x16xf32>
    tpu.vector_store %arg9[%swap3A_2, %swap3A_3], %swap3A_6 {strides = array<i32>} : memref<16x32xf32, #tpu.memory_space<vmem>>, vector<1x16xf32>,
    %swap3A_7 = arith.constant 0 : i32
    %swap3A_8 = arith.index_cast %swap3A_7 : i32 to index
    %swap3A_9 = arith.constant 16 : index
    %swap3A_10 = tpu.vector_load %arg9[%swap3A_8, %swap3A_9] {strides = array<i32>} : memref<16x32xf32, #tpu.memory_space<vmem>>, vector<1x16xf32>,
    %swap3A_11 = vector.shape_cast %swap3A_10 : vector<1x16xf32> to vector<16xf32>
    %swap3A_12 = vector.shape_cast %broadcast_in_dim3A_1 : vector<16xf32> to vector<1x16xf32>
    tpu.vector_store %arg9[%swap3A_8, %swap3A_9], %swap3A_12 {strides = array<i32>} : memref<16x32xf32, #tpu.memory_space<vmem>>, vector<1x16xf32>,
    %swap3A_13 = arith.constant 1 : i32
    %swap3A_14 = arith.index_cast %swap3A_13 : i32 to index
    %swap3A_15 = arith.constant 0 : index
    %swap3A_16 = tpu.vector_load %arg9[%swap3A_14, %swap3A_15] {strides = array<i32>} : memref<16x32xf32, #tpu.memory_space<vmem>>, vector<1x16xf32>,
    %swap3A_17 = vector.shape_cast %swap3A_16 : vector<1x16xf32> to vector<16xf32>
    %swap3A_18 = vector.shape_cast %broadcast_in_dim3A_1 : vector<16xf32> to vector<1x16xf32>
    tpu.vector_store %arg9[%swap3A_14, %swap3A_15], %swap3A_18 {strides = array<i32>} : memref<16x32xf32, #tpu.memory_space<vmem>>, vector<1x16xf32>,
    %swap3A_19 = arith.constant 1 : i32
    %swap3A_20 = arith.index_cast %swap3A_19 : i32 to index
    %swap3A_21 = arith.constant 16 : index
    %swap3A_22 = tpu.vector_load %arg9[%swap3A_20, %swap3A_21] {strides = array<i32>} : memref<16x32xf32, #tpu.memory_space<vmem>>, vector<1x16xf32>,
    %swap3A_23 = vector.shape_cast %swap3A_22 : vector<1x16xf32> to vector<16xf32>
    %swap3A_24 = vector.shape_cast %broadcast_in_dim3A_1 : vector<16xf32> to vector<1x16xf32>
    tpu.vector_store %arg9[%swap3A_20, %swap3A_21], %swap3A_24 {strides = array<i32>} : memref<16x32xf32, #tpu.memory_space<vmem>>, vector<1x16xf32>,
    %swap3A_25 = arith.constant 2 : i32
    %swap3A_26 = arith.index_cast %swap3A_25 : i32 to index
    %swap3A_27 = arith.constant 0 : index
    %swap3A_28 = tpu.vector_load %arg9[%swap3A_26, %swap3A_27] {strides = array<i32>} : memref<16x32xf32, #tpu.memory_space<vmem>>, vector<1x16xf32>,
    %swap3A_29 = vector.shape_cast %swap3A_28 : vector<1x16xf32> to vector<16xf32>
    %swap3A_30 = vector.shape_cast %broadcast_in_dim3A_1 : vector<16xf32> to vector<1x16xf32>
    tpu.vector_store %arg9[%swap3A_26, %swap3A_27], %swap3A_30 {strides = array<i32>} : memref<16x32xf32, #tpu.memory_space<vmem>>, vector<1x16xf32>,
    %swap3A_31 = arith.constant 2 : i32
    %swap3A_32 = arith.index_cast %swap3A_31 : i32 to index
    %swap3A_33 = arith.constant 16 : index
    %swap3A_34 = tpu.vector_load %arg9[%swap3A_32, %swap3A_33] {strides = array<i32>} : memref<16x32xf32, #tpu.memory_space<vmem>>, vector<1x16xf32>,
    %swap3A_35 = vector.shape_cast %swap3A_34 : vector<1x16xf32> to vector<16xf32>
    %swap3A_36 = vector.shape_cast %broadcast_in_dim3A_1 : vector<16xf32> to vector<1x16xf32>
    tpu.vector_store %arg9[%swap3A_32, %swap3A_33], %swap3A_36 {strides = array<i32>} : memref<16x32xf32, #tpu.memory_space<vmem>>, vector<1x16xf32>,
    %swap3A_37 = arith.constant 3 : i32
    %swap3A_38 = arith.index_cast %swap3A_37 : i32 to index
    %swap3A_39 = arith.constant 0 : index
    %swap3A_40 = tpu.vector_load %arg9[%swap3A_38, %swap3A_39] {strides = array<i32>} : memref<16x32xf32, #tpu.memory_space<vmem>>, vector<1x16xf32>,
    %swap3A_41 = vector.shape_cast %swap3A_40 : vector<1x16xf32> to vector<16xf32>
    %swap3A_42 = vector.shape_cast %broadcast_in_dim3A_1 : vector<16xf32> to vector<1x16xf32>
    tpu.vector_store %arg9[%swap3A_38, %swap3A_39], %swap3A_42 {strides = array<i32>} : memref<16x32xf32, #tpu.memory_space<vmem>>, vector<1x16xf32>,
    %swap3A_43 = arith.constant 3 : i32
    %swap3A_44 = arith.index_cast %swap3A_43 : i32 to index
    %swap3A_45 = arith.constant 16 : index
    %swap3A_46 = tpu.vector_load %arg9[%swap3A_44, %swap3A_45] {strides = array<i32>} : memref<16x32xf32, #tpu.memory_space<vmem>>, vector<1x16xf32>,
    %swap3A_47 = vector.shape_cast %swap3A_46 : vector<1x16xf32> to vector<16xf32>
    %swap3A_48 = vector.shape_cast %broadcast_in_dim3A_1 : vector<16xf32> to vector<1x16xf32>
    tpu.vector_store %arg9[%swap3A_44, %swap3A_45], %swap3A_48 {strides = array<i32>} : memref<16x32xf32, #tpu.memory_space<vmem>>, vector<1x16xf32>,
    %swap3A_49 = arith.constant 4 : i32
    %swap3A_50 = arith.index_cast %swap3A_49 : i32 to index
    %swap3A_51 = arith.constant 0 : index
    %swap3A_52 = tpu.vector_load %arg9[%swap3A_50, %swap3A_51] {strides = array<i32>} : memref<16x32xf32, #tpu.memory_space<vmem>>, vector<1x16xf32>,
    %swap3A_53 = vector.shape_cast %swap3A_52 : vector<1x16xf32> to vector<16xf32>
    %swap3A_54 = vector.shape_cast %broadcast_in_dim3A_1 : vector<16xf32> to vector<1x16xf32>
    tpu.vector_store %arg9[%swap3A_50, %swap3A_51], %swap3A_54 {strides = array<i32>} : memref<16x32xf32, #tpu.memory_space<vmem>>, vector<1x16xf32>,
    %swap3A_55 = arith.constant 4 : i32
    %swap3A_56 = arith.index_cast %swap3A_55 : i32 to index
    %swap3A_57 = arith.constant 16 : index
    %swap3A_58 = tpu.vector_load %arg9[%swap3A_56, %swap3A_57] {strides = array<i32>} : memref<16x32xf32, #tpu.memory_space<vmem>>, vector<1x16xf32>,
    %swap3A_59 = vector.shape_cast %swap3A_58 : vector<1x16xf32> to vector<16xf32>
    %swap3A_60 = vector.shape_cast %broadcast_in_dim3A_1 : vector<16xf32> to vector<1x16xf32>
    tpu.vector_store %arg9[%swap3A_56, %swap3A_57], %swap3A_60 {strides = array<i32>} : memref<16x32xf32, #tpu.memory_space<vmem>>, vector<1x16xf32>,
    %swap3A_61 = arith.constant 5 : i32
    %swap3A_62 = arith.index_cast %swap3A_61 : i32 to index
    %swap3A_63 = arith.constant 0 : index
    %swap3A_64 = tpu.vector_load %arg9[%swap3A_62, %swap3A_63] {strides = array<i32>} : memref<16x32xf32, #tpu.memory_space<vmem>>, vector<1x16xf32>,
    %swap3A_65 = vector.shape_cast %swap3A_64 : vector<1x16xf32> to vector<16xf32>
    %swap3A_66 = vector.shape_cast %broadcast_in_dim3A_1 : vector<16xf32> to vector<1x16xf32>
    tpu.vector_store %arg9[%swap3A_62, %swap3A_63], %swap3A_66 {strides = array<i32>} : memref<16x32xf32, #tpu.memory_space<vmem>>, vector<1x16xf32>,
    %swap3A_67 = arith.constant 5 : i32
    %swap3A_68 = arith.index_cast %swap3A_67 : i32 to index
    %swap3A_69 = arith.constant 16 : index
    %swap3A_70 = tpu.vector_load %arg9[%swap3A_68, %swap3A_69] {strides = array<i32>} : memref<16x32xf32, #tpu.memory_space<vmem>>, vector<1x16xf32>,
    %swap3A_71 = vector.shape_cast %swap3A_70 : vector<1x16xf32> to vector<16xf32>
    %swap3A_72 = vector.shape_cast %broadcast_in_dim3A_1 : vector<16xf32> to vector<1x16xf32>
    tpu.vector_store %arg9[%swap3A_68, %swap3A_69], %swap3A_72 {strides = array<i32>} : memref<16x32xf32, #tpu.memory_space<vmem>>, vector<1x16xf32>,
    %swap3A_73 = arith.constant 6 : i32
    %swap3A_74 = arith.index_cast %swap3A_73 : i32 to index
    %swap3A_75 = arith.constant 0 : index
    %swap3A_76 = tpu.vector_load %arg9[%swap3A_74, %swap3A_75] {strides = array<i32>} : memref<16x32xf32, #tpu.memory_space<vmem>>, vector<1x16xf32>,
    %swap3A_77 = vector.shape_cast %swap3A_76 : vector<1x16xf32> to vector<16xf32>
    %swap3A_78 = vector.shape_cast %broadcast_in_dim3A_1 : vector<16xf32> to vector<1x16xf32>
    tpu.vector_store %arg9[%swap3A_74, %swap3A_75], %swap3A_78 {strides = array<i32>} : memref<16x32xf32, #tpu.memory_space<vmem>>, vector<1x16xf32>,
    %swap3A_79 = arith.constant 6 : i32
    %swap3A_80 = arith.index_cast %swap3A_79 : i32 to index
    %swap3A_81 = arith.constant 16 : index
    %swap3A_82 = tpu.vector_load %arg9[%swap3A_80, %swap3A_81] {strides = array<i32>} : memref<16x32xf32, #tpu.memory_space<vmem>>, vector<1x16xf32>,
    %swap3A_83 = vector.shape_cast %swap3A_82 : vector<1x16xf32> to vector<16xf32>
    %swap3A_84 = vector.shape_cast %broadcast_in_dim3A_1 : vector<16xf32> to vector<1x16xf32>
    tpu.vector_store %arg9[%swap3A_80, %swap3A_81], %swap3A_84 {strides = array<i32>} : memref<16x32xf32, #tpu.memory_space<vmem>>, vector<1x16xf32>,
    %swap3A_85 = arith.constant 7 : i32
    %swap3A_86 = arith.index_cast %swap3A_85 : i32 to index
    %swap3A_87 = arith.constant 0 : index
    %swap3A_88 = tpu.vector_load %arg9[%swap3A_86, %swap3A_87] {strides = array<i32>} : memref<16x32xf32, #tpu.memory_space<vmem>>, vector<1x16xf32>,
    %swap3A_89 = vector.shape_cast %swap3A_88 : vector<1x16xf32> to vector<16xf32>
    %swap3A_90 = vector.shape_cast %broadcast_in_dim3A_1 : vector<16xf32> to vector<1x16xf32>
    tpu.vector_store %arg9[%swap3A_86, %swap3A_87], %swap3A_90 {strides = array<i32>} : memref<16x32xf32, #tpu.memory_space<vmem>>, vector<1x16xf32>,
    %swap3A_91 = arith.constant 7 : i32
    %swap3A_92 = arith.index_cast %swap3A_91 : i32 to index
    %swap3A_93 = arith.constant 16 : index
    %swap3A_94 = tpu.vector_load %arg9[%swap3A_92, %swap3A_93] {strides = array<i32>} : memref<16x32xf32, #tpu.memory_space<vmem>>, vector<1x16xf32>,
    %swap3A_95 = vector.shape_cast %swap3A_94 : vector<1x16xf32> to vector<16xf32>
    %swap3A_96 = vector.shape_cast %broadcast_in_dim3A_1 : vector<16xf32> to vector<1x16xf32>
    tpu.vector_store %arg9[%swap3A_92, %swap3A_93], %swap3A_96 {strides = array<i32>} : memref<16x32xf32, #tpu.memory_space<vmem>>, vector<1x16xf32>,
    %swap3A_97 = arith.constant 8 : i32
    %swap3A_98 = arith.index_cast %swap3A_97 : i32 to index
    %swap3A_99 = arith.constant 0 : index
    %swap3A_100 = tpu.vector_load %arg9[%swap3A_98, %swap3A_99] {strides = array<i32>} : memref<16x32xf32, #tpu.memory_space<vmem>>, vector<1x16xf32>,
    %swap3A_101 = vector.shape_cast %swap3A_100 : vector<1x16xf32> to vector<16xf32>
    %swap3A_102 = vector.shape_cast %broadcast_in_dim3A_1 : vector<16xf32> to vector<1x16xf32>
    tpu.vector_store %arg9[%swap3A_98, %swap3A_99], %swap3A_102 {strides = array<i32>} : memref<16x32xf32, #tpu.memory_space<vmem>>, vector<1x16xf32>,
    %swap3A_103 = arith.constant 8 : i32
    %swap3A_104 = arith.index_cast %swap3A_103 : i32 to index
    %swap3A_105 = arith.constant 16 : index
    %swap3A_106 = tpu.vector_load %arg9[%swap3A_104, %swap3A_105] {strides = array<i32>} : memref<16x32xf32, #tpu.memory_space<vmem>>, vector<1x16xf32>,
    %swap3A_107 = vector.shape_cast %swap3A_106 : vector<1x16xf32> to vector<16xf32>
    %swap3A_108 = vector.shape_cast %broadcast_in_dim3A_1 : vector<16xf32> to vector<1x16xf32>
    tpu.vector_store %arg9[%swap3A_104, %swap3A_105], %swap3A_108 {strides = array<i32>} : memref<16x32xf32, #tpu.memory_space<vmem>>, vector<1x16xf32>,
    %swap3A_109 = arith.constant 9 : i32
    %swap3A_110 = arith.index_cast %swap3A_109 : i32 to index
    %swap3A_111 = arith.constant 0 : index
    %swap3A_112 = tpu.vector_load %arg9[%swap3A_110, %swap3A_111] {strides = array<i32>} : memref<16x32xf32, #tpu.memory_space<vmem>>, vector<1x16xf32>,
    %swap3A_113 = vector.shape_cast %swap3A_112 : vector<1x16xf32> to vector<16xf32>
    %swap3A_114 = vector.shape_cast %broadcast_in_dim3A_1 : vector<16xf32> to vector<1x16xf32>
    tpu.vector_store %arg9[%swap3A_110, %swap3A_111], %swap3A_114 {strides = array<i32>} : memref<16x32xf32, #tpu.memory_space<vmem>>, vector<1x16xf32>,
    %swap3A_115 = arith.constant 9 : i32
    %swap3A_116 = arith.index_cast %swap3A_115 : i32 to index
    %swap3A_117 = arith.constant 16 : index
    %swap3A_118 = tpu.vector_load %arg9[%swap3A_116, %swap3A_117] {strides = array<i32>} : memref<16x32xf32, #tpu.memory_space<vmem>>, vector<1x16xf32>,
    %swap3A_119 = vector.shape_cast %swap3A_118 : vector<1x16xf32> to vector<16xf32>
    %swap3A_120 = vector.shape_cast %broadcast_in_dim3A_1 : vector<16xf32> to vector<1x16xf32>
    tpu.vector_store %arg9[%swap3A_116, %swap3A_117], %swap3A_120 {strides = array<i32>} : memref<16x32xf32, #tpu.memory_space<vmem>>, vector<1x16xf32>,
    %swap3A_121 = arith.constant 10 : i32
    %swap3A_122 = arith.index_cast %swap3A_121 : i32 to index
    %swap3A_123 = arith.constant 0 : index
    %swap3A_124 = tpu.vector_load %arg9[%swap3A_122, %swap3A_123] {strides = array<i32>} : memref<16x32xf32, #tpu.memory_space<vmem>>, vector<1x16xf32>,
    %swap3A_125 = vector.shape_cast %swap3A_124 : vector<1x16xf32> to vector<16xf32>
    %swap3A_126 = vector.shape_cast %broadcast_in_dim3A_1 : vector<16xf32> to vector<1x16xf32>
    tpu.vector_store %arg9[%swap3A_122, %swap3A_123], %swap3A_126 {strides = array<i32>} : memref<16x32xf32, #tpu.memory_space<vmem>>, vector<1x16xf32>,
    %swap3A_127 = arith.constant 10 : i32
    %swap3A_128 = arith.index_cast %swap3A_127 : i32 to index
    %swap3A_129 = arith.constant 16 : index
    %swap3A_130 = tpu.vector_load %arg9[%swap3A_128, %swap3A_129] {strides = array<i32>} : memref<16x32xf32, #tpu.memory_space<vmem>>, vector<1x16xf32>,
    %swap3A_131 = vector.shape_cast %swap3A_130 : vector<1x16xf32> to vector<16xf32>
    %swap3A_132 = vector.shape_cast %broadcast_in_dim3A_1 : vector<16xf32> to vector<1x16xf32>
    tpu.vector_store %arg9[%swap3A_128, %swap3A_129], %swap3A_132 {strides = array<i32>} : memref<16x32xf32, #tpu.memory_space<vmem>>, vector<1x16xf32>,
    %swap3A_133 = arith.constant 11 : i32
    %swap3A_134 = arith.index_cast %swap3A_133 : i32 to index
    %swap3A_135 = arith.constant 0 : index
    %swap3A_136 = tpu.vector_load %arg9[%swap3A_134, %swap3A_135] {strides = array<i32>} : memref<16x32xf32, #tpu.memory_space<vmem>>, vector<1x16xf32>,
    %swap3A_137 = vector.shape_cast %swap3A_136 : vector<1x16xf32> to vector<16xf32>
    %swap3A_138 = vector.shape_cast %broadcast_in_dim3A_1 : vector<16xf32> to vector<1x16xf32>
    tpu.vector_store %arg9[%swap3A_134, %swap3A_135], %swap3A_138 {strides = array<i32>} : memref<16x32xf32, #tpu.memory_space<vmem>>, vector<1x16xf32>,
    %swap3A_139 = arith.constant 11 : i32
    %swap3A_140 = arith.index_cast %swap3A_139 : i32 to index
    %swap3A_141 = arith.constant 16 : index
    %swap3A_142 = tpu.vector_load %arg9[%swap3A_140, %swap3A_141] {strides = array<i32>} : memref<16x32xf32, #tpu.memory_space<vmem>>, vector<1x16xf32>,
    %swap3A_143 = vector.shape_cast %swap3A_142 : vector<1x16xf32> to vector<16xf32>
    %swap3A_144 = vector.shape_cast %broadcast_in_dim3A_1 : vector<16xf32> to vector<1x16xf32>
    tpu.vector_store %arg9[%swap3A_140, %swap3A_141], %swap3A_144 {strides = array<i32>} : memref<16x32xf32, #tpu.memory_space<vmem>>, vector<1x16xf32>,
    %swap3A_145 = arith.constant 12 : i32
    %swap3A_146 = arith.index_cast %swap3A_145 : i32 to index
    %swap3A_147 = arith.constant 0 : index
    %swap3A_148 = tpu.vector_load %arg9[%swap3A_146, %swap3A_147] {strides = array<i32>} : memref<16x32xf32, #tpu.memory_space<vmem>>, vector<1x16xf32>,
    %swap3A_149 = vector.shape_cast %swap3A_148 : vector<1x16xf32> to vector<16xf32>
    %swap3A_150 = vector.shape_cast %broadcast_in_dim3A_1 : vector<16xf32> to vector<1x16xf32>
    tpu.vector_store %arg9[%swap3A_146, %swap3A_147], %swap3A_150 {strides = array<i32>} : memref<16x32xf32, #tpu.memory_space<vmem>>, vector<1x16xf32>,
    %swap3A_151 = arith.constant 12 : i32
    %swap3A_152 = arith.index_cast %swap3A_151 : i32 to index
    %swap3A_153 = arith.constant 16 : index
    %swap3A_154 = tpu.vector_load %arg9[%swap3A_152, %swap3A_153] {strides = array<i32>} : memref<16x32xf32, #tpu.memory_space<vmem>>, vector<1x16xf32>,
    %swap3A_155 = vector.shape_cast %swap3A_154 : vector<1x16xf32> to vector<16xf32>
    %swap3A_156 = vector.shape_cast %broadcast_in_dim3A_1 : vector<16xf32> to vector<1x16xf32>
    tpu.vector_store %arg9[%swap3A_152, %swap3A_153], %swap3A_156 {strides = array<i32>} : memref<16x32xf32, #tpu.memory_space<vmem>>, vector<1x16xf32>,
    %swap3A_157 = arith.constant 13 : i32
    %swap3A_158 = arith.index_cast %swap3A_157 : i32 to index
    %swap3A_159 = arith.constant 0 : index
    %swap3A_160 = tpu.vector_load %arg9[%swap3A_158, %swap3A_159] {strides = array<i32>} : memref<16x32xf32, #tpu.memory_space<vmem>>, vector<1x16xf32>,
    %swap3A_161 = vector.shape_cast %swap3A_160 : vector<1x16xf32> to vector<16xf32>
    %swap3A_162 = vector.shape_cast %broadcast_in_dim3A_1 : vector<16xf32> to vector<1x16xf32>
    tpu.vector_store %arg9[%swap3A_158, %swap3A_159], %swap3A_162 {strides = array<i32>} : memref<16x32xf32, #tpu.memory_space<vmem>>, vector<1x16xf32>,
    %swap3A_163 = arith.constant 13 : i32
    %swap3A_164 = arith.index_cast %swap3A_163 : i32 to index
    %swap3A_165 = arith.constant 16 : index
    %swap3A_166 = tpu.vector_load %arg9[%swap3A_164, %swap3A_165] {strides = array<i32>} : memref<16x32xf32, #tpu.memory_space<vmem>>, vector<1x16xf32>,
    %swap3A_167 = vector.shape_cast %swap3A_166 : vector<1x16xf32> to vector<16xf32>
    %swap3A_168 = vector.shape_cast %broadcast_in_dim3A_1 : vector<16xf32> to vector<1x16xf32>
    tpu.vector_store %arg9[%swap3A_164, %swap3A_165], %swap3A_168 {strides = array<i32>} : memref<16x32xf32, #tpu.memory_space<vmem>>, vector<1x16xf32>,
    %swap3A_169 = arith.constant 14 : i32
    %swap3A_170 = arith.index_cast %swap3A_169 : i32 to index
    %swap3A_171 = arith.constant 0 : index
    %swap3A_172 = tpu.vector_load %arg9[%swap3A_170, %swap3A_171] {strides = array<i32>} : memref<16x32xf32, #tpu.memory_space<vmem>>, vector<1x16xf32>,
    %swap3A_173 = vector.shape_cast %swap3A_172 : vector<1x16xf32> to vector<16xf32>
    %swap3A_174 = vector.shape_cast %broadcast_in_dim3A_1 : vector<16xf32> to vector<1x16xf32>
    tpu.vector_store %arg9[%swap3A_170, %swap3A_171], %swap3A_174 {strides = array<i32>} : memref<16x32xf32, #tpu.memory_space<vmem>>, vector<1x16xf32>,
    %swap3A_175 = arith.constant 14 : i32
    %swap3A_176 = arith.index_cast %swap3A_175 : i32 to index
    %swap3A_177 = arith.constant 16 : index
    %swap3A_178 = tpu.vector_load %arg9[%swap3A_176, %swap3A_177] {strides = array<i32>} : memref<16x32xf32, #tpu.memory_space<vmem>>, vector<1x16xf32>,
    %swap3A_179 = vector.shape_cast %swap3A_178 : vector<1x16xf32> to vector<16xf32>
    %swap3A_180 = vector.shape_cast %broadcast_in_dim3A_1 : vector<16xf32> to vector<1x16xf32>
    tpu.vector_store %arg9[%swap3A_176, %swap3A_177], %swap3A_180 {strides = array<i32>} : memref<16x32xf32, #tpu.memory_space<vmem>>, vector<1x16xf32>,
    %swap3A_181 = arith.constant 15 : i32
    %swap3A_182 = arith.index_cast %swap3A_181 : i32 to index
    %swap3A_183 = arith.constant 0 : index
    %swap3A_184 = tpu.vector_load %arg9[%swap3A_182, %swap3A_183] {strides = array<i32>} : memref<16x32xf32, #tpu.memory_space<vmem>>, vector<1x16xf32>,
    %swap3A_185 = vector.shape_cast %swap3A_184 : vector<1x16xf32> to vector<16xf32>
    %swap3A_186 = vector.shape_cast %broadcast_in_dim3A_1 : vector<16xf32> to vector<1x16xf32>
    tpu.vector_store %arg9[%swap3A_182, %swap3A_183], %swap3A_186 {strides = array<i32>} : memref<16x32xf32, #tpu.memory_space<vmem>>, vector<1x16xf32>,
    %swap3A_187 = arith.constant 15 : i32
    %swap3A_188 = arith.index_cast %swap3A_187 : i32 to index
    %swap3A_189 = arith.constant 16 : index
    %swap3A_190 = tpu.vector_load %arg9[%swap3A_188, %swap3A_189] {strides = array<i32>} : memref<16x32xf32, #tpu.memory_space<vmem>>, vector<1x16xf32>,
    %swap3A_191 = vector.shape_cast %swap3A_190 : vector<1x16xf32> to vector<16xf32>
    %swap3A_192 = vector.shape_cast %broadcast_in_dim3A_1 : vector<16xf32> to vector<1x16xf32>
    tpu.vector_store %arg9[%swap3A_188, %swap3A_189], %swap3A_192 {strides = array<i32>} : memref<16x32xf32, #tpu.memory_space<vmem>>, vector<1x16xf32>,
    %scan3A = arith.constant 0 : i32
    %scan3A_193 = arith.constant 120 : i32
    %scan3A_194 = arith.addi %scan3A, %scan3A_193 : i32
    %scan3A_195 = arith.constant 1 : i32
    scf.for %scan3A_207 = %scan3A to %scan3A_194 step %scan3A_195  : i32 {
      %mul3A_208 = arith.constant 1920 : i32
      %mul3A_209 = arith.muli %arg1, %mul3A_208 : i32
      %mul3A_210 = arith.constant 16 : i32
      %mul3A_211 = arith.muli %scan3A_207, %mul3A_210 : i32
      %add3A_212 = arith.addi %mul3A_209, %mul3A_211 : i32
      "tpu.region"() ({
        %run_scoped3A = tpu.sem_alloc : memref<!tpu.dma_semaphore, #tpu.memory_space<semaphore_mem>>
        %dma_start3A = arith.constant 0 : i32
        %dma_start3A_213 = tpu.memref_slice %arg10[%add3A_212, %dma_start3A] : memref<30720x32xf32, #tpu.memory_space<vmem_shared>> -> memref<16x32xf32, #tpu.memory_space<vmem_shared>>
        %dma_start3A_214 = arith.constant 0 : i32
        %dma_start3A_215 = tpu.memref_slice %arg10[%add3A_212, %dma_start3A_214] : memref<30720x32xf32, #tpu.memory_space<vmem_shared>> -> memref<16x32xf32, #tpu.memory_space<vmem_shared>>
        tpu.enqueue_dma source(%arg9 : memref<16x32xf32, #tpu.memory_space<vmem>>) target(%dma_start3A_215 : memref<16x32xf32, #tpu.memory_space<vmem_shared>>) target_semaphore(%run_scoped3A : memref<!tpu.dma_semaphore, #tpu.memory_space<semaphore_mem>>)
        %dma_wait3A = arith.constant 0 : i32
        %dma_wait3A_216 = tpu.memref_slice %arg10[%add3A_212, %dma_wait3A] : memref<30720x32xf32, #tpu.memory_space<vmem_shared>> -> memref<16x32xf32, #tpu.memory_space<vmem_shared>>
        %dma_wait3A_217 = arith.constant 0 : i32
        %dma_wait3A_218 = tpu.memref_slice %arg10[%add3A_212, %dma_wait3A_217] : memref<30720x32xf32, #tpu.memory_space<vmem_shared>> -> memref<16x32xf32, #tpu.memory_space<vmem_shared>>
        tpu.wait_dma2 semaphore(%run_scoped3A : memref<!tpu.dma_semaphore, #tpu.memory_space<semaphore_mem>>) src(%arg9 : memref<16x32xf32, #tpu.memory_space<vmem>>) dst(%dma_wait3A_218 : memref<16x32xf32, #tpu.memory_space<vmem_shared>>)
        tpu.yield
      }) : () -> ()
    }
    %scan3A_196 = arith.constant 120 : i32
    "tpu.region"() ({
      %run_scoped3A = tpu.sem_alloc : memref<!tpu.dma_semaphore, #tpu.memory_space<semaphore_mem>>
      %dma_start3A = arith.constant 0 : i32
      %dma_start3A_207 = arith.constant 0 : i32
      %dma_start3A_208 = tpu.memref_slice %arg3[%add3A, %dma_start3A, %dma_start3A_207] : memref<32x235x128xi32, #tpu.memory_space<hbm>> -> memref<1x235x128xi32, #tpu.memory_space<hbm>>
      %dma_start3A_209 = tpu.memref_squeeze %dma_start3A_208 : memref<1x235x128xi32, #tpu.memory_space<hbm>> -> memref<235x128xi32, #tpu.memory_space<hbm>>
      %dma_start3A_210 = arith.constant 0 : i32
      %dma_start3A_211 = arith.constant 0 : i32
      %dma_start3A_212 = tpu.memref_slice %arg3[%add3A, %dma_start3A_210, %dma_start3A_211] : memref<32x235x128xi32, #tpu.memory_space<hbm>> -> memref<1x235x128xi32, #tpu.memory_space<hbm>>
      %dma_start3A_213 = tpu.memref_squeeze %dma_start3A_212 : memref<1x235x128xi32, #tpu.memory_space<hbm>> -> memref<235x128xi32, #tpu.memory_space<hbm>>
      tpu.enqueue_dma source(%dma_start3A_213 : memref<235x128xi32, #tpu.memory_space<hbm>>) target(%arg6 : memref<235x128xi32, #tpu.memory_space<vmem>>) target_semaphore(%run_scoped3A : memref<!tpu.dma_semaphore, #tpu.memory_space<semaphore_mem>>)
      %dma_wait3A = arith.constant 0 : i32
      %dma_wait3A_214 = arith.constant 0 : i32
      %dma_wait3A_215 = tpu.memref_slice %arg3[%add3A, %dma_wait3A, %dma_wait3A_214] : memref<32x235x128xi32, #tpu.memory_space<hbm>> -> memref<1x235x128xi32, #tpu.memory_space<hbm>>
      %dma_wait3A_216 = tpu.memref_squeeze %dma_wait3A_215 : memref<1x235x128xi32, #tpu.memory_space<hbm>> -> memref<235x128xi32, #tpu.memory_space<hbm>>
      %dma_wait3A_217 = arith.constant 0 : i32
      %dma_wait3A_218 = arith.constant 0 : i32
      %dma_wait3A_219 = tpu.memref_slice %arg3[%add3A, %dma_wait3A_217, %dma_wait3A_218] : memref<32x235x128xi32, #tpu.memory_space<hbm>> -> memref<1x235x128xi32, #tpu.memory_space<hbm>>
      %dma_wait3A_220 = tpu.memref_squeeze %dma_wait3A_219 : memref<1x235x128xi32, #tpu.memory_space<hbm>> -> memref<235x128xi32, #tpu.memory_space<hbm>>
      tpu.wait_dma2 semaphore(%run_scoped3A : memref<!tpu.dma_semaphore, #tpu.memory_space<semaphore_mem>>) src(%dma_wait3A_220 : memref<235x128xi32, #tpu.memory_space<hbm>>) dst(%arg6 : memref<235x128xi32, #tpu.memory_space<vmem>>)
      tpu.yield
    }) : () -> ()
    "tpu.region"() ({
      %run_scoped3A = tpu.sem_alloc : memref<!tpu.dma_semaphore, #tpu.memory_space<semaphore_mem>>
      %dma_start3A = arith.constant 0 : i32
      %dma_start3A_207 = arith.constant 0 : i32
      %dma_start3A_208 = tpu.memref_slice %arg4[%add3A, %dma_start3A, %dma_start3A_207] : memref<32x235x128xi32, #tpu.memory_space<hbm>> -> memref<1x235x128xi32, #tpu.memory_space<hbm>>
      %dma_start3A_209 = tpu.memref_squeeze %dma_start3A_208 : memref<1x235x128xi32, #tpu.memory_space<hbm>> -> memref<235x128xi32, #tpu.memory_space<hbm>>
      %dma_start3A_210 = arith.constant 0 : i32
      %dma_start3A_211 = arith.constant 0 : i32
      %dma_start3A_212 = tpu.memref_slice %arg4[%add3A, %dma_start3A_210, %dma_start3A_211] : memref<32x235x128xi32, #tpu.memory_space<hbm>> -> memref<1x235x128xi32, #tpu.memory_space<hbm>>
      %dma_start3A_213 = tpu.memref_squeeze %dma_start3A_212 : memref<1x235x128xi32, #tpu.memory_space<hbm>> -> memref<235x128xi32, #tpu.memory_space<hbm>>
      tpu.enqueue_dma source(%dma_start3A_213 : memref<235x128xi32, #tpu.memory_space<hbm>>) target(%arg7 : memref<235x128xi32, #tpu.memory_space<vmem>>) target_semaphore(%run_scoped3A : memref<!tpu.dma_semaphore, #tpu.memory_space<semaphore_mem>>)
      %dma_wait3A = arith.constant 0 : i32
      %dma_wait3A_214 = arith.constant 0 : i32
      %dma_wait3A_215 = tpu.memref_slice %arg4[%add3A, %dma_wait3A, %dma_wait3A_214] : memref<32x235x128xi32, #tpu.memory_space<hbm>> -> memref<1x235x128xi32, #tpu.memory_space<hbm>>
      %dma_wait3A_216 = tpu.memref_squeeze %dma_wait3A_215 : memref<1x235x128xi32, #tpu.memory_space<hbm>> -> memref<235x128xi32, #tpu.memory_space<hbm>>
      %dma_wait3A_217 = arith.constant 0 : i32
      %dma_wait3A_218 = arith.constant 0 : i32
      %dma_wait3A_219 = tpu.memref_slice %arg4[%add3A, %dma_wait3A_217, %dma_wait3A_218] : memref<32x235x128xi32, #tpu.memory_space<hbm>> -> memref<1x235x128xi32, #tpu.memory_space<hbm>>
      %dma_wait3A_220 = tpu.memref_squeeze %dma_wait3A_219 : memref<1x235x128xi32, #tpu.memory_space<hbm>> -> memref<235x128xi32, #tpu.memory_space<hbm>>
      tpu.wait_dma2 semaphore(%run_scoped3A : memref<!tpu.dma_semaphore, #tpu.memory_space<semaphore_mem>>) src(%dma_wait3A_220 : memref<235x128xi32, #tpu.memory_space<hbm>>) dst(%arg7 : memref<235x128xi32, #tpu.memory_space<vmem>>)
      tpu.yield
    }) : () -> ()
    %barrier3A = arith.constant 0 : index
    tpu.barrier barrier_id(%barrier3A)
    %scan3A_197 = arith.constant 0 : i32
    %scan3A_198 = arith.constant 235 : i32
    %scan3A_199 = arith.addi %scan3A_197, %scan3A_198 : i32
    %scan3A_200 = arith.constant 1 : i32
    scf.for %scan3A_207 = %scan3A_197 to %scan3A_199 step %scan3A_200  : i32 {
      %dma_start3A = arith.constant 0 : i32
      %dma_start3A_208 = tpu.memref_slice %arg6[%scan3A_207, %dma_start3A] : memref<235x128xi32, #tpu.memory_space<vmem>> -> memref<1x128xi32, #tpu.memory_space<vmem>>
      %dma_start3A_209 = tpu.memref_squeeze %dma_start3A_208 : memref<1x128xi32, #tpu.memory_space<vmem>> -> memref<128xi32, #tpu.memory_space<vmem>>
      %dma_start3A_210 = arith.constant 0 : i32
      %dma_start3A_211 = arith.constant 0 : i32
      %dma_start3A_212 = tpu.memref_slice %arg2[%dma_start3A_210, %dma_start3A_211] : memref<30720x32xf32, #tpu.memory_space<hbm>> -> memref<30720x32xf32, #tpu.memory_space<hbm>>
      tpu.enqueue_indirect_dma source(%dma_start3A_212 : memref<30720x32xf32, #tpu.memory_space<hbm>>) target(%arg8 : memref<128x32xf32, #tpu.memory_space<vmem>>) offsets(%dma_start3A_209 : memref<128xi32, #tpu.memory_space<vmem>>) semaphore(%arg11 : memref<!tpu.dma_semaphore, #tpu.memory_space<semaphore_mem>>)
      %dma_wait3A = arith.constant 0 : i32
      %dma_wait3A_213 = tpu.memref_slice %arg6[%scan3A_207, %dma_wait3A] : memref<235x128xi32, #tpu.memory_space<vmem>> -> memref<1x128xi32, #tpu.memory_space<vmem>>
      %dma_wait3A_214 = tpu.memref_squeeze %dma_wait3A_213 : memref<1x128xi32, #tpu.memory_space<vmem>> -> memref<128xi32, #tpu.memory_space<vmem>>
      %dma_wait3A_215 = arith.constant 0 : i32
      %dma_wait3A_216 = arith.constant 0 : i32
      %dma_wait3A_217 = tpu.memref_slice %arg2[%dma_wait3A_215, %dma_wait3A_216] : memref<30720x32xf32, #tpu.memory_space<hbm>> -> memref<30720x32xf32, #tpu.memory_space<hbm>>
      tpu.wait_indirect_dma semaphore(%arg11 : memref<!tpu.dma_semaphore, #tpu.memory_space<semaphore_mem>>) src(%dma_wait3A_217 : memref<30720x32xf32, #tpu.memory_space<hbm>>) dst(%arg8 : memref<128x32xf32, #tpu.memory_space<vmem>>)
      "tpu.region"() ({
        %run_scoped3A = tpu.sem_alloc : memref<!tpu.dma_semaphore, #tpu.memory_space<semaphore_mem>>
        %dma_start3A_218 = arith.constant 0 : i32
        %dma_start3A_219 = tpu.memref_slice %arg7[%scan3A_207, %dma_start3A_218] : memref<235x128xi32, #tpu.memory_space<vmem>> -> memref<1x128xi32, #tpu.memory_space<vmem>>
        %dma_start3A_220 = tpu.memref_squeeze %dma_start3A_219 : memref<1x128xi32, #tpu.memory_space<vmem>> -> memref<128xi32, #tpu.memory_space<vmem>>
        %dma_start3A_221 = arith.constant 0 : i32
        %dma_start3A_222 = arith.constant 0 : i32
        %dma_start3A_223 = tpu.memref_slice %arg10[%dma_start3A_221, %dma_start3A_222] : memref<30720x32xf32, #tpu.memory_space<vmem_shared>> -> memref<30720x32xf32, #tpu.memory_space<vmem_shared>>
        tpu.enqueue_indirect_dma source(%arg8 : memref<128x32xf32, #tpu.memory_space<vmem>>) target(%dma_start3A_223 : memref<30720x32xf32, #tpu.memory_space<vmem_shared>>) offsets(%dma_start3A_220 : memref<128xi32, #tpu.memory_space<vmem>>) semaphore(%run_scoped3A : memref<!tpu.dma_semaphore, #tpu.memory_space<semaphore_mem>>) {add = true}
        %dma_wait3A_224 = arith.constant 0 : i32
        %dma_wait3A_225 = tpu.memref_slice %arg7[%scan3A_207, %dma_wait3A_224] : memref<235x128xi32, #tpu.memory_space<vmem>> -> memref<1x128xi32, #tpu.memory_space<vmem>>
        %dma_wait3A_226 = tpu.memref_squeeze %dma_wait3A_225 : memref<1x128xi32, #tpu.memory_space<vmem>> -> memref<128xi32, #tpu.memory_space<vmem>>
        %dma_wait3A_227 = arith.constant 0 : i32
        %dma_wait3A_228 = arith.constant 0 : i32
        %dma_wait3A_229 = tpu.memref_slice %arg10[%dma_wait3A_227, %dma_wait3A_228] : memref<30720x32xf32, #tpu.memory_space<vmem_shared>> -> memref<30720x32xf32, #tpu.memory_space<vmem_shared>>
        tpu.wait_indirect_dma semaphore(%run_scoped3A : memref<!tpu.dma_semaphore, #tpu.memory_space<semaphore_mem>>) src(%arg8 : memref<128x32xf32, #tpu.memory_space<vmem>>) dst(%dma_wait3A_229 : memref<30720x32xf32, #tpu.memory_space<vmem_shared>>)
        tpu.yield
      }) : () -> ()
    }
    %scan3A_201 = arith.constant 235 : i32
    %barrier3A_202 = arith.constant 0 : index
    tpu.barrier barrier_id(%barrier3A_202)
    %mul3A_203 = arith.constant 1920 : i32
    %mul3A_204 = arith.muli %arg1, %mul3A_203 : i32
    %mul3A_205 = arith.constant 1920 : i32
    %mul3A_206 = arith.muli %arg1, %mul3A_205 : i32
    "tpu.region"() ({
      %run_scoped3A = tpu.sem_alloc : memref<!tpu.dma_semaphore, #tpu.memory_space<semaphore_mem>>
      %dma_start3A = arith.constant 0 : i32
      %dma_start3A_207 = tpu.memref_slice %arg5[%arg0, %mul3A_206, %dma_start3A] : memref<2x30720x32xf32, #tpu.memory_space<hbm>> -> memref<1x1920x32xf32, #tpu.memory_space<hbm>>
      %dma_start3A_208 = tpu.memref_squeeze %dma_start3A_207 : memref<1x1920x32xf32, #tpu.memory_space<hbm>> -> memref<1920x32xf32, #tpu.memory_space<hbm>>
      %dma_start3A_209 = arith.constant 0 : i32
      %dma_start3A_210 = tpu.memref_slice %arg10[%mul3A_204, %dma_start3A_209] : memref<30720x32xf32, #tpu.memory_space<vmem_shared>> -> memref<1920x32xf32, #tpu.memory_space<vmem_shared>>
      tpu.enqueue_dma source(%dma_start3A_210 : memref<1920x32xf32, #tpu.memory_space<vmem_shared>>) target(%dma_start3A_208 : memref<1920x32xf32, #tpu.memory_space<hbm>>) target_semaphore(%run_scoped3A : memref<!tpu.dma_semaphore, #tpu.memory_space<semaphore_mem>>)
      %dma_wait3A = arith.constant 0 : i32
      %dma_wait3A_211 = tpu.memref_slice %arg5[%arg0, %mul3A_206, %dma_wait3A] : memref<2x30720x32xf32, #tpu.memory_space<hbm>> -> memref<1x1920x32xf32, #tpu.memory_space<hbm>>
      %dma_wait3A_212 = tpu.memref_squeeze %dma_wait3A_211 : memref<1x1920x32xf32, #tpu.memory_space<hbm>> -> memref<1920x32xf32, #tpu.memory_space<hbm>>
      %dma_wait3A_213 = arith.constant 0 : i32
      %dma_wait3A_214 = tpu.memref_slice %arg10[%mul3A_204, %dma_wait3A_213] : memref<30720x32xf32, #tpu.memory_space<vmem_shared>> -> memref<1920x32xf32, #tpu.memory_space<vmem_shared>>
      tpu.wait_dma2 semaphore(%run_scoped3A : memref<!tpu.dma_semaphore, #tpu.memory_space<semaphore_mem>>) src(%dma_wait3A_214 : memref<1920x32xf32, #tpu.memory_space<vmem_shared>>) dst(%dma_wait3A_212 : memref<1920x32xf32, #tpu.memory_space<hbm>>)
      tpu.yield
    }) : () -> ()
    return
  }
}

module attributes {stable_mosaic.version = 14 : i64} {
  func.func @body(%arg0: i32, %arg1: memref<2x128xf32, #tpu.memory_space<vmem>>, %arg2: memref<128x128xf32, #tpu.memory_space<vmem>>, %arg3: memref<128x32xf32, #tpu.memory_space<vmem>>, %arg4: memref<128x32xf32, #tpu.memory_space<vmem>>, %arg5: memref<1x128xf32, #tpu.memory_space<vmem>>) attributes {dimension_semantics = [#tpu.dimension_semantics<arbitrary>], iteration_bounds = array<i64: 240>, scalar_prefetch = 0 : i64, scratch_operands = 0 : i64, tpu.core_type = #tpu.core_type<tc>, window_params = [{transform_indices = @transform_0, window_bounds = array<i64: 2, 128>}, {transform_indices = @transform_1, window_bounds = array<i64: 128, 128>}, {pipeline_mode = #tpu.pipeline_mode<synchronous>, transform_indices = @transform_2, window_bounds = array<i64: 128, 32>}, {transform_indices = @transform_3, window_bounds = array<i64: 128, 32>}, {transform_indices = @transform_4, window_bounds = array<i64: 1, 128>}]} {
    %get3A = arith.constant 0 : index
    %get3A_0 = arith.constant 0 : index
    %get3A_1 = vector.load %arg1[%get3A, %get3A_0] : memref<2x128xf32, #tpu.memory_space<vmem>>, vector<1x128xf32>
    %get3A_2 = arith.constant 1 : index
    %get3A_3 = arith.constant 0 : index
    %get3A_4 = vector.load %arg1[%get3A_2, %get3A_3] : memref<2x128xf32, #tpu.memory_space<vmem>>, vector<1x128xf32>
    %add3A = arith.addf %get3A_1, %get3A_4 : vector<1x128xf32>
    %add3A_5 = arith.constant 1.000000e+00 : f32
    %add3A_6 = vector.broadcast %add3A_5 : f32 to vector<1x128xf32>
    %add3A_7 = arith.addf %add3A, %add3A_6 : vector<1x128xf32>
    %rsqrt3A = math.rsqrt %add3A_7 : vector<1x128xf32>
    %swap3A = arith.constant 0 : index
    %swap3A_8 = arith.constant 0 : index
    %swap3A_9 = vector.load %arg5[%swap3A, %swap3A_8] : memref<1x128xf32, #tpu.memory_space<vmem>>, vector<1x128xf32>
    tpu.vector_store %arg5[%swap3A, %swap3A_8], %rsqrt3A {strides = array<i32>} : memref<1x128xf32, #tpu.memory_space<vmem>>, vector<1x128xf32>,
    %get3A_10 = arith.constant 0 : index
    %get3A_11 = arith.constant 0 : index
    %get3A_12 = vector.load %arg2[%get3A_10, %get3A_11] : memref<128x128xf32, #tpu.memory_space<vmem>>, vector<128x128xf32>
    %get3A_13 = arith.constant 0 : index
    %get3A_14 = arith.constant 0 : index
    %get3A_15 = vector.load %arg3[%get3A_13, %get3A_14] : memref<128x32xf32, #tpu.memory_space<vmem>>, vector<128x32xf32>
    %dot_general3A = arith.constant dense<0.000000e+00> : vector<128x32xf32>
    %dot_general3A_16 = tpu.matmul %get3A_12, %get3A_15, %dot_general3A {dimension_numbers = #tpu.dot_dimension_numbers<[1], [0], [0], [1], [0, 0, 1, 1], [], []>, transpose_lhs_hint = false} : vector<128x128xf32>, vector<128x32xf32>, vector<128x32xf32> -> vector<128x32xf32>
    %iota3A = tpu.iota {dimensions = array<i32: 0>} : vector<128x128xi32>
    %iota3A_17 = tpu.iota {dimensions = array<i32: 1>} : vector<128x128xi32>
    %eq3A = arith.cmpi eq, %iota3A, %iota3A_17 : vector<128x128xi32>
    %convert_element_type3A = arith.extui %eq3A : vector<128x128xi1> to vector<128x128xi32>
    %convert_element_type3A_18 = arith.sitofp %convert_element_type3A : vector<128x128xi32> to vector<128x128xf32>
    %dot_general3A_19 = arith.constant dense<0.000000e+00> : vector<128x1xf32>
    %dot_general3A_20 = tpu.matmul %convert_element_type3A_18, %rsqrt3A, %dot_general3A_19 {dimension_numbers = #tpu.dot_dimension_numbers<[1], [1], [0], [0], [0, 0, 1, 0], [], []>, transpose_lhs_hint = false} : vector<128x128xf32>, vector<1x128xf32>, vector<128x1xf32> -> vector<128x1xf32>
    %mul3A = vector.broadcast %dot_general3A_20 : vector<128x1xf32> to vector<128x32xf32>
    %mul3A_21 = arith.mulf %mul3A, %dot_general3A_16 : vector<128x32xf32>
    %swap3A_22 = arith.constant 0 : index
    %swap3A_23 = arith.constant 0 : index
    %swap3A_24 = vector.load %arg4[%swap3A_22, %swap3A_23] : memref<128x32xf32, #tpu.memory_space<vmem>>, vector<128x32xf32>
    tpu.vector_store %arg4[%swap3A_22, %swap3A_23], %mul3A_21 {strides = array<i32>} : memref<128x32xf32, #tpu.memory_space<vmem>>, vector<128x32xf32>,
    return
  }
  func.func @transform_0(%arg0: i32) -> (i32, i32) {
    %c0_i32 = arith.constant 0 : i32
    %c0_i32_0 = arith.constant 0 : i32
    return %c0_i32, %arg0 : i32, i32
  }
  func.func @transform_1(%arg0: i32) -> (i32, i32) {
    %c0_i32 = arith.constant 0 : i32
    %c0_i32_0 = arith.constant 0 : i32
    return %arg0, %c0_i32 : i32, i32
  }
  func.func @transform_2(%arg0: i32) -> (i32, i32) {
    %c0_i32 = arith.constant 0 : i32
    %c0_i32_0 = arith.constant 0 : i32
    %c0_i32_1 = arith.constant 0 : i32
    return %c0_i32, %c0_i32_0 : i32, i32
  }
  func.func @transform_3(%arg0: i32) -> (i32, i32) {
    %c0_i32 = arith.constant 0 : i32
    %c0_i32_0 = arith.constant 0 : i32
    return %arg0, %c0_i32 : i32, i32
  }
  func.func @transform_4(%arg0: i32) -> (i32, i32) {
    %c0_i32 = arith.constant 0 : i32
    %c0_i32_0 = arith.constant 0 : i32
    return %c0_i32, %arg0 : i32, i32
  }
}

module attributes {stable_mosaic.version = 14 : i64} {
  func.func @body(%arg0: i32, %arg1: memref<2x128x32xf32, #tpu.memory_space<vmem>>, %arg2: memref<128x32xf32, #tpu.memory_space<vmem>>, %arg3: memref<1x128xf32, #tpu.memory_space<vmem>>, %arg4: memref<1x32xf32, #tpu.memory_space<vmem>>, %arg5: memref<32x64xf32, #tpu.memory_space<vmem>>, %arg6: memref<128x32xf32, #tpu.memory_space<vmem>>, %arg7: memref<128x32xf32, #tpu.memory_space<vmem>>) attributes {dimension_semantics = [#tpu.dimension_semantics<arbitrary>], iteration_bounds = array<i64: 240>, scalar_prefetch = 0 : i64, scratch_operands = 0 : i64, tpu.core_type = #tpu.core_type<tc>, window_params = [{transform_indices = @transform_0, window_bounds = array<i64: 2, 128, 32>}, {transform_indices = @transform_1, window_bounds = array<i64: 128, 32>}, {transform_indices = @transform_2, window_bounds = array<i64: 1, 128>}, {pipeline_mode = #tpu.pipeline_mode<synchronous>, transform_indices = @transform_3, window_bounds = array<i64: 1, 32>}, {pipeline_mode = #tpu.pipeline_mode<synchronous>, transform_indices = @transform_4, window_bounds = array<i64: 32, 64>}, {transform_indices = @transform_5, window_bounds = array<i64: 128, 32>}, {transform_indices = @transform_6, window_bounds = array<i64: 128, 32>}]} {
    %get3A = arith.constant 0 : index
    %get3A_0 = arith.constant 0 : index
    %get3A_1 = arith.constant 0 : index
    %get3A_2 = vector.load %arg1[%get3A, %get3A_0, %get3A_1] : memref<2x128x32xf32, #tpu.memory_space<vmem>>, vector<1x128x32xf32>
    %get3A_3 = vector.shape_cast %get3A_2 : vector<1x128x32xf32> to vector<128x32xf32>
    %get3A_4 = arith.constant 1 : index
    %get3A_5 = arith.constant 0 : index
    %get3A_6 = arith.constant 0 : index
    %get3A_7 = vector.load %arg1[%get3A_4, %get3A_5, %get3A_6] : memref<2x128x32xf32, #tpu.memory_space<vmem>>, vector<1x128x32xf32>
    %get3A_8 = vector.shape_cast %get3A_7 : vector<1x128x32xf32> to vector<128x32xf32>
    %add3A = arith.addf %get3A_3, %get3A_8 : vector<128x32xf32>
    %get3A_9 = arith.constant 0 : index
    %get3A_10 = arith.constant 0 : index
    %get3A_11 = vector.load %arg2[%get3A_9, %get3A_10] : memref<128x32xf32, #tpu.memory_space<vmem>>, vector<128x32xf32>
    %add3A_12 = arith.addf %add3A, %get3A_11 : vector<128x32xf32>
    %get3A_13 = arith.constant 0 : index
    %get3A_14 = arith.constant 0 : index
    %get3A_15 = vector.load %arg3[%get3A_13, %get3A_14] : memref<1x128xf32, #tpu.memory_space<vmem>>, vector<1x128xf32>
    %iota3A = tpu.iota {dimensions = array<i32: 0>} : vector<128x128xi32>
    %iota3A_16 = tpu.iota {dimensions = array<i32: 1>} : vector<128x128xi32>
    %eq3A = arith.cmpi eq, %iota3A, %iota3A_16 : vector<128x128xi32>
    %convert_element_type3A = arith.extui %eq3A : vector<128x128xi1> to vector<128x128xi32>
    %convert_element_type3A_17 = arith.sitofp %convert_element_type3A : vector<128x128xi32> to vector<128x128xf32>
    %dot_general3A = arith.constant dense<0.000000e+00> : vector<128x1xf32>
    %dot_general3A_18 = tpu.matmul %convert_element_type3A_17, %get3A_15, %dot_general3A {dimension_numbers = #tpu.dot_dimension_numbers<[1], [1], [0], [0], [0, 0, 1, 0], [], []>, transpose_lhs_hint = false} : vector<128x128xf32>, vector<1x128xf32>, vector<128x1xf32> -> vector<128x1xf32>
    %mul3A = vector.broadcast %dot_general3A_18 : vector<128x1xf32> to vector<128x32xf32>
    %mul3A_19 = arith.mulf %mul3A, %add3A_12 : vector<128x32xf32>
    %get3A_20 = arith.constant 0 : index
    %get3A_21 = arith.constant 0 : index
    %get3A_22 = vector.load %arg4[%get3A_20, %get3A_21] : memref<1x32xf32, #tpu.memory_space<vmem>>, vector<1x32xf32>
    %add3A_23 = vector.broadcast %get3A_22 : vector<1x32xf32> to vector<128x32xf32>
    %add3A_24 = arith.addf %mul3A_19, %add3A_23 : vector<128x32xf32>
    %max3A = arith.constant 0.000000e+00 : f32
    %max3A_25 = vector.broadcast %max3A : f32 to vector<128x32xf32>
    %max3A_26 = arith.maximumf %add3A_24, %max3A_25 : vector<128x32xf32>
    %get3A_27 = arith.constant 0 : index
    %get3A_28 = arith.constant 0 : index
    %get3A_29 = vector.load %arg5[%get3A_27, %get3A_28] : memref<32x64xf32, #tpu.memory_space<vmem>>, vector<32x64xf32>
    %dot_general3A_30 = arith.constant dense<0.000000e+00> : vector<128x64xf32>
    %dot_general3A_31 = tpu.matmul %max3A_26, %get3A_29, %dot_general3A_30 {dimension_numbers = #tpu.dot_dimension_numbers<[1], [0], [0], [1], [0, 0, 1, 1], [], []>, transpose_lhs_hint = false} : vector<128x32xf32>, vector<32x64xf32>, vector<128x64xf32> -> vector<128x64xf32>
    %mul3A_32 = vector.broadcast %dot_general3A_18 : vector<128x1xf32> to vector<128x64xf32>
    %mul3A_33 = arith.mulf %mul3A_32, %dot_general3A_31 : vector<128x64xf32>
    %slice3A = vector.extract_strided_slice %mul3A_33 {offsets = [0, 0], sizes = [128, 32], strides = [1, 1]} : vector<128x64xf32> to vector<128x32xf32>
    %swap3A = arith.constant 0 : index
    %swap3A_34 = arith.constant 0 : index
    %swap3A_35 = vector.load %arg6[%swap3A, %swap3A_34] : memref<128x32xf32, #tpu.memory_space<vmem>>, vector<128x32xf32>
    tpu.vector_store %arg6[%swap3A, %swap3A_34], %slice3A {strides = array<i32>} : memref<128x32xf32, #tpu.memory_space<vmem>>, vector<128x32xf32>,
    %slice3A_36 = vector.extract_strided_slice %mul3A_33 {offsets = [0, 32], sizes = [128, 32], strides = [1, 1]} : vector<128x64xf32> to vector<128x32xf32>
    %swap3A_37 = arith.constant 0 : index
    %swap3A_38 = arith.constant 0 : index
    %swap3A_39 = vector.load %arg7[%swap3A_37, %swap3A_38] : memref<128x32xf32, #tpu.memory_space<vmem>>, vector<128x32xf32>
    tpu.vector_store %arg7[%swap3A_37, %swap3A_38], %slice3A_36 {strides = array<i32>} : memref<128x32xf32, #tpu.memory_space<vmem>>, vector<128x32xf32>,
    return
  }
  func.func @transform_0(%arg0: i32) -> (i32, i32, i32) {
    %c0_i32 = arith.constant 0 : i32
    %c0_i32_0 = arith.constant 0 : i32
    %c0_i32_1 = arith.constant 0 : i32
    return %c0_i32, %arg0, %c0_i32_0 : i32, i32, i32
  }
  func.func @transform_1(%arg0: i32) -> (i32, i32) {
    %c0_i32 = arith.constant 0 : i32
    %c0_i32_0 = arith.constant 0 : i32
    return %arg0, %c0_i32 : i32, i32
  }
  func.func @transform_2(%arg0: i32) -> (i32, i32) {
    %c0_i32 = arith.constant 0 : i32
    %c0_i32_0 = arith.constant 0 : i32
    return %c0_i32, %arg0 : i32, i32
  }
  func.func @transform_3(%arg0: i32) -> (i32, i32) {
    %c0_i32 = arith.constant 0 : i32
    %c0_i32_0 = arith.constant 0 : i32
    %c0_i32_1 = arith.constant 0 : i32
    return %c0_i32, %c0_i32_0 : i32, i32
  }
  func.func @transform_4(%arg0: i32) -> (i32, i32) {
    %c0_i32 = arith.constant 0 : i32
    %c0_i32_0 = arith.constant 0 : i32
    %c0_i32_1 = arith.constant 0 : i32
    return %c0_i32, %c0_i32_0 : i32, i32
  }
  func.func @transform_5(%arg0: i32) -> (i32, i32) {
    %c0_i32 = arith.constant 0 : i32
    %c0_i32_0 = arith.constant 0 : i32
    return %arg0, %c0_i32 : i32, i32
  }
  func.func @transform_6(%arg0: i32) -> (i32, i32) {
    %c0_i32 = arith.constant 0 : i32
    %c0_i32_0 = arith.constant 0 : i32
    return %arg0, %c0_i32 : i32, i32
  }
}

module attributes {stable_mosaic.version = 14 : i64} {
  func.func @body(%arg0: i32, %arg1: memref<2x128x32xf32, #tpu.memory_space<vmem>>, %arg2: memref<2x128x32xf32, #tpu.memory_space<vmem>>, %arg3: memref<128x32xf32, #tpu.memory_space<vmem>>, %arg4: memref<128x32xf32, #tpu.memory_space<vmem>>, %arg5: memref<1x128xf32, #tpu.memory_space<vmem>>, %arg6: memref<1x64xf32, #tpu.memory_space<vmem>>, %arg7: memref<64x64xf32, #tpu.memory_space<vmem>>, %arg8: memref<128x32xf32, #tpu.memory_space<vmem>>, %arg9: memref<128x32xf32, #tpu.memory_space<vmem>>) attributes {dimension_semantics = [#tpu.dimension_semantics<arbitrary>], iteration_bounds = array<i64: 240>, scalar_prefetch = 0 : i64, scratch_operands = 0 : i64, tpu.core_type = #tpu.core_type<tc>, window_params = [{transform_indices = @transform_0, window_bounds = array<i64: 2, 128, 32>}, {transform_indices = @transform_1, window_bounds = array<i64: 2, 128, 32>}, {transform_indices = @transform_2, window_bounds = array<i64: 128, 32>}, {transform_indices = @transform_3, window_bounds = array<i64: 128, 32>}, {transform_indices = @transform_4, window_bounds = array<i64: 1, 128>}, {pipeline_mode = #tpu.pipeline_mode<synchronous>, transform_indices = @transform_5, window_bounds = array<i64: 1, 64>}, {pipeline_mode = #tpu.pipeline_mode<synchronous>, transform_indices = @transform_6, window_bounds = array<i64: 64, 64>}, {transform_indices = @transform_7, window_bounds = array<i64: 128, 32>}, {transform_indices = @transform_8, window_bounds = array<i64: 128, 32>}]} {
    %get3A = arith.constant 0 : index
    %get3A_0 = arith.constant 0 : index
    %get3A_1 = arith.constant 0 : index
    %get3A_2 = vector.load %arg1[%get3A, %get3A_0, %get3A_1] : memref<2x128x32xf32, #tpu.memory_space<vmem>>, vector<1x128x32xf32>
    %get3A_3 = vector.shape_cast %get3A_2 : vector<1x128x32xf32> to vector<128x32xf32>
    %get3A_4 = arith.constant 1 : index
    %get3A_5 = arith.constant 0 : index
    %get3A_6 = arith.constant 0 : index
    %get3A_7 = vector.load %arg1[%get3A_4, %get3A_5, %get3A_6] : memref<2x128x32xf32, #tpu.memory_space<vmem>>, vector<1x128x32xf32>
    %get3A_8 = vector.shape_cast %get3A_7 : vector<1x128x32xf32> to vector<128x32xf32>
    %add3A = arith.addf %get3A_3, %get3A_8 : vector<128x32xf32>
    %get3A_9 = arith.constant 0 : index
    %get3A_10 = arith.constant 0 : index
    %get3A_11 = vector.load %arg3[%get3A_9, %get3A_10] : memref<128x32xf32, #tpu.memory_space<vmem>>, vector<128x32xf32>
    %add3A_12 = arith.addf %add3A, %get3A_11 : vector<128x32xf32>
    %get3A_13 = arith.constant 0 : index
    %get3A_14 = arith.constant 0 : index
    %get3A_15 = arith.constant 0 : index
    %get3A_16 = vector.load %arg2[%get3A_13, %get3A_14, %get3A_15] : memref<2x128x32xf32, #tpu.memory_space<vmem>>, vector<1x128x32xf32>
    %get3A_17 = vector.shape_cast %get3A_16 : vector<1x128x32xf32> to vector<128x32xf32>
    %get3A_18 = arith.constant 1 : index
    %get3A_19 = arith.constant 0 : index
    %get3A_20 = arith.constant 0 : index
    %get3A_21 = vector.load %arg2[%get3A_18, %get3A_19, %get3A_20] : memref<2x128x32xf32, #tpu.memory_space<vmem>>, vector<1x128x32xf32>
    %get3A_22 = vector.shape_cast %get3A_21 : vector<1x128x32xf32> to vector<128x32xf32>
    %add3A_23 = arith.addf %get3A_17, %get3A_22 : vector<128x32xf32>
    %get3A_24 = arith.constant 0 : index
    %get3A_25 = arith.constant 0 : index
    %get3A_26 = vector.load %arg4[%get3A_24, %get3A_25] : memref<128x32xf32, #tpu.memory_space<vmem>>, vector<128x32xf32>
    %add3A_27 = arith.addf %add3A_23, %get3A_26 : vector<128x32xf32>
    %concatenate3A = tpu.concatenate %add3A_12, %add3A_27 in 1 : vector<128x32xf32>, vector<128x32xf32> -> vector<128x64xf32>
    %get3A_28 = arith.constant 0 : index
    %get3A_29 = arith.constant 0 : index
    %get3A_30 = vector.load %arg5[%get3A_28, %get3A_29] : memref<1x128xf32, #tpu.memory_space<vmem>>, vector<1x128xf32>
    %iota3A = tpu.iota {dimensions = array<i32: 0>} : vector<128x128xi32>
    %iota3A_31 = tpu.iota {dimensions = array<i32: 1>} : vector<128x128xi32>
    %eq3A = arith.cmpi eq, %iota3A, %iota3A_31 : vector<128x128xi32>
    %convert_element_type3A = arith.extui %eq3A : vector<128x128xi1> to vector<128x128xi32>
    %convert_element_type3A_32 = arith.sitofp %convert_element_type3A : vector<128x128xi32> to vector<128x128xf32>
    %dot_general3A = arith.constant dense<0.000000e+00> : vector<128x1xf32>
    %dot_general3A_33 = tpu.matmul %convert_element_type3A_32, %get3A_30, %dot_general3A {dimension_numbers = #tpu.dot_dimension_numbers<[1], [1], [0], [0], [0, 0, 1, 0], [], []>, transpose_lhs_hint = false} : vector<128x128xf32>, vector<1x128xf32>, vector<128x1xf32> -> vector<128x1xf32>
    %mul3A = vector.broadcast %dot_general3A_33 : vector<128x1xf32> to vector<128x64xf32>
    %mul3A_34 = arith.mulf %mul3A, %concatenate3A : vector<128x64xf32>
    %get3A_35 = arith.constant 0 : index
    %get3A_36 = arith.constant 0 : index
    %get3A_37 = vector.load %arg6[%get3A_35, %get3A_36] : memref<1x64xf32, #tpu.memory_space<vmem>>, vector<1x64xf32>
    %add3A_38 = vector.broadcast %get3A_37 : vector<1x64xf32> to vector<128x64xf32>
    %add3A_39 = arith.addf %mul3A_34, %add3A_38 : vector<128x64xf32>
    %max3A = arith.constant 0.000000e+00 : f32
    %max3A_40 = vector.broadcast %max3A : f32 to vector<128x64xf32>
    %max3A_41 = arith.maximumf %add3A_39, %max3A_40 : vector<128x64xf32>
    %get3A_42 = arith.constant 0 : index
    %get3A_43 = arith.constant 0 : index
    %get3A_44 = vector.load %arg7[%get3A_42, %get3A_43] : memref<64x64xf32, #tpu.memory_space<vmem>>, vector<64x64xf32>
    %dot_general3A_45 = arith.constant dense<0.000000e+00> : vector<128x64xf32>
    %dot_general3A_46 = tpu.matmul %max3A_41, %get3A_44, %dot_general3A_45 {dimension_numbers = #tpu.dot_dimension_numbers<[1], [0], [0], [1], [0, 0, 1, 1], [], []>, transpose_lhs_hint = false} : vector<128x64xf32>, vector<64x64xf32>, vector<128x64xf32> -> vector<128x64xf32>
    %mul3A_47 = vector.broadcast %dot_general3A_33 : vector<128x1xf32> to vector<128x64xf32>
    %mul3A_48 = arith.mulf %mul3A_47, %dot_general3A_46 : vector<128x64xf32>
    %slice3A = vector.extract_strided_slice %mul3A_48 {offsets = [0, 0], sizes = [128, 32], strides = [1, 1]} : vector<128x64xf32> to vector<128x32xf32>
    %swap3A = arith.constant 0 : index
    %swap3A_49 = arith.constant 0 : index
    %swap3A_50 = vector.load %arg8[%swap3A, %swap3A_49] : memref<128x32xf32, #tpu.memory_space<vmem>>, vector<128x32xf32>
    tpu.vector_store %arg8[%swap3A, %swap3A_49], %slice3A {strides = array<i32>} : memref<128x32xf32, #tpu.memory_space<vmem>>, vector<128x32xf32>,
    %slice3A_51 = vector.extract_strided_slice %mul3A_48 {offsets = [0, 32], sizes = [128, 32], strides = [1, 1]} : vector<128x64xf32> to vector<128x32xf32>
    %swap3A_52 = arith.constant 0 : index
    %swap3A_53 = arith.constant 0 : index
    %swap3A_54 = vector.load %arg9[%swap3A_52, %swap3A_53] : memref<128x32xf32, #tpu.memory_space<vmem>>, vector<128x32xf32>
    tpu.vector_store %arg9[%swap3A_52, %swap3A_53], %slice3A_51 {strides = array<i32>} : memref<128x32xf32, #tpu.memory_space<vmem>>, vector<128x32xf32>,
    return
  }
  func.func @transform_0(%arg0: i32) -> (i32, i32, i32) {
    %c0_i32 = arith.constant 0 : i32
    %c0_i32_0 = arith.constant 0 : i32
    %c0_i32_1 = arith.constant 0 : i32
    return %c0_i32, %arg0, %c0_i32_0 : i32, i32, i32
  }
  func.func @transform_1(%arg0: i32) -> (i32, i32, i32) {
    %c0_i32 = arith.constant 0 : i32
    %c0_i32_0 = arith.constant 0 : i32
    %c0_i32_1 = arith.constant 0 : i32
    return %c0_i32, %arg0, %c0_i32_0 : i32, i32, i32
  }
  func.func @transform_2(%arg0: i32) -> (i32, i32) {
    %c0_i32 = arith.constant 0 : i32
    %c0_i32_0 = arith.constant 0 : i32
    return %arg0, %c0_i32 : i32, i32
  }
  func.func @transform_3(%arg0: i32) -> (i32, i32) {
    %c0_i32 = arith.constant 0 : i32
    %c0_i32_0 = arith.constant 0 : i32
    return %arg0, %c0_i32 : i32, i32
  }
  func.func @transform_4(%arg0: i32) -> (i32, i32) {
    %c0_i32 = arith.constant 0 : i32
    %c0_i32_0 = arith.constant 0 : i32
    return %c0_i32, %arg0 : i32, i32
  }
  func.func @transform_5(%arg0: i32) -> (i32, i32) {
    %c0_i32 = arith.constant 0 : i32
    %c0_i32_0 = arith.constant 0 : i32
    %c0_i32_1 = arith.constant 0 : i32
    return %c0_i32, %c0_i32_0 : i32, i32
  }
  func.func @transform_6(%arg0: i32) -> (i32, i32) {
    %c0_i32 = arith.constant 0 : i32
    %c0_i32_0 = arith.constant 0 : i32
    %c0_i32_1 = arith.constant 0 : i32
    return %c0_i32, %c0_i32_0 : i32, i32
  }
  func.func @transform_7(%arg0: i32) -> (i32, i32) {
    %c0_i32 = arith.constant 0 : i32
    %c0_i32_0 = arith.constant 0 : i32
    return %arg0, %c0_i32 : i32, i32
  }
  func.func @transform_8(%arg0: i32) -> (i32, i32) {
    %c0_i32 = arith.constant 0 : i32
    %c0_i32_0 = arith.constant 0 : i32
    return %arg0, %c0_i32 : i32, i32
  }
}

module attributes {stable_mosaic.version = 14 : i64} {
  func.func @body(%arg0: i32, %arg1: memref<2x128x32xf32, #tpu.memory_space<vmem>>, %arg2: memref<2x128x32xf32, #tpu.memory_space<vmem>>, %arg3: memref<128x32xf32, #tpu.memory_space<vmem>>, %arg4: memref<128x32xf32, #tpu.memory_space<vmem>>, %arg5: memref<1x128xf32, #tpu.memory_space<vmem>>, %arg6: memref<1x64xf32, #tpu.memory_space<vmem>>, %arg7: memref<1x128xi32, #tpu.memory_space<vmem>>, %arg8: memref<256x64xf32, #tpu.memory_space<vmem>>, %arg9: memref<256x64xf32, #tpu.memory_space<vmem>>, %arg10: memref<256x64xf32, #tpu.memory_space<vmem>>) attributes {dimension_semantics = [#tpu.dimension_semantics<arbitrary>], iteration_bounds = array<i64: 240>, scalar_prefetch = 0 : i64, scratch_operands = 2 : i64, tpu.core_type = #tpu.core_type<tc>, window_params = [{transform_indices = @transform_0, window_bounds = array<i64: 2, 128, 32>}, {transform_indices = @transform_1, window_bounds = array<i64: 2, 128, 32>}, {transform_indices = @transform_2, window_bounds = array<i64: 128, 32>}, {transform_indices = @transform_3, window_bounds = array<i64: 128, 32>}, {transform_indices = @transform_4, window_bounds = array<i64: 1, 128>}, {pipeline_mode = #tpu.pipeline_mode<synchronous>, transform_indices = @transform_5, window_bounds = array<i64: 1, 64>}, {transform_indices = @transform_6, window_bounds = array<i64: 1, 128>}, {pipeline_mode = #tpu.pipeline_mode<synchronous>, transform_indices = @transform_7, window_bounds = array<i64: 256, 64>}]} {
    %get3A = arith.constant 0 : index
    %get3A_0 = arith.constant 0 : index
    %get3A_1 = arith.constant 0 : index
    %get3A_2 = vector.load %arg1[%get3A, %get3A_0, %get3A_1] : memref<2x128x32xf32, #tpu.memory_space<vmem>>, vector<1x128x32xf32>
    %get3A_3 = vector.shape_cast %get3A_2 : vector<1x128x32xf32> to vector<128x32xf32>
    %get3A_4 = arith.constant 1 : index
    %get3A_5 = arith.constant 0 : index
    %get3A_6 = arith.constant 0 : index
    %get3A_7 = vector.load %arg1[%get3A_4, %get3A_5, %get3A_6] : memref<2x128x32xf32, #tpu.memory_space<vmem>>, vector<1x128x32xf32>
    %get3A_8 = vector.shape_cast %get3A_7 : vector<1x128x32xf32> to vector<128x32xf32>
    %add3A = arith.addf %get3A_3, %get3A_8 : vector<128x32xf32>
    %get3A_9 = arith.constant 0 : index
    %get3A_10 = arith.constant 0 : index
    %get3A_11 = vector.load %arg3[%get3A_9, %get3A_10] : memref<128x32xf32, #tpu.memory_space<vmem>>, vector<128x32xf32>
    %add3A_12 = arith.addf %add3A, %get3A_11 : vector<128x32xf32>
    %get3A_13 = arith.constant 0 : index
    %get3A_14 = arith.constant 0 : index
    %get3A_15 = arith.constant 0 : index
    %get3A_16 = vector.load %arg2[%get3A_13, %get3A_14, %get3A_15] : memref<2x128x32xf32, #tpu.memory_space<vmem>>, vector<1x128x32xf32>
    %get3A_17 = vector.shape_cast %get3A_16 : vector<1x128x32xf32> to vector<128x32xf32>
    %get3A_18 = arith.constant 1 : index
    %get3A_19 = arith.constant 0 : index
    %get3A_20 = arith.constant 0 : index
    %get3A_21 = vector.load %arg2[%get3A_18, %get3A_19, %get3A_20] : memref<2x128x32xf32, #tpu.memory_space<vmem>>, vector<1x128x32xf32>
    %get3A_22 = vector.shape_cast %get3A_21 : vector<1x128x32xf32> to vector<128x32xf32>
    %add3A_23 = arith.addf %get3A_17, %get3A_22 : vector<128x32xf32>
    %get3A_24 = arith.constant 0 : index
    %get3A_25 = arith.constant 0 : index
    %get3A_26 = vector.load %arg4[%get3A_24, %get3A_25] : memref<128x32xf32, #tpu.memory_space<vmem>>, vector<128x32xf32>
    %add3A_27 = arith.addf %add3A_23, %get3A_26 : vector<128x32xf32>
    %concatenate3A = tpu.concatenate %add3A_12, %add3A_27 in 1 : vector<128x32xf32>, vector<128x32xf32> -> vector<128x64xf32>
    %get3A_28 = arith.constant 0 : index
    %get3A_29 = arith.constant 0 : index
    %get3A_30 = vector.load %arg5[%get3A_28, %get3A_29] : memref<1x128xf32, #tpu.memory_space<vmem>>, vector<1x128xf32>
    %iota3A = tpu.iota {dimensions = array<i32: 0>} : vector<128x128xi32>
    %iota3A_31 = tpu.iota {dimensions = array<i32: 1>} : vector<128x128xi32>
    %eq3A = arith.cmpi eq, %iota3A, %iota3A_31 : vector<128x128xi32>
    %convert_element_type3A = arith.extui %eq3A : vector<128x128xi1> to vector<128x128xi32>
    %convert_element_type3A_32 = arith.sitofp %convert_element_type3A : vector<128x128xi32> to vector<128x128xf32>
    %dot_general3A = arith.constant dense<0.000000e+00> : vector<128x1xf32>
    %dot_general3A_33 = tpu.matmul %convert_element_type3A_32, %get3A_30, %dot_general3A {dimension_numbers = #tpu.dot_dimension_numbers<[1], [1], [0], [0], [0, 0, 1, 0], [], []>, transpose_lhs_hint = false} : vector<128x128xf32>, vector<1x128xf32>, vector<128x1xf32> -> vector<128x1xf32>
    %mul3A = vector.broadcast %dot_general3A_33 : vector<128x1xf32> to vector<128x64xf32>
    %mul3A_34 = arith.mulf %mul3A, %concatenate3A : vector<128x64xf32>
    %get3A_35 = arith.constant 0 : index
    %get3A_36 = arith.constant 0 : index
    %get3A_37 = vector.load %arg6[%get3A_35, %get3A_36] : memref<1x64xf32, #tpu.memory_space<vmem>>, vector<1x64xf32>
    %add3A_38 = vector.broadcast %get3A_37 : vector<1x64xf32> to vector<128x64xf32>
    %add3A_39 = arith.addf %mul3A_34, %add3A_38 : vector<128x64xf32>
    %max3A = arith.constant 0.000000e+00 : f32
    %max3A_40 = vector.broadcast %max3A : f32 to vector<128x64xf32>
    %max3A_41 = arith.maximumf %add3A_39, %max3A_40 : vector<128x64xf32>
    %iota3A_42 = tpu.iota {dimensions = array<i32: 0>} : vector<256x128xi32>
    %get3A_43 = arith.constant 0 : index
    %get3A_44 = arith.constant 0 : index
    %get3A_45 = vector.load %arg7[%get3A_43, %get3A_44] : memref<1x128xi32, #tpu.memory_space<vmem>>, vector<1x128xi32>
    %eq3A_46 = vector.broadcast %get3A_45 : vector<1x128xi32> to vector<256x128xi32>
    %eq3A_47 = arith.cmpi eq, %iota3A_42, %eq3A_46 : vector<256x128xi32>
    %convert_element_type3A_48 = arith.extui %eq3A_47 : vector<256x128xi1> to vector<256x128xi32>
    %convert_element_type3A_49 = arith.sitofp %convert_element_type3A_48 : vector<256x128xi32> to vector<256x128xf32>
    %dot_general3A_50 = arith.constant dense<0.000000e+00> : vector<256x64xf32>
    %dot_general3A_51 = tpu.matmul %convert_element_type3A_49, %max3A_41, %dot_general3A_50 {dimension_numbers = #tpu.dot_dimension_numbers<[1], [0], [0], [1], [0, 0, 1, 1], [], []>, transpose_lhs_hint = false} : vector<256x128xf32>, vector<128x64xf32>, vector<256x64xf32> -> vector<256x64xf32>
    %broadcast_in_dim3A = arith.constant 1.000000e+00 : f32
    %broadcast_in_dim3A_52 = vector.broadcast %broadcast_in_dim3A : f32 to vector<128x64xf32>
    %dot_general3A_53 = arith.constant dense<0.000000e+00> : vector<256x64xf32>
    %dot_general3A_54 = tpu.matmul %convert_element_type3A_49, %broadcast_in_dim3A_52, %dot_general3A_53 {dimension_numbers = #tpu.dot_dimension_numbers<[1], [0], [0], [1], [0, 0, 1, 1], [], []>, transpose_lhs_hint = false} : vector<256x128xf32>, vector<128x64xf32>, vector<256x64xf32> -> vector<256x64xf32>
    %eq3A_55 = arith.constant 0 : i32
    %eq3A_56 = arith.cmpi eq, %arg0, %eq3A_55 : i32
    %convert_element_type3A_57 = arith.extui %eq3A_56 : i1 to i32
    %cond3A = arith.constant 0 : i32
    %cond3A_58 = arith.cmpi ne, %convert_element_type3A_57, %cond3A : i32
    scf.if %cond3A_58 {
      %swap3A = arith.constant 0 : index
      %swap3A_68 = arith.constant 0 : index
      %swap3A_69 = vector.load %arg9[%swap3A, %swap3A_68] : memref<256x64xf32, #tpu.memory_space<vmem>>, vector<256x64xf32>
      tpu.vector_store %arg9[%swap3A, %swap3A_68], %dot_general3A_51 {strides = array<i32>} : memref<256x64xf32, #tpu.memory_space<vmem>>, vector<256x64xf32>,
      %swap3A_70 = arith.constant 0 : index
      %swap3A_71 = arith.constant 0 : index
      %swap3A_72 = vector.load %arg10[%swap3A_70, %swap3A_71] : memref<256x64xf32, #tpu.memory_space<vmem>>, vector<256x64xf32>
      tpu.vector_store %arg10[%swap3A_70, %swap3A_71], %dot_general3A_54 {strides = array<i32>} : memref<256x64xf32, #tpu.memory_space<vmem>>, vector<256x64xf32>,
    } else {
    }
    %gt3A = arith.constant 0 : i32
    %gt3A_59 = arith.cmpi sgt, %arg0, %gt3A : i32
    %convert_element_type3A_60 = arith.extui %gt3A_59 : i1 to i32
    %cond3A_61 = arith.constant 0 : i32
    %cond3A_62 = arith.cmpi ne, %convert_element_type3A_60, %cond3A_61 : i32
    scf.if %cond3A_62 {
      %get3A_68 = arith.constant 0 : index
      %get3A_69 = arith.constant 0 : index
      %get3A_70 = vector.load %arg9[%get3A_68, %get3A_69] : memref<256x64xf32, #tpu.memory_space<vmem>>, vector<256x64xf32>
      %add3A_71 = arith.addf %get3A_70, %dot_general3A_51 : vector<256x64xf32>
      %swap3A = arith.constant 0 : index
      %swap3A_72 = arith.constant 0 : index
      %swap3A_73 = vector.load %arg9[%swap3A, %swap3A_72] : memref<256x64xf32, #tpu.memory_space<vmem>>, vector<256x64xf32>
      tpu.vector_store %arg9[%swap3A, %swap3A_72], %add3A_71 {strides = array<i32>} : memref<256x64xf32, #tpu.memory_space<vmem>>, vector<256x64xf32>,
      %get3A_74 = arith.constant 0 : index
      %get3A_75 = arith.constant 0 : index
      %get3A_76 = vector.load %arg10[%get3A_74, %get3A_75] : memref<256x64xf32, #tpu.memory_space<vmem>>, vector<256x64xf32>
      %add3A_77 = arith.addf %get3A_76, %dot_general3A_54 : vector<256x64xf32>
      %swap3A_78 = arith.constant 0 : index
      %swap3A_79 = arith.constant 0 : index
      %swap3A_80 = vector.load %arg10[%swap3A_78, %swap3A_79] : memref<256x64xf32, #tpu.memory_space<vmem>>, vector<256x64xf32>
      tpu.vector_store %arg10[%swap3A_78, %swap3A_79], %add3A_77 {strides = array<i32>} : memref<256x64xf32, #tpu.memory_space<vmem>>, vector<256x64xf32>,
    } else {
    }
    %eq3A_63 = arith.constant 239 : i32
    %eq3A_64 = arith.cmpi eq, %arg0, %eq3A_63 : i32
    %convert_element_type3A_65 = arith.extui %eq3A_64 : i1 to i32
    %cond3A_66 = arith.constant 0 : i32
    %cond3A_67 = arith.cmpi ne, %convert_element_type3A_65, %cond3A_66 : i32
    scf.if %cond3A_67 {
      %get3A_68 = arith.constant 0 : index
      %get3A_69 = arith.constant 0 : index
      %get3A_70 = vector.load %arg9[%get3A_68, %get3A_69] : memref<256x64xf32, #tpu.memory_space<vmem>>, vector<256x64xf32>
      %get3A_71 = arith.constant 0 : index
      %get3A_72 = arith.constant 0 : index
      %get3A_73 = vector.load %arg10[%get3A_71, %get3A_72] : memref<256x64xf32, #tpu.memory_space<vmem>>, vector<256x64xf32>
      %max3A_74 = arith.constant 1.000000e+00 : f32
      %max3A_75 = vector.broadcast %max3A_74 : f32 to vector<256x64xf32>
      %max3A_76 = arith.maximumf %get3A_73, %max3A_75 : vector<256x64xf32>
      %div3A = arith.divf %get3A_70, %max3A_76 : vector<256x64xf32>
      %swap3A = arith.constant 0 : index
      %swap3A_77 = arith.constant 0 : index
      %swap3A_78 = vector.load %arg8[%swap3A, %swap3A_77] : memref<256x64xf32, #tpu.memory_space<vmem>>, vector<256x64xf32>
      tpu.vector_store %arg8[%swap3A, %swap3A_77], %div3A {strides = array<i32>} : memref<256x64xf32, #tpu.memory_space<vmem>>, vector<256x64xf32>,
    } else {
    }
    return
  }
  func.func @transform_0(%arg0: i32) -> (i32, i32, i32) {
    %c0_i32 = arith.constant 0 : i32
    %c0_i32_0 = arith.constant 0 : i32
    %c0_i32_1 = arith.constant 0 : i32
    return %c0_i32, %arg0, %c0_i32_0 : i32, i32, i32
  }
  func.func @transform_1(%arg0: i32) -> (i32, i32, i32) {
    %c0_i32 = arith.constant 0 : i32
    %c0_i32_0 = arith.constant 0 : i32
    %c0_i32_1 = arith.constant 0 : i32
    return %c0_i32, %arg0, %c0_i32_0 : i32, i32, i32
  }
  func.func @transform_2(%arg0: i32) -> (i32, i32) {
    %c0_i32 = arith.constant 0 : i32
    %c0_i32_0 = arith.constant 0 : i32
    return %arg0, %c0_i32 : i32, i32
  }
  func.func @transform_3(%arg0: i32) -> (i32, i32) {
    %c0_i32 = arith.constant 0 : i32
    %c0_i32_0 = arith.constant 0 : i32
    return %arg0, %c0_i32 : i32, i32
  }
  func.func @transform_4(%arg0: i32) -> (i32, i32) {
    %c0_i32 = arith.constant 0 : i32
    %c0_i32_0 = arith.constant 0 : i32
    return %c0_i32, %arg0 : i32, i32
  }
  func.func @transform_5(%arg0: i32) -> (i32, i32) {
    %c0_i32 = arith.constant 0 : i32
    %c0_i32_0 = arith.constant 0 : i32
    %c0_i32_1 = arith.constant 0 : i32
    return %c0_i32, %c0_i32_0 : i32, i32
  }
  func.func @transform_6(%arg0: i32) -> (i32, i32) {
    %c0_i32 = arith.constant 0 : i32
    %c0_i32_0 = arith.constant 0 : i32
    return %c0_i32, %arg0 : i32, i32
  }
  func.func @transform_7(%arg0: i32) -> (i32, i32) {
    %c0_i32 = arith.constant 0 : i32
    %c0_i32_0 = arith.constant 0 : i32
    %c0_i32_1 = arith.constant 0 : i32
    return %c0_i32, %c0_i32_0 : i32, i32
  }
}

</mosaic_0001>

<sc_bundles>
// kernel: kernel.12.cloned.1.call-start
scs
__scs_entry_jumppad:
0x0: {  	(pc) =	sbr.rel $0x88, $3  }
0x1: {  	(tag) =	ssettag $0x0;
	lr =	simm.s32 $0x1  }
0x2: {  	[smem:$0x3F92] =	sst lr;
	_ =	strace $0xD0000000  }
0x3: {  	_ = 	snop  }
0x4: {  	_ = 	snop  }
0x5: {  	_ = 	snop  }
0x6: {  	_ = 	snop  }
0x7: {  	_ = 	snop  }
__scs_overlays_trampoline_lowered:
0x8: {  	[smem:$0x3FA1] =	sst s0  }
0x9: {  	[smem:$0x3FA2] =	sst s1  }
0xa: {  	[smem:$0x3FA3] =	sst s2  }
0xb: {  	[smem:$0x3FA4] =	sst s3  }
0xc: {  	[smem:$0x3FA5] =	sst s4  }
0xd: {  	[smem:$0x3FA6] =	sst s5  }
0xe: {  	[smem:$0x3FA7] =	sst s6  }
0xf: {  	[smem:$0x3FA8] =	sst s7  }
0x10: {  	[smem:$0x3FA9] =	sst s8  }
0x11: {  	[smem:$0x3FAA] =	sst s9;
	s0 =	simm.s32 @!p0 $0x0  }
0x12: {  	s1 =	sld [smem:$0x3F90];
	s0 =	simm.s32 @p0 $0x1  }
0x13: {  	[smem:$0x3FAB] =	sst s0;
	s0 =	simm.s32 @!p1 $0x0  }
0x14: {  	s2 =	sld [smem:$0x3F8F];
	s0 =	simm.s32 @p1 $0x1  }
0x15: {  	[smem:$0x3FAC] =	sst s0;
	s0 =	simm.s32 @!p2 $0x0  }
0x16: {  	s3 =	sld [smem:$0x3FDB];
	s0 =	simm.s32 @p2 $0x1  }
0x17: {  	s4 =	simm.s32 $0x1BF5;
	[smem:$0x3FAE] =	sst s0  }
0x18: {  	s0 =	sld [smem:$0x3F91];
	_ =	swait.ge [sflag:s4], $0x0  }
0x19: {  	s7 =	sld [smem:$0x3F92]  }
0x1a: {  	s8 =	sadd.s32 $0xFFFFE003, lr  }
0x1b: {  	s9 =	sadd.s32 $0xFFFFFEF7, lr;
	s5 =	simm.s32 $0xFFFFFFFF;
	p2 =	slt.u32 s8, $0xFFFFF086  }
0x1c: {  	p1 =	slt.u32 s9, $0xF7A;
	s5 =	simm.s32 @!p2 $0x0  }
0x1d: {  	s5 =	simm.s32 @p1 $0x1;
	p0 =	seq.s32 s7, s2  }
0x1e: {  	s7 =	smul.u32 @!p0 $0xF7A, s2;
	p2 =	seq.s32 @!p0 s5, $0x0  }
0x1f: {  	s9 =	smul.u32 $0xF7A, s1;
	s8 =	simm.s32 @!p0 $0x1BF5;
	p2 =	por !p2, p0  }
0x20: {  	[sflag:s8] =	ssyncset.s32 @!p0 $0xFFFFF086;
	s6 =	sadd.s32 @!p0 s3, s7;
	s7 =	simm.s32 @!p0 $0x108  }
0x21: {  	s3 =	sadd.s32 s3, s9;
	s6 =	sadd.s32 @!p0 $0x88, s6;
	s7 =	simm.s32 @p2 $0x1082  }
0x22: {  	[simem:s7], [sflag:s8] =	dma.local @!p0 [hbm:s6], $0xF7A  }
0x23: {  	s9 =	sor.u32 $0xD0000000, s2;
	s6 =	simm.s32 $0x108;
	_ =	swait.ge @!p0 [sflag:s8], $0x0  }
0x24: {  	s3 =	sadd.s32 $0x88, s3;
	s6 =	simm.s32 @!p1 $0x1082;
	[sflag:s4] =	ssyncset.s32 $0xFFFFF086  }
0x25: {  	[simem:s6], [sflag:s4] =	dma.local [hbm:s3], $0xF7A  }
0x26: {  	[smem:$0x3F92] =	sst s1;
	(tag) =	ssettag s2;
	_ =	strace s9  }
0x27: {  	s1 =	sld [smem:$0x3FA2]  }
0x28: {  	s2 =	sld [smem:$0x3FA3]  }
0x29: {  	s4 =	sld [smem:$0x3FA5]  }
0x2a: {  	p0 =	seq.s32 s5, $0x0;
	s5 =	sld [smem:$0x3FA6]  }
0x2b: {  	s6 =	sld [smem:$0x3FA7]  }
0x2c: {  	s7 =	sld [smem:$0x3FA8]  }
0x2d: {  	s3 =	simm.s32 $0x108;
	s8 =	sld [smem:$0x3FA9]  }
0x2e: {  	s3 =	simm.s32 @!p0 $0x1082;
	s9 =	sld [smem:$0x3FAA]  }
0x2f: {  	lr =	sadd.s32 s0, s3;
	s0 =	sld [smem:$0x3FA1]  }
0x30: {  	s3 =	sld [smem:$0x3FA4]  }
0x31: {  	[smem:$0x3FAD] =	sst s10  }
0x32: {  	s10 =	sld [smem:$0x3FAB];
	_ =	sdelay $0x3  }
0x33: {  	p0 =	seq.s32 s10, $0x1;
	s10 =	sld [smem:$0x3FAD];
	_ =	sdelay $0x3  }
0x34: {  	[smem:$0x3FAD] =	sst s10  }
0x35: {  	s10 =	sld [smem:$0x3FAC];
	_ =	sdelay $0x3  }
0x36: {  	p1 =	seq.s32 s10, $0x1;
	s10 =	sld [smem:$0x3FAD];
	_ =	sdelay $0x3  }
0x37: {  	[smem:$0x3FAD] =	sst s10  }
0x38: {  	s10 =	sld [smem:$0x3FAE]  }
0x39: {  	_ = 	snop;
	(pc) =	sbr.ind lr, $3  }
0x3a: {  	_ = 	snop  }
0x3b: {  	_ = 	snop  }
0x3c: {  	p2 =	seq.s32 s10, $0x1;
	s10 =	sld [smem:$0x3FAD]  }
0x3d: {  	_ =	shalt  }
0x3e: {  	_ =	shalt  }
0x3f: {  	_ =	shalt  }
0x40: {  	_ =	shalt  }
0x41: {  	_ =	shalt  }
0x42: {  	_ =	shalt  }
0x43: {  	_ =	shalt  }
0x44: {  	_ =	shalt  }
0x45: {  	_ =	shalt  }
0x46: {  	_ =	shalt  }
0x47: {  	_ =	shalt  }
0x48: {  	_ =	shalt  }
0x49: {  	_ =	shalt  }
0x4a: {  	_ =	shalt  }
0x4b: {  	_ =	shalt  }
0x4c: {  	_ =	shalt  }
0x4d: {  	_ =	shalt  }
0x4e: {  	_ =	shalt  }
0x4f: {  	_ =	shalt  }
0x50: {  	_ =	shalt  }
0x51: {  	_ =	shalt  }
0x52: {  	_ =	shalt  }
0x53: {  	_ =	shalt  }
0x54: {  	_ =	shalt  }
0x55: {  	_ =	shalt  }
0x56: {  	_ =	shalt  }
0x57: {  	_ =	shalt  }
0x58: {  	_ =	shalt  }
0x59: {  	_ =	shalt  }
0x5a: {  	_ =	shalt  }
0x5b: {  	_ =	shalt  }
0x5c: {  	_ =	shalt  }
0x5d: {  	_ =	shalt  }
0x5e: {  	_ =	shalt  }
0x5f: {  	_ =	shalt  }
0x60: {  	_ =	shalt  }
0x61: {  	_ =	shalt  }
0x62: {  	_ =	shalt  }
0x63: {  	_ =	shalt  }
0x64: {  	_ =	shalt  }
0x65: {  	_ =	shalt  }
0x66: {  	_ =	shalt  }
0x67: {  	_ =	shalt  }
0x68: {  	_ =	shalt  }
0x69: {  	_ =	shalt  }
0x6a: {  	_ =	shalt  }
0x6b: {  	_ =	shalt  }
0x6c: {  	_ =	shalt  }
0x6d: {  	_ =	shalt  }
0x6e: {  	_ =	shalt  }
0x6f: {  	_ =	shalt  }
0x70: {  	_ =	shalt  }
0x71: {  	_ =	shalt  }
0x72: {  	_ =	shalt  }
0x73: {  	_ =	shalt  }
0x74: {  	_ =	shalt  }
0x75: {  	_ =	shalt  }
0x76: {  	_ =	shalt  }
0x77: {  	_ =	shalt  }
0x78: {  	_ =	shalt  }
0x79: {  	_ =	shalt  }
0x7a: {  	_ =	shalt  }
0x7b: {  	_ =	shalt  }
0x7c: {  	_ =	shalt  }
0x7d: {  	_ =	shalt  }
0x7e: {  	_ =	shalt  }
0x7f: {  	_ =	shalt  }
0x80: {  	_ =	shalt  }
0x81: {  	_ =	shalt  }
0x82: {  	_ =	shalt  }
0x83: {  	_ =	shalt  }
0x84: {  	_ =	shalt  }
0x85: {  	_ =	shalt  }
0x86: {  	_ =	shalt  }
0x87: {  	_ =	shalt  }
.Lfunc_end0:
.L_simem_size_0:
called_computation_lowered:
.L_overlay_start_0:
0x88: {  	s2 =	sld [smem:$0x3FD9]  }
0x89: {  	s3 =	sld [smem:$0x3FFE];
	_ =	sdelay $0x1  }
0x8a: {  	s1 =	srdreg.scid  }
0x8b: {  	s0 =	sand.u32 $0x1, s1  }
0x8c: {  	s16 =	sshll.u32 s0, $0xA;
	s2 =	sadd.s32 s3, s2  }
0x8d: {  	s2 =	sadd.s32 s2, s16  }
0x8e: {  	[smem:$0x3FB9] =	sst s2  }
0x8f: {  	_ = 	snop  }
0x90: {  	(tm) =	ssettm $0x1  }
0x91: {  	s17 =	sld [smem:$0x3FFB];
	_ =	sdelay $0x3  }
0x92: {  	_ =	strace s17  }
0x93: {  	s2 =	sld [smem:$0x3FFC];
	_ =	sdelay $0x3  }
0x94: {  	_ =	strace s2  }
0x95: {  	s2 =	sld [smem:$0x3FFD];
	_ =	sdelay $0x3  }
0x96: {  	_ =	strace s2  }
0x97: {  	_ =	strace $0x8FFFFFFF  }
0x98: {  	s18 =	sld [smem:$0x3FDB];
	_ =	sdelay $0x1  }
0x99: {  	s19 =	simm.s32 $_scs_section_size  }
0x9a: {  	s4 =	simm.s32 $_size__tile_overlayer_lowered;
	s5 =	simm.s32 $_tile_overlayer_lowered  }
0x9b: {  	s22 =	simm.s32 $0x1BFF;
	s21 =	sshll.u32 s5, $0x1;
	s2 =	sadd.s32 s19, s18  }
0x9c: {  	s6 =	simm.s32 $0x0;
	s20 =	sshll.u32 s4, $0x1;
	s4 =	sadd.s32 s21, s2  }
0x9d: {  	[timem:s6], [sflag:s22] =	dma.local [hbm:s4], s20  }
0x9e: {  	_ =	swait.ge [sflag:s22], s20  }
0x9f: {  	s3 =	ssub.s32 $0x0, s20;
	[sflag:s22] =	ssyncset.done $0x0  }
0xa0: {  	[sflag:s22] =	ssyncadd.s32 s3;
	_ =	sdelay $0x1  }
0xa1: {  	s23 =	simm.s32 $0x1B8B  }
0xa2: {  	_ =	swait.ge [sflag:s23], $0x1  }
0xa3: {  	[sflag:s23] =	ssyncset.done $0x0  }
0xa4: {  	s25 =	simm.s32 $0x1B8E;
	s24 =	sld [smem:$0x3FFE];
	[sflag:s23] =	ssyncadd.s32 $0xFFFFFFFF  }
0xa5: {  	s26 =	simm.s32 $execute0_lowered;
	[smem:$0x3FD2] =	sst s25  }
0xa6: {  	s4 =	sshll.u32 s26, $0x1;
	_ =	strace $0x80000046;
	[dreg:$0x1] =	wrdreg $0xFFFFFFFF  }
0xa7: {  	s28 =	simm.s32 $_size_execute0_lowered;
	s2 =	sadd.s32 s2, s4;
	[dreg:$0x0] =	wrdreg $0x0  }
0xa8: {  	s4 =	sshll.u32 s28, $0x1;
	[dreg:$0x2] =	wrdreg s2  }
0xa9: {  	[dreg:$0x3] =	wrdreg s4  }
0xaa: {  	[dreg:$0x4] =	wrdreg $0xC0  }
0xab: {  	_ =	task [dreg:s6], $0x5FFFF  }
0xac: {  	[dreg:$0x1] =	wrdreg $0xFFFFFFFF  }
0xad: {  	[dreg:$0x0] =	wrdreg $0x60  }
0xae: {  	[dreg:$0x2] =	wrdreg s24  }
0xaf: {  	[dreg:$0x3] =	wrdreg $0x76800  }
0xb0: {  	[dreg:$0x4] =	wrdreg $0x9  }
0xb1: {  	_ =	task.clear_ibuf [dreg:s6], $0x5FFFF;
	_ =	strace $0x90000046  }
0xb2: {  	s29 =	simm.s32 $0x9;
	_ =	strace $0x80000048  }
0xb3: {  	_ =	swait.ge [sflag:s29], $0x1  }
0xb4: {  	[sflag:s29] =	ssyncadd.s32 $0xFFFFFFFF  }
0xb5: {  	_ =	strace $0x90000048  }
0xb6: {  	_ =	sfence  }
0xb7: {  	s30 =	sld [smem:$0x0];
	_ =	sdelay $0x2  }
0xb8: {  	s31 =	sshll.u32 s1, $0xD;
	s1 =	sshrl.u32 s1, $0x2  }
0xb9: {  	s3 =	sand.u32 $0x4000, s31;
	s1 =	sadd.s32 s1, s30  }
0xba: {  	s0 =	sor.u32 s3, s0;
	s1 =	sshll.u32 s1, $0x11  }
0xbb: {  	s0 =	sor.u32 s1, s0  }
0xbc: {  	s0 =	sadd.s32 $0x8F2B, s0  }
0xbd: {  	[sflag:s0] =	ssyncadd.remote.s32 $0x1  }
0xbe: {  	_ =	sfence.sel $0xFFFF  }
0xbf: {  	[dreg:$0x0] =	wrdreg $0xFFFFFFFF;
	(pc) =	sbr.abs _section_cstart, $3  }
0xc0: {  	[dreg:$0x1] =	wrdreg $0xFFFFFFFF  }
0xc1: {  	_ =	task.clear_ibuf [dreg:s6], $0x2FFFF;
	_ =	strace $0x9FFFFFFF  }
0xc2: {  	(tm) =	ssettm $0x7FFFFFFF  }
0xc3: {  	_ =	shalt  }
tec
execute0_lowered:
.L_overlay_start_1:
0x0: {  	(tag) =	ssettag $0x1  }
0x1: {  	s1 =	srdreg.scid  }
0x2: {  	s0 =	stileid.u32;
	s5 =	rddreg [dreg:$0x0]  }
0x3: {  	s2 =	rddreg [dreg:$0x1];
	s3 =	simm.s32 $0x0;
	s22 =	simm.s32 $0x7600  }
0x4: {  	s23 =	simm.s32 $0x1;
	s24 =	simm.s32 $0x80;
	s26 =	simm.s32 $0x7580  }
0x5: {  	s28 =	simm.s32 $0x0;
	s4 =	sand.u32 $0x1, s1;
	s8 =	smul.u32 $0x780, s0  }
0x6: {  	s31 =	sshll.u32 s0, $0x1;
	[smem:$0x7FF] =	sst s3;
	s9 =	smul.u32 $0x1E00, s0  }
0x7: {  	s1 =	sor.u32 s4, s31;
	s7 =	smul.u32 $0x7800, s4;
	s4 =	ssub.s32 $0x2, s4  }
0x8: {  	s6 =	smul.u32 $0xEB0, s1;
	s1 =	rddreg [dreg:$0x2];
	_ =	strace $0x80000047  }
0x9: {  	s10 =	sshrl.u32 s4, $0x1;
	s9 =	sshrl.u32 s9, $0x2;
	s25 =	sadd.s32 s8, s2  }
0xa: {  	s7 =	sadd.s32 s8, s7;
	s10 =	ssub.s32 s4, s10;
	s4 =	sadd.s32 s9, s2  }
0xb: {  	s25 =	sshrl.u32 s25, $0x3;
	s6 =	sadd.s32 s6, s5;
	s7 =	sshrl.u32 s7, $0x3  }
0xc: {  	s8 =	sadd.s32 $0x80, s4;
	s9 =	sadd.s32 $0x100, s4;
	s11 =	sadd.s32 $0x200, s4  }
0xd: {  	s12 =	sadd.s32 $0x280, s4;
	s13 =	sadd.s32 $0x300, s4;
	s14 =	sadd.s32 $0x380, s4  }
0xe: {  	s15 =	sadd.s32 $0x400, s4;
	s16 =	sadd.s32 $0x480, s4;
	s17 =	sadd.s32 $0x500, s4  }
0xf: {  	s18 =	sadd.s32 $0x580, s4;
	s19 =	sadd.s32 $0x600, s4;
	s20 =	sadd.s32 $0x680, s4  }
0x10: {  	s21 =	sadd.s32 $0x700, s4;
	s7 =	sadd.s32 s7, s5;
	s5 =	sadd.s32 $0x20E00, s6  }
0x11: {  	v0 =	vimm.f32 $0.0e+00;
	v1 =	vimm.f32 $1.000000000e+00;
	s6 =	sadd.s32 $0x3E400, s7;
	s7 =	smax.u32 s10, $0x1;
	s10 =	sadd.s32 $0x180, s4  }
.LBB2_1:
0x12: {  	[tilespmem:$0x7600] =	vst v0  }
0x13: {  	[tilespmem:$0x7580] =	vst v1  }
0x14: {  	[tilespmem:$0x7610] =	vst v0  }
0x15: {  	[tilespmem:$0x7590] =	vst v1  }
0x16: {  	[tilespmem:$0x7620] =	vst v0  }
0x17: {  	[tilespmem:$0x75A0] =	vst v1  }
0x18: {  	[tilespmem:$0x7630] =	vst v0  }
0x19: {  	[tilespmem:$0x75B0] =	vst v1  }
0x1a: {  	[tilespmem:$0x7640] =	vst v0  }
0x1b: {  	[tilespmem:$0x75C0] =	vst v1  }
0x1c: {  	[tilespmem:$0x7650] =	vst v0  }
0x1d: {  	[tilespmem:$0x75D0] =	vst v1  }
0x1e: {  	[tilespmem:$0x7660] =	vst v0  }
0x1f: {  	[tilespmem:$0x75E0] =	vst v1  }
0x20: {  	[tilespmem:$0x7670] =	vst v0  }
0x21: {  	[tilespmem:$0x75F0] =	vst v1  }
0x22: {  	[spmem:s4] =	stream.linear.scatter [tilespmem:s22], [sflag:$0x1], $0x80, $0x38;
	[tilespmem:$0x7E00] =	vst v63  }
0x23: {  	_ =	swait.ge [sflag:s23], $0x80  }
0x24: {  	[sflag:s23] =	ssyncset.done $0x0  }
0x25: {  	[sflag:s23] =	ssyncadd.s32 $0xFFFFFF80  }
0x26: {  	[spmem:s8] =	stream.linear.scatter [tilespmem:s22], [sflag:$0x1], $0x80, $0x38;
	[tilespmem:$0x7E00] =	vst v63  }
0x27: {  	_ =	swait.ge [sflag:s23], $0x80  }
0x28: {  	[sflag:s23] =	ssyncset.done $0x0  }
0x29: {  	[sflag:s23] =	ssyncadd.s32 $0xFFFFFF80  }
0x2a: {  	[spmem:s9] =	stream.linear.scatter [tilespmem:s22], [sflag:$0x1], $0x80, $0x38;
	[tilespmem:$0x7E00] =	vst v63  }
0x2b: {  	_ =	swait.ge [sflag:s23], $0x80  }
0x2c: {  	[sflag:s23] =	ssyncset.done $0x0  }
0x2d: {  	[sflag:s23] =	ssyncadd.s32 $0xFFFFFF80  }
0x2e: {  	[spmem:s10] =	stream.linear.scatter [tilespmem:s22], [sflag:$0x1], $0x80, $0x38;
	[tilespmem:$0x7E00] =	vst v63  }
0x2f: {  	_ =	swait.ge [sflag:s23], $0x80  }
0x30: {  	[sflag:s23] =	ssyncset.done $0x0  }
0x31: {  	[sflag:s23] =	ssyncadd.s32 $0xFFFFFF80  }
0x32: {  	[spmem:s11] =	stream.linear.scatter [tilespmem:s22], [sflag:$0x1], $0x80, $0x38;
	[tilespmem:$0x7E00] =	vst v63  }
0x33: {  	_ =	swait.ge [sflag:s23], $0x80  }
0x34: {  	[sflag:s23] =	ssyncset.done $0x0  }
0x35: {  	[sflag:s23] =	ssyncadd.s32 $0xFFFFFF80  }
0x36: {  	[spmem:s12] =	stream.linear.scatter [tilespmem:s22], [sflag:$0x1], $0x80, $0x38;
	[tilespmem:$0x7E00] =	vst v63  }
0x37: {  	_ =	swait.ge [sflag:s23], $0x80  }
0x38: {  	[sflag:s23] =	ssyncset.done $0x0  }
0x39: {  	[sflag:s23] =	ssyncadd.s32 $0xFFFFFF80  }
0x3a: {  	[spmem:s13] =	stream.linear.scatter [tilespmem:s22], [sflag:$0x1], $0x80, $0x38;
	[tilespmem:$0x7E00] =	vst v63  }
0x3b: {  	_ =	swait.ge [sflag:s23], $0x80  }
0x3c: {  	[sflag:s23] =	ssyncset.done $0x0  }
0x3d: {  	[sflag:s23] =	ssyncadd.s32 $0xFFFFFF80  }
0x3e: {  	[spmem:s14] =	stream.linear.scatter [tilespmem:s22], [sflag:$0x1], $0x80, $0x38;
	[tilespmem:$0x7E00] =	vst v63  }
0x3f: {  	_ =	swait.ge [sflag:s23], $0x80  }
0x40: {  	[sflag:s23] =	ssyncset.done $0x0  }
0x41: {  	[sflag:s23] =	ssyncadd.s32 $0xFFFFFF80  }
0x42: {  	[spmem:s15] =	stream.linear.scatter [tilespmem:s22], [sflag:$0x1], $0x80, $0x38;
	[tilespmem:$0x7E00] =	vst v63  }
0x43: {  	_ =	swait.ge [sflag:s23], $0x80  }
0x44: {  	[sflag:s23] =	ssyncset.done $0x0  }
0x45: {  	[sflag:s23] =	ssyncadd.s32 $0xFFFFFF80  }
0x46: {  	[spmem:s16] =	stream.linear.scatter [tilespmem:s22], [sflag:$0x1], $0x80, $0x38;
	[tilespmem:$0x7E00] =	vst v63  }
0x47: {  	_ =	swait.ge [sflag:s23], $0x80  }
0x48: {  	[sflag:s23] =	ssyncset.done $0x0  }
0x49: {  	[sflag:s23] =	ssyncadd.s32 $0xFFFFFF80  }
0x4a: {  	[spmem:s17] =	stream.linear.scatter [tilespmem:s22], [sflag:$0x1], $0x80, $0x38;
	[tilespmem:$0x7E00] =	vst v63  }
0x4b: {  	_ =	swait.ge [sflag:s23], $0x80  }
0x4c: {  	[sflag:s23] =	ssyncset.done $0x0  }
0x4d: {  	[sflag:s23] =	ssyncadd.s32 $0xFFFFFF80  }
0x4e: {  	[spmem:s18] =	stream.linear.scatter [tilespmem:s22], [sflag:$0x1], $0x80, $0x38;
	[tilespmem:$0x7E00] =	vst v63  }
0x4f: {  	_ =	swait.ge [sflag:s23], $0x80  }
0x50: {  	[sflag:s23] =	ssyncset.done $0x0  }
0x51: {  	[sflag:s23] =	ssyncadd.s32 $0xFFFFFF80  }
0x52: {  	[spmem:s19] =	stream.linear.scatter [tilespmem:s22], [sflag:$0x1], $0x80, $0x38;
	[tilespmem:$0x7E00] =	vst v63  }
0x53: {  	_ =	swait.ge [sflag:s23], $0x80  }
0x54: {  	[sflag:s23] =	ssyncset.done $0x0  }
0x55: {  	[sflag:s23] =	ssyncadd.s32 $0xFFFFFF80  }
0x56: {  	[spmem:s20] =	stream.linear.scatter [tilespmem:s22], [sflag:$0x1], $0x80, $0x38;
	[tilespmem:$0x7E00] =	vst v63  }
0x57: {  	_ =	swait.ge [sflag:s23], $0x80  }
0x58: {  	[sflag:s23] =	ssyncset.done $0x0  }
0x59: {  	[sflag:s23] =	ssyncadd.s32 $0xFFFFFF80  }
0x5a: {  	[spmem:s21] =	stream.linear.scatter [tilespmem:s22], [sflag:$0x1], $0x80, $0x38;
	[tilespmem:$0x7E00] =	vst v63  }
0x5b: {  	_ =	swait.ge [sflag:s23], $0x80  }
0x5c: {  	[sflag:s23] =	ssyncset.done $0x0  }
0x5d: {  	[sflag:s23] =	ssyncadd.s32 $0xFFFFFF80  }
0x5e: {  	[tilespmem:s3], [sflag:$0x1] =	stream.linear.gather [hbm4b:s5+s3], $0x7580, $0x38;
	[tilespmem:$0x7E00] =	vst v63  }
0x5f: {  	_ =	swait.ge [sflag:s23], $0x7580  }
0x60: {  	[sflag:s23] =	ssyncset.done $0x0  }
0x61: {  	[sflag:s23] =	ssyncadd.s32 $0xFFFF8A80  }
0x62: {  	s29 =	simm.s32 $0x0;
	[bflag:$0x0] =	sbarrier.arrive $0xFFFF  }
0x63: {  	[spmem:s2] =	stream.indirect.scatter.add.f32 [tilespmem:s26], [sflag:$0x1], $0x1, s29, s24, $0xb8;
	[tilespmem:$0x7E00] =	vst v63  }
0x64: {  	_ =	swait.ge [sflag:s23], $0x80  }
0x65: {  	s29 =	simm.s32 $0x200;
	[sflag:s23] =	ssyncset.done $0x0  }
.LBB2_2:
0x66: {  	s30 =	sshra.s32 s29, $0x2;
	[sflag:s23] =	ssyncadd.s32 $0xFFFFFF80;
	p0 =	sne.s32 s29, $0x1D400  }
0x67: {  	[spmem:s2] =	stream.indirect.scatter.add.f32 [tilespmem:s26], [sflag:$0x1], $0x1, s30, s24, $0xb8;
	[tilespmem:$0x7E00] =	vst v63  }
.Ltmp0:
0x68: {  	_ = 	snop;
	(pc) =	sbr.rel @p0 .LBB2_2-.Ltmp0, $4  }
0x69: {  	_ = 	snop  }
0x6a: {  	s29 =	sadd.s32 $0x200, s29  }
0x6b: {  	_ =	swait.ge [sflag:s23], $0x80  }
0x6c: {  	[sflag:s23] =	ssyncset.done $0x0  }
0x6d: {  	s28 =	sadd.s32 $0x1, s28  }
0x6e: {  	[sflag:s23] =	ssyncadd.s32 $0xFFFFFF80;
	s29 =	sshll.u32 s0, $0x6;
	p0 =	sne.s32 s28, s7  }
.Ltmp1:
0x6f: {  	[bflag:$0x0] =	sbarrier.arrive $0xFFFF;
	s29 =	sor.u32 $0x1C01, s29;
	(pc) =	sbr.rel @p0 .LBB2_1-.Ltmp1, $4  }
0x70: {  	[hbm:s6], [sflag:s29] =	dma.local [spmem:s25], $0xF0  }
0x71: {  	_ =	swait.ge [sflag:s23], $0xF0  }
0x72: {  	[sflag:s23] =	ssyncset.done $0x0  }
0x73: {  	[sflag:s23] =	ssyncadd.s32 $0xFFFFFF10  }
0x74: {  	_ =	sfence.sel $0x180000  }
0x75: {  	[bflag:$0x0] =	sbarrier.arrive $0xFFFF  }
0x76: {  	p0 =	sne.s32 s0, $0x0;
	_ =	strace $0x90000047  }
0x77: {  	s0 =	sadd.s32 @!p0 $0x100000, s1;
	[bflag:$0x2] =	sbarrier.arrive $0xFFFF  }
0x78: {  	[sflag:s0] =	ssyncadd.tile.s32 @!p0 $0x1;
	_ =	shalt  }
.Lfunc_end2:
_tile_overlayer_lowered:
.L_overlay_start_2:
0x79: {  	(tag) =	ssettag $0x2  }
0x7a: {  	s0 =	rddreg [dreg:$0x0];
	s2 =	stileid.u32  }
0x7b: {  	s1 =	rddreg [dreg:$0x1];
	p0 =	sne.s32 s2, $0x0  }
0x7c: {  	s3 =	rddreg [dreg:$0x2];
	[bflag:$0x3] =	sbarrier.arrive $0xFFFF;
	s2 =	simm.s32 @!p0 $0x1C01  }
0x7d: {  	[timem:s3], [sflag:s2] =	dma.local @!p0 [hbm:s0], s1  }
0x7e: {  	s0 =	simm.s32 @!p0 $0x1  }
0x7f: {  	_ =	swait.ge @!p0 [sflag:s0], s1  }
0x80: {  	s1 =	ssub.s32 @!p0 $0x0, s1;
	[sflag:s0] =	ssyncset.done @!p0 $0x0  }
0x81: {  	[sflag:s0] =	ssyncadd.s32 @!p0 s1  }
0x82: {  	[bflag:$0x3] =	sbarrier.arrive $0xFFFF  }
0x83: {  	_ =	shalt  }

// kernel: kernel.15.cloned.1.call-start
scs
__scs_entry_jumppad:
0x0: {  	(pc) =	sbr.rel $0x88, $3  }
0x1: {  	(tag) =	ssettag $0x0;
	lr =	simm.s32 $0x1  }
0x2: {  	[smem:$0x3F92] =	sst lr;
	_ =	strace $0xD0000000  }
0x3: {  	_ = 	snop  }
0x4: {  	_ = 	snop  }
0x5: {  	_ = 	snop  }
0x6: {  	_ = 	snop  }
0x7: {  	_ = 	snop  }
__scs_overlays_trampoline_lowered:
0x8: {  	[smem:$0x3FA1] =	sst s0  }
0x9: {  	[smem:$0x3FA2] =	sst s1  }
0xa: {  	[smem:$0x3FA3] =	sst s2  }
0xb: {  	[smem:$0x3FA4] =	sst s3  }
0xc: {  	[smem:$0x3FA5] =	sst s4  }
0xd: {  	[smem:$0x3FA6] =	sst s5  }
0xe: {  	[smem:$0x3FA7] =	sst s6  }
0xf: {  	[smem:$0x3FA8] =	sst s7  }
0x10: {  	[smem:$0x3FA9] =	sst s8  }
0x11: {  	[smem:$0x3FAA] =	sst s9;
	s0 =	simm.s32 @!p0 $0x0  }
0x12: {  	s1 =	sld [smem:$0x3F90];
	s0 =	simm.s32 @p0 $0x1  }
0x13: {  	[smem:$0x3FAB] =	sst s0;
	s0 =	simm.s32 @!p1 $0x0  }
0x14: {  	s2 =	sld [smem:$0x3F8F];
	s0 =	simm.s32 @p1 $0x1  }
0x15: {  	[smem:$0x3FAC] =	sst s0;
	s0 =	simm.s32 @!p2 $0x0  }
0x16: {  	s3 =	sld [smem:$0x3FDB];
	s0 =	simm.s32 @p2 $0x1  }
0x17: {  	s4 =	simm.s32 $0x1BF5;
	[smem:$0x3FAE] =	sst s0  }
0x18: {  	s0 =	sld [smem:$0x3F91];
	_ =	swait.ge [sflag:s4], $0x0  }
0x19: {  	s7 =	sld [smem:$0x3F92]  }
0x1a: {  	s8 =	sadd.s32 $0xFFFFE003, lr  }
0x1b: {  	s9 =	sadd.s32 $0xFFFFFEF7, lr;
	s5 =	simm.s32 $0xFFFFFFFF;
	p2 =	slt.u32 s8, $0xFFFFF086  }
0x1c: {  	p1 =	slt.u32 s9, $0xF7A;
	s5 =	simm.s32 @!p2 $0x0  }
0x1d: {  	s5 =	simm.s32 @p1 $0x1;
	p0 =	seq.s32 s7, s2  }
0x1e: {  	s7 =	smul.u32 @!p0 $0xF7A, s2;
	p2 =	seq.s32 @!p0 s5, $0x0  }
0x1f: {  	s9 =	smul.u32 $0xF7A, s1;
	s8 =	simm.s32 @!p0 $0x1BF5;
	p2 =	por !p2, p0  }
0x20: {  	[sflag:s8] =	ssyncset.s32 @!p0 $0xFFFFF086;
	s6 =	sadd.s32 @!p0 s3, s7;
	s7 =	simm.s32 @!p0 $0x108  }
0x21: {  	s3 =	sadd.s32 s3, s9;
	s6 =	sadd.s32 @!p0 $0x88, s6;
	s7 =	simm.s32 @p2 $0x1082  }
0x22: {  	[simem:s7], [sflag:s8] =	dma.local @!p0 [hbm:s6], $0xF7A  }
0x23: {  	s9 =	sor.u32 $0xD0000000, s2;
	s6 =	simm.s32 $0x108;
	_ =	swait.ge @!p0 [sflag:s8], $0x0  }
0x24: {  	s3 =	sadd.s32 $0x88, s3;
	s6 =	simm.s32 @!p1 $0x1082;
	[sflag:s4] =	ssyncset.s32 $0xFFFFF086  }
0x25: {  	[simem:s6], [sflag:s4] =	dma.local [hbm:s3], $0xF7A  }
0x26: {  	[smem:$0x3F92] =	sst s1;
	(tag) =	ssettag s2;
	_ =	strace s9  }
0x27: {  	s1 =	sld [smem:$0x3FA2]  }
0x28: {  	s2 =	sld [smem:$0x3FA3]  }
0x29: {  	s4 =	sld [smem:$0x3FA5]  }
0x2a: {  	p0 =	seq.s32 s5, $0x0;
	s5 =	sld [smem:$0x3FA6]  }
0x2b: {  	s6 =	sld [smem:$0x3FA7]  }
0x2c: {  	s7 =	sld [smem:$0x3FA8]  }
0x2d: {  	s3 =	simm.s32 $0x108;
	s8 =	sld [smem:$0x3FA9]  }
0x2e: {  	s3 =	simm.s32 @!p0 $0x1082;
	s9 =	sld [smem:$0x3FAA]  }
0x2f: {  	lr =	sadd.s32 s0, s3;
	s0 =	sld [smem:$0x3FA1]  }
0x30: {  	s3 =	sld [smem:$0x3FA4]  }
0x31: {  	[smem:$0x3FAD] =	sst s10  }
0x32: {  	s10 =	sld [smem:$0x3FAB];
	_ =	sdelay $0x3  }
0x33: {  	p0 =	seq.s32 s10, $0x1;
	s10 =	sld [smem:$0x3FAD];
	_ =	sdelay $0x3  }
0x34: {  	[smem:$0x3FAD] =	sst s10  }
0x35: {  	s10 =	sld [smem:$0x3FAC];
	_ =	sdelay $0x3  }
0x36: {  	p1 =	seq.s32 s10, $0x1;
	s10 =	sld [smem:$0x3FAD];
	_ =	sdelay $0x3  }
0x37: {  	[smem:$0x3FAD] =	sst s10  }
0x38: {  	s10 =	sld [smem:$0x3FAE]  }
0x39: {  	_ = 	snop;
	(pc) =	sbr.ind lr, $3  }
0x3a: {  	_ = 	snop  }
0x3b: {  	_ = 	snop  }
0x3c: {  	p2 =	seq.s32 s10, $0x1;
	s10 =	sld [smem:$0x3FAD]  }
0x3d: {  	_ =	shalt  }
0x3e: {  	_ =	shalt  }
0x3f: {  	_ =	shalt  }
0x40: {  	_ =	shalt  }
0x41: {  	_ =	shalt  }
0x42: {  	_ =	shalt  }
0x43: {  	_ =	shalt  }
0x44: {  	_ =	shalt  }
0x45: {  	_ =	shalt  }
0x46: {  	_ =	shalt  }
0x47: {  	_ =	shalt  }
0x48: {  	_ =	shalt  }
0x49: {  	_ =	shalt  }
0x4a: {  	_ =	shalt  }
0x4b: {  	_ =	shalt  }
0x4c: {  	_ =	shalt  }
0x4d: {  	_ =	shalt  }
0x4e: {  	_ =	shalt  }
0x4f: {  	_ =	shalt  }
0x50: {  	_ =	shalt  }
0x51: {  	_ =	shalt  }
0x52: {  	_ =	shalt  }
0x53: {  	_ =	shalt  }
0x54: {  	_ =	shalt  }
0x55: {  	_ =	shalt  }
0x56: {  	_ =	shalt  }
0x57: {  	_ =	shalt  }
0x58: {  	_ =	shalt  }
0x59: {  	_ =	shalt  }
0x5a: {  	_ =	shalt  }
0x5b: {  	_ =	shalt  }
0x5c: {  	_ =	shalt  }
0x5d: {  	_ =	shalt  }
0x5e: {  	_ =	shalt  }
0x5f: {  	_ =	shalt  }
0x60: {  	_ =	shalt  }
0x61: {  	_ =	shalt  }
0x62: {  	_ =	shalt  }
0x63: {  	_ =	shalt  }
0x64: {  	_ =	shalt  }
0x65: {  	_ =	shalt  }
0x66: {  	_ =	shalt  }
0x67: {  	_ =	shalt  }
0x68: {  	_ =	shalt  }
0x69: {  	_ =	shalt  }
0x6a: {  	_ =	shalt  }
0x6b: {  	_ =	shalt  }
0x6c: {  	_ =	shalt  }
0x6d: {  	_ =	shalt  }
0x6e: {  	_ =	shalt  }
0x6f: {  	_ =	shalt  }
0x70: {  	_ =	shalt  }
0x71: {  	_ =	shalt  }
0x72: {  	_ =	shalt  }
0x73: {  	_ =	shalt  }
0x74: {  	_ =	shalt  }
0x75: {  	_ =	shalt  }
0x76: {  	_ =	shalt  }
0x77: {  	_ =	shalt  }
0x78: {  	_ =	shalt  }
0x79: {  	_ =	shalt  }
0x7a: {  	_ =	shalt  }
0x7b: {  	_ =	shalt  }
0x7c: {  	_ =	shalt  }
0x7d: {  	_ =	shalt  }
0x7e: {  	_ =	shalt  }
0x7f: {  	_ =	shalt  }
0x80: {  	_ =	shalt  }
0x81: {  	_ =	shalt  }
0x82: {  	_ =	shalt  }
0x83: {  	_ =	shalt  }
0x84: {  	_ =	shalt  }
0x85: {  	_ =	shalt  }
0x86: {  	_ =	shalt  }
0x87: {  	_ =	shalt  }
.Lfunc_end0:
.L_simem_size_0:
called_computation.1_lowered:
.L_overlay_start_0:
0x88: {  	s2 =	sld [smem:$0x3FD9]  }
0x89: {  	s3 =	sld [smem:$0x3FFE];
	_ =	sdelay $0x1  }
0x8a: {  	s1 =	srdreg.scid  }
0x8b: {  	s0 =	sand.u32 $0x1, s1  }
0x8c: {  	s16 =	sshll.u32 s0, $0xA;
	s2 =	sadd.s32 s3, s2  }
0x8d: {  	s2 =	sadd.s32 s2, s16  }
0x8e: {  	[smem:$0x3FB9] =	sst s2  }
0x8f: {  	_ = 	snop  }
0x90: {  	(tm) =	ssettm $0x1  }
0x91: {  	s17 =	sld [smem:$0x3FFB];
	_ =	sdelay $0x3  }
0x92: {  	_ =	strace s17  }
0x93: {  	s2 =	sld [smem:$0x3FFC];
	_ =	sdelay $0x3  }
0x94: {  	_ =	strace s2  }
0x95: {  	s2 =	sld [smem:$0x3FFD];
	_ =	sdelay $0x3  }
0x96: {  	_ =	strace s2  }
0x97: {  	_ =	strace $0x8FFFFFFF  }
0x98: {  	s18 =	sld [smem:$0x3FDB];
	_ =	sdelay $0x1  }
0x99: {  	s19 =	simm.s32 $_scs_section_size  }
0x9a: {  	s4 =	simm.s32 $_size__tile_overlayer_lowered;
	s5 =	simm.s32 $_tile_overlayer_lowered  }
0x9b: {  	s22 =	simm.s32 $0x1BFF;
	s21 =	sshll.u32 s5, $0x1;
	s2 =	sadd.s32 s19, s18  }
0x9c: {  	s6 =	simm.s32 $0x0;
	s20 =	sshll.u32 s4, $0x1;
	s4 =	sadd.s32 s21, s2  }
0x9d: {  	[timem:s6], [sflag:s22] =	dma.local [hbm:s4], s20  }
0x9e: {  	_ =	swait.ge [sflag:s22], s20  }
0x9f: {  	s3 =	ssub.s32 $0x0, s20;
	[sflag:s22] =	ssyncset.done $0x0  }
0xa0: {  	[sflag:s22] =	ssyncadd.s32 s3;
	_ =	sdelay $0x1  }
0xa1: {  	s23 =	simm.s32 $0x1B8B  }
0xa2: {  	_ =	swait.ge [sflag:s23], $0x1  }
0xa3: {  	[sflag:s23] =	ssyncset.done $0x0  }
0xa4: {  	s25 =	simm.s32 $0x1B8E;
	s24 =	sld [smem:$0x3FFE];
	[sflag:s23] =	ssyncadd.s32 $0xFFFFFFFF  }
0xa5: {  	s26 =	simm.s32 $execute0_lowered;
	[smem:$0x3FD2] =	sst s25  }
0xa6: {  	s4 =	sshll.u32 s26, $0x1;
	_ =	strace $0x80000049;
	[dreg:$0x1] =	wrdreg $0xFFFFFFFF  }
0xa7: {  	s28 =	simm.s32 $_size_execute0_lowered;
	s2 =	sadd.s32 s2, s4;
	[dreg:$0x0] =	wrdreg $0x0  }
0xa8: {  	s4 =	sshll.u32 s28, $0x1;
	[dreg:$0x2] =	wrdreg s2  }
0xa9: {  	[dreg:$0x3] =	wrdreg s4  }
0xaa: {  	[dreg:$0x4] =	wrdreg $0xC0  }
0xab: {  	_ =	task [dreg:s6], $0x5FFFF  }
0xac: {  	[dreg:$0x1] =	wrdreg $0xFFFFFFFF  }
0xad: {  	[dreg:$0x0] =	wrdreg $0x60  }
0xae: {  	[dreg:$0x2] =	wrdreg s24  }
0xaf: {  	[dreg:$0x3] =	wrdreg $0xFD000  }
0xb0: {  	[dreg:$0x4] =	wrdreg $0x9  }
0xb1: {  	_ =	task.clear_ibuf [dreg:s6], $0x5FFFF;
	_ =	strace $0x90000049  }
0xb2: {  	s29 =	simm.s32 $0x9;
	_ =	strace $0x8000004B  }
0xb3: {  	_ =	swait.ge [sflag:s29], $0x1  }
0xb4: {  	[sflag:s29] =	ssyncadd.s32 $0xFFFFFFFF  }
0xb5: {  	_ =	strace $0x9000004B  }
0xb6: {  	_ =	sfence  }
0xb7: {  	s30 =	sld [smem:$0x0];
	_ =	sdelay $0x2  }
0xb8: {  	s31 =	sshll.u32 s1, $0xD;
	s1 =	sshrl.u32 s1, $0x2  }
0xb9: {  	s3 =	sand.u32 $0x4000, s31;
	s1 =	sadd.s32 s1, s30  }
0xba: {  	s0 =	sor.u32 s3, s0;
	s1 =	sshll.u32 s1, $0x11  }
0xbb: {  	s0 =	sor.u32 s1, s0  }
0xbc: {  	s0 =	sadd.s32 $0x8F2B, s0  }
0xbd: {  	[sflag:s0] =	ssyncadd.remote.s32 $0x1  }
0xbe: {  	_ =	sfence.sel $0xFFFF  }
0xbf: {  	[dreg:$0x0] =	wrdreg $0xFFFFFFFF;
	(pc) =	sbr.abs _section_cstart, $3  }
0xc0: {  	[dreg:$0x1] =	wrdreg $0xFFFFFFFF  }
0xc1: {  	_ =	task.clear_ibuf [dreg:s6], $0x2FFFF;
	_ =	strace $0x9FFFFFFF  }
0xc2: {  	(tm) =	ssettm $0x7FFFFFFF  }
0xc3: {  	_ =	shalt  }
tec
execute0_lowered:
.L_overlay_start_1:
0x0: {  	(tag) =	ssettag $0x1  }
0x1: {  	s5 =	rddreg [dreg:$0x0]  }
0x2: {  	s2 =	rddreg [dreg:$0x1];
	s3 =	srdreg.scid  }
0x3: {  	s0 =	rddreg [dreg:$0x2];
	s1 =	stileid.u32;
	s13 =	simm.s32 $0x80  }
0x4: {  	s14 =	simm.s32 $0xEB00;
	s15 =	simm.s32 $0x1;
	s9 =	smul.u32 $0xF000, s1  }
0x5: {  	s6 =	sand.u32 $0x1, s3;
	s3 =	simm.s32 $0x0;
	s10 =	smul.u32 $0x3C000, s1  }
0x6: {  	s4 =	sshll.u32 s1, $0x1;
	s16 =	sshll.u32 s1, $0x6;
	s7 =	smul.u32 $0xF0000, s6  }
0x7: {  	[smem:$0x7FF] =	sst s3;
	s8 =	sor.u32 s6, s4;
	s4 =	sadd.s32 $0xB6400, s5  }
0x8: {  	s6 =	ssub.s32 $0x2, s6;
	s16 =	sor.u32 $0x1C02, s16;
	_ =	strace $0x8000004A  }
0x9: {  	s8 =	smul.u32 $0xEB0, s8;
	s11 =	sshrl.u32 s6, $0x1;
	s31 =	sshrl.u32 s10, $0x2  }
0xa: {  	s17 =	sadd.s32 s9, s2;
	s10 =	simm.s32 $0xFB00;
	s7 =	sadd.s32 s9, s7  }
0xb: {  	s11 =	ssub.s32 s6, s11;
	s17 =	sshrl.u32 s17, $0x3;
	s8 =	sadd.s32 s8, s5  }
0xc: {  	s7 =	sshrl.u32 s7, $0x3;
	s9 =	smax.u32 s11, $0x1;
	s11 =	simm.s32 $0x2  }
0xd: {  	s12 =	sadd.s32 s7, s5;
	s5 =	sadd.s32 s31, s2;
	s6 =	sadd.s32 $0x3800, s8  }
0xe: {  	v0 =	vimm.f32 $0.0e+00;
	s7 =	sadd.s32 $0x20E00, s8;
	s8 =	sadd.s32 $0xD4400, s12;
	s12 =	simm.s32 $0x7580  }
.LBB2_1:
0xf: {  	[tilespmem:$0xFB00] =	vst v0  }
0x10: {  	[tilespmem:$0xFB10] =	vst v0  }
0x11: {  	[tilespmem:$0xFB20] =	vst v0  }
0x12: {  	[tilespmem:$0xFB30] =	vst v0  }
0x13: {  	[tilespmem:$0xFB40] =	vst v0  }
0x14: {  	[tilespmem:$0xFB50] =	vst v0  }
0x15: {  	[tilespmem:$0xFB60] =	vst v0  }
0x16: {  	[tilespmem:$0xFB70] =	vst v0  }
0x17: {  	[tilespmem:$0xFB80] =	vst v0  }
0x18: {  	[tilespmem:$0xFB90] =	vst v0  }
0x19: {  	[tilespmem:$0xFBA0] =	vst v0  }
0x1a: {  	[tilespmem:$0xFBB0] =	vst v0  }
0x1b: {  	[tilespmem:$0xFBC0] =	vst v0  }
0x1c: {  	[tilespmem:$0xFBD0] =	vst v0  }
0x1d: {  	[tilespmem:$0xFBE0] =	vst v0  }
0x1e: {  	[tilespmem:$0xFBF0] =	vst v0  }
0x1f: {  	[tilespmem:$0xFC00] =	vst v0  }
0x20: {  	[tilespmem:$0xFC10] =	vst v0  }
0x21: {  	[tilespmem:$0xFC20] =	vst v0  }
0x22: {  	[tilespmem:$0xFC30] =	vst v0  }
0x23: {  	[tilespmem:$0xFC40] =	vst v0  }
0x24: {  	[tilespmem:$0xFC50] =	vst v0  }
0x25: {  	[tilespmem:$0xFC60] =	vst v0  }
0x26: {  	[tilespmem:$0xFC70] =	vst v0  }
0x27: {  	[tilespmem:$0xFC80] =	vst v0  }
0x28: {  	[tilespmem:$0xFC90] =	vst v0  }
0x29: {  	[tilespmem:$0xFCA0] =	vst v0  }
0x2a: {  	[tilespmem:$0xFCB0] =	vst v0  }
0x2b: {  	[tilespmem:$0xFCC0] =	vst v0  }
0x2c: {  	[tilespmem:$0xFCD0] =	vst v0  }
0x2d: {  	[tilespmem:$0xFCE0] =	vst v0  }
0x2e: {  	[tilespmem:$0xFCF0] =	vst v0;
	s18 =	sadd.s32 $0x0, s5  }
0x2f: {  	[spmem:s18] =	stream.linear.scatter [tilespmem:s10], [sflag:$0x2], $0x200, $0x38;
	[tilespmem:$0x1ED00] =	vst v63  }
0x30: {  	s18 =	simm.s32 $0x800;
	_ =	swait.ge [sflag:s11], $0x200  }
.LBB2_2:
0x31: {  	s19 =	sshra.s32 s18, $0x2;
	[sflag:s11] =	ssyncset.done $0x0;
	p0 =	sne.s32 s18, $0x3B800  }
.Ltmp0:
0x32: {  	s19 =	sadd.s32 s19, s5;
	[sflag:s11] =	ssyncadd.s32 $0xFFFFFE00;
	(pc) =	sbr.rel @p0 .LBB2_2-.Ltmp0, $3  }
0x33: {  	[spmem:s19] =	stream.linear.scatter [tilespmem:s10], [sflag:$0x2], $0x200, $0x38;
	[tilespmem:$0x1ED00] =	vst v63  }
0x34: {  	s18 =	sadd.s32 $0x800, s18;
	_ =	sdelay $0x1  }
0x35: {  	_ =	swait.ge [sflag:s11], $0x200  }
0x36: {  	[sflag:s11] =	ssyncset.done $0x0  }
0x37: {  	s18 =	simm.s32 $0x0;
	[sflag:s11] =	ssyncadd.s32 $0xFFFFFE00  }
0x38: {  	[tilespmem:s18], [sflag:$0x2] =	stream.linear.gather [hbm4b:s6+s18], $0x7580, $0x38;
	[tilespmem:$0x1ED00] =	vst v63  }
0x39: {  	_ =	swait.ge [sflag:s11], $0x7580  }
0x3a: {  	[sflag:s11] =	ssyncset.done $0x0  }
0x3b: {  	[sflag:s11] =	ssyncadd.s32 $0xFFFF8A80  }
0x3c: {  	[tilespmem:s12], [sflag:$0x2] =	stream.linear.gather [hbm4b:s7+s18], $0x7580, $0x38;
	[tilespmem:$0x1ED00] =	vst v63  }
0x3d: {  	_ =	swait.ge [sflag:s11], $0x7580  }
0x3e: {  	[sflag:s11] =	ssyncset.done $0x0  }
0x3f: {  	[sflag:s11] =	ssyncadd.s32 $0xFFFF8A80  }
0x40: {  	s30 =	simm.s32 $0x0;
	[bflag:$0x0] =	sbarrier.arrive $0xFFFF  }
0x41: {  	[tilespmem:s14], [sflag:$0x1] =	stream.indirect.gather [hbm4b:s4+s13], $0x20, s30, s13, $0xb8;
	[tilespmem:$0x1ED00] =	vst v63  }
0x42: {  	_ =	swait.ge [sflag:s15], $0x1000  }
0x43: {  	[sflag:s15] =	ssyncset.done $0x0  }
0x44: {  	s31 =	simm.s32 $0x7580;
	[sflag:s15] =	ssyncadd.s32 $0xFFFFF000  }
0x45: {  	[spmem:s2] =	stream.indirect.scatter.add.f32 [tilespmem:s14], [sflag:$0x2], $0x20, s31, s13, $0xb8;
	[tilespmem:$0x1ED00] =	vst v63  }
0x46: {  	_ =	swait.ge [sflag:s11], $0x1000  }
0x47: {  	s19 =	simm.s32 $0x400;
	s18 =	simm.s32 $0x200;
	[sflag:s11] =	ssyncset.done $0x0  }
.LBB2_4:
0x48: {  	s20 =	sshra.s32 s18, $0x2  }
0x49: {  	[sflag:s11] =	ssyncadd.s32 $0xFFFFF000;
	s18 =	smov.u32 s19;
	s21 =	sadd.s32 $0x200, s19  }
0x4a: {  	[tilespmem:s14], [sflag:$0x1] =	stream.indirect.gather [hbm4b:s4+s13], $0x20, s20, s13, $0xb8;
	[tilespmem:$0x1ED00] =	vst v63  }
0x4b: {  	p0 =	sne.s32 s19, $0x1D400;
	_ =	swait.ge [sflag:s15], $0x1000  }
.Ltmp1:
0x4c: {  	[sflag:s15] =	ssyncset.done $0x0;
	(pc) =	sbr.rel @p0 .LBB2_4-.Ltmp1, $4  }
0x4d: {  	s19 =	sadd.s32 $0x7580, s20;
	[sflag:s15] =	ssyncadd.s32 $0xFFFFF000  }
0x4e: {  	[spmem:s2] =	stream.indirect.scatter.add.f32 [tilespmem:s14], [sflag:$0x2], $0x20, s19, s13, $0xb8;
	[tilespmem:$0x1ED00] =	vst v63  }
0x4f: {  	_ =	swait.ge [sflag:s11], $0x1000  }
0x50: {  	s19 =	smov.u32 s21;
	[sflag:s11] =	ssyncset.done $0x0  }
0x51: {  	s18 =	sshra.s32 s18, $0x2;
	[sflag:s11] =	ssyncadd.s32 $0xFFFFF000  }
0x52: {  	[tilespmem:s14], [sflag:$0x1] =	stream.indirect.gather [hbm4b:s4+s13], $0x20, s18, s13, $0xb8;
	[tilespmem:$0x1ED00] =	vst v63  }
0x53: {  	_ =	swait.ge [sflag:s15], $0x1000  }
0x54: {  	[sflag:s15] =	ssyncset.done $0x0  }
0x55: {  	s18 =	sadd.s32 $0x7580, s18;
	[sflag:s15] =	ssyncadd.s32 $0xFFFFF000  }
0x56: {  	[spmem:s2] =	stream.indirect.scatter.add.f32 [tilespmem:s14], [sflag:$0x2], $0x20, s18, s13, $0xb8;
	[tilespmem:$0x1ED00] =	vst v63  }
0x57: {  	_ =	swait.ge [sflag:s11], $0x1000  }
0x58: {  	s3 =	sadd.s32 $0x1, s3;
	[sflag:s11] =	ssyncset.done $0x0  }
0x59: {  	p0 =	sne.s32 s3, s9;
	[sflag:s11] =	ssyncadd.s32 $0xFFFFF000  }
.Ltmp2:
0x5a: {  	[bflag:$0x0] =	sbarrier.arrive $0xFFFF;
	(pc) =	sbr.rel @p0 .LBB2_1-.Ltmp2, $4  }
0x5b: {  	[hbm:s8], [sflag:s16] =	dma.local [spmem:s17], $0x1E00  }
0x5c: {  	_ =	swait.ge [sflag:s11], $0x1E00  }
0x5d: {  	[sflag:s11] =	ssyncset.done $0x0  }
0x5e: {  	[sflag:s11] =	ssyncadd.s32 $0xFFFFE200  }
0x5f: {  	_ =	sfence.sel $0x180000  }
0x60: {  	[bflag:$0x0] =	sbarrier.arrive $0xFFFF  }
0x61: {  	p0 =	sne.s32 s1, $0x0;
	_ =	strace $0x9000004A  }
0x62: {  	s0 =	sadd.s32 @!p0 $0x100000, s0;
	[bflag:$0x2] =	sbarrier.arrive $0xFFFF  }
0x63: {  	[sflag:s0] =	ssyncadd.tile.s32 @!p0 $0x1;
	_ =	shalt  }
.Lfunc_end2:
_tile_overlayer_lowered:
.L_overlay_start_2:
0x64: {  	(tag) =	ssettag $0x2  }
0x65: {  	s0 =	rddreg [dreg:$0x0];
	s2 =	stileid.u32  }
0x66: {  	s1 =	rddreg [dreg:$0x1];
	p0 =	sne.s32 s2, $0x0  }
0x67: {  	s3 =	rddreg [dreg:$0x2];
	[bflag:$0x3] =	sbarrier.arrive $0xFFFF;
	s2 =	simm.s32 @!p0 $0x1C02  }
0x68: {  	[timem:s3], [sflag:s2] =	dma.local @!p0 [hbm:s0], s1  }
0x69: {  	s0 =	simm.s32 @!p0 $0x2  }
0x6a: {  	_ =	swait.ge @!p0 [sflag:s0], s1  }
0x6b: {  	s1 =	ssub.s32 @!p0 $0x0, s1;
	[sflag:s0] =	ssyncset.done @!p0 $0x0  }
0x6c: {  	[sflag:s0] =	ssyncadd.s32 @!p0 s1  }
0x6d: {  	[bflag:$0x3] =	sbarrier.arrive $0xFFFF  }
0x6e: {  	_ =	shalt  }

// kernel: kernel.18.cloned.1.call-start
scs
__scs_entry_jumppad:
0x0: {  	(pc) =	sbr.rel $0x88, $3  }
0x1: {  	(tag) =	ssettag $0x0;
	lr =	simm.s32 $0x1  }
0x2: {  	[smem:$0x3F92] =	sst lr;
	_ =	strace $0xD0000000  }
0x3: {  	_ = 	snop  }
0x4: {  	_ = 	snop  }
0x5: {  	_ = 	snop  }
0x6: {  	_ = 	snop  }
0x7: {  	_ = 	snop  }
__scs_overlays_trampoline_lowered:
0x8: {  	[smem:$0x3FA1] =	sst s0  }
0x9: {  	[smem:$0x3FA2] =	sst s1  }
0xa: {  	[smem:$0x3FA3] =	sst s2  }
0xb: {  	[smem:$0x3FA4] =	sst s3  }
0xc: {  	[smem:$0x3FA5] =	sst s4  }
0xd: {  	[smem:$0x3FA6] =	sst s5  }
0xe: {  	[smem:$0x3FA7] =	sst s6  }
0xf: {  	[smem:$0x3FA8] =	sst s7  }
0x10: {  	[smem:$0x3FA9] =	sst s8  }
0x11: {  	[smem:$0x3FAA] =	sst s9;
	s0 =	simm.s32 @!p0 $0x0  }
0x12: {  	s1 =	sld [smem:$0x3F90];
	s0 =	simm.s32 @p0 $0x1  }
0x13: {  	[smem:$0x3FAB] =	sst s0;
	s0 =	simm.s32 @!p1 $0x0  }
0x14: {  	s2 =	sld [smem:$0x3F8F];
	s0 =	simm.s32 @p1 $0x1  }
0x15: {  	[smem:$0x3FAC] =	sst s0;
	s0 =	simm.s32 @!p2 $0x0  }
0x16: {  	s3 =	sld [smem:$0x3FDB];
	s0 =	simm.s32 @p2 $0x1  }
0x17: {  	s4 =	simm.s32 $0x1BF5;
	[smem:$0x3FAE] =	sst s0  }
0x18: {  	s0 =	sld [smem:$0x3F91];
	_ =	swait.ge [sflag:s4], $0x0  }
0x19: {  	s7 =	sld [smem:$0x3F92]  }
0x1a: {  	s8 =	sadd.s32 $0xFFFFE003, lr  }
0x1b: {  	s9 =	sadd.s32 $0xFFFFFEF7, lr;
	s5 =	simm.s32 $0xFFFFFFFF;
	p2 =	slt.u32 s8, $0xFFFFF086  }
0x1c: {  	p1 =	slt.u32 s9, $0xF7A;
	s5 =	simm.s32 @!p2 $0x0  }
0x1d: {  	s5 =	simm.s32 @p1 $0x1;
	p0 =	seq.s32 s7, s2  }
0x1e: {  	s7 =	smul.u32 @!p0 $0xF7A, s2;
	p2 =	seq.s32 @!p0 s5, $0x0  }
0x1f: {  	s9 =	smul.u32 $0xF7A, s1;
	s8 =	simm.s32 @!p0 $0x1BF5;
	p2 =	por !p2, p0  }
0x20: {  	[sflag:s8] =	ssyncset.s32 @!p0 $0xFFFFF086;
	s6 =	sadd.s32 @!p0 s3, s7;
	s7 =	simm.s32 @!p0 $0x108  }
0x21: {  	s3 =	sadd.s32 s3, s9;
	s6 =	sadd.s32 @!p0 $0x88, s6;
	s7 =	simm.s32 @p2 $0x1082  }
0x22: {  	[simem:s7], [sflag:s8] =	dma.local @!p0 [hbm:s6], $0xF7A  }
0x23: {  	s9 =	sor.u32 $0xD0000000, s2;
	s6 =	simm.s32 $0x108;
	_ =	swait.ge @!p0 [sflag:s8], $0x0  }
0x24: {  	s3 =	sadd.s32 $0x88, s3;
	s6 =	simm.s32 @!p1 $0x1082;
	[sflag:s4] =	ssyncset.s32 $0xFFFFF086  }
0x25: {  	[simem:s6], [sflag:s4] =	dma.local [hbm:s3], $0xF7A  }
0x26: {  	[smem:$0x3F92] =	sst s1;
	(tag) =	ssettag s2;
	_ =	strace s9  }
0x27: {  	s1 =	sld [smem:$0x3FA2]  }
0x28: {  	s2 =	sld [smem:$0x3FA3]  }
0x29: {  	s4 =	sld [smem:$0x3FA5]  }
0x2a: {  	p0 =	seq.s32 s5, $0x0;
	s5 =	sld [smem:$0x3FA6]  }
0x2b: {  	s6 =	sld [smem:$0x3FA7]  }
0x2c: {  	s7 =	sld [smem:$0x3FA8]  }
0x2d: {  	s3 =	simm.s32 $0x108;
	s8 =	sld [smem:$0x3FA9]  }
0x2e: {  	s3 =	simm.s32 @!p0 $0x1082;
	s9 =	sld [smem:$0x3FAA]  }
0x2f: {  	lr =	sadd.s32 s0, s3;
	s0 =	sld [smem:$0x3FA1]  }
0x30: {  	s3 =	sld [smem:$0x3FA4]  }
0x31: {  	[smem:$0x3FAD] =	sst s10  }
0x32: {  	s10 =	sld [smem:$0x3FAB];
	_ =	sdelay $0x3  }
0x33: {  	p0 =	seq.s32 s10, $0x1;
	s10 =	sld [smem:$0x3FAD];
	_ =	sdelay $0x3  }
0x34: {  	[smem:$0x3FAD] =	sst s10  }
0x35: {  	s10 =	sld [smem:$0x3FAC];
	_ =	sdelay $0x3  }
0x36: {  	p1 =	seq.s32 s10, $0x1;
	s10 =	sld [smem:$0x3FAD];
	_ =	sdelay $0x3  }
0x37: {  	[smem:$0x3FAD] =	sst s10  }
0x38: {  	s10 =	sld [smem:$0x3FAE]  }
0x39: {  	_ = 	snop;
	(pc) =	sbr.ind lr, $3  }
0x3a: {  	_ = 	snop  }
0x3b: {  	_ = 	snop  }
0x3c: {  	p2 =	seq.s32 s10, $0x1;
	s10 =	sld [smem:$0x3FAD]  }
0x3d: {  	_ =	shalt  }
0x3e: {  	_ =	shalt  }
0x3f: {  	_ =	shalt  }
0x40: {  	_ =	shalt  }
0x41: {  	_ =	shalt  }
0x42: {  	_ =	shalt  }
0x43: {  	_ =	shalt  }
0x44: {  	_ =	shalt  }
0x45: {  	_ =	shalt  }
0x46: {  	_ =	shalt  }
0x47: {  	_ =	shalt  }
0x48: {  	_ =	shalt  }
0x49: {  	_ =	shalt  }
0x4a: {  	_ =	shalt  }
0x4b: {  	_ =	shalt  }
0x4c: {  	_ =	shalt  }
0x4d: {  	_ =	shalt  }
0x4e: {  	_ =	shalt  }
0x4f: {  	_ =	shalt  }
0x50: {  	_ =	shalt  }
0x51: {  	_ =	shalt  }
0x52: {  	_ =	shalt  }
0x53: {  	_ =	shalt  }
0x54: {  	_ =	shalt  }
0x55: {  	_ =	shalt  }
0x56: {  	_ =	shalt  }
0x57: {  	_ =	shalt  }
0x58: {  	_ =	shalt  }
0x59: {  	_ =	shalt  }
0x5a: {  	_ =	shalt  }
0x5b: {  	_ =	shalt  }
0x5c: {  	_ =	shalt  }
0x5d: {  	_ =	shalt  }
0x5e: {  	_ =	shalt  }
0x5f: {  	_ =	shalt  }
0x60: {  	_ =	shalt  }
0x61: {  	_ =	shalt  }
0x62: {  	_ =	shalt  }
0x63: {  	_ =	shalt  }
0x64: {  	_ =	shalt  }
0x65: {  	_ =	shalt  }
0x66: {  	_ =	shalt  }
0x67: {  	_ =	shalt  }
0x68: {  	_ =	shalt  }
0x69: {  	_ =	shalt  }
0x6a: {  	_ =	shalt  }
0x6b: {  	_ =	shalt  }
0x6c: {  	_ =	shalt  }
0x6d: {  	_ =	shalt  }
0x6e: {  	_ =	shalt  }
0x6f: {  	_ =	shalt  }
0x70: {  	_ =	shalt  }
0x71: {  	_ =	shalt  }
0x72: {  	_ =	shalt  }
0x73: {  	_ =	shalt  }
0x74: {  	_ =	shalt  }
0x75: {  	_ =	shalt  }
0x76: {  	_ =	shalt  }
0x77: {  	_ =	shalt  }
0x78: {  	_ =	shalt  }
0x79: {  	_ =	shalt  }
0x7a: {  	_ =	shalt  }
0x7b: {  	_ =	shalt  }
0x7c: {  	_ =	shalt  }
0x7d: {  	_ =	shalt  }
0x7e: {  	_ =	shalt  }
0x7f: {  	_ =	shalt  }
0x80: {  	_ =	shalt  }
0x81: {  	_ =	shalt  }
0x82: {  	_ =	shalt  }
0x83: {  	_ =	shalt  }
0x84: {  	_ =	shalt  }
0x85: {  	_ =	shalt  }
0x86: {  	_ =	shalt  }
0x87: {  	_ =	shalt  }
.Lfunc_end0:
.L_simem_size_0:
called_computation.2_lowered:
.L_overlay_start_0:
0x88: {  	s2 =	sld [smem:$0x3FD9]  }
0x89: {  	s3 =	sld [smem:$0x3FFE];
	_ =	sdelay $0x1  }
0x8a: {  	s1 =	srdreg.scid  }
0x8b: {  	s0 =	sand.u32 $0x1, s1  }
0x8c: {  	s17 =	sshll.u32 s0, $0xA;
	s2 =	sadd.s32 s3, s2  }
0x8d: {  	s2 =	sadd.s32 s2, s17  }
0x8e: {  	[smem:$0x3FB9] =	sst s2  }
0x8f: {  	_ = 	snop  }
0x90: {  	(tm) =	ssettm $0x1  }
0x91: {  	s18 =	sld [smem:$0x3FFB];
	_ =	sdelay $0x3  }
0x92: {  	_ =	strace s18  }
0x93: {  	s2 =	sld [smem:$0x3FFC];
	_ =	sdelay $0x3  }
0x94: {  	_ =	strace s2  }
0x95: {  	s2 =	sld [smem:$0x3FFD];
	_ =	sdelay $0x3  }
0x96: {  	_ =	strace s2  }
0x97: {  	_ =	strace $0x8FFFFFFF  }
0x98: {  	s19 =	sld [smem:$0x3FDB];
	_ =	sdelay $0x1  }
0x99: {  	s20 =	simm.s32 $_scs_section_size  }
0x9a: {  	s4 =	simm.s32 $_size__tile_overlayer_lowered;
	s5 =	simm.s32 $_tile_overlayer_lowered  }
0x9b: {  	s6 =	simm.s32 $0x1BFF;
	s21 =	sshll.u32 s5, $0x1;
	s3 =	sadd.s32 s20, s19  }
0x9c: {  	s22 =	simm.s32 $0x0;
	s4 =	sshll.u32 s4, $0x1;
	s5 =	sadd.s32 s21, s3  }
0x9d: {  	[timem:s22], [sflag:s6] =	dma.local [hbm:s5], s4  }
0x9e: {  	_ =	swait.ge [sflag:s6], s4  }
0x9f: {  	s4 =	ssub.s32 $0x0, s4;
	[sflag:s6] =	ssyncset.done $0x0  }
0xa0: {  	[sflag:s6] =	ssyncadd.s32 s4;
	_ =	sdelay $0x1  }
0xa1: {  	s23 =	simm.s32 $0x1B8B  }
0xa2: {  	_ =	swait.ge [sflag:s23], $0x1  }
0xa3: {  	[sflag:s23] =	ssyncset.done $0x0  }
0xa4: {  	[sflag:s23] =	ssyncadd.s32 $0xFFFFFFFF  }
0xa5: {  	s4 =	sld [smem:$0x0]  }
0xa6: {  	s5 =	sand.u32 $0xFFFFFFFE, s1  }
0xa7: {  	p0 =	sne.s32 s1, s5  }
0xa8: {  	s5 =	sshll.u32 @p0 s5, $0xE  }
0xa9: {  	s5 =	sadd.s32 @p0 $0x11B8D, s5;
	s6 =	sshll.u32 @p0 s4, $0x11  }
0xaa: {  	s5 =	sor.u32 @p0 s6, s5  }
0xab: {  	[sflag:s5] =	ssyncadd.remote.s32 @p0 $0x1;
	_ =	sdelay $0x1  }
0xac: {  	s5 =	simm.s32 @p0 $0x1B8D  }
0xad: {  	_ =	swait.eq @p0 [sflag:s5], $0x1  }
0xae: {  	[sflag:s5] =	ssyncadd.s32 @p0 $0xFFFFFFFF  }
0xaf: {  	s6 =	sshll.u32 @!p0 s1, $0xE  }
0xb0: {  	s6 =	sor.u32 @!p0 $0x4000, s6;
	s5 =	simm.s32 @!p0 $0x1B8D  }
0xb1: {  	s4 =	sshll.u32 @!p0 s4, $0x11;
	s6 =	sadd.s32 @!p0 $0x11B8D, s6;
	_ =	swait.eq @!p0 [sflag:s5], $0x1  }
0xb2: {  	s4 =	sor.u32 @!p0 s4, s6;
	[sflag:s5] =	ssyncadd.s32 @!p0 $0xFFFFFFFF  }
0xb3: {  	s25 =	simm.s32 $0x1B8E;
	s24 =	sld [smem:$0x3FFE];
	[sflag:s4] =	ssyncadd.remote.s32 @!p0 $0x1  }
0xb4: {  	s26 =	simm.s32 $execute0_lowered;
	[smem:$0x3FD2] =	sst s25  }
0xb5: {  	s5 =	sshll.u32 s26, $0x1;
	_ =	strace $0x8000004F;
	[dreg:$0x1] =	wrdreg $0xFFFFFFFF  }
0xb6: {  	s28 =	simm.s32 $_size_execute0_lowered;
	s3 =	sadd.s32 s3, s5;
	[dreg:$0x0] =	wrdreg $0x0  }
0xb7: {  	s5 =	sshll.u32 s28, $0x1;
	[dreg:$0x2] =	wrdreg s3  }
0xb8: {  	[dreg:$0x3] =	wrdreg s5  }
0xb9: {  	[dreg:$0x4] =	wrdreg $0xC0  }
0xba: {  	_ =	task [dreg:s22], $0x5FFFF  }
0xbb: {  	[dreg:$0x1] =	wrdreg $0xFFFFFFFF  }
0xbc: {  	[dreg:$0x0] =	wrdreg $0x60  }
0xbd: {  	[dreg:$0x2] =	wrdreg s24  }
0xbe: {  	[dreg:$0x3] =	wrdreg $0xFD000  }
0xbf: {  	[dreg:$0x4] =	wrdreg $0x9  }
0xc0: {  	_ =	task.clear_ibuf [dreg:s22], $0x5FFFF;
	_ =	strace $0x9000004F  }
0xc1: {  	s29 =	simm.s32 $0x9;
	_ =	strace $0x80000051  }
0xc2: {  	_ =	swait.ge [sflag:s29], $0x1  }
0xc3: {  	[sflag:s29] =	ssyncadd.s32 $0xFFFFFFFF  }
0xc4: {  	_ =	strace $0x90000051  }
0xc5: {  	_ =	sfence  }
0xc6: {  	s30 =	sld [smem:$0x0];
	_ =	sdelay $0x2  }
0xc7: {  	s31 =	sshll.u32 s1, $0xD;
	s1 =	sshrl.u32 s1, $0x2  }
0xc8: {  	s4 =	sand.u32 $0x4000, s31;
	s1 =	sadd.s32 s1, s30  }
0xc9: {  	s0 =	sor.u32 s4, s0;
	s1 =	sshll.u32 s1, $0x11  }
0xca: {  	s0 =	sor.u32 s1, s0  }
0xcb: {  	s0 =	sadd.s32 $0x8F2B, s0  }
0xcc: {  	[sflag:s0] =	ssyncadd.remote.s32 $0x1  }
0xcd: {  	_ =	sfence.sel $0xFFFF  }
0xce: {  	[dreg:$0x0] =	wrdreg $0xFFFFFFFF;
	(pc) =	sbr.abs _section_cstart, $3  }
0xcf: {  	[dreg:$0x1] =	wrdreg $0xFFFFFFFF  }
0xd0: {  	_ =	task.clear_ibuf [dreg:s22], $0x2FFFF;
	_ =	strace $0x9FFFFFFF  }
0xd1: {  	(tm) =	ssettm $0x7FFFFFFF  }
tec
execute0_lowered:
.L_overlay_start_1:
0x0: {  	(tag) =	ssettag $0x1  }
0x1: {  	s5 =	rddreg [dreg:$0x0]  }
0x2: {  	s2 =	rddreg [dreg:$0x1]  }
0x3: {  	s0 =	rddreg [dreg:$0x2]  }
0x4: {  	s4 =	srdreg.scid;
	s3 =	simm.s32 $0x0;
	s1 =	stileid.u32  }
0x5: {  	s13 =	simm.s32 $0x80;
	s14 =	simm.s32 $0xEB00;
	s15 =	simm.s32 $0x1  }
0x6: {  	s6 =	sand.u32 $0x1, s4;
	[smem:$0x7FF] =	sst s3;
	s9 =	smul.u32 $0xF000, s1  }
0x7: {  	s30 =	sshll.u32 s1, $0x1;
	s4 =	sadd.s32 $0x110400, s5;
	s10 =	smul.u32 $0x3C000, s1  }
0x8: {  	s16 =	sshll.u32 s1, $0x6;
	s7 =	smul.u32 $0xF0000, s6;
	_ =	strace $0x80000050  }
0x9: {  	s8 =	sor.u32 s6, s30;
	s6 =	ssub.s32 $0x2, s6;
	s16 =	sor.u32 $0x1C02, s16  }
0xa: {  	s8 =	smul.u32 $0xEB0, s8;
	s11 =	sshrl.u32 s6, $0x1;
	s31 =	sshrl.u32 s10, $0x2  }
0xb: {  	s17 =	sadd.s32 s9, s2;
	s10 =	simm.s32 $0xFB00;
	s7 =	sadd.s32 s9, s7  }
0xc: {  	s11 =	ssub.s32 s6, s11;
	s17 =	sshrl.u32 s17, $0x3;
	s8 =	sadd.s32 s8, s5  }
0xd: {  	s7 =	sshrl.u32 s7, $0x3;
	s9 =	smax.u32 s11, $0x1;
	s11 =	simm.s32 $0x2  }
0xe: {  	s12 =	sadd.s32 s7, s5;
	s5 =	sadd.s32 s31, s2;
	s6 =	sadd.s32 $0x3800, s8  }
0xf: {  	v0 =	vimm.f32 $0.0e+00;
	s7 =	sadd.s32 $0x20E00, s8;
	s8 =	sadd.s32 $0x12E400, s12;
	s12 =	simm.s32 $0x7580  }
.LBB2_1:
0x10: {  	[tilespmem:$0xFB00] =	vst v0  }
0x11: {  	[tilespmem:$0xFB10] =	vst v0  }
0x12: {  	[tilespmem:$0xFB20] =	vst v0  }
0x13: {  	[tilespmem:$0xFB30] =	vst v0  }
0x14: {  	[tilespmem:$0xFB40] =	vst v0  }
0x15: {  	[tilespmem:$0xFB50] =	vst v0  }
0x16: {  	[tilespmem:$0xFB60] =	vst v0  }
0x17: {  	[tilespmem:$0xFB70] =	vst v0  }
0x18: {  	[tilespmem:$0xFB80] =	vst v0  }
0x19: {  	[tilespmem:$0xFB90] =	vst v0  }
0x1a: {  	[tilespmem:$0xFBA0] =	vst v0  }
0x1b: {  	[tilespmem:$0xFBB0] =	vst v0  }
0x1c: {  	[tilespmem:$0xFBC0] =	vst v0  }
0x1d: {  	[tilespmem:$0xFBD0] =	vst v0  }
0x1e: {  	[tilespmem:$0xFBE0] =	vst v0  }
0x1f: {  	[tilespmem:$0xFBF0] =	vst v0  }
0x20: {  	[tilespmem:$0xFC00] =	vst v0  }
0x21: {  	[tilespmem:$0xFC10] =	vst v0  }
0x22: {  	[tilespmem:$0xFC20] =	vst v0  }
0x23: {  	[tilespmem:$0xFC30] =	vst v0  }
0x24: {  	[tilespmem:$0xFC40] =	vst v0  }
0x25: {  	[tilespmem:$0xFC50] =	vst v0  }
0x26: {  	[tilespmem:$0xFC60] =	vst v0  }
0x27: {  	[tilespmem:$0xFC70] =	vst v0  }
0x28: {  	[tilespmem:$0xFC80] =	vst v0  }
0x29: {  	[tilespmem:$0xFC90] =	vst v0  }
0x2a: {  	[tilespmem:$0xFCA0] =	vst v0  }
0x2b: {  	[tilespmem:$0xFCB0] =	vst v0  }
0x2c: {  	[tilespmem:$0xFCC0] =	vst v0  }
0x2d: {  	[tilespmem:$0xFCD0] =	vst v0  }
0x2e: {  	[tilespmem:$0xFCE0] =	vst v0  }
0x2f: {  	[tilespmem:$0xFCF0] =	vst v0;
	s18 =	sadd.s32 $0x0, s5  }
0x30: {  	[spmem:s18] =	stream.linear.scatter [tilespmem:s10], [sflag:$0x2], $0x200, $0x38;
	[tilespmem:$0x1ED00] =	vst v63  }
0x31: {  	s18 =	simm.s32 $0x800;
	_ =	swait.ge [sflag:s11], $0x200  }
.LBB2_2:
0x32: {  	s19 =	sshra.s32 s18, $0x2;
	[sflag:s11] =	ssyncset.done $0x0;
	p0 =	sne.s32 s18, $0x3B800  }
.Ltmp0:
0x33: {  	s19 =	sadd.s32 s19, s5;
	[sflag:s11] =	ssyncadd.s32 $0xFFFFFE00;
	(pc) =	sbr.rel @p0 .LBB2_2-.Ltmp0, $3  }
0x34: {  	[spmem:s19] =	stream.linear.scatter [tilespmem:s10], [sflag:$0x2], $0x200, $0x38;
	[tilespmem:$0x1ED00] =	vst v63  }
0x35: {  	s18 =	sadd.s32 $0x800, s18;
	_ =	sdelay $0x1  }
0x36: {  	_ =	swait.ge [sflag:s11], $0x200  }
0x37: {  	[sflag:s11] =	ssyncset.done $0x0  }
0x38: {  	s18 =	simm.s32 $0x0;
	[sflag:s11] =	ssyncadd.s32 $0xFFFFFE00  }
0x39: {  	[tilespmem:s18], [sflag:$0x2] =	stream.linear.gather [hbm4b:s6+s18], $0x7580, $0x38;
	[tilespmem:$0x1ED00] =	vst v63  }
0x3a: {  	_ =	swait.ge [sflag:s11], $0x7580  }
0x3b: {  	[sflag:s11] =	ssyncset.done $0x0  }
0x3c: {  	[sflag:s11] =	ssyncadd.s32 $0xFFFF8A80  }
0x3d: {  	[tilespmem:s12], [sflag:$0x2] =	stream.linear.gather [hbm4b:s7+s18], $0x7580, $0x38;
	[tilespmem:$0x1ED00] =	vst v63  }
0x3e: {  	_ =	swait.ge [sflag:s11], $0x7580  }
0x3f: {  	[sflag:s11] =	ssyncset.done $0x0  }
0x40: {  	[sflag:s11] =	ssyncadd.s32 $0xFFFF8A80  }
0x41: {  	s30 =	simm.s32 $0x0;
	[bflag:$0x0] =	sbarrier.arrive $0xFFFF  }
0x42: {  	[tilespmem:s14], [sflag:$0x1] =	stream.indirect.gather [hbm4b:s4+s13], $0x20, s30, s13, $0xb8;
	[tilespmem:$0x1ED00] =	vst v63  }
0x43: {  	_ =	swait.ge [sflag:s15], $0x1000  }
0x44: {  	[sflag:s15] =	ssyncset.done $0x0  }
0x45: {  	s31 =	simm.s32 $0x7580;
	[sflag:s15] =	ssyncadd.s32 $0xFFFFF000  }
0x46: {  	[spmem:s2] =	stream.indirect.scatter.add.f32 [tilespmem:s14], [sflag:$0x2], $0x20, s31, s13, $0xb8;
	[tilespmem:$0x1ED00] =	vst v63  }
0x47: {  	_ =	swait.ge [sflag:s11], $0x1000  }
0x48: {  	s19 =	simm.s32 $0x400;
	s18 =	simm.s32 $0x200;
	[sflag:s11] =	ssyncset.done $0x0  }
.LBB2_4:
0x49: {  	s20 =	sshra.s32 s18, $0x2  }
0x4a: {  	[sflag:s11] =	ssyncadd.s32 $0xFFFFF000;
	s18 =	smov.u32 s19;
	s21 =	sadd.s32 $0x200, s19  }
0x4b: {  	[tilespmem:s14], [sflag:$0x1] =	stream.indirect.gather [hbm4b:s4+s13], $0x20, s20, s13, $0xb8;
	[tilespmem:$0x1ED00] =	vst v63  }
0x4c: {  	p0 =	sne.s32 s19, $0x1D400;
	_ =	swait.ge [sflag:s15], $0x1000  }
.Ltmp1:
0x4d: {  	[sflag:s15] =	ssyncset.done $0x0;
	(pc) =	sbr.rel @p0 .LBB2_4-.Ltmp1, $4  }
0x4e: {  	s19 =	sadd.s32 $0x7580, s20;
	[sflag:s15] =	ssyncadd.s32 $0xFFFFF000  }
0x4f: {  	[spmem:s2] =	stream.indirect.scatter.add.f32 [tilespmem:s14], [sflag:$0x2], $0x20, s19, s13, $0xb8;
	[tilespmem:$0x1ED00] =	vst v63  }
0x50: {  	_ =	swait.ge [sflag:s11], $0x1000  }
0x51: {  	s19 =	smov.u32 s21;
	[sflag:s11] =	ssyncset.done $0x0  }
0x52: {  	s18 =	sshra.s32 s18, $0x2;
	[sflag:s11] =	ssyncadd.s32 $0xFFFFF000  }
0x53: {  	[tilespmem:s14], [sflag:$0x1] =	stream.indirect.gather [hbm4b:s4+s13], $0x20, s18, s13, $0xb8;
	[tilespmem:$0x1ED00] =	vst v63  }
0x54: {  	_ =	swait.ge [sflag:s15], $0x1000  }
0x55: {  	[sflag:s15] =	ssyncset.done $0x0  }
0x56: {  	s18 =	sadd.s32 $0x7580, s18;
	[sflag:s15] =	ssyncadd.s32 $0xFFFFF000  }
0x57: {  	[spmem:s2] =	stream.indirect.scatter.add.f32 [tilespmem:s14], [sflag:$0x2], $0x20, s18, s13, $0xb8;
	[tilespmem:$0x1ED00] =	vst v63  }
0x58: {  	_ =	swait.ge [sflag:s11], $0x1000  }
0x59: {  	s3 =	sadd.s32 $0x1, s3;
	[sflag:s11] =	ssyncset.done $0x0  }
0x5a: {  	p0 =	sne.s32 s3, s9;
	[sflag:s11] =	ssyncadd.s32 $0xFFFFF000  }
.Ltmp2:
0x5b: {  	[bflag:$0x0] =	sbarrier.arrive $0xFFFF;
	(pc) =	sbr.rel @p0 .LBB2_1-.Ltmp2, $4  }
0x5c: {  	[hbm:s8], [sflag:s16] =	dma.local [spmem:s17], $0x1E00  }
0x5d: {  	_ =	swait.ge [sflag:s11], $0x1E00  }
0x5e: {  	[sflag:s11] =	ssyncset.done $0x0  }
0x5f: {  	[sflag:s11] =	ssyncadd.s32 $0xFFFFE200  }
0x60: {  	_ =	sfence.sel $0x180000  }
0x61: {  	[bflag:$0x0] =	sbarrier.arrive $0xFFFF  }
0x62: {  	p0 =	sne.s32 s1, $0x0;
	_ =	strace $0x90000050  }
0x63: {  	s0 =	sadd.s32 @!p0 $0x100000, s0;
	[bflag:$0x2] =	sbarrier.arrive $0xFFFF  }
0x64: {  	[sflag:s0] =	ssyncadd.tile.s32 @!p0 $0x1;
	_ =	shalt  }
.Lfunc_end2:
_tile_overlayer_lowered:
.L_overlay_start_2:
0x65: {  	(tag) =	ssettag $0x2  }
0x66: {  	s0 =	rddreg [dreg:$0x0];
	s2 =	stileid.u32  }
0x67: {  	s1 =	rddreg [dreg:$0x1];
	p0 =	sne.s32 s2, $0x0  }
0x68: {  	s3 =	rddreg [dreg:$0x2];
	[bflag:$0x3] =	sbarrier.arrive $0xFFFF;
	s2 =	simm.s32 @!p0 $0x1C02  }
0x69: {  	[timem:s3], [sflag:s2] =	dma.local @!p0 [hbm:s0], s1  }
0x6a: {  	s0 =	simm.s32 @!p0 $0x2  }
0x6b: {  	_ =	swait.ge @!p0 [sflag:s0], s1  }
0x6c: {  	s1 =	ssub.s32 @!p0 $0x0, s1;
	[sflag:s0] =	ssyncset.done @!p0 $0x0  }
0x6d: {  	[sflag:s0] =	ssyncadd.s32 @!p0 s1  }
0x6e: {  	[bflag:$0x3] =	sbarrier.arrive $0xFFFF  }
0x6f: {  	_ =	shalt  }

// kernel: kernel.21.cloned.1.call-start
scs
__scs_entry_jumppad:
0x0: {  	(pc) =	sbr.rel $0x88, $3  }
0x1: {  	(tag) =	ssettag $0x0;
	lr =	simm.s32 $0x1  }
0x2: {  	[smem:$0x3F92] =	sst lr;
	_ =	strace $0xD0000000  }
0x3: {  	_ = 	snop  }
0x4: {  	_ = 	snop  }
0x5: {  	_ = 	snop  }
0x6: {  	_ = 	snop  }
0x7: {  	_ = 	snop  }
__scs_overlays_trampoline_lowered:
0x8: {  	[smem:$0x3FA1] =	sst s0  }
0x9: {  	[smem:$0x3FA2] =	sst s1  }
0xa: {  	[smem:$0x3FA3] =	sst s2  }
0xb: {  	[smem:$0x3FA4] =	sst s3  }
0xc: {  	[smem:$0x3FA5] =	sst s4  }
0xd: {  	[smem:$0x3FA6] =	sst s5  }
0xe: {  	[smem:$0x3FA7] =	sst s6  }
0xf: {  	[smem:$0x3FA8] =	sst s7  }
0x10: {  	[smem:$0x3FA9] =	sst s8  }
0x11: {  	[smem:$0x3FAA] =	sst s9;
	s0 =	simm.s32 @!p0 $0x0  }
0x12: {  	s1 =	sld [smem:$0x3F90];
	s0 =	simm.s32 @p0 $0x1  }
0x13: {  	[smem:$0x3FAB] =	sst s0;
	s0 =	simm.s32 @!p1 $0x0  }
0x14: {  	s2 =	sld [smem:$0x3F8F];
	s0 =	simm.s32 @p1 $0x1  }
0x15: {  	[smem:$0x3FAC] =	sst s0;
	s0 =	simm.s32 @!p2 $0x0  }
0x16: {  	s3 =	sld [smem:$0x3FDB];
	s0 =	simm.s32 @p2 $0x1  }
0x17: {  	s4 =	simm.s32 $0x1BF5;
	[smem:$0x3FAE] =	sst s0  }
0x18: {  	s0 =	sld [smem:$0x3F91];
	_ =	swait.ge [sflag:s4], $0x0  }
0x19: {  	s7 =	sld [smem:$0x3F92]  }
0x1a: {  	s8 =	sadd.s32 $0xFFFFE003, lr  }
0x1b: {  	s9 =	sadd.s32 $0xFFFFFEF7, lr;
	s5 =	simm.s32 $0xFFFFFFFF;
	p2 =	slt.u32 s8, $0xFFFFF086  }
0x1c: {  	p1 =	slt.u32 s9, $0xF7A;
	s5 =	simm.s32 @!p2 $0x0  }
0x1d: {  	s5 =	simm.s32 @p1 $0x1;
	p0 =	seq.s32 s7, s2  }
0x1e: {  	s7 =	smul.u32 @!p0 $0xF7A, s2;
	p2 =	seq.s32 @!p0 s5, $0x0  }
0x1f: {  	s9 =	smul.u32 $0xF7A, s1;
	s8 =	simm.s32 @!p0 $0x1BF5;
	p2 =	por !p2, p0  }
0x20: {  	[sflag:s8] =	ssyncset.s32 @!p0 $0xFFFFF086;
	s6 =	sadd.s32 @!p0 s3, s7;
	s7 =	simm.s32 @!p0 $0x108  }
0x21: {  	s3 =	sadd.s32 s3, s9;
	s6 =	sadd.s32 @!p0 $0x88, s6;
	s7 =	simm.s32 @p2 $0x1082  }
0x22: {  	[simem:s7], [sflag:s8] =	dma.local @!p0 [hbm:s6], $0xF7A  }
0x23: {  	s9 =	sor.u32 $0xD0000000, s2;
	s6 =	simm.s32 $0x108;
	_ =	swait.ge @!p0 [sflag:s8], $0x0  }
0x24: {  	s3 =	sadd.s32 $0x88, s3;
	s6 =	simm.s32 @!p1 $0x1082;
	[sflag:s4] =	ssyncset.s32 $0xFFFFF086  }
0x25: {  	[simem:s6], [sflag:s4] =	dma.local [hbm:s3], $0xF7A  }
0x26: {  	[smem:$0x3F92] =	sst s1;
	(tag) =	ssettag s2;
	_ =	strace s9  }
0x27: {  	s1 =	sld [smem:$0x3FA2]  }
0x28: {  	s2 =	sld [smem:$0x3FA3]  }
0x29: {  	s4 =	sld [smem:$0x3FA5]  }
0x2a: {  	p0 =	seq.s32 s5, $0x0;
	s5 =	sld [smem:$0x3FA6]  }
0x2b: {  	s6 =	sld [smem:$0x3FA7]  }
0x2c: {  	s7 =	sld [smem:$0x3FA8]  }
0x2d: {  	s3 =	simm.s32 $0x108;
	s8 =	sld [smem:$0x3FA9]  }
0x2e: {  	s3 =	simm.s32 @!p0 $0x1082;
	s9 =	sld [smem:$0x3FAA]  }
0x2f: {  	lr =	sadd.s32 s0, s3;
	s0 =	sld [smem:$0x3FA1]  }
0x30: {  	s3 =	sld [smem:$0x3FA4]  }
0x31: {  	[smem:$0x3FAD] =	sst s10  }
0x32: {  	s10 =	sld [smem:$0x3FAB];
	_ =	sdelay $0x3  }
0x33: {  	p0 =	seq.s32 s10, $0x1;
	s10 =	sld [smem:$0x3FAD];
	_ =	sdelay $0x3  }
0x34: {  	[smem:$0x3FAD] =	sst s10  }
0x35: {  	s10 =	sld [smem:$0x3FAC];
	_ =	sdelay $0x3  }
0x36: {  	p1 =	seq.s32 s10, $0x1;
	s10 =	sld [smem:$0x3FAD];
	_ =	sdelay $0x3  }
0x37: {  	[smem:$0x3FAD] =	sst s10  }
0x38: {  	s10 =	sld [smem:$0x3FAE]  }
0x39: {  	_ = 	snop;
	(pc) =	sbr.ind lr, $3  }
0x3a: {  	_ = 	snop  }
0x3b: {  	_ = 	snop  }
0x3c: {  	p2 =	seq.s32 s10, $0x1;
	s10 =	sld [smem:$0x3FAD]  }
0x3d: {  	_ =	shalt  }
0x3e: {  	_ =	shalt  }
0x3f: {  	_ =	shalt  }
0x40: {  	_ =	shalt  }
0x41: {  	_ =	shalt  }
0x42: {  	_ =	shalt  }
0x43: {  	_ =	shalt  }
0x44: {  	_ =	shalt  }
0x45: {  	_ =	shalt  }
0x46: {  	_ =	shalt  }
0x47: {  	_ =	shalt  }
0x48: {  	_ =	shalt  }
0x49: {  	_ =	shalt  }
0x4a: {  	_ =	shalt  }
0x4b: {  	_ =	shalt  }
0x4c: {  	_ =	shalt  }
0x4d: {  	_ =	shalt  }
0x4e: {  	_ =	shalt  }
0x4f: {  	_ =	shalt  }
0x50: {  	_ =	shalt  }
0x51: {  	_ =	shalt  }
0x52: {  	_ =	shalt  }
0x53: {  	_ =	shalt  }
0x54: {  	_ =	shalt  }
0x55: {  	_ =	shalt  }
0x56: {  	_ =	shalt  }
0x57: {  	_ =	shalt  }
0x58: {  	_ =	shalt  }
0x59: {  	_ =	shalt  }
0x5a: {  	_ =	shalt  }
0x5b: {  	_ =	shalt  }
0x5c: {  	_ =	shalt  }
0x5d: {  	_ =	shalt  }
0x5e: {  	_ =	shalt  }
0x5f: {  	_ =	shalt  }
0x60: {  	_ =	shalt  }
0x61: {  	_ =	shalt  }
0x62: {  	_ =	shalt  }
0x63: {  	_ =	shalt  }
0x64: {  	_ =	shalt  }
0x65: {  	_ =	shalt  }
0x66: {  	_ =	shalt  }
0x67: {  	_ =	shalt  }
0x68: {  	_ =	shalt  }
0x69: {  	_ =	shalt  }
0x6a: {  	_ =	shalt  }
0x6b: {  	_ =	shalt  }
0x6c: {  	_ =	shalt  }
0x6d: {  	_ =	shalt  }
0x6e: {  	_ =	shalt  }
0x6f: {  	_ =	shalt  }
0x70: {  	_ =	shalt  }
0x71: {  	_ =	shalt  }
0x72: {  	_ =	shalt  }
0x73: {  	_ =	shalt  }
0x74: {  	_ =	shalt  }
0x75: {  	_ =	shalt  }
0x76: {  	_ =	shalt  }
0x77: {  	_ =	shalt  }
0x78: {  	_ =	shalt  }
0x79: {  	_ =	shalt  }
0x7a: {  	_ =	shalt  }
0x7b: {  	_ =	shalt  }
0x7c: {  	_ =	shalt  }
0x7d: {  	_ =	shalt  }
0x7e: {  	_ =	shalt  }
0x7f: {  	_ =	shalt  }
0x80: {  	_ =	shalt  }
0x81: {  	_ =	shalt  }
0x82: {  	_ =	shalt  }
0x83: {  	_ =	shalt  }
0x84: {  	_ =	shalt  }
0x85: {  	_ =	shalt  }
0x86: {  	_ =	shalt  }
0x87: {  	_ =	shalt  }
.Lfunc_end0:
.L_simem_size_0:
called_computation.3_lowered:
.L_overlay_start_0:
0x88: {  	s2 =	sld [smem:$0x3FD9]  }
0x89: {  	s3 =	sld [smem:$0x3FFE];
	_ =	sdelay $0x1  }
0x8a: {  	s1 =	srdreg.scid  }
0x8b: {  	s0 =	sand.u32 $0x1, s1  }
0x8c: {  	s16 =	sshll.u32 s0, $0xA;
	s2 =	sadd.s32 s3, s2  }
0x8d: {  	s2 =	sadd.s32 s2, s16  }
0x8e: {  	[smem:$0x3FB9] =	sst s2  }
0x8f: {  	_ = 	snop  }
0x90: {  	(tm) =	ssettm $0x1  }
0x91: {  	s17 =	sld [smem:$0x3FFB];
	_ =	sdelay $0x3  }
0x92: {  	_ =	strace s17  }
0x93: {  	s2 =	sld [smem:$0x3FFC];
	_ =	sdelay $0x3  }
0x94: {  	_ =	strace s2  }
0x95: {  	s2 =	sld [smem:$0x3FFD];
	_ =	sdelay $0x3  }
0x96: {  	_ =	strace s2  }
0x97: {  	_ =	strace $0x8FFFFFFF  }
0x98: {  	s18 =	sld [smem:$0x3FDB];
	_ =	sdelay $0x1  }
0x99: {  	s19 =	simm.s32 $_scs_section_size  }
0x9a: {  	s4 =	simm.s32 $_size__tile_overlayer_lowered;
	s5 =	simm.s32 $_tile_overlayer_lowered  }
0x9b: {  	s22 =	simm.s32 $0x1BFF;
	s21 =	sshll.u32 s5, $0x1;
	s2 =	sadd.s32 s19, s18  }
0x9c: {  	s6 =	simm.s32 $0x0;
	s20 =	sshll.u32 s4, $0x1;
	s4 =	sadd.s32 s21, s2  }
0x9d: {  	[timem:s6], [sflag:s22] =	dma.local [hbm:s4], s20  }
0x9e: {  	_ =	swait.ge [sflag:s22], s20  }
0x9f: {  	s3 =	ssub.s32 $0x0, s20;
	[sflag:s22] =	ssyncset.done $0x0  }
0xa0: {  	[sflag:s22] =	ssyncadd.s32 s3;
	_ =	sdelay $0x1  }
0xa1: {  	s23 =	simm.s32 $0x1B8B  }
0xa2: {  	_ =	swait.ge [sflag:s23], $0x1  }
0xa3: {  	[sflag:s23] =	ssyncset.done $0x0  }
0xa4: {  	s25 =	simm.s32 $0x1B8E;
	s24 =	sld [smem:$0x3FFE];
	[sflag:s23] =	ssyncadd.s32 $0xFFFFFFFF  }
0xa5: {  	s26 =	simm.s32 $execute0_lowered;
	[smem:$0x3FD2] =	sst s25  }
0xa6: {  	s4 =	sshll.u32 s26, $0x1;
	_ =	strace $0x8000004C;
	[dreg:$0x1] =	wrdreg $0xFFFFFFFF  }
0xa7: {  	s28 =	simm.s32 $_size_execute0_lowered;
	s2 =	sadd.s32 s2, s4;
	[dreg:$0x0] =	wrdreg $0x0  }
0xa8: {  	s4 =	sshll.u32 s28, $0x1;
	[dreg:$0x2] =	wrdreg s2  }
0xa9: {  	[dreg:$0x3] =	wrdreg s4  }
0xaa: {  	[dreg:$0x4] =	wrdreg $0xC0  }
0xab: {  	_ =	task [dreg:s6], $0x5FFFF  }
0xac: {  	[dreg:$0x1] =	wrdreg $0xFFFFFFFF  }
0xad: {  	[dreg:$0x0] =	wrdreg $0x60  }
0xae: {  	[dreg:$0x2] =	wrdreg s24  }
0xaf: {  	[dreg:$0x3] =	wrdreg $0xFD000  }
0xb0: {  	[dreg:$0x4] =	wrdreg $0xA  }
0xb1: {  	_ =	task.clear_ibuf [dreg:s6], $0x5FFFF;
	_ =	strace $0x9000004C  }
0xb2: {  	s29 =	simm.s32 $0xA;
	_ =	strace $0x8000004E  }
0xb3: {  	_ =	swait.ge [sflag:s29], $0x1  }
0xb4: {  	[sflag:s29] =	ssyncadd.s32 $0xFFFFFFFF  }
0xb5: {  	_ =	strace $0x9000004E  }
0xb6: {  	_ =	sfence  }
0xb7: {  	s30 =	sld [smem:$0x0];
	_ =	sdelay $0x2  }
0xb8: {  	s31 =	sshll.u32 s1, $0xD;
	s1 =	sshrl.u32 s1, $0x2  }
0xb9: {  	s3 =	sand.u32 $0x4000, s31;
	s1 =	sadd.s32 s1, s30  }
0xba: {  	s0 =	sor.u32 s3, s0;
	s1 =	sshll.u32 s1, $0x11  }
0xbb: {  	s0 =	sor.u32 s1, s0  }
0xbc: {  	s0 =	sadd.s32 $0x8F2B, s0  }
0xbd: {  	[sflag:s0] =	ssyncadd.remote.s32 $0x1  }
0xbe: {  	_ =	sfence.sel $0xFFFF  }
0xbf: {  	[dreg:$0x0] =	wrdreg $0xFFFFFFFF;
	(pc) =	sbr.abs _section_cstart, $3  }
0xc0: {  	[dreg:$0x1] =	wrdreg $0xFFFFFFFF  }
0xc1: {  	_ =	task.clear_ibuf [dreg:s6], $0x2FFFF;
	_ =	strace $0x9FFFFFFF  }
0xc2: {  	(tm) =	ssettm $0x7FFFFFFF  }
0xc3: {  	_ =	shalt  }
tec
execute0_lowered:
.L_overlay_start_1:
0x0: {  	(tag) =	ssettag $0x1  }
0x1: {  	s5 =	rddreg [dreg:$0x0]  }
0x2: {  	s2 =	rddreg [dreg:$0x1];
	s3 =	srdreg.scid  }
0x3: {  	s0 =	rddreg [dreg:$0x2];
	s1 =	stileid.u32;
	s13 =	simm.s32 $0x80  }
0x4: {  	s14 =	simm.s32 $0xEB00;
	s15 =	simm.s32 $0x1;
	s9 =	smul.u32 $0xF000, s1  }
0x5: {  	s6 =	sand.u32 $0x1, s3;
	s3 =	simm.s32 $0x0;
	s10 =	smul.u32 $0x3C000, s1  }
0x6: {  	s4 =	sshll.u32 s1, $0x1;
	s16 =	sshll.u32 s1, $0x6;
	s7 =	smul.u32 $0xF0000, s6  }
0x7: {  	[smem:$0x7FF] =	sst s3;
	s8 =	sor.u32 s6, s4;
	s4 =	sadd.s32 $0xB6400, s5  }
0x8: {  	s6 =	ssub.s32 $0x2, s6;
	s16 =	sor.u32 $0x1C02, s16;
	_ =	strace $0x8000004D  }
0x9: {  	s8 =	smul.u32 $0xEB0, s8;
	s11 =	sshrl.u32 s6, $0x1;
	s31 =	sshrl.u32 s10, $0x2  }
0xa: {  	s17 =	sadd.s32 s9, s2;
	s10 =	simm.s32 $0xFB00;
	s7 =	sadd.s32 s9, s7  }
0xb: {  	s11 =	ssub.s32 s6, s11;
	s17 =	sshrl.u32 s17, $0x3;
	s8 =	sadd.s32 s8, s5  }
0xc: {  	s7 =	sshrl.u32 s7, $0x3;
	s9 =	smax.u32 s11, $0x1;
	s11 =	simm.s32 $0x2  }
0xd: {  	s12 =	sadd.s32 s7, s5;
	s5 =	sadd.s32 s31, s2;
	s6 =	sadd.s32 $0x3800, s8  }
0xe: {  	v0 =	vimm.f32 $0.0e+00;
	s7 =	sadd.s32 $0x20E00, s8;
	s8 =	sadd.s32 $0xD4400, s12;
	s12 =	simm.s32 $0x7580  }
.LBB2_1:
0xf: {  	[tilespmem:$0xFB00] =	vst v0  }
0x10: {  	[tilespmem:$0xFB10] =	vst v0  }
0x11: {  	[tilespmem:$0xFB20] =	vst v0  }
0x12: {  	[tilespmem:$0xFB30] =	vst v0  }
0x13: {  	[tilespmem:$0xFB40] =	vst v0  }
0x14: {  	[tilespmem:$0xFB50] =	vst v0  }
0x15: {  	[tilespmem:$0xFB60] =	vst v0  }
0x16: {  	[tilespmem:$0xFB70] =	vst v0  }
0x17: {  	[tilespmem:$0xFB80] =	vst v0  }
0x18: {  	[tilespmem:$0xFB90] =	vst v0  }
0x19: {  	[tilespmem:$0xFBA0] =	vst v0  }
0x1a: {  	[tilespmem:$0xFBB0] =	vst v0  }
0x1b: {  	[tilespmem:$0xFBC0] =	vst v0  }
0x1c: {  	[tilespmem:$0xFBD0] =	vst v0  }
0x1d: {  	[tilespmem:$0xFBE0] =	vst v0  }
0x1e: {  	[tilespmem:$0xFBF0] =	vst v0  }
0x1f: {  	[tilespmem:$0xFC00] =	vst v0  }
0x20: {  	[tilespmem:$0xFC10] =	vst v0  }
0x21: {  	[tilespmem:$0xFC20] =	vst v0  }
0x22: {  	[tilespmem:$0xFC30] =	vst v0  }
0x23: {  	[tilespmem:$0xFC40] =	vst v0  }
0x24: {  	[tilespmem:$0xFC50] =	vst v0  }
0x25: {  	[tilespmem:$0xFC60] =	vst v0  }
0x26: {  	[tilespmem:$0xFC70] =	vst v0  }
0x27: {  	[tilespmem:$0xFC80] =	vst v0  }
0x28: {  	[tilespmem:$0xFC90] =	vst v0  }
0x29: {  	[tilespmem:$0xFCA0] =	vst v0  }
0x2a: {  	[tilespmem:$0xFCB0] =	vst v0  }
0x2b: {  	[tilespmem:$0xFCC0] =	vst v0  }
0x2c: {  	[tilespmem:$0xFCD0] =	vst v0  }
0x2d: {  	[tilespmem:$0xFCE0] =	vst v0  }
0x2e: {  	[tilespmem:$0xFCF0] =	vst v0;
	s18 =	sadd.s32 $0x0, s5  }
0x2f: {  	[spmem:s18] =	stream.linear.scatter [tilespmem:s10], [sflag:$0x2], $0x200, $0x38;
	[tilespmem:$0x1ED00] =	vst v63  }
0x30: {  	s18 =	simm.s32 $0x800;
	_ =	swait.ge [sflag:s11], $0x200  }
.LBB2_2:
0x31: {  	s19 =	sshra.s32 s18, $0x2;
	[sflag:s11] =	ssyncset.done $0x0;
	p0 =	sne.s32 s18, $0x3B800  }
.Ltmp0:
0x32: {  	s19 =	sadd.s32 s19, s5;
	[sflag:s11] =	ssyncadd.s32 $0xFFFFFE00;
	(pc) =	sbr.rel @p0 .LBB2_2-.Ltmp0, $3  }
0x33: {  	[spmem:s19] =	stream.linear.scatter [tilespmem:s10], [sflag:$0x2], $0x200, $0x38;
	[tilespmem:$0x1ED00] =	vst v63  }
0x34: {  	s18 =	sadd.s32 $0x800, s18;
	_ =	sdelay $0x1  }
0x35: {  	_ =	swait.ge [sflag:s11], $0x200  }
0x36: {  	[sflag:s11] =	ssyncset.done $0x0  }
0x37: {  	s18 =	simm.s32 $0x0;
	[sflag:s11] =	ssyncadd.s32 $0xFFFFFE00  }
0x38: {  	[tilespmem:s18], [sflag:$0x2] =	stream.linear.gather [hbm4b:s6+s18], $0x7580, $0x38;
	[tilespmem:$0x1ED00] =	vst v63  }
0x39: {  	_ =	swait.ge [sflag:s11], $0x7580  }
0x3a: {  	[sflag:s11] =	ssyncset.done $0x0  }
0x3b: {  	[sflag:s11] =	ssyncadd.s32 $0xFFFF8A80  }
0x3c: {  	[tilespmem:s12], [sflag:$0x2] =	stream.linear.gather [hbm4b:s7+s18], $0x7580, $0x38;
	[tilespmem:$0x1ED00] =	vst v63  }
0x3d: {  	_ =	swait.ge [sflag:s11], $0x7580  }
0x3e: {  	[sflag:s11] =	ssyncset.done $0x0  }
0x3f: {  	[sflag:s11] =	ssyncadd.s32 $0xFFFF8A80  }
0x40: {  	s30 =	simm.s32 $0x0;
	[bflag:$0x0] =	sbarrier.arrive $0xFFFF  }
0x41: {  	[tilespmem:s14], [sflag:$0x1] =	stream.indirect.gather [hbm4b:s4+s13], $0x20, s30, s13, $0xb8;
	[tilespmem:$0x1ED00] =	vst v63  }
0x42: {  	_ =	swait.ge [sflag:s15], $0x1000  }
0x43: {  	[sflag:s15] =	ssyncset.done $0x0  }
0x44: {  	s31 =	simm.s32 $0x7580;
	[sflag:s15] =	ssyncadd.s32 $0xFFFFF000  }
0x45: {  	[spmem:s2] =	stream.indirect.scatter.add.f32 [tilespmem:s14], [sflag:$0x2], $0x20, s31, s13, $0xb8;
	[tilespmem:$0x1ED00] =	vst v63  }
0x46: {  	_ =	swait.ge [sflag:s11], $0x1000  }
0x47: {  	s19 =	simm.s32 $0x400;
	s18 =	simm.s32 $0x200;
	[sflag:s11] =	ssyncset.done $0x0  }
.LBB2_4:
0x48: {  	s20 =	sshra.s32 s18, $0x2  }
0x49: {  	[sflag:s11] =	ssyncadd.s32 $0xFFFFF000;
	s18 =	smov.u32 s19;
	s21 =	sadd.s32 $0x200, s19  }
0x4a: {  	[tilespmem:s14], [sflag:$0x1] =	stream.indirect.gather [hbm4b:s4+s13], $0x20, s20, s13, $0xb8;
	[tilespmem:$0x1ED00] =	vst v63  }
0x4b: {  	p0 =	sne.s32 s19, $0x1D400;
	_ =	swait.ge [sflag:s15], $0x1000  }
.Ltmp1:
0x4c: {  	[sflag:s15] =	ssyncset.done $0x0;
	(pc) =	sbr.rel @p0 .LBB2_4-.Ltmp1, $4  }
0x4d: {  	s19 =	sadd.s32 $0x7580, s20;
	[sflag:s15] =	ssyncadd.s32 $0xFFFFF000  }
0x4e: {  	[spmem:s2] =	stream.indirect.scatter.add.f32 [tilespmem:s14], [sflag:$0x2], $0x20, s19, s13, $0xb8;
	[tilespmem:$0x1ED00] =	vst v63  }
0x4f: {  	_ =	swait.ge [sflag:s11], $0x1000  }
0x50: {  	s19 =	smov.u32 s21;
	[sflag:s11] =	ssyncset.done $0x0  }
0x51: {  	s18 =	sshra.s32 s18, $0x2;
	[sflag:s11] =	ssyncadd.s32 $0xFFFFF000  }
0x52: {  	[tilespmem:s14], [sflag:$0x1] =	stream.indirect.gather [hbm4b:s4+s13], $0x20, s18, s13, $0xb8;
	[tilespmem:$0x1ED00] =	vst v63  }
0x53: {  	_ =	swait.ge [sflag:s15], $0x1000  }
0x54: {  	[sflag:s15] =	ssyncset.done $0x0  }
0x55: {  	s18 =	sadd.s32 $0x7580, s18;
	[sflag:s15] =	ssyncadd.s32 $0xFFFFF000  }
0x56: {  	[spmem:s2] =	stream.indirect.scatter.add.f32 [tilespmem:s14], [sflag:$0x2], $0x20, s18, s13, $0xb8;
	[tilespmem:$0x1ED00] =	vst v63  }
0x57: {  	_ =	swait.ge [sflag:s11], $0x1000  }
0x58: {  	s3 =	sadd.s32 $0x1, s3;
	[sflag:s11] =	ssyncset.done $0x0  }
0x59: {  	p0 =	sne.s32 s3, s9;
	[sflag:s11] =	ssyncadd.s32 $0xFFFFF000  }
.Ltmp2:
0x5a: {  	[bflag:$0x0] =	sbarrier.arrive $0xFFFF;
	(pc) =	sbr.rel @p0 .LBB2_1-.Ltmp2, $4  }
0x5b: {  	[hbm:s8], [sflag:s16] =	dma.local [spmem:s17], $0x1E00  }
0x5c: {  	_ =	swait.ge [sflag:s11], $0x1E00  }
0x5d: {  	[sflag:s11] =	ssyncset.done $0x0  }
0x5e: {  	[sflag:s11] =	ssyncadd.s32 $0xFFFFE200  }
0x5f: {  	_ =	sfence.sel $0x180000  }
0x60: {  	[bflag:$0x0] =	sbarrier.arrive $0xFFFF  }
0x61: {  	p0 =	sne.s32 s1, $0x0;
	_ =	strace $0x9000004D  }
0x62: {  	s0 =	sadd.s32 @!p0 $0x100000, s0;
	[bflag:$0x2] =	sbarrier.arrive $0xFFFF  }
0x63: {  	[sflag:s0] =	ssyncadd.tile.s32 @!p0 $0x1;
	_ =	shalt  }
.Lfunc_end2:
_tile_overlayer_lowered:
.L_overlay_start_2:
0x64: {  	(tag) =	ssettag $0x2  }
0x65: {  	s0 =	rddreg [dreg:$0x0];
	s2 =	stileid.u32  }
0x66: {  	s1 =	rddreg [dreg:$0x1];
	p0 =	sne.s32 s2, $0x0  }
0x67: {  	s3 =	rddreg [dreg:$0x2];
	[bflag:$0x3] =	sbarrier.arrive $0xFFFF;
	s2 =	simm.s32 @!p0 $0x1C02  }
0x68: {  	[timem:s3], [sflag:s2] =	dma.local @!p0 [hbm:s0], s1  }
0x69: {  	s0 =	simm.s32 @!p0 $0x2  }
0x6a: {  	_ =	swait.ge @!p0 [sflag:s0], s1  }
0x6b: {  	s1 =	ssub.s32 @!p0 $0x0, s1;
	[sflag:s0] =	ssyncset.done @!p0 $0x0  }
0x6c: {  	[sflag:s0] =	ssyncadd.s32 @!p0 s1  }
0x6d: {  	[bflag:$0x3] =	sbarrier.arrive $0xFFFF  }
0x6e: {  	_ =	shalt  }

// kernel: kernel.24.cloned.1.call-start
scs
__scs_entry_jumppad:
0x0: {  	(pc) =	sbr.rel $0x88, $3  }
0x1: {  	(tag) =	ssettag $0x0;
	lr =	simm.s32 $0x1  }
0x2: {  	[smem:$0x3F92] =	sst lr;
	_ =	strace $0xD0000000  }
0x3: {  	_ = 	snop  }
0x4: {  	_ = 	snop  }
0x5: {  	_ = 	snop  }
0x6: {  	_ = 	snop  }
0x7: {  	_ = 	snop  }
__scs_overlays_trampoline_lowered:
0x8: {  	[smem:$0x3FA1] =	sst s0  }
0x9: {  	[smem:$0x3FA2] =	sst s1  }
0xa: {  	[smem:$0x3FA3] =	sst s2  }
0xb: {  	[smem:$0x3FA4] =	sst s3  }
0xc: {  	[smem:$0x3FA5] =	sst s4  }
0xd: {  	[smem:$0x3FA6] =	sst s5  }
0xe: {  	[smem:$0x3FA7] =	sst s6  }
0xf: {  	[smem:$0x3FA8] =	sst s7  }
0x10: {  	[smem:$0x3FA9] =	sst s8  }
0x11: {  	[smem:$0x3FAA] =	sst s9;
	s0 =	simm.s32 @!p0 $0x0  }
0x12: {  	s1 =	sld [smem:$0x3F90];
	s0 =	simm.s32 @p0 $0x1  }
0x13: {  	[smem:$0x3FAB] =	sst s0;
	s0 =	simm.s32 @!p1 $0x0  }
0x14: {  	s2 =	sld [smem:$0x3F8F];
	s0 =	simm.s32 @p1 $0x1  }
0x15: {  	[smem:$0x3FAC] =	sst s0;
	s0 =	simm.s32 @!p2 $0x0  }
0x16: {  	s3 =	sld [smem:$0x3FDB];
	s0 =	simm.s32 @p2 $0x1  }
0x17: {  	s4 =	simm.s32 $0x1BF5;
	[smem:$0x3FAE] =	sst s0  }
0x18: {  	s0 =	sld [smem:$0x3F91];
	_ =	swait.ge [sflag:s4], $0x0  }
0x19: {  	s7 =	sld [smem:$0x3F92]  }
0x1a: {  	s8 =	sadd.s32 $0xFFFFE003, lr  }
0x1b: {  	s9 =	sadd.s32 $0xFFFFFEF7, lr;
	s5 =	simm.s32 $0xFFFFFFFF;
	p2 =	slt.u32 s8, $0xFFFFF086  }
0x1c: {  	p1 =	slt.u32 s9, $0xF7A;
	s5 =	simm.s32 @!p2 $0x0  }
0x1d: {  	s5 =	simm.s32 @p1 $0x1;
	p0 =	seq.s32 s7, s2  }
0x1e: {  	s7 =	smul.u32 @!p0 $0xF7A, s2;
	p2 =	seq.s32 @!p0 s5, $0x0  }
0x1f: {  	s9 =	smul.u32 $0xF7A, s1;
	s8 =	simm.s32 @!p0 $0x1BF5;
	p2 =	por !p2, p0  }
0x20: {  	[sflag:s8] =	ssyncset.s32 @!p0 $0xFFFFF086;
	s6 =	sadd.s32 @!p0 s3, s7;
	s7 =	simm.s32 @!p0 $0x108  }
0x21: {  	s3 =	sadd.s32 s3, s9;
	s6 =	sadd.s32 @!p0 $0x88, s6;
	s7 =	simm.s32 @p2 $0x1082  }
0x22: {  	[simem:s7], [sflag:s8] =	dma.local @!p0 [hbm:s6], $0xF7A  }
0x23: {  	s9 =	sor.u32 $0xD0000000, s2;
	s6 =	simm.s32 $0x108;
	_ =	swait.ge @!p0 [sflag:s8], $0x0  }
0x24: {  	s3 =	sadd.s32 $0x88, s3;
	s6 =	simm.s32 @!p1 $0x1082;
	[sflag:s4] =	ssyncset.s32 $0xFFFFF086  }
0x25: {  	[simem:s6], [sflag:s4] =	dma.local [hbm:s3], $0xF7A  }
0x26: {  	[smem:$0x3F92] =	sst s1;
	(tag) =	ssettag s2;
	_ =	strace s9  }
0x27: {  	s1 =	sld [smem:$0x3FA2]  }
0x28: {  	s2 =	sld [smem:$0x3FA3]  }
0x29: {  	s4 =	sld [smem:$0x3FA5]  }
0x2a: {  	p0 =	seq.s32 s5, $0x0;
	s5 =	sld [smem:$0x3FA6]  }
0x2b: {  	s6 =	sld [smem:$0x3FA7]  }
0x2c: {  	s7 =	sld [smem:$0x3FA8]  }
0x2d: {  	s3 =	simm.s32 $0x108;
	s8 =	sld [smem:$0x3FA9]  }
0x2e: {  	s3 =	simm.s32 @!p0 $0x1082;
	s9 =	sld [smem:$0x3FAA]  }
0x2f: {  	lr =	sadd.s32 s0, s3;
	s0 =	sld [smem:$0x3FA1]  }
0x30: {  	s3 =	sld [smem:$0x3FA4]  }
0x31: {  	[smem:$0x3FAD] =	sst s10  }
0x32: {  	s10 =	sld [smem:$0x3FAB];
	_ =	sdelay $0x3  }
0x33: {  	p0 =	seq.s32 s10, $0x1;
	s10 =	sld [smem:$0x3FAD];
	_ =	sdelay $0x3  }
0x34: {  	[smem:$0x3FAD] =	sst s10  }
0x35: {  	s10 =	sld [smem:$0x3FAC];
	_ =	sdelay $0x3  }
0x36: {  	p1 =	seq.s32 s10, $0x1;
	s10 =	sld [smem:$0x3FAD];
	_ =	sdelay $0x3  }
0x37: {  	[smem:$0x3FAD] =	sst s10  }
0x38: {  	s10 =	sld [smem:$0x3FAE]  }
0x39: {  	_ = 	snop;
	(pc) =	sbr.ind lr, $3  }
0x3a: {  	_ = 	snop  }
0x3b: {  	_ = 	snop  }
0x3c: {  	p2 =	seq.s32 s10, $0x1;
	s10 =	sld [smem:$0x3FAD]  }
0x3d: {  	_ =	shalt  }
0x3e: {  	_ =	shalt  }
0x3f: {  	_ =	shalt  }
0x40: {  	_ =	shalt  }
0x41: {  	_ =	shalt  }
0x42: {  	_ =	shalt  }
0x43: {  	_ =	shalt  }
0x44: {  	_ =	shalt  }
0x45: {  	_ =	shalt  }
0x46: {  	_ =	shalt  }
0x47: {  	_ =	shalt  }
0x48: {  	_ =	shalt  }
0x49: {  	_ =	shalt  }
0x4a: {  	_ =	shalt  }
0x4b: {  	_ =	shalt  }
0x4c: {  	_ =	shalt  }
0x4d: {  	_ =	shalt  }
0x4e: {  	_ =	shalt  }
0x4f: {  	_ =	shalt  }
0x50: {  	_ =	shalt  }
0x51: {  	_ =	shalt  }
0x52: {  	_ =	shalt  }
0x53: {  	_ =	shalt  }
0x54: {  	_ =	shalt  }
0x55: {  	_ =	shalt  }
0x56: {  	_ =	shalt  }
0x57: {  	_ =	shalt  }
0x58: {  	_ =	shalt  }
0x59: {  	_ =	shalt  }
0x5a: {  	_ =	shalt  }
0x5b: {  	_ =	shalt  }
0x5c: {  	_ =	shalt  }
0x5d: {  	_ =	shalt  }
0x5e: {  	_ =	shalt  }
0x5f: {  	_ =	shalt  }
0x60: {  	_ =	shalt  }
0x61: {  	_ =	shalt  }
0x62: {  	_ =	shalt  }
0x63: {  	_ =	shalt  }
0x64: {  	_ =	shalt  }
0x65: {  	_ =	shalt  }
0x66: {  	_ =	shalt  }
0x67: {  	_ =	shalt  }
0x68: {  	_ =	shalt  }
0x69: {  	_ =	shalt  }
0x6a: {  	_ =	shalt  }
0x6b: {  	_ =	shalt  }
0x6c: {  	_ =	shalt  }
0x6d: {  	_ =	shalt  }
0x6e: {  	_ =	shalt  }
0x6f: {  	_ =	shalt  }
0x70: {  	_ =	shalt  }
0x71: {  	_ =	shalt  }
0x72: {  	_ =	shalt  }
0x73: {  	_ =	shalt  }
0x74: {  	_ =	shalt  }
0x75: {  	_ =	shalt  }
0x76: {  	_ =	shalt  }
0x77: {  	_ =	shalt  }
0x78: {  	_ =	shalt  }
0x79: {  	_ =	shalt  }
0x7a: {  	_ =	shalt  }
0x7b: {  	_ =	shalt  }
0x7c: {  	_ =	shalt  }
0x7d: {  	_ =	shalt  }
0x7e: {  	_ =	shalt  }
0x7f: {  	_ =	shalt  }
0x80: {  	_ =	shalt  }
0x81: {  	_ =	shalt  }
0x82: {  	_ =	shalt  }
0x83: {  	_ =	shalt  }
0x84: {  	_ =	shalt  }
0x85: {  	_ =	shalt  }
0x86: {  	_ =	shalt  }
0x87: {  	_ =	shalt  }
.Lfunc_end0:
.L_simem_size_0:
called_computation.4_lowered:
.L_overlay_start_0:
0x88: {  	s2 =	sld [smem:$0x3FD9]  }
0x89: {  	s3 =	sld [smem:$0x3FFE];
	_ =	sdelay $0x1  }
0x8a: {  	s1 =	srdreg.scid  }
0x8b: {  	s0 =	sand.u32 $0x1, s1  }
0x8c: {  	s17 =	sshll.u32 s0, $0xA;
	s2 =	sadd.s32 s3, s2  }
0x8d: {  	s2 =	sadd.s32 s2, s17  }
0x8e: {  	[smem:$0x3FB9] =	sst s2  }
0x8f: {  	_ = 	snop  }
0x90: {  	(tm) =	ssettm $0x1  }
0x91: {  	s18 =	sld [smem:$0x3FFB];
	_ =	sdelay $0x3  }
0x92: {  	_ =	strace s18  }
0x93: {  	s2 =	sld [smem:$0x3FFC];
	_ =	sdelay $0x3  }
0x94: {  	_ =	strace s2  }
0x95: {  	s2 =	sld [smem:$0x3FFD];
	_ =	sdelay $0x3  }
0x96: {  	_ =	strace s2  }
0x97: {  	_ =	strace $0x8FFFFFFF  }
0x98: {  	s19 =	sld [smem:$0x3FDB];
	_ =	sdelay $0x1  }
0x99: {  	s20 =	simm.s32 $_scs_section_size  }
0x9a: {  	s4 =	simm.s32 $_size__tile_overlayer_lowered;
	s5 =	simm.s32 $_tile_overlayer_lowered  }
0x9b: {  	s6 =	simm.s32 $0x1BFF;
	s21 =	sshll.u32 s5, $0x1;
	s3 =	sadd.s32 s20, s19  }
0x9c: {  	s22 =	simm.s32 $0x0;
	s4 =	sshll.u32 s4, $0x1;
	s5 =	sadd.s32 s21, s3  }
0x9d: {  	[timem:s22], [sflag:s6] =	dma.local [hbm:s5], s4  }
0x9e: {  	_ =	swait.ge [sflag:s6], s4  }
0x9f: {  	s4 =	ssub.s32 $0x0, s4;
	[sflag:s6] =	ssyncset.done $0x0  }
0xa0: {  	[sflag:s6] =	ssyncadd.s32 s4;
	_ =	sdelay $0x1  }
0xa1: {  	s23 =	simm.s32 $0x1B8B  }
0xa2: {  	_ =	swait.ge [sflag:s23], $0x1  }
0xa3: {  	[sflag:s23] =	ssyncset.done $0x0  }
0xa4: {  	[sflag:s23] =	ssyncadd.s32 $0xFFFFFFFF  }
0xa5: {  	s4 =	sld [smem:$0x0]  }
0xa6: {  	s5 =	sand.u32 $0xFFFFFFFE, s1  }
0xa7: {  	p0 =	sne.s32 s1, s5  }
0xa8: {  	s5 =	sshll.u32 @p0 s5, $0xE  }
0xa9: {  	s5 =	sadd.s32 @p0 $0x11B8D, s5;
	s6 =	sshll.u32 @p0 s4, $0x11  }
0xaa: {  	s5 =	sor.u32 @p0 s6, s5  }
0xab: {  	[sflag:s5] =	ssyncadd.remote.s32 @p0 $0x1;
	_ =	sdelay $0x1  }
0xac: {  	s5 =	simm.s32 @p0 $0x1B8D  }
0xad: {  	_ =	swait.eq @p0 [sflag:s5], $0x1  }
0xae: {  	[sflag:s5] =	ssyncadd.s32 @p0 $0xFFFFFFFF  }
0xaf: {  	s6 =	sshll.u32 @!p0 s1, $0xE  }
0xb0: {  	s6 =	sor.u32 @!p0 $0x4000, s6;
	s5 =	simm.s32 @!p0 $0x1B8D  }
0xb1: {  	s4 =	sshll.u32 @!p0 s4, $0x11;
	s6 =	sadd.s32 @!p0 $0x11B8D, s6;
	_ =	swait.eq @!p0 [sflag:s5], $0x1  }
0xb2: {  	s4 =	sor.u32 @!p0 s4, s6;
	[sflag:s5] =	ssyncadd.s32 @!p0 $0xFFFFFFFF  }
0xb3: {  	s25 =	simm.s32 $0x1B8E;
	s24 =	sld [smem:$0x3FFE];
	[sflag:s4] =	ssyncadd.remote.s32 @!p0 $0x1  }
0xb4: {  	s26 =	simm.s32 $execute0_lowered;
	[smem:$0x3FD2] =	sst s25  }
0xb5: {  	s5 =	sshll.u32 s26, $0x1;
	_ =	strace $0x80000055;
	[dreg:$0x1] =	wrdreg $0xFFFFFFFF  }
0xb6: {  	s28 =	simm.s32 $_size_execute0_lowered;
	s3 =	sadd.s32 s3, s5;
	[dreg:$0x0] =	wrdreg $0x0  }
0xb7: {  	s5 =	sshll.u32 s28, $0x1;
	[dreg:$0x2] =	wrdreg s3  }
0xb8: {  	[dreg:$0x3] =	wrdreg s5  }
0xb9: {  	[dreg:$0x4] =	wrdreg $0xC0  }
0xba: {  	_ =	task [dreg:s22], $0x5FFFF  }
0xbb: {  	[dreg:$0x1] =	wrdreg $0xFFFFFFFF  }
0xbc: {  	[dreg:$0x0] =	wrdreg $0x60  }
0xbd: {  	[dreg:$0x2] =	wrdreg s24  }
0xbe: {  	[dreg:$0x3] =	wrdreg $0xFD000  }
0xbf: {  	[dreg:$0x4] =	wrdreg $0x9  }
0xc0: {  	_ =	task.clear_ibuf [dreg:s22], $0x5FFFF;
	_ =	strace $0x90000055  }
0xc1: {  	s29 =	simm.s32 $0x9;
	_ =	strace $0x80000057  }
0xc2: {  	_ =	swait.ge [sflag:s29], $0x1  }
0xc3: {  	[sflag:s29] =	ssyncadd.s32 $0xFFFFFFFF  }
0xc4: {  	_ =	strace $0x90000057  }
0xc5: {  	_ =	sfence  }
0xc6: {  	s30 =	sld [smem:$0x0];
	_ =	sdelay $0x2  }
0xc7: {  	s31 =	sshll.u32 s1, $0xD;
	s1 =	sshrl.u32 s1, $0x2  }
0xc8: {  	s4 =	sand.u32 $0x4000, s31;
	s1 =	sadd.s32 s1, s30  }
0xc9: {  	s0 =	sor.u32 s4, s0;
	s1 =	sshll.u32 s1, $0x11  }
0xca: {  	s0 =	sor.u32 s1, s0  }
0xcb: {  	s0 =	sadd.s32 $0x8F2B, s0  }
0xcc: {  	[sflag:s0] =	ssyncadd.remote.s32 $0x1  }
0xcd: {  	_ =	sfence.sel $0xFFFF  }
0xce: {  	[dreg:$0x0] =	wrdreg $0xFFFFFFFF;
	(pc) =	sbr.abs _section_cstart, $3  }
0xcf: {  	[dreg:$0x1] =	wrdreg $0xFFFFFFFF  }
0xd0: {  	_ =	task.clear_ibuf [dreg:s22], $0x2FFFF;
	_ =	strace $0x9FFFFFFF  }
0xd1: {  	(tm) =	ssettm $0x7FFFFFFF  }
tec
execute0_lowered:
.L_overlay_start_1:
0x0: {  	(tag) =	ssettag $0x1  }
0x1: {  	s5 =	rddreg [dreg:$0x0]  }
0x2: {  	s2 =	rddreg [dreg:$0x1];
	s3 =	srdreg.scid  }
0x3: {  	s0 =	rddreg [dreg:$0x2];
	s1 =	stileid.u32;
	s13 =	simm.s32 $0x80  }
0x4: {  	s14 =	simm.s32 $0xEB00;
	s15 =	simm.s32 $0x1;
	s9 =	smul.u32 $0xF000, s1  }
0x5: {  	s6 =	sand.u32 $0x1, s3;
	s3 =	simm.s32 $0x0;
	s10 =	smul.u32 $0x3C000, s1  }
0x6: {  	s4 =	sshll.u32 s1, $0x1;
	s16 =	sshll.u32 s1, $0x6;
	s7 =	smul.u32 $0xF0000, s6  }
0x7: {  	[smem:$0x7FF] =	sst s3;
	s8 =	sor.u32 s6, s4;
	s4 =	sadd.s32 $0x98400, s5  }
0x8: {  	s6 =	ssub.s32 $0x2, s6;
	s16 =	sor.u32 $0x1C02, s16;
	_ =	strace $0x80000056  }
0x9: {  	s8 =	smul.u32 $0xEB0, s8;
	s11 =	sshrl.u32 s6, $0x1;
	s31 =	sshrl.u32 s10, $0x2  }
0xa: {  	s17 =	sadd.s32 s9, s2;
	s10 =	simm.s32 $0xFB00;
	s7 =	sadd.s32 s9, s7  }
0xb: {  	s11 =	ssub.s32 s6, s11;
	s17 =	sshrl.u32 s17, $0x3;
	s8 =	sadd.s32 s8, s5  }
0xc: {  	s7 =	sshrl.u32 s7, $0x3;
	s9 =	smax.u32 s11, $0x1;
	s11 =	simm.s32 $0x2  }
0xd: {  	s12 =	sadd.s32 s7, s5;
	s5 =	sadd.s32 s31, s2;
	s6 =	sadd.s32 $0x3800, s8  }
0xe: {  	v0 =	vimm.f32 $0.0e+00;
	s7 =	sadd.s32 $0x20E00, s8;
	s8 =	sadd.s32 $0x12E400, s12;
	s12 =	simm.s32 $0x7580  }
.LBB2_1:
0xf: {  	[tilespmem:$0xFB00] =	vst v0  }
0x10: {  	[tilespmem:$0xFB10] =	vst v0  }
0x11: {  	[tilespmem:$0xFB20] =	vst v0  }
0x12: {  	[tilespmem:$0xFB30] =	vst v0  }
0x13: {  	[tilespmem:$0xFB40] =	vst v0  }
0x14: {  	[tilespmem:$0xFB50] =	vst v0  }
0x15: {  	[tilespmem:$0xFB60] =	vst v0  }
0x16: {  	[tilespmem:$0xFB70] =	vst v0  }
0x17: {  	[tilespmem:$0xFB80] =	vst v0  }
0x18: {  	[tilespmem:$0xFB90] =	vst v0  }
0x19: {  	[tilespmem:$0xFBA0] =	vst v0  }
0x1a: {  	[tilespmem:$0xFBB0] =	vst v0  }
0x1b: {  	[tilespmem:$0xFBC0] =	vst v0  }
0x1c: {  	[tilespmem:$0xFBD0] =	vst v0  }
0x1d: {  	[tilespmem:$0xFBE0] =	vst v0  }
0x1e: {  	[tilespmem:$0xFBF0] =	vst v0  }
0x1f: {  	[tilespmem:$0xFC00] =	vst v0  }
0x20: {  	[tilespmem:$0xFC10] =	vst v0  }
0x21: {  	[tilespmem:$0xFC20] =	vst v0  }
0x22: {  	[tilespmem:$0xFC30] =	vst v0  }
0x23: {  	[tilespmem:$0xFC40] =	vst v0  }
0x24: {  	[tilespmem:$0xFC50] =	vst v0  }
0x25: {  	[tilespmem:$0xFC60] =	vst v0  }
0x26: {  	[tilespmem:$0xFC70] =	vst v0  }
0x27: {  	[tilespmem:$0xFC80] =	vst v0  }
0x28: {  	[tilespmem:$0xFC90] =	vst v0  }
0x29: {  	[tilespmem:$0xFCA0] =	vst v0  }
0x2a: {  	[tilespmem:$0xFCB0] =	vst v0  }
0x2b: {  	[tilespmem:$0xFCC0] =	vst v0  }
0x2c: {  	[tilespmem:$0xFCD0] =	vst v0  }
0x2d: {  	[tilespmem:$0xFCE0] =	vst v0  }
0x2e: {  	[tilespmem:$0xFCF0] =	vst v0;
	s18 =	sadd.s32 $0x0, s5  }
0x2f: {  	[spmem:s18] =	stream.linear.scatter [tilespmem:s10], [sflag:$0x2], $0x200, $0x38;
	[tilespmem:$0x1ED00] =	vst v63  }
0x30: {  	s18 =	simm.s32 $0x800;
	_ =	swait.ge [sflag:s11], $0x200  }
.LBB2_2:
0x31: {  	s19 =	sshra.s32 s18, $0x2;
	[sflag:s11] =	ssyncset.done $0x0;
	p0 =	sne.s32 s18, $0x3B800  }
.Ltmp0:
0x32: {  	s19 =	sadd.s32 s19, s5;
	[sflag:s11] =	ssyncadd.s32 $0xFFFFFE00;
	(pc) =	sbr.rel @p0 .LBB2_2-.Ltmp0, $3  }
0x33: {  	[spmem:s19] =	stream.linear.scatter [tilespmem:s10], [sflag:$0x2], $0x200, $0x38;
	[tilespmem:$0x1ED00] =	vst v63  }
0x34: {  	s18 =	sadd.s32 $0x800, s18;
	_ =	sdelay $0x1  }
0x35: {  	_ =	swait.ge [sflag:s11], $0x200  }
0x36: {  	[sflag:s11] =	ssyncset.done $0x0  }
0x37: {  	s18 =	simm.s32 $0x0;
	[sflag:s11] =	ssyncadd.s32 $0xFFFFFE00  }
0x38: {  	[tilespmem:s18], [sflag:$0x2] =	stream.linear.gather [hbm4b:s6+s18], $0x7580, $0x38;
	[tilespmem:$0x1ED00] =	vst v63  }
0x39: {  	_ =	swait.ge [sflag:s11], $0x7580  }
0x3a: {  	[sflag:s11] =	ssyncset.done $0x0  }
0x3b: {  	[sflag:s11] =	ssyncadd.s32 $0xFFFF8A80  }
0x3c: {  	[tilespmem:s12], [sflag:$0x2] =	stream.linear.gather [hbm4b:s7+s18], $0x7580, $0x38;
	[tilespmem:$0x1ED00] =	vst v63  }
0x3d: {  	_ =	swait.ge [sflag:s11], $0x7580  }
0x3e: {  	[sflag:s11] =	ssyncset.done $0x0  }
0x3f: {  	[sflag:s11] =	ssyncadd.s32 $0xFFFF8A80  }
0x40: {  	s30 =	simm.s32 $0x0;
	[bflag:$0x0] =	sbarrier.arrive $0xFFFF  }
0x41: {  	[tilespmem:s14], [sflag:$0x1] =	stream.indirect.gather [hbm4b:s4+s13], $0x20, s30, s13, $0xb8;
	[tilespmem:$0x1ED00] =	vst v63  }
0x42: {  	_ =	swait.ge [sflag:s15], $0x1000  }
0x43: {  	[sflag:s15] =	ssyncset.done $0x0  }
0x44: {  	s31 =	simm.s32 $0x7580;
	[sflag:s15] =	ssyncadd.s32 $0xFFFFF000  }
0x45: {  	[spmem:s2] =	stream.indirect.scatter.add.f32 [tilespmem:s14], [sflag:$0x2], $0x20, s31, s13, $0xb8;
	[tilespmem:$0x1ED00] =	vst v63  }
0x46: {  	_ =	swait.ge [sflag:s11], $0x1000  }
0x47: {  	s19 =	simm.s32 $0x400;
	s18 =	simm.s32 $0x200;
	[sflag:s11] =	ssyncset.done $0x0  }
.LBB2_4:
0x48: {  	s20 =	sshra.s32 s18, $0x2  }
0x49: {  	[sflag:s11] =	ssyncadd.s32 $0xFFFFF000;
	s18 =	smov.u32 s19;
	s21 =	sadd.s32 $0x200, s19  }
0x4a: {  	[tilespmem:s14], [sflag:$0x1] =	stream.indirect.gather [hbm4b:s4+s13], $0x20, s20, s13, $0xb8;
	[tilespmem:$0x1ED00] =	vst v63  }
0x4b: {  	p0 =	sne.s32 s19, $0x1D400;
	_ =	swait.ge [sflag:s15], $0x1000  }
.Ltmp1:
0x4c: {  	[sflag:s15] =	ssyncset.done $0x0;
	(pc) =	sbr.rel @p0 .LBB2_4-.Ltmp1, $4  }
0x4d: {  	s19 =	sadd.s32 $0x7580, s20;
	[sflag:s15] =	ssyncadd.s32 $0xFFFFF000  }
0x4e: {  	[spmem:s2] =	stream.indirect.scatter.add.f32 [tilespmem:s14], [sflag:$0x2], $0x20, s19, s13, $0xb8;
	[tilespmem:$0x1ED00] =	vst v63  }
0x4f: {  	_ =	swait.ge [sflag:s11], $0x1000  }
0x50: {  	s19 =	smov.u32 s21;
	[sflag:s11] =	ssyncset.done $0x0  }
0x51: {  	s18 =	sshra.s32 s18, $0x2;
	[sflag:s11] =	ssyncadd.s32 $0xFFFFF000  }
0x52: {  	[tilespmem:s14], [sflag:$0x1] =	stream.indirect.gather [hbm4b:s4+s13], $0x20, s18, s13, $0xb8;
	[tilespmem:$0x1ED00] =	vst v63  }
0x53: {  	_ =	swait.ge [sflag:s15], $0x1000  }
0x54: {  	[sflag:s15] =	ssyncset.done $0x0  }
0x55: {  	s18 =	sadd.s32 $0x7580, s18;
	[sflag:s15] =	ssyncadd.s32 $0xFFFFF000  }
0x56: {  	[spmem:s2] =	stream.indirect.scatter.add.f32 [tilespmem:s14], [sflag:$0x2], $0x20, s18, s13, $0xb8;
	[tilespmem:$0x1ED00] =	vst v63  }
0x57: {  	_ =	swait.ge [sflag:s11], $0x1000  }
0x58: {  	s3 =	sadd.s32 $0x1, s3;
	[sflag:s11] =	ssyncset.done $0x0  }
0x59: {  	p0 =	sne.s32 s3, s9;
	[sflag:s11] =	ssyncadd.s32 $0xFFFFF000  }
.Ltmp2:
0x5a: {  	[bflag:$0x0] =	sbarrier.arrive $0xFFFF;
	(pc) =	sbr.rel @p0 .LBB2_1-.Ltmp2, $4  }
0x5b: {  	[hbm:s8], [sflag:s16] =	dma.local [spmem:s17], $0x1E00  }
0x5c: {  	_ =	swait.ge [sflag:s11], $0x1E00  }
0x5d: {  	[sflag:s11] =	ssyncset.done $0x0  }
0x5e: {  	[sflag:s11] =	ssyncadd.s32 $0xFFFFE200  }
0x5f: {  	_ =	sfence.sel $0x180000  }
0x60: {  	[bflag:$0x0] =	sbarrier.arrive $0xFFFF  }
0x61: {  	p0 =	sne.s32 s1, $0x0;
	_ =	strace $0x90000056  }
0x62: {  	s0 =	sadd.s32 @!p0 $0x100000, s0;
	[bflag:$0x2] =	sbarrier.arrive $0xFFFF  }
0x63: {  	[sflag:s0] =	ssyncadd.tile.s32 @!p0 $0x1;
	_ =	shalt  }
.Lfunc_end2:
_tile_overlayer_lowered:
.L_overlay_start_2:
0x64: {  	(tag) =	ssettag $0x2  }
0x65: {  	s0 =	rddreg [dreg:$0x0];
	s2 =	stileid.u32  }
0x66: {  	s1 =	rddreg [dreg:$0x1];
	p0 =	sne.s32 s2, $0x0  }
0x67: {  	s3 =	rddreg [dreg:$0x2];
	[bflag:$0x3] =	sbarrier.arrive $0xFFFF;
	s2 =	simm.s32 @!p0 $0x1C02  }
0x68: {  	[timem:s3], [sflag:s2] =	dma.local @!p0 [hbm:s0], s1  }
0x69: {  	s0 =	simm.s32 @!p0 $0x2  }
0x6a: {  	_ =	swait.ge @!p0 [sflag:s0], s1  }
0x6b: {  	s1 =	ssub.s32 @!p0 $0x0, s1;
	[sflag:s0] =	ssyncset.done @!p0 $0x0  }
0x6c: {  	[sflag:s0] =	ssyncadd.s32 @!p0 s1  }
0x6d: {  	[bflag:$0x3] =	sbarrier.arrive $0xFFFF  }
0x6e: {  	_ =	shalt  }

// kernel: kernel.27.cloned.1.call-start
scs
__scs_entry_jumppad:
0x0: {  	(pc) =	sbr.rel $0x88, $3  }
0x1: {  	(tag) =	ssettag $0x0;
	lr =	simm.s32 $0x1  }
0x2: {  	[smem:$0x3F92] =	sst lr;
	_ =	strace $0xD0000000  }
0x3: {  	_ = 	snop  }
0x4: {  	_ = 	snop  }
0x5: {  	_ = 	snop  }
0x6: {  	_ = 	snop  }
0x7: {  	_ = 	snop  }
__scs_overlays_trampoline_lowered:
0x8: {  	[smem:$0x3FA1] =	sst s0  }
0x9: {  	[smem:$0x3FA2] =	sst s1  }
0xa: {  	[smem:$0x3FA3] =	sst s2  }
0xb: {  	[smem:$0x3FA4] =	sst s3  }
0xc: {  	[smem:$0x3FA5] =	sst s4  }
0xd: {  	[smem:$0x3FA6] =	sst s5  }
0xe: {  	[smem:$0x3FA7] =	sst s6  }
0xf: {  	[smem:$0x3FA8] =	sst s7  }
0x10: {  	[smem:$0x3FA9] =	sst s8  }
0x11: {  	[smem:$0x3FAA] =	sst s9;
	s0 =	simm.s32 @!p0 $0x0  }
0x12: {  	s1 =	sld [smem:$0x3F90];
	s0 =	simm.s32 @p0 $0x1  }
0x13: {  	[smem:$0x3FAB] =	sst s0;
	s0 =	simm.s32 @!p1 $0x0  }
0x14: {  	s2 =	sld [smem:$0x3F8F];
	s0 =	simm.s32 @p1 $0x1  }
0x15: {  	[smem:$0x3FAC] =	sst s0;
	s0 =	simm.s32 @!p2 $0x0  }
0x16: {  	s3 =	sld [smem:$0x3FDB];
	s0 =	simm.s32 @p2 $0x1  }
0x17: {  	s4 =	simm.s32 $0x1BF5;
	[smem:$0x3FAE] =	sst s0  }
0x18: {  	s0 =	sld [smem:$0x3F91];
	_ =	swait.ge [sflag:s4], $0x0  }
0x19: {  	s7 =	sld [smem:$0x3F92]  }
0x1a: {  	s8 =	sadd.s32 $0xFFFFE003, lr  }
0x1b: {  	s9 =	sadd.s32 $0xFFFFFEF7, lr;
	s5 =	simm.s32 $0xFFFFFFFF;
	p2 =	slt.u32 s8, $0xFFFFF086  }
0x1c: {  	p1 =	slt.u32 s9, $0xF7A;
	s5 =	simm.s32 @!p2 $0x0  }
0x1d: {  	s5 =	simm.s32 @p1 $0x1;
	p0 =	seq.s32 s7, s2  }
0x1e: {  	s7 =	smul.u32 @!p0 $0xF7A, s2;
	p2 =	seq.s32 @!p0 s5, $0x0  }
0x1f: {  	s9 =	smul.u32 $0xF7A, s1;
	s8 =	simm.s32 @!p0 $0x1BF5;
	p2 =	por !p2, p0  }
0x20: {  	[sflag:s8] =	ssyncset.s32 @!p0 $0xFFFFF086;
	s6 =	sadd.s32 @!p0 s3, s7;
	s7 =	simm.s32 @!p0 $0x108  }
0x21: {  	s3 =	sadd.s32 s3, s9;
	s6 =	sadd.s32 @!p0 $0x88, s6;
	s7 =	simm.s32 @p2 $0x1082  }
0x22: {  	[simem:s7], [sflag:s8] =	dma.local @!p0 [hbm:s6], $0xF7A  }
0x23: {  	s9 =	sor.u32 $0xD0000000, s2;
	s6 =	simm.s32 $0x108;
	_ =	swait.ge @!p0 [sflag:s8], $0x0  }
0x24: {  	s3 =	sadd.s32 $0x88, s3;
	s6 =	simm.s32 @!p1 $0x1082;
	[sflag:s4] =	ssyncset.s32 $0xFFFFF086  }
0x25: {  	[simem:s6], [sflag:s4] =	dma.local [hbm:s3], $0xF7A  }
0x26: {  	[smem:$0x3F92] =	sst s1;
	(tag) =	ssettag s2;
	_ =	strace s9  }
0x27: {  	s1 =	sld [smem:$0x3FA2]  }
0x28: {  	s2 =	sld [smem:$0x3FA3]  }
0x29: {  	s4 =	sld [smem:$0x3FA5]  }
0x2a: {  	p0 =	seq.s32 s5, $0x0;
	s5 =	sld [smem:$0x3FA6]  }
0x2b: {  	s6 =	sld [smem:$0x3FA7]  }
0x2c: {  	s7 =	sld [smem:$0x3FA8]  }
0x2d: {  	s3 =	simm.s32 $0x108;
	s8 =	sld [smem:$0x3FA9]  }
0x2e: {  	s3 =	simm.s32 @!p0 $0x1082;
	s9 =	sld [smem:$0x3FAA]  }
0x2f: {  	lr =	sadd.s32 s0, s3;
	s0 =	sld [smem:$0x3FA1]  }
0x30: {  	s3 =	sld [smem:$0x3FA4]  }
0x31: {  	[smem:$0x3FAD] =	sst s10  }
0x32: {  	s10 =	sld [smem:$0x3FAB];
	_ =	sdelay $0x3  }
0x33: {  	p0 =	seq.s32 s10, $0x1;
	s10 =	sld [smem:$0x3FAD];
	_ =	sdelay $0x3  }
0x34: {  	[smem:$0x3FAD] =	sst s10  }
0x35: {  	s10 =	sld [smem:$0x3FAC];
	_ =	sdelay $0x3  }
0x36: {  	p1 =	seq.s32 s10, $0x1;
	s10 =	sld [smem:$0x3FAD];
	_ =	sdelay $0x3  }
0x37: {  	[smem:$0x3FAD] =	sst s10  }
0x38: {  	s10 =	sld [smem:$0x3FAE]  }
0x39: {  	_ = 	snop;
	(pc) =	sbr.ind lr, $3  }
0x3a: {  	_ = 	snop  }
0x3b: {  	_ = 	snop  }
0x3c: {  	p2 =	seq.s32 s10, $0x1;
	s10 =	sld [smem:$0x3FAD]  }
0x3d: {  	_ =	shalt  }
0x3e: {  	_ =	shalt  }
0x3f: {  	_ =	shalt  }
0x40: {  	_ =	shalt  }
0x41: {  	_ =	shalt  }
0x42: {  	_ =	shalt  }
0x43: {  	_ =	shalt  }
0x44: {  	_ =	shalt  }
0x45: {  	_ =	shalt  }
0x46: {  	_ =	shalt  }
0x47: {  	_ =	shalt  }
0x48: {  	_ =	shalt  }
0x49: {  	_ =	shalt  }
0x4a: {  	_ =	shalt  }
0x4b: {  	_ =	shalt  }
0x4c: {  	_ =	shalt  }
0x4d: {  	_ =	shalt  }
0x4e: {  	_ =	shalt  }
0x4f: {  	_ =	shalt  }
0x50: {  	_ =	shalt  }
0x51: {  	_ =	shalt  }
0x52: {  	_ =	shalt  }
0x53: {  	_ =	shalt  }
0x54: {  	_ =	shalt  }
0x55: {  	_ =	shalt  }
0x56: {  	_ =	shalt  }
0x57: {  	_ =	shalt  }
0x58: {  	_ =	shalt  }
0x59: {  	_ =	shalt  }
0x5a: {  	_ =	shalt  }
0x5b: {  	_ =	shalt  }
0x5c: {  	_ =	shalt  }
0x5d: {  	_ =	shalt  }
0x5e: {  	_ =	shalt  }
0x5f: {  	_ =	shalt  }
0x60: {  	_ =	shalt  }
0x61: {  	_ =	shalt  }
0x62: {  	_ =	shalt  }
0x63: {  	_ =	shalt  }
0x64: {  	_ =	shalt  }
0x65: {  	_ =	shalt  }
0x66: {  	_ =	shalt  }
0x67: {  	_ =	shalt  }
0x68: {  	_ =	shalt  }
0x69: {  	_ =	shalt  }
0x6a: {  	_ =	shalt  }
0x6b: {  	_ =	shalt  }
0x6c: {  	_ =	shalt  }
0x6d: {  	_ =	shalt  }
0x6e: {  	_ =	shalt  }
0x6f: {  	_ =	shalt  }
0x70: {  	_ =	shalt  }
0x71: {  	_ =	shalt  }
0x72: {  	_ =	shalt  }
0x73: {  	_ =	shalt  }
0x74: {  	_ =	shalt  }
0x75: {  	_ =	shalt  }
0x76: {  	_ =	shalt  }
0x77: {  	_ =	shalt  }
0x78: {  	_ =	shalt  }
0x79: {  	_ =	shalt  }
0x7a: {  	_ =	shalt  }
0x7b: {  	_ =	shalt  }
0x7c: {  	_ =	shalt  }
0x7d: {  	_ =	shalt  }
0x7e: {  	_ =	shalt  }
0x7f: {  	_ =	shalt  }
0x80: {  	_ =	shalt  }
0x81: {  	_ =	shalt  }
0x82: {  	_ =	shalt  }
0x83: {  	_ =	shalt  }
0x84: {  	_ =	shalt  }
0x85: {  	_ =	shalt  }
0x86: {  	_ =	shalt  }
0x87: {  	_ =	shalt  }
.Lfunc_end0:
.L_simem_size_0:
called_computation.5_lowered:
.L_overlay_start_0:
0x88: {  	s2 =	sld [smem:$0x3FD9]  }
0x89: {  	s3 =	sld [smem:$0x3FFE];
	_ =	sdelay $0x1  }
0x8a: {  	s1 =	srdreg.scid  }
0x8b: {  	s0 =	sand.u32 $0x1, s1  }
0x8c: {  	s16 =	sshll.u32 s0, $0xA;
	s2 =	sadd.s32 s3, s2  }
0x8d: {  	s2 =	sadd.s32 s2, s16  }
0x8e: {  	[smem:$0x3FB9] =	sst s2  }
0x8f: {  	_ = 	snop  }
0x90: {  	(tm) =	ssettm $0x1  }
0x91: {  	s17 =	sld [smem:$0x3FFB];
	_ =	sdelay $0x3  }
0x92: {  	_ =	strace s17  }
0x93: {  	s2 =	sld [smem:$0x3FFC];
	_ =	sdelay $0x3  }
0x94: {  	_ =	strace s2  }
0x95: {  	s2 =	sld [smem:$0x3FFD];
	_ =	sdelay $0x3  }
0x96: {  	_ =	strace s2  }
0x97: {  	_ =	strace $0x8FFFFFFF  }
0x98: {  	s18 =	sld [smem:$0x3FDB];
	_ =	sdelay $0x1  }
0x99: {  	s19 =	simm.s32 $_scs_section_size  }
0x9a: {  	s4 =	simm.s32 $_size__tile_overlayer_lowered;
	s5 =	simm.s32 $_tile_overlayer_lowered  }
0x9b: {  	s22 =	simm.s32 $0x1BFF;
	s21 =	sshll.u32 s5, $0x1;
	s2 =	sadd.s32 s19, s18  }
0x9c: {  	s6 =	simm.s32 $0x0;
	s20 =	sshll.u32 s4, $0x1;
	s4 =	sadd.s32 s21, s2  }
0x9d: {  	[timem:s6], [sflag:s22] =	dma.local [hbm:s4], s20  }
0x9e: {  	_ =	swait.ge [sflag:s22], s20  }
0x9f: {  	s3 =	ssub.s32 $0x0, s20;
	[sflag:s22] =	ssyncset.done $0x0  }
0xa0: {  	[sflag:s22] =	ssyncadd.s32 s3;
	_ =	sdelay $0x1  }
0xa1: {  	s23 =	simm.s32 $0x1B8B  }
0xa2: {  	_ =	swait.ge [sflag:s23], $0x1  }
0xa3: {  	[sflag:s23] =	ssyncset.done $0x0  }
0xa4: {  	s25 =	simm.s32 $0x1B8E;
	s24 =	sld [smem:$0x3FFE];
	[sflag:s23] =	ssyncadd.s32 $0xFFFFFFFF  }
0xa5: {  	s26 =	simm.s32 $execute0_lowered;
	[smem:$0x3FD2] =	sst s25  }
0xa6: {  	s4 =	sshll.u32 s26, $0x1;
	_ =	strace $0x80000052;
	[dreg:$0x1] =	wrdreg $0xFFFFFFFF  }
0xa7: {  	s28 =	simm.s32 $_size_execute0_lowered;
	s2 =	sadd.s32 s2, s4;
	[dreg:$0x0] =	wrdreg $0x0  }
0xa8: {  	s4 =	sshll.u32 s28, $0x1;
	[dreg:$0x2] =	wrdreg s2  }
0xa9: {  	[dreg:$0x3] =	wrdreg s4  }
0xaa: {  	[dreg:$0x4] =	wrdreg $0xC0  }
0xab: {  	_ =	task [dreg:s6], $0x5FFFF  }
0xac: {  	[dreg:$0x1] =	wrdreg $0xFFFFFFFF  }
0xad: {  	[dreg:$0x0] =	wrdreg $0x60  }
0xae: {  	[dreg:$0x2] =	wrdreg s24  }
0xaf: {  	[dreg:$0x3] =	wrdreg $0xFD000  }
0xb0: {  	[dreg:$0x4] =	wrdreg $0xA  }
0xb1: {  	_ =	task.clear_ibuf [dreg:s6], $0x5FFFF;
	_ =	strace $0x90000052  }
0xb2: {  	s29 =	simm.s32 $0xA;
	_ =	strace $0x80000054  }
0xb3: {  	_ =	swait.ge [sflag:s29], $0x1  }
0xb4: {  	[sflag:s29] =	ssyncadd.s32 $0xFFFFFFFF  }
0xb5: {  	_ =	strace $0x90000054  }
0xb6: {  	_ =	sfence  }
0xb7: {  	s30 =	sld [smem:$0x0];
	_ =	sdelay $0x2  }
0xb8: {  	s31 =	sshll.u32 s1, $0xD;
	s1 =	sshrl.u32 s1, $0x2  }
0xb9: {  	s3 =	sand.u32 $0x4000, s31;
	s1 =	sadd.s32 s1, s30  }
0xba: {  	s0 =	sor.u32 s3, s0;
	s1 =	sshll.u32 s1, $0x11  }
0xbb: {  	s0 =	sor.u32 s1, s0  }
0xbc: {  	s0 =	sadd.s32 $0x8F2B, s0  }
0xbd: {  	[sflag:s0] =	ssyncadd.remote.s32 $0x1  }
0xbe: {  	_ =	sfence.sel $0xFFFF  }
0xbf: {  	[dreg:$0x0] =	wrdreg $0xFFFFFFFF;
	(pc) =	sbr.abs _section_cstart, $3  }
0xc0: {  	[dreg:$0x1] =	wrdreg $0xFFFFFFFF  }
0xc1: {  	_ =	task.clear_ibuf [dreg:s6], $0x2FFFF;
	_ =	strace $0x9FFFFFFF  }
0xc2: {  	(tm) =	ssettm $0x7FFFFFFF  }
0xc3: {  	_ =	shalt  }
tec
execute0_lowered:
.L_overlay_start_1:
0x0: {  	(tag) =	ssettag $0x1  }
0x1: {  	s5 =	rddreg [dreg:$0x0]  }
0x2: {  	s2 =	rddreg [dreg:$0x1];
	s3 =	srdreg.scid  }
0x3: {  	s0 =	rddreg [dreg:$0x2];
	s1 =	stileid.u32;
	s13 =	simm.s32 $0x80  }
0x4: {  	s14 =	simm.s32 $0xEB00;
	s15 =	simm.s32 $0x1;
	s9 =	smul.u32 $0xF000, s1  }
0x5: {  	s6 =	sand.u32 $0x1, s3;
	s3 =	simm.s32 $0x0;
	s10 =	smul.u32 $0x3C000, s1  }
0x6: {  	s4 =	sshll.u32 s1, $0x1;
	s16 =	sshll.u32 s1, $0x6;
	s7 =	smul.u32 $0xF0000, s6  }
0x7: {  	[smem:$0x7FF] =	sst s3;
	s8 =	sor.u32 s6, s4;
	s4 =	sadd.s32 $0x3E400, s5  }
0x8: {  	s6 =	ssub.s32 $0x2, s6;
	s16 =	sor.u32 $0x1C02, s16;
	_ =	strace $0x80000053  }
0x9: {  	s8 =	smul.u32 $0xEB0, s8;
	s11 =	sshrl.u32 s6, $0x1;
	s31 =	sshrl.u32 s10, $0x2  }
0xa: {  	s17 =	sadd.s32 s9, s2;
	s10 =	simm.s32 $0xFB00;
	s7 =	sadd.s32 s9, s7  }
0xb: {  	s11 =	ssub.s32 s6, s11;
	s17 =	sshrl.u32 s17, $0x3;
	s8 =	sadd.s32 s8, s5  }
0xc: {  	s7 =	sshrl.u32 s7, $0x3;
	s9 =	smax.u32 s11, $0x1;
	s11 =	simm.s32 $0x2  }
0xd: {  	s12 =	sadd.s32 s7, s5;
	s5 =	sadd.s32 s31, s2;
	s6 =	sadd.s32 $0x3800, s8  }
0xe: {  	v0 =	vimm.f32 $0.0e+00;
	s7 =	sadd.s32 $0x20E00, s8;
	s8 =	sadd.s32 $0x5C400, s12;
	s12 =	simm.s32 $0x7580  }
.LBB2_1:
0xf: {  	[tilespmem:$0xFB00] =	vst v0  }
0x10: {  	[tilespmem:$0xFB10] =	vst v0  }
0x11: {  	[tilespmem:$0xFB20] =	vst v0  }
0x12: {  	[tilespmem:$0xFB30] =	vst v0  }
0x13: {  	[tilespmem:$0xFB40] =	vst v0  }
0x14: {  	[tilespmem:$0xFB50] =	vst v0  }
0x15: {  	[tilespmem:$0xFB60] =	vst v0  }
0x16: {  	[tilespmem:$0xFB70] =	vst v0  }
0x17: {  	[tilespmem:$0xFB80] =	vst v0  }
0x18: {  	[tilespmem:$0xFB90] =	vst v0  }
0x19: {  	[tilespmem:$0xFBA0] =	vst v0  }
0x1a: {  	[tilespmem:$0xFBB0] =	vst v0  }
0x1b: {  	[tilespmem:$0xFBC0] =	vst v0  }
0x1c: {  	[tilespmem:$0xFBD0] =	vst v0  }
0x1d: {  	[tilespmem:$0xFBE0] =	vst v0  }
0x1e: {  	[tilespmem:$0xFBF0] =	vst v0  }
0x1f: {  	[tilespmem:$0xFC00] =	vst v0  }
0x20: {  	[tilespmem:$0xFC10] =	vst v0  }
0x21: {  	[tilespmem:$0xFC20] =	vst v0  }
0x22: {  	[tilespmem:$0xFC30] =	vst v0  }
0x23: {  	[tilespmem:$0xFC40] =	vst v0  }
0x24: {  	[tilespmem:$0xFC50] =	vst v0  }
0x25: {  	[tilespmem:$0xFC60] =	vst v0  }
0x26: {  	[tilespmem:$0xFC70] =	vst v0  }
0x27: {  	[tilespmem:$0xFC80] =	vst v0  }
0x28: {  	[tilespmem:$0xFC90] =	vst v0  }
0x29: {  	[tilespmem:$0xFCA0] =	vst v0  }
0x2a: {  	[tilespmem:$0xFCB0] =	vst v0  }
0x2b: {  	[tilespmem:$0xFCC0] =	vst v0  }
0x2c: {  	[tilespmem:$0xFCD0] =	vst v0  }
0x2d: {  	[tilespmem:$0xFCE0] =	vst v0  }
0x2e: {  	[tilespmem:$0xFCF0] =	vst v0;
	s18 =	sadd.s32 $0x0, s5  }
0x2f: {  	[spmem:s18] =	stream.linear.scatter [tilespmem:s10], [sflag:$0x2], $0x200, $0x38;
	[tilespmem:$0x1ED00] =	vst v63  }
0x30: {  	s18 =	simm.s32 $0x800;
	_ =	swait.ge [sflag:s11], $0x200  }
.LBB2_2:
0x31: {  	s19 =	sshra.s32 s18, $0x2;
	[sflag:s11] =	ssyncset.done $0x0;
	p0 =	sne.s32 s18, $0x3B800  }
.Ltmp0:
0x32: {  	s19 =	sadd.s32 s19, s5;
	[sflag:s11] =	ssyncadd.s32 $0xFFFFFE00;
	(pc) =	sbr.rel @p0 .LBB2_2-.Ltmp0, $3  }
0x33: {  	[spmem:s19] =	stream.linear.scatter [tilespmem:s10], [sflag:$0x2], $0x200, $0x38;
	[tilespmem:$0x1ED00] =	vst v63  }
0x34: {  	s18 =	sadd.s32 $0x800, s18;
	_ =	sdelay $0x1  }
0x35: {  	_ =	swait.ge [sflag:s11], $0x200  }
0x36: {  	[sflag:s11] =	ssyncset.done $0x0  }
0x37: {  	s18 =	simm.s32 $0x0;
	[sflag:s11] =	ssyncadd.s32 $0xFFFFFE00  }
0x38: {  	[tilespmem:s18], [sflag:$0x2] =	stream.linear.gather [hbm4b:s6+s18], $0x7580, $0x38;
	[tilespmem:$0x1ED00] =	vst v63  }
0x39: {  	_ =	swait.ge [sflag:s11], $0x7580  }
0x3a: {  	[sflag:s11] =	ssyncset.done $0x0  }
0x3b: {  	[sflag:s11] =	ssyncadd.s32 $0xFFFF8A80  }
0x3c: {  	[tilespmem:s12], [sflag:$0x2] =	stream.linear.gather [hbm4b:s7+s18], $0x7580, $0x38;
	[tilespmem:$0x1ED00] =	vst v63  }
0x3d: {  	_ =	swait.ge [sflag:s11], $0x7580  }
0x3e: {  	[sflag:s11] =	ssyncset.done $0x0  }
0x3f: {  	[sflag:s11] =	ssyncadd.s32 $0xFFFF8A80  }
0x40: {  	s30 =	simm.s32 $0x0;
	[bflag:$0x0] =	sbarrier.arrive $0xFFFF  }
0x41: {  	[tilespmem:s14], [sflag:$0x1] =	stream.indirect.gather [hbm4b:s4+s13], $0x20, s30, s13, $0xb8;
	[tilespmem:$0x1ED00] =	vst v63  }
0x42: {  	_ =	swait.ge [sflag:s15], $0x1000  }
0x43: {  	[sflag:s15] =	ssyncset.done $0x0  }
0x44: {  	s31 =	simm.s32 $0x7580;
	[sflag:s15] =	ssyncadd.s32 $0xFFFFF000  }
0x45: {  	[spmem:s2] =	stream.indirect.scatter.add.f32 [tilespmem:s14], [sflag:$0x2], $0x20, s31, s13, $0xb8;
	[tilespmem:$0x1ED00] =	vst v63  }
0x46: {  	_ =	swait.ge [sflag:s11], $0x1000  }
0x47: {  	s19 =	simm.s32 $0x400;
	s18 =	simm.s32 $0x200;
	[sflag:s11] =	ssyncset.done $0x0  }
.LBB2_4:
0x48: {  	s20 =	sshra.s32 s18, $0x2  }
0x49: {  	[sflag:s11] =	ssyncadd.s32 $0xFFFFF000;
	s18 =	smov.u32 s19;
	s21 =	sadd.s32 $0x200, s19  }
0x4a: {  	[tilespmem:s14], [sflag:$0x1] =	stream.indirect.gather [hbm4b:s4+s13], $0x20, s20, s13, $0xb8;
	[tilespmem:$0x1ED00] =	vst v63  }
0x4b: {  	p0 =	sne.s32 s19, $0x1D400;
	_ =	swait.ge [sflag:s15], $0x1000  }
.Ltmp1:
0x4c: {  	[sflag:s15] =	ssyncset.done $0x0;
	(pc) =	sbr.rel @p0 .LBB2_4-.Ltmp1, $4  }
0x4d: {  	s19 =	sadd.s32 $0x7580, s20;
	[sflag:s15] =	ssyncadd.s32 $0xFFFFF000  }
0x4e: {  	[spmem:s2] =	stream.indirect.scatter.add.f32 [tilespmem:s14], [sflag:$0x2], $0x20, s19, s13, $0xb8;
	[tilespmem:$0x1ED00] =	vst v63  }
0x4f: {  	_ =	swait.ge [sflag:s11], $0x1000  }
0x50: {  	s19 =	smov.u32 s21;
	[sflag:s11] =	ssyncset.done $0x0  }
0x51: {  	s18 =	sshra.s32 s18, $0x2;
	[sflag:s11] =	ssyncadd.s32 $0xFFFFF000  }
0x52: {  	[tilespmem:s14], [sflag:$0x1] =	stream.indirect.gather [hbm4b:s4+s13], $0x20, s18, s13, $0xb8;
	[tilespmem:$0x1ED00] =	vst v63  }
0x53: {  	_ =	swait.ge [sflag:s15], $0x1000  }
0x54: {  	[sflag:s15] =	ssyncset.done $0x0  }
0x55: {  	s18 =	sadd.s32 $0x7580, s18;
	[sflag:s15] =	ssyncadd.s32 $0xFFFFF000  }
0x56: {  	[spmem:s2] =	stream.indirect.scatter.add.f32 [tilespmem:s14], [sflag:$0x2], $0x20, s18, s13, $0xb8;
	[tilespmem:$0x1ED00] =	vst v63  }
0x57: {  	_ =	swait.ge [sflag:s11], $0x1000  }
0x58: {  	s3 =	sadd.s32 $0x1, s3;
	[sflag:s11] =	ssyncset.done $0x0  }
0x59: {  	p0 =	sne.s32 s3, s9;
	[sflag:s11] =	ssyncadd.s32 $0xFFFFF000  }
.Ltmp2:
0x5a: {  	[bflag:$0x0] =	sbarrier.arrive $0xFFFF;
	(pc) =	sbr.rel @p0 .LBB2_1-.Ltmp2, $4  }
0x5b: {  	[hbm:s8], [sflag:s16] =	dma.local [spmem:s17], $0x1E00  }
0x5c: {  	_ =	swait.ge [sflag:s11], $0x1E00  }
0x5d: {  	[sflag:s11] =	ssyncset.done $0x0  }
0x5e: {  	[sflag:s11] =	ssyncadd.s32 $0xFFFFE200  }
0x5f: {  	_ =	sfence.sel $0x180000  }
0x60: {  	[bflag:$0x0] =	sbarrier.arrive $0xFFFF  }
0x61: {  	p0 =	sne.s32 s1, $0x0;
	_ =	strace $0x90000053  }
0x62: {  	s0 =	sadd.s32 @!p0 $0x100000, s0;
	[bflag:$0x2] =	sbarrier.arrive $0xFFFF  }
0x63: {  	[sflag:s0] =	ssyncadd.tile.s32 @!p0 $0x1;
	_ =	shalt  }
.Lfunc_end2:
_tile_overlayer_lowered:
.L_overlay_start_2:
0x64: {  	(tag) =	ssettag $0x2  }
0x65: {  	s0 =	rddreg [dreg:$0x0];
	s2 =	stileid.u32  }
0x66: {  	s1 =	rddreg [dreg:$0x1];
	p0 =	sne.s32 s2, $0x0  }
0x67: {  	s3 =	rddreg [dreg:$0x2];
	[bflag:$0x3] =	sbarrier.arrive $0xFFFF;
	s2 =	simm.s32 @!p0 $0x1C02  }
0x68: {  	[timem:s3], [sflag:s2] =	dma.local @!p0 [hbm:s0], s1  }
0x69: {  	s0 =	simm.s32 @!p0 $0x2  }
0x6a: {  	_ =	swait.ge @!p0 [sflag:s0], s1  }
0x6b: {  	s1 =	ssub.s32 @!p0 $0x0, s1;
	[sflag:s0] =	ssyncset.done @!p0 $0x0  }
0x6c: {  	[sflag:s0] =	ssyncadd.s32 @!p0 s1  }
0x6d: {  	[bflag:$0x3] =	sbarrier.arrive $0xFFFF  }
0x6e: {  	_ =	shalt  }

</sc_bundles>
